<compile_context>
chip_gen: v7x
topology: tpu7x:2x2x1
jax: 0.10.2.dev20260603
libtpu: 0.0.44.dev20260713+nightly
codegen_flags: <defaults>
</compile_context>

<pallas_src>
import functools

import jax
import jax.numpy as jnp
from jax import lax
from jax.experimental import pallas as pl
from jax.experimental.pallas import tpu as pltpu
from jax.experimental.pallas import tpu_sc as plsc

N = 10000
D = 128
E = 320000
NC, NS = 2, 16
NW = NC * NS
EW = E // NW
K = 50
NCH = EW // K
RPT = N // NS
VL = 16
NBR = 6
NFULL = (NCH // NBR) * NBR
REM = NCH - NFULL
NB_G = 4

GK = 100
GCH = (1024 * 50) // (NW * GK)
ROWBLK = 1000

_MESH = dict(core_axis_name="c", subcore_axis_name="s")
_SC_PARAMS = pltpu.CompilerParams(
    needs_layout_passes=False, use_tc_tiling_on_sc=False)


def _worker_id():
  return lax.axis_index("c") * NS + lax.axis_index("s")


@functools.partial(
    pl.kernel,
    out_type=jax.ShapeDtypeStruct((NW, N), jnp.float32),
    mesh=plsc.VectorSubcoreMesh(**_MESH),
    compiler_params=_SC_PARAMS,
    scratch_types=[
        pltpu.VMEM((EW,), jnp.int32),
        pltpu.VMEM((N,), jnp.float32),
        pltpu.SemaphoreType.DMA,
    ],
)
def _deg_pass(dst_hbm, out_hbm, idx_v, deg_v, sem):
  w = _worker_id()
  cp = pltpu.async_copy(dst_hbm.at[pl.ds(w * EW, EW)], idx_v, sem)

  def zero(i, carry):
    deg_v[pl.ds(i * VL, VL)] = jnp.zeros((VL,), jnp.float32)
    return carry

  lax.fori_loop(0, N // VL, zero, 0)
  cp.wait()

  ones = jnp.ones((VL,), jnp.float32)

  def scat(i, carry):
    idx = idx_v[pl.ds(i * VL, VL)]
    plsc.addupdate_scatter(deg_v, [idx], ones)
    return carry

  lax.fori_loop(0, EW // VL, scat, 0)
  pltpu.sync_copy(deg_v, out_hbm.at[w])


@functools.partial(
    pl.kernel,
    out_type=jax.ShapeDtypeStruct((NW, N), jnp.float32),
    mesh=plsc.VectorSubcoreMesh(**_MESH),
    compiler_params=_SC_PARAMS,
    scratch_types=[
        pltpu.VMEM((EW,), jnp.int32),
        pltpu.VMEM((EW,), jnp.int32),
        pltpu.VMEM((N,), jnp.float32),
        pltpu.VMEM((N,), jnp.float32),
        pltpu.SemaphoreType.DMA,
    ],
)
def _c_pass(dinv_hbm, src_hbm, dst_hbm, out_hbm, sidx, didx, dv, cacc, sem):
  w = _worker_id()
  cp0 = pltpu.async_copy(dinv_hbm, dv, sem)
  cp1 = pltpu.async_copy(src_hbm.at[pl.ds(w * EW, EW)], sidx, sem)
  cp2 = pltpu.async_copy(dst_hbm.at[pl.ds(w * EW, EW)], didx, sem)

  def zero(i, carry):
    cacc[pl.ds(i * VL, VL)] = jnp.zeros((VL,), jnp.float32)
    return carry

  lax.fori_loop(0, N // VL, zero, 0)
  cp0.wait()
  cp1.wait()
  cp2.wait()

  def scat(i, carry):
    si = sidx[pl.ds(i * VL, VL)]
    vals = plsc.load_gather(dv, [si])
    di = didx[pl.ds(i * VL, VL)]
    plsc.addupdate_scatter(cacc, [di], vals)
    return carry

  lax.fori_loop(0, EW // VL, scat, 0)
  pltpu.sync_copy(cacc, out_hbm.at[w])


@functools.partial(
    pl.kernel,
    out_type=jax.ShapeDtypeStruct((NC, N, D), jnp.float32),
    mesh=plsc.VectorSubcoreMesh(**_MESH),
    compiler_params=_SC_PARAMS,
    scratch_types=(
        [pltpu.VMEM_SHARED((N, D), jnp.float32),
         pltpu.VMEM((NCH, K), jnp.int32)]
        + [pltpu.VMEM((K,), jnp.int32) for _ in range(NBR)]
        + [pltpu.VMEM((K, D), jnp.float32) for _ in range(NBR)]
        + [pltpu.SemaphoreType.DMA for _ in range(3 * NBR + 2)]
    ),
)
def _segsum(tab_hbm, src2_hbm, dst2_hbm, out_hbm, acc, sidx, *rs):
  dbuf = rs[:NBR]
  rows = rs[NBR:2 * NBR]
  xsem = rs[2 * NBR:3 * NBR]
  gsem = rs[3 * NBR:4 * NBR]
  ssem = rs[4 * NBR:5 * NBR]
  isem = rs[5 * NBR]
  zsem = rs[5 * NBR + 1]
  c = lax.axis_index("c")
  s = lax.axis_index("s")
  w = c * NS + s
  ch0 = w * NCH
  cp_s = pltpu.async_copy(src2_hbm.at[pl.ds(ch0, NCH)], sidx, isem)

  def dbuf_start(j, b):
    pltpu.async_copy(dst2_hbm.at[ch0 + j], dbuf[b], xsem[b])

  def dbuf_wait(j, b):
    pltpu.make_async_copy(dst2_hbm.at[ch0 + j], dbuf[b], xsem[b]).wait()

  def gather_start(j, b):
    pltpu.async_copy(tab_hbm.at[sidx.at[j]], rows[b], gsem[b])

  def gather_wait(j, b):
    pltpu.make_async_copy(tab_hbm.at[sidx.at[j]], rows[b], gsem[b]).wait()

  def scat_start(b):
    pltpu.async_copy(rows[b], acc.at[dbuf[b]], ssem[b], add=True)

  def scat_wait(b):
    pltpu.make_async_copy(rows[b], acc.at[dbuf[b]], ssem[b]).wait()

  for b in range(NBR):
    dbuf_start(b, b)

  def zrow(i, carry):
    for ch in range(D // VL):
      rows[0][i, pl.ds(ch * VL, VL)] = jnp.zeros((VL,), jnp.float32)
    return carry

  lax.fori_loop(0, K, zrow, 0)
  row0 = s * RPT
  zc = []
  for r in range(RPT // K):
    zc.append(pltpu.async_copy(
        rows[0], acc.at[pl.ds(row0 + r * K, K)], zsem))
  if RPT % K:
    zc.append(pltpu.async_copy(
        rows[0].at[pl.ds(0, RPT % K)],
        acc.at[pl.ds(row0 + (RPT // K) * K, RPT % K)], zsem))
  cp_s.wait()
  for b in range(1, NBR):
    gather_start(b, b)
  for z in zc:
    z.wait()
  gather_start(0, 0)
  plsc.subcore_barrier()

  def body(jj, carry):
    base = jj * NBR
    for b in range(NBR):
      gather_wait(base + b, b)
      dbuf_wait(base + b, b)
      scat_start(b)
    for b in range(NBR):
      nxt = base + NBR + b

      @pl.when(nxt < NCH)
      def _():
        scat_wait(b)
        dbuf_start(nxt, b)
        gather_start(nxt, b)

    return carry

  lax.fori_loop(0, NCH // NBR, body, 0)
  for t in range(REM):
    gather_wait(NFULL + t, t)
    dbuf_wait(NFULL + t, t)
    scat_start(t)
  for b in range(NBR):
    scat_wait(b)
  plsc.subcore_barrier()
  pltpu.sync_copy(acc.at[pl.ds(row0, RPT)], out_hbm.at[c, pl.ds(row0, RPT)])


@functools.partial(
    pl.kernel,
    out_type=jax.ShapeDtypeStruct((1024 * 50, D), jnp.float32),
    mesh=plsc.VectorSubcoreMesh(**_MESH),
    compiler_params=_SC_PARAMS,
    scratch_types=(
        [pltpu.VMEM((GCH, GK), jnp.int32)]
        + [pltpu.VMEM((GK, D), jnp.float32) for _ in range(NB_G)]
        + [pltpu.SemaphoreType.DMA for _ in range(2 * NB_G)]
    ),
)
def _gather_pass(g_hbm, idx2_hbm, out_hbm, idxv, *rs):
  rows = rs[:NB_G]
  gsem = rs[NB_G:2 * NB_G]
  osem = rs[2 * NB_G:3 * NB_G]
  w = _worker_id()
  pltpu.sync_copy(idx2_hbm.at[pl.ds(w * GCH, GCH)], idxv)
  for b in range(NB_G):
    pltpu.async_copy(g_hbm.at[idxv.at[b]], rows[b], gsem[b])

  def body(jj, carry):
    base = jj * NB_G
    for b in range(NB_G):
      pltpu.make_async_copy(g_hbm.at[idxv.at[base + b]], rows[b],
                            gsem[b]).wait()
      pltpu.async_copy(
          rows[b], out_hbm.at[pl.ds((w * GCH + base + b) * GK, GK)], osem[b])
    for b in range(NB_G):
      nxt = base + NB_G + b

      @pl.when(nxt < GCH)
      def _():
        pltpu.make_async_copy(
            rows[b], out_hbm.at[pl.ds((w * GCH + base + b) * GK, GK)],
            osem[b]).wait()
        pltpu.async_copy(g_hbm.at[idxv.at[nxt]], rows[b], gsem[b])

    return carry

  lax.fori_loop(0, GCH // NB_G, body, 0)
  for b in range(NB_G):
    pltpu.make_async_copy(
        rows[b], out_hbm.at[pl.ds((w * GCH + GCH - NB_G + b) * GK, GK)],
        osem[b]).wait()


def _tc1_body(parts_ref, emb_ref, u_ref, dinv_ref):
  ones = jnp.ones((NW, 1), jnp.float32)
  deg = lax.dot_general(
      parts_ref[...], ones, (((0,), (0,)), ((), ())),
      preferred_element_type=jnp.float32) + 1.0
  dinv = lax.rsqrt(deg)
  u_ref[...] = emb_ref[...] * dinv
  dinv_ref[...] = dinv


def _tc1(parts, emb):
  return pl.pallas_call(
      _tc1_body,
      out_shape=[
          jax.ShapeDtypeStruct((N, D), jnp.float32),
          jax.ShapeDtypeStruct((N, 1), jnp.float32),
      ],
  )(parts, emb)


def _tcc_body(parts_ref, c_ref):
  ones = jnp.ones((NW, 1), jnp.float32)
  c_ref[...] = lax.dot_general(
      parts_ref[...], ones, (((0,), (0,)), ((), ())),
      preferred_element_type=jnp.float32)


def _tcc(parts):
  return pl.pallas_call(
      _tcc_body,
      out_shape=jax.ShapeDtypeStruct((N, 1), jnp.float32),
  )(parts)


def _tc2_body(acc_ref, u_ref, dinv_ref, c_ref, w1_ref, b1_ref, ttab_ref, r_ref):
  s = acc_ref[0] + acc_ref[1]
  dinv = dinv_ref[...]
  su = s + u_ref[...]
  b1 = b1_ref[...]
  h = dinv * jnp.dot(su, w1_ref[...], preferred_element_type=jnp.float32) + b1
  ttab_ref[...] = (dinv * dinv) * su
  r_ref[...] = dinv * h + c_ref[...] * b1


def _tc2(accB, u, dinvcol, ccol, W1, b1row):
  nb = N // ROWBLK
  return pl.pallas_call(
      _tc2_body,
      grid=(nb,),
      in_specs=[
          pl.BlockSpec((NC, ROWBLK, D), lambda i: (0, i, 0)),
          pl.BlockSpec((ROWBLK, D), lambda i: (i, 0)),
          pl.BlockSpec((ROWBLK, 1), lambda i: (i, 0)),
          pl.BlockSpec((ROWBLK, 1), lambda i: (i, 0)),
          pl.BlockSpec((D, 2 * D), lambda i: (0, 0)),
          pl.BlockSpec((1, 2 * D), lambda i: (0, 0)),
      ],
      out_specs=[
          pl.BlockSpec((ROWBLK, D), lambda i: (i, 0)),
          pl.BlockSpec((ROWBLK, 2 * D), lambda i: (i, 0)),
      ],
      out_shape=[
          jax.ShapeDtypeStruct((N, D), jnp.float32),
          jax.ShapeDtypeStruct((N, 2 * D), jnp.float32),
      ],
  )(accB, u, dinvcol, ccol, W1, b1row)


def _tc3_body(acc_ref, r_ref, dinv_ref, w1_ref, w2_ref, b2_ref, g_ref):
  s2a = acc_ref[0] + acc_ref[1]
  z = jnp.dot(s2a, w1_ref[...], preferred_element_type=jnp.float32) + r_ref[...]
  g_ref[...] = dinv_ref[...] * jnp.dot(
      z, w2_ref[...], preferred_element_type=jnp.float32) + b2_ref[...]


def _tc3(accC, r, dinvcol, W1, W2, b2row):
  nb = N // ROWBLK
  return pl.pallas_call(
      _tc3_body,
      grid=(nb,),
      in_specs=[
          pl.BlockSpec((NC, ROWBLK, D), lambda i: (0, i, 0)),
          pl.BlockSpec((ROWBLK, 2 * D), lambda i: (i, 0)),
          pl.BlockSpec((ROWBLK, 1), lambda i: (i, 0)),
          pl.BlockSpec((D, 2 * D), lambda i: (0, 0)),
          pl.BlockSpec((2 * D, D), lambda i: (0, 0)),
          pl.BlockSpec((1, D), lambda i: (0, 0)),
      ],
      out_specs=pl.BlockSpec((ROWBLK, D), lambda i: (i, 0)),
      out_shape=jax.ShapeDtypeStruct((N, D), jnp.float32),
  )(accC, r, dinvcol, W1, W2, b2row)


def kernel(input, input_timestamp, input_id, edge_index, emb, W1, b1, W2, b2):
  del input_timestamp, input_id
  src = edge_index[0].astype(jnp.int32)
  dst = edge_index[1].astype(jnp.int32)
  src2 = src.reshape(E // K, K)
  dst2 = dst.reshape(E // K, K)

  deg_parts = _deg_pass(dst)
  u, dinvcol = _tc1(deg_parts, emb)
  accB = _segsum(u, src2, dst2)
  c_parts = _c_pass(dinvcol.reshape(N), src, dst)
  ccol = _tcc(c_parts)
  ttab, r = _tc2(accB, u, dinvcol, ccol, W1, b1.reshape(1, -1))
  accC = _segsum(ttab, src2, dst2)
  g = _tc3(accC, r, dinvcol, W1, W2, b2.reshape(1, -1))

  bsz, mlen = input.shape
  idx2 = input.reshape(-1).astype(jnp.int32).reshape(-1, GK)
  out = _gather_pass(g, idx2)
  return out.reshape(bsz, mlen, D)

# --- scband reference (transcript-rebuilt; emitter-appended) ---
"""Pipeline reference for scband-user-item-with-repost-trimmed-time-embedding-with-extra-edge-70755291234323 (READ-ONLY COPY).

The authoritative reference and input builder live on the scoring server;
editing this copy changes nothing except your own understanding.
"""

import jax, jax.numpy as jnp
import numpy as np

N_NODES = 10000
D = 128
E = 320000
B = 1024
L = 50


def gcn_conv(x, edge_index, W, b):
    # GCNConv with symmetric normalization and self-loops: D^{-1/2}(A+I)D^{-1/2} X W + b
    n = x.shape[0]
    src = edge_index[0]
    dst = edge_index[1]
    loop = jnp.arange(n, dtype=src.dtype)
    src = jnp.concatenate([src, loop])
    dst = jnp.concatenate([dst, loop])
    deg = jnp.zeros((n,), dtype=x.dtype).at[dst].add(1.0)
    dinv = jnp.where(deg > 0, 1.0 / jnp.sqrt(deg), 0.0)
    xw = x @ W
    norm = dinv[src] * dinv[dst]
    msg = jnp.take(xw, src, axis=0) * norm[:, None]
    out = jnp.zeros((n, xw.shape[1]), dtype=xw.dtype).at[dst].add(msg)
    return out + b


def setup_inputs(seed: int = 0) -> dict:
    key = jax.random.key(seed)
    ks = jax.random.split(key, 8)
    inp = jax.random.randint(ks[0], (B, L), 0, N_NODES)
    input_timestamp = jax.random.randint(ks[1], (B, L), 0, 300000)
    input_id = jax.random.randint(ks[2], (B,), 0, N_NODES)
    edge_index = jax.random.randint(ks[3], (2, E), 0, N_NODES)
    # xavier_normal-style init, padding_idx=0 row kept (matches torch init_weights which
    # xavier-inits the whole table after Embedding construction)
    emb = jax.random.normal(ks[4], (N_NODES, D), dtype=jnp.float32) * np.sqrt(2.0 / (N_NODES + D))
    W1 = jax.random.normal(ks[5], (D, 2 * D), dtype=jnp.float32) * np.sqrt(2.0 / (D + 2 * D))
    b1 = jnp.zeros((2 * D,), dtype=jnp.float32)
    W2 = jax.random.normal(ks[6], (2 * D, D), dtype=jnp.float32) * np.sqrt(2.0 / (2 * D + D))
    b2 = jnp.zeros((D,), dtype=jnp.float32)
    return {"input": inp, "input_timestamp": input_timestamp, "input_id": input_id,
            "edge_index": edge_index, "emb": emb, "W1": W1, "b1": b1, "W2": W2, "b2": b2}


def reference(input, input_timestamp, input_id, edge_index, emb, W1, b1, W2, b2):
    # GraphNN forward over full embedding table (dropout in eval mode -> identity)
    h = gcn_conv(emb, edge_index, W1, b1)
    graph_output = gcn_conv(h, edge_index, W2, b2)
    # one-hot scatter + einsum('bt,td->bd') is exactly a row gather
    bsz, mlen = input.shape
    flat = input.reshape(-1)
    user_social_embedding = jnp.take(graph_output, flat, axis=0).reshape(bsz, mlen, graph_output.shape[1])
    return user_social_embedding

if __name__ == "__main__":
    import jax
    _d = setup_inputs()
    print(jax.jit(kernel)(*tuple(_d.values())))

</pallas_src>

<mosaic_0001>
#map = affine_map<(d0, d1) -> (0)>
#map1 = affine_map<(d0, d1) -> (0, 0)>
module attributes {stable_mosaic.version = 14 : i64} {
  func.func @_c_pass(%arg0: i32, %arg1: i32, %arg2: memref<10000xf32, #tpu.memory_space<hbm>>, %arg3: memref<320000xi32, #tpu.memory_space<hbm>>, %arg4: memref<320000xi32, #tpu.memory_space<hbm>>, %arg5: memref<32x10000xf32, #tpu.memory_space<hbm>>, %arg6: memref<10000xi32, #tpu.memory_space<vmem>>, %arg7: memref<10000xi32, #tpu.memory_space<vmem>>, %arg8: memref<10000xf32, #tpu.memory_space<vmem>>, %arg9: memref<10000xf32, #tpu.memory_space<vmem>>, %arg10: memref<!tpu.dma_semaphore, #tpu.memory_space<semaphore_mem>>) attributes {dimension_semantics = [#tpu.dimension_semantics<core_parallel>, #tpu.dimension_semantics<subcore_parallel>], iteration_bounds = array<i64: 2, 16>, scalar_prefetch = 0 : i64, scratch_operands = 5 : i64, tpu.core_type = #tpu.core_type<sc_vector_subcore>, window_params = [{transform_indices = #map}, {transform_indices = #map}, {transform_indices = #map}, {transform_indices = #map1}]} {
    %mul3A = arith.constant 16 : i32
    %mul3A_0 = arith.muli %arg0, %mul3A : i32
    %add3A = arith.addi %mul3A_0, %arg1 : i32
    tpu.enqueue_dma source(%arg2 : memref<10000xf32, #tpu.memory_space<hbm>>) target(%arg8 : memref<10000xf32, #tpu.memory_space<vmem>>) target_semaphore(%arg10 : memref<!tpu.dma_semaphore, #tpu.memory_space<semaphore_mem>>)
    %mul3A_1 = arith.constant 10000 : i32
    %mul3A_2 = arith.muli %add3A, %mul3A_1 : i32
    %dma_start3A = tpu.memref_slice %arg3[%mul3A_2] : memref<320000xi32, #tpu.memory_space<hbm>> -> memref<10000xi32, #tpu.memory_space<hbm>>
    %dma_start3A_3 = tpu.memref_slice %arg3[%mul3A_2] : memref<320000xi32, #tpu.memory_space<hbm>> -> memref<10000xi32, #tpu.memory_space<hbm>>
    tpu.enqueue_dma source(%dma_start3A_3 : memref<10000xi32, #tpu.memory_space<hbm>>) target(%arg6 : memref<10000xi32, #tpu.memory_space<vmem>>) target_semaphore(%arg10 : memref<!tpu.dma_semaphore, #tpu.memory_space<semaphore_mem>>)
    %mul3A_4 = arith.constant 10000 : i32
    %mul3A_5 = arith.muli %add3A, %mul3A_4 : i32
    %dma_start3A_6 = tpu.memref_slice %arg4[%mul3A_5] : memref<320000xi32, #tpu.memory_space<hbm>> -> memref<10000xi32, #tpu.memory_space<hbm>>
    %dma_start3A_7 = tpu.memref_slice %arg4[%mul3A_5] : memref<320000xi32, #tpu.memory_space<hbm>> -> memref<10000xi32, #tpu.memory_space<hbm>>
    tpu.enqueue_dma source(%dma_start3A_7 : memref<10000xi32, #tpu.memory_space<hbm>>) target(%arg7 : memref<10000xi32, #tpu.memory_space<vmem>>) target_semaphore(%arg10 : memref<!tpu.dma_semaphore, #tpu.memory_space<semaphore_mem>>)
    %scan3A = arith.constant 0 : i32
    %scan3A_8 = arith.constant 0 : i32
    %scan3A_9 = arith.constant 625 : i32
    %scan3A_10 = arith.addi %scan3A_8, %scan3A_9 : i32
    %scan3A_11 = arith.constant 1 : i32
    scf.for %scan3A_22 = %scan3A_8 to %scan3A_10 step %scan3A_11  : i32 {
      %broadcast_in_dim3A = arith.constant 0.000000e+00 : f32
      %broadcast_in_dim3A_23 = vector.broadcast %broadcast_in_dim3A : f32 to vector<16xf32>
      %mul3A_24 = arith.constant 16 : i32
      %mul3A_25 = arith.muli %scan3A_22, %mul3A_24 : i32
      %swap3A = arith.index_cast %mul3A_25 : i32 to index
      %swap3A_26 = tpu.vector_load %arg9[%swap3A] {strides = array<i32>} : memref<10000xf32, #tpu.memory_space<vmem>>, vector<16xf32>,
      tpu.vector_store %arg9[%swap3A], %broadcast_in_dim3A_23 {strides = array<i32>} : memref<10000xf32, #tpu.memory_space<vmem>>, vector<16xf32>,
    }
    %scan3A_12 = arith.constant 625 : i32
    tpu.wait_dma2 semaphore(%arg10 : memref<!tpu.dma_semaphore, #tpu.memory_space<semaphore_mem>>) src(%arg2 : memref<10000xf32, #tpu.memory_space<hbm>>) dst(%arg8 : memref<10000xf32, #tpu.memory_space<vmem>>)
    %dma_wait3A = tpu.memref_slice %arg3[%mul3A_2] : memref<320000xi32, #tpu.memory_space<hbm>> -> memref<10000xi32, #tpu.memory_space<hbm>>
    %dma_wait3A_13 = tpu.memref_slice %arg3[%mul3A_2] : memref<320000xi32, #tpu.memory_space<hbm>> -> memref<10000xi32, #tpu.memory_space<hbm>>
    tpu.wait_dma2 semaphore(%arg10 : memref<!tpu.dma_semaphore, #tpu.memory_space<semaphore_mem>>) src(%dma_wait3A_13 : memref<10000xi32, #tpu.memory_space<hbm>>) dst(%arg6 : memref<10000xi32, #tpu.memory_space<vmem>>)
    %dma_wait3A_14 = tpu.memref_slice %arg4[%mul3A_5] : memref<320000xi32, #tpu.memory_space<hbm>> -> memref<10000xi32, #tpu.memory_space<hbm>>
    %dma_wait3A_15 = tpu.memref_slice %arg4[%mul3A_5] : memref<320000xi32, #tpu.memory_space<hbm>> -> memref<10000xi32, #tpu.memory_space<hbm>>
    tpu.wait_dma2 semaphore(%arg10 : memref<!tpu.dma_semaphore, #tpu.memory_space<semaphore_mem>>) src(%dma_wait3A_15 : memref<10000xi32, #tpu.memory_space<hbm>>) dst(%arg7 : memref<10000xi32, #tpu.memory_space<vmem>>)
    %scan3A_16 = arith.constant 0 : i32
    %scan3A_17 = arith.constant 0 : i32
    %scan3A_18 = arith.constant 625 : i32
    %scan3A_19 = arith.addi %scan3A_17, %scan3A_18 : i32
    %scan3A_20 = arith.constant 1 : i32
    scf.for %scan3A_22 = %scan3A_17 to %scan3A_19 step %scan3A_20  : i32 {
      %mul3A_23 = arith.constant 16 : i32
      %mul3A_24 = arith.muli %scan3A_22, %mul3A_23 : i32
      %get3A = arith.index_cast %mul3A_24 : i32 to index
      %get3A_25 = tpu.vector_load %arg6[%get3A] {strides = array<i32>} : memref<10000xi32, #tpu.memory_space<vmem>>, vector<16xi32>,
      %gather3A = tpu.vector_load_idx %arg8[%get3A_25] : memref<10000xf32, #tpu.memory_space<vmem>>[vector<16xi32>], vector<16xf32>,
      %mul3A_26 = arith.constant 16 : i32
      %mul3A_27 = arith.muli %scan3A_22, %mul3A_26 : i32
      %get3A_28 = arith.index_cast %mul3A_27 : i32 to index
      %get3A_29 = tpu.vector_load %arg7[%get3A_28] {strides = array<i32>} : memref<10000xi32, #tpu.memory_space<vmem>>, vector<16xi32>,
      tpu.vector_store_idx %arg9[%get3A_29], %gather3A {add = true} : memref<10000xf32, #tpu.memory_space<vmem>>[vector<16xi32>], vector<16xf32>,
    }
    %scan3A_21 = arith.constant 625 : i32
    "tpu.region"() ({
      %run_scoped3A = tpu.sem_alloc : memref<!tpu.dma_semaphore, #tpu.memory_space<semaphore_mem>>
      %dma_start3A_22 = arith.constant 0 : i32
      %dma_start3A_23 = tpu.memref_slice %arg5[%add3A, %dma_start3A_22] : memref<32x10000xf32, #tpu.memory_space<hbm>> -> memref<1x10000xf32, #tpu.memory_space<hbm>>
      %dma_start3A_24 = tpu.memref_squeeze %dma_start3A_23 : memref<1x10000xf32, #tpu.memory_space<hbm>> -> memref<10000xf32, #tpu.memory_space<hbm>>
      %dma_start3A_25 = arith.constant 0 : i32
      %dma_start3A_26 = tpu.memref_slice %arg5[%add3A, %dma_start3A_25] : memref<32x10000xf32, #tpu.memory_space<hbm>> -> memref<1x10000xf32, #tpu.memory_space<hbm>>
      %dma_start3A_27 = tpu.memref_squeeze %dma_start3A_26 : memref<1x10000xf32, #tpu.memory_space<hbm>> -> memref<10000xf32, #tpu.memory_space<hbm>>
      tpu.enqueue_dma source(%arg9 : memref<10000xf32, #tpu.memory_space<vmem>>) target(%dma_start3A_27 : memref<10000xf32, #tpu.memory_space<hbm>>) target_semaphore(%run_scoped3A : memref<!tpu.dma_semaphore, #tpu.memory_space<semaphore_mem>>)
      %dma_wait3A_28 = arith.constant 0 : i32
      %dma_wait3A_29 = tpu.memref_slice %arg5[%add3A, %dma_wait3A_28] : memref<32x10000xf32, #tpu.memory_space<hbm>> -> memref<1x10000xf32, #tpu.memory_space<hbm>>
      %dma_wait3A_30 = tpu.memref_squeeze %dma_wait3A_29 : memref<1x10000xf32, #tpu.memory_space<hbm>> -> memref<10000xf32, #tpu.memory_space<hbm>>
      %dma_wait3A_31 = arith.constant 0 : i32
      %dma_wait3A_32 = tpu.memref_slice %arg5[%add3A, %dma_wait3A_31] : memref<32x10000xf32, #tpu.memory_space<hbm>> -> memref<1x10000xf32, #tpu.memory_space<hbm>>
      %dma_wait3A_33 = tpu.memref_squeeze %dma_wait3A_32 : memref<1x10000xf32, #tpu.memory_space<hbm>> -> memref<10000xf32, #tpu.memory_space<hbm>>
      tpu.wait_dma2 semaphore(%run_scoped3A : memref<!tpu.dma_semaphore, #tpu.memory_space<semaphore_mem>>) src(%arg9 : memref<10000xf32, #tpu.memory_space<vmem>>) dst(%dma_wait3A_33 : memref<10000xf32, #tpu.memory_space<hbm>>)
      tpu.yield
    }) : () -> ()
    return
  }
}

#map = affine_map<(d0, d1) -> (0, 0)>
#map1 = affine_map<(d0, d1) -> (0, 0, 0)>
module attributes {stable_mosaic.version = 14 : i64} {
  func.func @_segsum(%arg0: i32, %arg1: i32, %arg2: memref<10000x128xf32, #tpu.memory_space<hbm>>, %arg3: memref<6400x50xi32, #tpu.memory_space<hbm>>, %arg4: memref<6400x50xi32, #tpu.memory_space<hbm>>, %arg5: memref<2x10000x128xf32, #tpu.memory_space<hbm>>, %arg6: memref<10000x128xf32, #tpu.memory_space<vmem_shared>>, %arg7: memref<200x50xi32, #tpu.memory_space<vmem>>, %arg8: memref<50xi32, #tpu.memory_space<vmem>>, %arg9: memref<50xi32, #tpu.memory_space<vmem>>, %arg10: memref<50xi32, #tpu.memory_space<vmem>>, %arg11: memref<50xi32, #tpu.memory_space<vmem>>, %arg12: memref<50xi32, #tpu.memory_space<vmem>>, %arg13: memref<50xi32, #tpu.memory_space<vmem>>, %arg14: memref<50x128xf32, #tpu.memory_space<vmem>>, %arg15: memref<50x128xf32, #tpu.memory_space<vmem>>, %arg16: memref<50x128xf32, #tpu.memory_space<vmem>>, %arg17: memref<50x128xf32, #tpu.memory_space<vmem>>, %arg18: memref<50x128xf32, #tpu.memory_space<vmem>>, %arg19: memref<50x128xf32, #tpu.memory_space<vmem>>, %arg20: memref<!tpu.dma_semaphore, #tpu.memory_space<semaphore_mem>>, %arg21: memref<!tpu.dma_semaphore, #tpu.memory_space<semaphore_mem>>, %arg22: memref<!tpu.dma_semaphore, #tpu.memory_space<semaphore_mem>>, %arg23: memref<!tpu.dma_semaphore, #tpu.memory_space<semaphore_mem>>, %arg24: memref<!tpu.dma_semaphore, #tpu.memory_space<semaphore_mem>>, %arg25: memref<!tpu.dma_semaphore, #tpu.memory_space<semaphore_mem>>, %arg26: memref<!tpu.dma_semaphore, #tpu.memory_space<semaphore_mem>>, %arg27: memref<!tpu.dma_semaphore, #tpu.memory_space<semaphore_mem>>, %arg28: memref<!tpu.dma_semaphore, #tpu.memory_space<semaphore_mem>>, %arg29: memref<!tpu.dma_semaphore, #tpu.memory_space<semaphore_mem>>, %arg30: memref<!tpu.dma_semaphore, #tpu.memory_space<semaphore_mem>>, %arg31: memref<!tpu.dma_semaphore, #tpu.memory_space<semaphore_mem>>, %arg32: memref<!tpu.dma_semaphore, #tpu.memory_space<semaphore_mem>>, %arg33: memref<!tpu.dma_semaphore, #tpu.memory_space<semaphore_mem>>, %arg34: memref<!tpu.dma_semaphore, #tpu.memory_space<semaphore_mem>>, %arg35: memref<!tpu.dma_semaphore, #tpu.memory_space<semaphore_mem>>, %arg36: memref<!tpu.dma_semaphore, #tpu.memory_space<semaphore_mem>>, %arg37: memref<!tpu.dma_semaphore, #tpu.memory_space<semaphore_mem>>, %arg38: memref<!tpu.dma_semaphore, #tpu.memory_space<semaphore_mem>>, %arg39: memref<!tpu.dma_semaphore, #tpu.memory_space<semaphore_mem>>) attributes {dimension_semantics = [#tpu.dimension_semantics<core_parallel>, #tpu.dimension_semantics<subcore_parallel>], iteration_bounds = array<i64: 2, 16>, scalar_prefetch = 0 : i64, scratch_operands = 34 : i64, tpu.core_type = #tpu.core_type<sc_vector_subcore>, window_params = [{transform_indices = #map}, {transform_indices = #map}, {transform_indices = #map}, {transform_indices = #map1}]} {
    %mul3A = arith.constant 16 : i32
    %mul3A_0 = arith.muli %arg0, %mul3A : i32
    %add3A = arith.addi %mul3A_0, %arg1 : i32
    %mul3A_1 = arith.constant 200 : i32
    %mul3A_2 = arith.muli %add3A, %mul3A_1 : i32
    %dma_start3A = arith.constant 0 : i32
    %dma_start3A_3 = tpu.memref_slice %arg3[%mul3A_2, %dma_start3A] : memref<6400x50xi32, #tpu.memory_space<hbm>> -> memref<200x50xi32, #tpu.memory_space<hbm>>
    %dma_start3A_4 = arith.constant 0 : i32
    %dma_start3A_5 = tpu.memref_slice %arg3[%mul3A_2, %dma_start3A_4] : memref<6400x50xi32, #tpu.memory_space<hbm>> -> memref<200x50xi32, #tpu.memory_space<hbm>>
    tpu.enqueue_dma source(%dma_start3A_5 : memref<200x50xi32, #tpu.memory_space<hbm>>) target(%arg7 : memref<200x50xi32, #tpu.memory_space<vmem>>) target_semaphore(%arg38 : memref<!tpu.dma_semaphore, #tpu.memory_space<semaphore_mem>>)
    %add3A_6 = arith.constant 0 : i32
    %add3A_7 = arith.addi %mul3A_2, %add3A_6 : i32
    %dma_start3A_8 = arith.constant 0 : i32
    %dma_start3A_9 = tpu.memref_slice %arg4[%add3A_7, %dma_start3A_8] : memref<6400x50xi32, #tpu.memory_space<hbm>> -> memref<1x50xi32, #tpu.memory_space<hbm>>
    %dma_start3A_10 = tpu.memref_squeeze %dma_start3A_9 : memref<1x50xi32, #tpu.memory_space<hbm>> -> memref<50xi32, #tpu.memory_space<hbm>>
    %dma_start3A_11 = arith.constant 0 : i32
    %dma_start3A_12 = tpu.memref_slice %arg4[%add3A_7, %dma_start3A_11] : memref<6400x50xi32, #tpu.memory_space<hbm>> -> memref<1x50xi32, #tpu.memory_space<hbm>>
    %dma_start3A_13 = tpu.memref_squeeze %dma_start3A_12 : memref<1x50xi32, #tpu.memory_space<hbm>> -> memref<50xi32, #tpu.memory_space<hbm>>
    tpu.enqueue_dma source(%dma_start3A_13 : memref<50xi32, #tpu.memory_space<hbm>>) target(%arg8 : memref<50xi32, #tpu.memory_space<vmem>>) target_semaphore(%arg20 : memref<!tpu.dma_semaphore, #tpu.memory_space<semaphore_mem>>)
    %add3A_14 = arith.constant 1 : i32
    %add3A_15 = arith.addi %mul3A_2, %add3A_14 : i32
    %dma_start3A_16 = arith.constant 0 : i32
    %dma_start3A_17 = tpu.memref_slice %arg4[%add3A_15, %dma_start3A_16] : memref<6400x50xi32, #tpu.memory_space<hbm>> -> memref<1x50xi32, #tpu.memory_space<hbm>>
    %dma_start3A_18 = tpu.memref_squeeze %dma_start3A_17 : memref<1x50xi32, #tpu.memory_space<hbm>> -> memref<50xi32, #tpu.memory_space<hbm>>
    %dma_start3A_19 = arith.constant 0 : i32
    %dma_start3A_20 = tpu.memref_slice %arg4[%add3A_15, %dma_start3A_19] : memref<6400x50xi32, #tpu.memory_space<hbm>> -> memref<1x50xi32, #tpu.memory_space<hbm>>
    %dma_start3A_21 = tpu.memref_squeeze %dma_start3A_20 : memref<1x50xi32, #tpu.memory_space<hbm>> -> memref<50xi32, #tpu.memory_space<hbm>>
    tpu.enqueue_dma source(%dma_start3A_21 : memref<50xi32, #tpu.memory_space<hbm>>) target(%arg9 : memref<50xi32, #tpu.memory_space<vmem>>) target_semaphore(%arg21 : memref<!tpu.dma_semaphore, #tpu.memory_space<semaphore_mem>>)
    %add3A_22 = arith.constant 2 : i32
    %add3A_23 = arith.addi %mul3A_2, %add3A_22 : i32
    %dma_start3A_24 = arith.constant 0 : i32
    %dma_start3A_25 = tpu.memref_slice %arg4[%add3A_23, %dma_start3A_24] : memref<6400x50xi32, #tpu.memory_space<hbm>> -> memref<1x50xi32, #tpu.memory_space<hbm>>
    %dma_start3A_26 = tpu.memref_squeeze %dma_start3A_25 : memref<1x50xi32, #tpu.memory_space<hbm>> -> memref<50xi32, #tpu.memory_space<hbm>>
    %dma_start3A_27 = arith.constant 0 : i32
    %dma_start3A_28 = tpu.memref_slice %arg4[%add3A_23, %dma_start3A_27] : memref<6400x50xi32, #tpu.memory_space<hbm>> -> memref<1x50xi32, #tpu.memory_space<hbm>>
    %dma_start3A_29 = tpu.memref_squeeze %dma_start3A_28 : memref<1x50xi32, #tpu.memory_space<hbm>> -> memref<50xi32, #tpu.memory_space<hbm>>
    tpu.enqueue_dma source(%dma_start3A_29 : memref<50xi32, #tpu.memory_space<hbm>>) target(%arg10 : memref<50xi32, #tpu.memory_space<vmem>>) target_semaphore(%arg22 : memref<!tpu.dma_semaphore, #tpu.memory_space<semaphore_mem>>)
    %add3A_30 = arith.constant 3 : i32
    %add3A_31 = arith.addi %mul3A_2, %add3A_30 : i32
    %dma_start3A_32 = arith.constant 0 : i32
    %dma_start3A_33 = tpu.memref_slice %arg4[%add3A_31, %dma_start3A_32] : memref<6400x50xi32, #tpu.memory_space<hbm>> -> memref<1x50xi32, #tpu.memory_space<hbm>>
    %dma_start3A_34 = tpu.memref_squeeze %dma_start3A_33 : memref<1x50xi32, #tpu.memory_space<hbm>> -> memref<50xi32, #tpu.memory_space<hbm>>
    %dma_start3A_35 = arith.constant 0 : i32
    %dma_start3A_36 = tpu.memref_slice %arg4[%add3A_31, %dma_start3A_35] : memref<6400x50xi32, #tpu.memory_space<hbm>> -> memref<1x50xi32, #tpu.memory_space<hbm>>
    %dma_start3A_37 = tpu.memref_squeeze %dma_start3A_36 : memref<1x50xi32, #tpu.memory_space<hbm>> -> memref<50xi32, #tpu.memory_space<hbm>>
    tpu.enqueue_dma source(%dma_start3A_37 : memref<50xi32, #tpu.memory_space<hbm>>) target(%arg11 : memref<50xi32, #tpu.memory_space<vmem>>) target_semaphore(%arg23 : memref<!tpu.dma_semaphore, #tpu.memory_space<semaphore_mem>>)
    %add3A_38 = arith.constant 4 : i32
    %add3A_39 = arith.addi %mul3A_2, %add3A_38 : i32
    %dma_start3A_40 = arith.constant 0 : i32
    %dma_start3A_41 = tpu.memref_slice %arg4[%add3A_39, %dma_start3A_40] : memref<6400x50xi32, #tpu.memory_space<hbm>> -> memref<1x50xi32, #tpu.memory_space<hbm>>
    %dma_start3A_42 = tpu.memref_squeeze %dma_start3A_41 : memref<1x50xi32, #tpu.memory_space<hbm>> -> memref<50xi32, #tpu.memory_space<hbm>>
    %dma_start3A_43 = arith.constant 0 : i32
    %dma_start3A_44 = tpu.memref_slice %arg4[%add3A_39, %dma_start3A_43] : memref<6400x50xi32, #tpu.memory_space<hbm>> -> memref<1x50xi32, #tpu.memory_space<hbm>>
    %dma_start3A_45 = tpu.memref_squeeze %dma_start3A_44 : memref<1x50xi32, #tpu.memory_space<hbm>> -> memref<50xi32, #tpu.memory_space<hbm>>
    tpu.enqueue_dma source(%dma_start3A_45 : memref<50xi32, #tpu.memory_space<hbm>>) target(%arg12 : memref<50xi32, #tpu.memory_space<vmem>>) target_semaphore(%arg24 : memref<!tpu.dma_semaphore, #tpu.memory_space<semaphore_mem>>)
    %add3A_46 = arith.constant 5 : i32
    %add3A_47 = arith.addi %mul3A_2, %add3A_46 : i32
    %dma_start3A_48 = arith.constant 0 : i32
    %dma_start3A_49 = tpu.memref_slice %arg4[%add3A_47, %dma_start3A_48] : memref<6400x50xi32, #tpu.memory_space<hbm>> -> memref<1x50xi32, #tpu.memory_space<hbm>>
    %dma_start3A_50 = tpu.memref_squeeze %dma_start3A_49 : memref<1x50xi32, #tpu.memory_space<hbm>> -> memref<50xi32, #tpu.memory_space<hbm>>
    %dma_start3A_51 = arith.constant 0 : i32
    %dma_start3A_52 = tpu.memref_slice %arg4[%add3A_47, %dma_start3A_51] : memref<6400x50xi32, #tpu.memory_space<hbm>> -> memref<1x50xi32, #tpu.memory_space<hbm>>
    %dma_start3A_53 = tpu.memref_squeeze %dma_start3A_52 : memref<1x50xi32, #tpu.memory_space<hbm>> -> memref<50xi32, #tpu.memory_space<hbm>>
    tpu.enqueue_dma source(%dma_start3A_53 : memref<50xi32, #tpu.memory_space<hbm>>) target(%arg13 : memref<50xi32, #tpu.memory_space<vmem>>) target_semaphore(%arg25 : memref<!tpu.dma_semaphore, #tpu.memory_space<semaphore_mem>>)
    %scan3A = arith.constant 0 : i32
    %scan3A_54 = arith.constant 0 : i32
    %scan3A_55 = arith.constant 50 : i32
    %scan3A_56 = arith.addi %scan3A_54, %scan3A_55 : i32
    %scan3A_57 = arith.constant 1 : i32
    scf.for %scan3A_309 = %scan3A_54 to %scan3A_56 step %scan3A_57  : i32 {
      %broadcast_in_dim3A = arith.constant 0.000000e+00 : f32
      %broadcast_in_dim3A_310 = vector.broadcast %broadcast_in_dim3A : f32 to vector<16xf32>
      %swap3A = arith.index_cast %scan3A_309 : i32 to index
      %swap3A_311 = arith.constant 0 : index
      %swap3A_312 = tpu.vector_load %arg14[%swap3A, %swap3A_311] {strides = array<i32>} : memref<50x128xf32, #tpu.memory_space<vmem>>, vector<16xf32>,
      tpu.vector_store %arg14[%swap3A, %swap3A_311], %broadcast_in_dim3A_310 {strides = array<i32>} : memref<50x128xf32, #tpu.memory_space<vmem>>, vector<16xf32>,
      %broadcast_in_dim3A_313 = arith.constant 0.000000e+00 : f32
      %broadcast_in_dim3A_314 = vector.broadcast %broadcast_in_dim3A_313 : f32 to vector<16xf32>
      %swap3A_315 = arith.index_cast %scan3A_309 : i32 to index
      %swap3A_316 = arith.constant 16 : index
      %swap3A_317 = tpu.vector_load %arg14[%swap3A_315, %swap3A_316] {strides = array<i32>} : memref<50x128xf32, #tpu.memory_space<vmem>>, vector<16xf32>,
      tpu.vector_store %arg14[%swap3A_315, %swap3A_316], %broadcast_in_dim3A_314 {strides = array<i32>} : memref<50x128xf32, #tpu.memory_space<vmem>>, vector<16xf32>,
      %broadcast_in_dim3A_318 = arith.constant 0.000000e+00 : f32
      %broadcast_in_dim3A_319 = vector.broadcast %broadcast_in_dim3A_318 : f32 to vector<16xf32>
      %swap3A_320 = arith.index_cast %scan3A_309 : i32 to index
      %swap3A_321 = arith.constant 32 : index
      %swap3A_322 = tpu.vector_load %arg14[%swap3A_320, %swap3A_321] {strides = array<i32>} : memref<50x128xf32, #tpu.memory_space<vmem>>, vector<16xf32>,
      tpu.vector_store %arg14[%swap3A_320, %swap3A_321], %broadcast_in_dim3A_319 {strides = array<i32>} : memref<50x128xf32, #tpu.memory_space<vmem>>, vector<16xf32>,
      %broadcast_in_dim3A_323 = arith.constant 0.000000e+00 : f32
      %broadcast_in_dim3A_324 = vector.broadcast %broadcast_in_dim3A_323 : f32 to vector<16xf32>
      %swap3A_325 = arith.index_cast %scan3A_309 : i32 to index
      %swap3A_326 = arith.constant 48 : index
      %swap3A_327 = tpu.vector_load %arg14[%swap3A_325, %swap3A_326] {strides = array<i32>} : memref<50x128xf32, #tpu.memory_space<vmem>>, vector<16xf32>,
      tpu.vector_store %arg14[%swap3A_325, %swap3A_326], %broadcast_in_dim3A_324 {strides = array<i32>} : memref<50x128xf32, #tpu.memory_space<vmem>>, vector<16xf32>,
      %broadcast_in_dim3A_328 = arith.constant 0.000000e+00 : f32
      %broadcast_in_dim3A_329 = vector.broadcast %broadcast_in_dim3A_328 : f32 to vector<16xf32>
      %swap3A_330 = arith.index_cast %scan3A_309 : i32 to index
      %swap3A_331 = arith.constant 64 : index
      %swap3A_332 = tpu.vector_load %arg14[%swap3A_330, %swap3A_331] {strides = array<i32>} : memref<50x128xf32, #tpu.memory_space<vmem>>, vector<16xf32>,
      tpu.vector_store %arg14[%swap3A_330, %swap3A_331], %broadcast_in_dim3A_329 {strides = array<i32>} : memref<50x128xf32, #tpu.memory_space<vmem>>, vector<16xf32>,
      %broadcast_in_dim3A_333 = arith.constant 0.000000e+00 : f32
      %broadcast_in_dim3A_334 = vector.broadcast %broadcast_in_dim3A_333 : f32 to vector<16xf32>
      %swap3A_335 = arith.index_cast %scan3A_309 : i32 to index
      %swap3A_336 = arith.constant 80 : index
      %swap3A_337 = tpu.vector_load %arg14[%swap3A_335, %swap3A_336] {strides = array<i32>} : memref<50x128xf32, #tpu.memory_space<vmem>>, vector<16xf32>,
      tpu.vector_store %arg14[%swap3A_335, %swap3A_336], %broadcast_in_dim3A_334 {strides = array<i32>} : memref<50x128xf32, #tpu.memory_space<vmem>>, vector<16xf32>,
      %broadcast_in_dim3A_338 = arith.constant 0.000000e+00 : f32
      %broadcast_in_dim3A_339 = vector.broadcast %broadcast_in_dim3A_338 : f32 to vector<16xf32>
      %swap3A_340 = arith.index_cast %scan3A_309 : i32 to index
      %swap3A_341 = arith.constant 96 : index
      %swap3A_342 = tpu.vector_load %arg14[%swap3A_340, %swap3A_341] {strides = array<i32>} : memref<50x128xf32, #tpu.memory_space<vmem>>, vector<16xf32>,
      tpu.vector_store %arg14[%swap3A_340, %swap3A_341], %broadcast_in_dim3A_339 {strides = array<i32>} : memref<50x128xf32, #tpu.memory_space<vmem>>, vector<16xf32>,
      %broadcast_in_dim3A_343 = arith.constant 0.000000e+00 : f32
      %broadcast_in_dim3A_344 = vector.broadcast %broadcast_in_dim3A_343 : f32 to vector<16xf32>
      %swap3A_345 = arith.index_cast %scan3A_309 : i32 to index
      %swap3A_346 = arith.constant 112 : index
      %swap3A_347 = tpu.vector_load %arg14[%swap3A_345, %swap3A_346] {strides = array<i32>} : memref<50x128xf32, #tpu.memory_space<vmem>>, vector<16xf32>,
      tpu.vector_store %arg14[%swap3A_345, %swap3A_346], %broadcast_in_dim3A_344 {strides = array<i32>} : memref<50x128xf32, #tpu.memory_space<vmem>>, vector<16xf32>,
    }
    %scan3A_58 = arith.constant 50 : i32
    %mul3A_59 = arith.constant 625 : i32
    %mul3A_60 = arith.muli %arg1, %mul3A_59 : i32
    %add3A_61 = arith.constant 0 : i32
    %add3A_62 = arith.addi %mul3A_60, %add3A_61 : i32
    %dma_start3A_63 = arith.constant 0 : i32
    %dma_start3A_64 = tpu.memref_slice %arg6[%add3A_62, %dma_start3A_63] : memref<10000x128xf32, #tpu.memory_space<vmem_shared>> -> memref<50x128xf32, #tpu.memory_space<vmem_shared>>
    %dma_start3A_65 = arith.constant 0 : i32
    %dma_start3A_66 = tpu.memref_slice %arg6[%add3A_62, %dma_start3A_65] : memref<10000x128xf32, #tpu.memory_space<vmem_shared>> -> memref<50x128xf32, #tpu.memory_space<vmem_shared>>
    tpu.enqueue_dma source(%arg14 : memref<50x128xf32, #tpu.memory_space<vmem>>) target(%dma_start3A_66 : memref<50x128xf32, #tpu.memory_space<vmem_shared>>) target_semaphore(%arg39 : memref<!tpu.dma_semaphore, #tpu.memory_space<semaphore_mem>>)
    %add3A_67 = arith.constant 50 : i32
    %add3A_68 = arith.addi %mul3A_60, %add3A_67 : i32
    %dma_start3A_69 = arith.constant 0 : i32
    %dma_start3A_70 = tpu.memref_slice %arg6[%add3A_68, %dma_start3A_69] : memref<10000x128xf32, #tpu.memory_space<vmem_shared>> -> memref<50x128xf32, #tpu.memory_space<vmem_shared>>
    %dma_start3A_71 = arith.constant 0 : i32
    %dma_start3A_72 = tpu.memref_slice %arg6[%add3A_68, %dma_start3A_71] : memref<10000x128xf32, #tpu.memory_space<vmem_shared>> -> memref<50x128xf32, #tpu.memory_space<vmem_shared>>
    tpu.enqueue_dma source(%arg14 : memref<50x128xf32, #tpu.memory_space<vmem>>) target(%dma_start3A_72 : memref<50x128xf32, #tpu.memory_space<vmem_shared>>) target_semaphore(%arg39 : memref<!tpu.dma_semaphore, #tpu.memory_space<semaphore_mem>>)
    %add3A_73 = arith.constant 100 : i32
    %add3A_74 = arith.addi %mul3A_60, %add3A_73 : i32
    %dma_start3A_75 = arith.constant 0 : i32
    %dma_start3A_76 = tpu.memref_slice %arg6[%add3A_74, %dma_start3A_75] : memref<10000x128xf32, #tpu.memory_space<vmem_shared>> -> memref<50x128xf32, #tpu.memory_space<vmem_shared>>
    %dma_start3A_77 = arith.constant 0 : i32
    %dma_start3A_78 = tpu.memref_slice %arg6[%add3A_74, %dma_start3A_77] : memref<10000x128xf32, #tpu.memory_space<vmem_shared>> -> memref<50x128xf32, #tpu.memory_space<vmem_shared>>
    tpu.enqueue_dma source(%arg14 : memref<50x128xf32, #tpu.memory_space<vmem>>) target(%dma_start3A_78 : memref<50x128xf32, #tpu.memory_space<vmem_shared>>) target_semaphore(%arg39 : memref<!tpu.dma_semaphore, #tpu.memory_space<semaphore_mem>>)
    %add3A_79 = arith.constant 150 : i32
    %add3A_80 = arith.addi %mul3A_60, %add3A_79 : i32
    %dma_start3A_81 = arith.constant 0 : i32
    %dma_start3A_82 = tpu.memref_slice %arg6[%add3A_80, %dma_start3A_81] : memref<10000x128xf32, #tpu.memory_space<vmem_shared>> -> memref<50x128xf32, #tpu.memory_space<vmem_shared>>
    %dma_start3A_83 = arith.constant 0 : i32
    %dma_start3A_84 = tpu.memref_slice %arg6[%add3A_80, %dma_start3A_83] : memref<10000x128xf32, #tpu.memory_space<vmem_shared>> -> memref<50x128xf32, #tpu.memory_space<vmem_shared>>
    tpu.enqueue_dma source(%arg14 : memref<50x128xf32, #tpu.memory_space<vmem>>) target(%dma_start3A_84 : memref<50x128xf32, #tpu.memory_space<vmem_shared>>) target_semaphore(%arg39 : memref<!tpu.dma_semaphore, #tpu.memory_space<semaphore_mem>>)
    %add3A_85 = arith.constant 200 : i32
    %add3A_86 = arith.addi %mul3A_60, %add3A_85 : i32
    %dma_start3A_87 = arith.constant 0 : i32
    %dma_start3A_88 = tpu.memref_slice %arg6[%add3A_86, %dma_start3A_87] : memref<10000x128xf32, #tpu.memory_space<vmem_shared>> -> memref<50x128xf32, #tpu.memory_space<vmem_shared>>
    %dma_start3A_89 = arith.constant 0 : i32
    %dma_start3A_90 = tpu.memref_slice %arg6[%add3A_86, %dma_start3A_89] : memref<10000x128xf32, #tpu.memory_space<vmem_shared>> -> memref<50x128xf32, #tpu.memory_space<vmem_shared>>
    tpu.enqueue_dma source(%arg14 : memref<50x128xf32, #tpu.memory_space<vmem>>) target(%dma_start3A_90 : memref<50x128xf32, #tpu.memory_space<vmem_shared>>) target_semaphore(%arg39 : memref<!tpu.dma_semaphore, #tpu.memory_space<semaphore_mem>>)
    %add3A_91 = arith.constant 250 : i32
    %add3A_92 = arith.addi %mul3A_60, %add3A_91 : i32
    %dma_start3A_93 = arith.constant 0 : i32
    %dma_start3A_94 = tpu.memref_slice %arg6[%add3A_92, %dma_start3A_93] : memref<10000x128xf32, #tpu.memory_space<vmem_shared>> -> memref<50x128xf32, #tpu.memory_space<vmem_shared>>
    %dma_start3A_95 = arith.constant 0 : i32
    %dma_start3A_96 = tpu.memref_slice %arg6[%add3A_92, %dma_start3A_95] : memref<10000x128xf32, #tpu.memory_space<vmem_shared>> -> memref<50x128xf32, #tpu.memory_space<vmem_shared>>
    tpu.enqueue_dma source(%arg14 : memref<50x128xf32, #tpu.memory_space<vmem>>) target(%dma_start3A_96 : memref<50x128xf32, #tpu.memory_space<vmem_shared>>) target_semaphore(%arg39 : memref<!tpu.dma_semaphore, #tpu.memory_space<semaphore_mem>>)
    %add3A_97 = arith.constant 300 : i32
    %add3A_98 = arith.addi %mul3A_60, %add3A_97 : i32
    %dma_start3A_99 = arith.constant 0 : i32
    %dma_start3A_100 = tpu.memref_slice %arg6[%add3A_98, %dma_start3A_99] : memref<10000x128xf32, #tpu.memory_space<vmem_shared>> -> memref<50x128xf32, #tpu.memory_space<vmem_shared>>
    %dma_start3A_101 = arith.constant 0 : i32
    %dma_start3A_102 = tpu.memref_slice %arg6[%add3A_98, %dma_start3A_101] : memref<10000x128xf32, #tpu.memory_space<vmem_shared>> -> memref<50x128xf32, #tpu.memory_space<vmem_shared>>
    tpu.enqueue_dma source(%arg14 : memref<50x128xf32, #tpu.memory_space<vmem>>) target(%dma_start3A_102 : memref<50x128xf32, #tpu.memory_space<vmem_shared>>) target_semaphore(%arg39 : memref<!tpu.dma_semaphore, #tpu.memory_space<semaphore_mem>>)
    %add3A_103 = arith.constant 350 : i32
    %add3A_104 = arith.addi %mul3A_60, %add3A_103 : i32
    %dma_start3A_105 = arith.constant 0 : i32
    %dma_start3A_106 = tpu.memref_slice %arg6[%add3A_104, %dma_start3A_105] : memref<10000x128xf32, #tpu.memory_space<vmem_shared>> -> memref<50x128xf32, #tpu.memory_space<vmem_shared>>
    %dma_start3A_107 = arith.constant 0 : i32
    %dma_start3A_108 = tpu.memref_slice %arg6[%add3A_104, %dma_start3A_107] : memref<10000x128xf32, #tpu.memory_space<vmem_shared>> -> memref<50x128xf32, #tpu.memory_space<vmem_shared>>
    tpu.enqueue_dma source(%arg14 : memref<50x128xf32, #tpu.memory_space<vmem>>) target(%dma_start3A_108 : memref<50x128xf32, #tpu.memory_space<vmem_shared>>) target_semaphore(%arg39 : memref<!tpu.dma_semaphore, #tpu.memory_space<semaphore_mem>>)
    %add3A_109 = arith.constant 400 : i32
    %add3A_110 = arith.addi %mul3A_60, %add3A_109 : i32
    %dma_start3A_111 = arith.constant 0 : i32
    %dma_start3A_112 = tpu.memref_slice %arg6[%add3A_110, %dma_start3A_111] : memref<10000x128xf32, #tpu.memory_space<vmem_shared>> -> memref<50x128xf32, #tpu.memory_space<vmem_shared>>
    %dma_start3A_113 = arith.constant 0 : i32
    %dma_start3A_114 = tpu.memref_slice %arg6[%add3A_110, %dma_start3A_113] : memref<10000x128xf32, #tpu.memory_space<vmem_shared>> -> memref<50x128xf32, #tpu.memory_space<vmem_shared>>
    tpu.enqueue_dma source(%arg14 : memref<50x128xf32, #tpu.memory_space<vmem>>) target(%dma_start3A_114 : memref<50x128xf32, #tpu.memory_space<vmem_shared>>) target_semaphore(%arg39 : memref<!tpu.dma_semaphore, #tpu.memory_space<semaphore_mem>>)
    %add3A_115 = arith.constant 450 : i32
    %add3A_116 = arith.addi %mul3A_60, %add3A_115 : i32
    %dma_start3A_117 = arith.constant 0 : i32
    %dma_start3A_118 = tpu.memref_slice %arg6[%add3A_116, %dma_start3A_117] : memref<10000x128xf32, #tpu.memory_space<vmem_shared>> -> memref<50x128xf32, #tpu.memory_space<vmem_shared>>
    %dma_start3A_119 = arith.constant 0 : i32
    %dma_start3A_120 = tpu.memref_slice %arg6[%add3A_116, %dma_start3A_119] : memref<10000x128xf32, #tpu.memory_space<vmem_shared>> -> memref<50x128xf32, #tpu.memory_space<vmem_shared>>
    tpu.enqueue_dma source(%arg14 : memref<50x128xf32, #tpu.memory_space<vmem>>) target(%dma_start3A_120 : memref<50x128xf32, #tpu.memory_space<vmem_shared>>) target_semaphore(%arg39 : memref<!tpu.dma_semaphore, #tpu.memory_space<semaphore_mem>>)
    %add3A_121 = arith.constant 500 : i32
    %add3A_122 = arith.addi %mul3A_60, %add3A_121 : i32
    %dma_start3A_123 = arith.constant 0 : i32
    %dma_start3A_124 = tpu.memref_slice %arg6[%add3A_122, %dma_start3A_123] : memref<10000x128xf32, #tpu.memory_space<vmem_shared>> -> memref<50x128xf32, #tpu.memory_space<vmem_shared>>
    %dma_start3A_125 = arith.constant 0 : i32
    %dma_start3A_126 = tpu.memref_slice %arg6[%add3A_122, %dma_start3A_125] : memref<10000x128xf32, #tpu.memory_space<vmem_shared>> -> memref<50x128xf32, #tpu.memory_space<vmem_shared>>
    tpu.enqueue_dma source(%arg14 : memref<50x128xf32, #tpu.memory_space<vmem>>) target(%dma_start3A_126 : memref<50x128xf32, #tpu.memory_space<vmem_shared>>) target_semaphore(%arg39 : memref<!tpu.dma_semaphore, #tpu.memory_space<semaphore_mem>>)
    %add3A_127 = arith.constant 550 : i32
    %add3A_128 = arith.addi %mul3A_60, %add3A_127 : i32
    %dma_start3A_129 = arith.constant 0 : i32
    %dma_start3A_130 = tpu.memref_slice %arg6[%add3A_128, %dma_start3A_129] : memref<10000x128xf32, #tpu.memory_space<vmem_shared>> -> memref<50x128xf32, #tpu.memory_space<vmem_shared>>
    %dma_start3A_131 = arith.constant 0 : i32
    %dma_start3A_132 = tpu.memref_slice %arg6[%add3A_128, %dma_start3A_131] : memref<10000x128xf32, #tpu.memory_space<vmem_shared>> -> memref<50x128xf32, #tpu.memory_space<vmem_shared>>
    tpu.enqueue_dma source(%arg14 : memref<50x128xf32, #tpu.memory_space<vmem>>) target(%dma_start3A_132 : memref<50x128xf32, #tpu.memory_space<vmem_shared>>) target_semaphore(%arg39 : memref<!tpu.dma_semaphore, #tpu.memory_space<semaphore_mem>>)
    %add3A_133 = arith.constant 600 : i32
    %add3A_134 = arith.addi %mul3A_60, %add3A_133 : i32
    %dma_start3A_135 = arith.constant 0 : i32
    %dma_start3A_136 = arith.constant 0 : i32
    %dma_start3A_137 = tpu.memref_slice %arg14[%dma_start3A_135, %dma_start3A_136] : memref<50x128xf32, #tpu.memory_space<vmem>> -> memref<25x128xf32, #tpu.memory_space<vmem>>
    %dma_start3A_138 = arith.constant 0 : i32
    %dma_start3A_139 = tpu.memref_slice %arg6[%add3A_134, %dma_start3A_138] : memref<10000x128xf32, #tpu.memory_space<vmem_shared>> -> memref<25x128xf32, #tpu.memory_space<vmem_shared>>
    %dma_start3A_140 = arith.constant 0 : i32
    %dma_start3A_141 = tpu.memref_slice %arg6[%add3A_134, %dma_start3A_140] : memref<10000x128xf32, #tpu.memory_space<vmem_shared>> -> memref<25x128xf32, #tpu.memory_space<vmem_shared>>
    %dma_start3A_142 = arith.constant 0 : i32
    %dma_start3A_143 = arith.constant 0 : i32
    %dma_start3A_144 = tpu.memref_slice %arg14[%dma_start3A_142, %dma_start3A_143] : memref<50x128xf32, #tpu.memory_space<vmem>> -> memref<25x128xf32, #tpu.memory_space<vmem>>
    tpu.enqueue_dma source(%dma_start3A_144 : memref<25x128xf32, #tpu.memory_space<vmem>>) target(%dma_start3A_141 : memref<25x128xf32, #tpu.memory_space<vmem_shared>>) target_semaphore(%arg39 : memref<!tpu.dma_semaphore, #tpu.memory_space<semaphore_mem>>)
    %dma_wait3A = arith.constant 0 : i32
    %dma_wait3A_145 = tpu.memref_slice %arg3[%mul3A_2, %dma_wait3A] : memref<6400x50xi32, #tpu.memory_space<hbm>> -> memref<200x50xi32, #tpu.memory_space<hbm>>
    %dma_wait3A_146 = arith.constant 0 : i32
    %dma_wait3A_147 = tpu.memref_slice %arg3[%mul3A_2, %dma_wait3A_146] : memref<6400x50xi32, #tpu.memory_space<hbm>> -> memref<200x50xi32, #tpu.memory_space<hbm>>
    tpu.wait_dma2 semaphore(%arg38 : memref<!tpu.dma_semaphore, #tpu.memory_space<semaphore_mem>>) src(%dma_wait3A_147 : memref<200x50xi32, #tpu.memory_space<hbm>>) dst(%arg7 : memref<200x50xi32, #tpu.memory_space<vmem>>)
    %dma_start3A_148 = arith.constant 1 : i32
    %dma_start3A_149 = arith.constant 0 : i32
    %dma_start3A_150 = tpu.memref_slice %arg7[%dma_start3A_148, %dma_start3A_149] : memref<200x50xi32, #tpu.memory_space<vmem>> -> memref<1x50xi32, #tpu.memory_space<vmem>>
    %dma_start3A_151 = tpu.memref_squeeze %dma_start3A_150 : memref<1x50xi32, #tpu.memory_space<vmem>> -> memref<50xi32, #tpu.memory_space<vmem>>
    %dma_start3A_152 = arith.constant 0 : i32
    %dma_start3A_153 = arith.constant 0 : i32
    %dma_start3A_154 = tpu.memref_slice %arg2[%dma_start3A_152, %dma_start3A_153] : memref<10000x128xf32, #tpu.memory_space<hbm>> -> memref<10000x128xf32, #tpu.memory_space<hbm>>
    tpu.enqueue_indirect_dma source(%dma_start3A_154 : memref<10000x128xf32, #tpu.memory_space<hbm>>) target(%arg15 : memref<50x128xf32, #tpu.memory_space<vmem>>) offsets(%dma_start3A_151 : memref<50xi32, #tpu.memory_space<vmem>>) semaphore(%arg27 : memref<!tpu.dma_semaphore, #tpu.memory_space<semaphore_mem>>)
    %dma_start3A_155 = arith.constant 2 : i32
    %dma_start3A_156 = arith.constant 0 : i32
    %dma_start3A_157 = tpu.memref_slice %arg7[%dma_start3A_155, %dma_start3A_156] : memref<200x50xi32, #tpu.memory_space<vmem>> -> memref<1x50xi32, #tpu.memory_space<vmem>>
    %dma_start3A_158 = tpu.memref_squeeze %dma_start3A_157 : memref<1x50xi32, #tpu.memory_space<vmem>> -> memref<50xi32, #tpu.memory_space<vmem>>
    %dma_start3A_159 = arith.constant 0 : i32
    %dma_start3A_160 = arith.constant 0 : i32
    %dma_start3A_161 = tpu.memref_slice %arg2[%dma_start3A_159, %dma_start3A_160] : memref<10000x128xf32, #tpu.memory_space<hbm>> -> memref<10000x128xf32, #tpu.memory_space<hbm>>
    tpu.enqueue_indirect_dma source(%dma_start3A_161 : memref<10000x128xf32, #tpu.memory_space<hbm>>) target(%arg16 : memref<50x128xf32, #tpu.memory_space<vmem>>) offsets(%dma_start3A_158 : memref<50xi32, #tpu.memory_space<vmem>>) semaphore(%arg28 : memref<!tpu.dma_semaphore, #tpu.memory_space<semaphore_mem>>)
    %dma_start3A_162 = arith.constant 3 : i32
    %dma_start3A_163 = arith.constant 0 : i32
    %dma_start3A_164 = tpu.memref_slice %arg7[%dma_start3A_162, %dma_start3A_163] : memref<200x50xi32, #tpu.memory_space<vmem>> -> memref<1x50xi32, #tpu.memory_space<vmem>>
    %dma_start3A_165 = tpu.memref_squeeze %dma_start3A_164 : memref<1x50xi32, #tpu.memory_space<vmem>> -> memref<50xi32, #tpu.memory_space<vmem>>
    %dma_start3A_166 = arith.constant 0 : i32
    %dma_start3A_167 = arith.constant 0 : i32
    %dma_start3A_168 = tpu.memref_slice %arg2[%dma_start3A_166, %dma_start3A_167] : memref<10000x128xf32, #tpu.memory_space<hbm>> -> memref<10000x128xf32, #tpu.memory_space<hbm>>
    tpu.enqueue_indirect_dma source(%dma_start3A_168 : memref<10000x128xf32, #tpu.memory_space<hbm>>) target(%arg17 : memref<50x128xf32, #tpu.memory_space<vmem>>) offsets(%dma_start3A_165 : memref<50xi32, #tpu.memory_space<vmem>>) semaphore(%arg29 : memref<!tpu.dma_semaphore, #tpu.memory_space<semaphore_mem>>)
    %dma_start3A_169 = arith.constant 4 : i32
    %dma_start3A_170 = arith.constant 0 : i32
    %dma_start3A_171 = tpu.memref_slice %arg7[%dma_start3A_169, %dma_start3A_170] : memref<200x50xi32, #tpu.memory_space<vmem>> -> memref<1x50xi32, #tpu.memory_space<vmem>>
    %dma_start3A_172 = tpu.memref_squeeze %dma_start3A_171 : memref<1x50xi32, #tpu.memory_space<vmem>> -> memref<50xi32, #tpu.memory_space<vmem>>
    %dma_start3A_173 = arith.constant 0 : i32
    %dma_start3A_174 = arith.constant 0 : i32
    %dma_start3A_175 = tpu.memref_slice %arg2[%dma_start3A_173, %dma_start3A_174] : memref<10000x128xf32, #tpu.memory_space<hbm>> -> memref<10000x128xf32, #tpu.memory_space<hbm>>
    tpu.enqueue_indirect_dma source(%dma_start3A_175 : memref<10000x128xf32, #tpu.memory_space<hbm>>) target(%arg18 : memref<50x128xf32, #tpu.memory_space<vmem>>) offsets(%dma_start3A_172 : memref<50xi32, #tpu.memory_space<vmem>>) semaphore(%arg30 : memref<!tpu.dma_semaphore, #tpu.memory_space<semaphore_mem>>)
    %dma_start3A_176 = arith.constant 5 : i32
    %dma_start3A_177 = arith.constant 0 : i32
    %dma_start3A_178 = tpu.memref_slice %arg7[%dma_start3A_176, %dma_start3A_177] : memref<200x50xi32, #tpu.memory_space<vmem>> -> memref<1x50xi32, #tpu.memory_space<vmem>>
    %dma_start3A_179 = tpu.memref_squeeze %dma_start3A_178 : memref<1x50xi32, #tpu.memory_space<vmem>> -> memref<50xi32, #tpu.memory_space<vmem>>
    %dma_start3A_180 = arith.constant 0 : i32
    %dma_start3A_181 = arith.constant 0 : i32
    %dma_start3A_182 = tpu.memref_slice %arg2[%dma_start3A_180, %dma_start3A_181] : memref<10000x128xf32, #tpu.memory_space<hbm>> -> memref<10000x128xf32, #tpu.memory_space<hbm>>
    tpu.enqueue_indirect_dma source(%dma_start3A_182 : memref<10000x128xf32, #tpu.memory_space<hbm>>) target(%arg19 : memref<50x128xf32, #tpu.memory_space<vmem>>) offsets(%dma_start3A_179 : memref<50xi32, #tpu.memory_space<vmem>>) semaphore(%arg31 : memref<!tpu.dma_semaphore, #tpu.memory_space<semaphore_mem>>)
    %dma_wait3A_183 = arith.constant 0 : i32
    %dma_wait3A_184 = tpu.memref_slice %arg6[%add3A_62, %dma_wait3A_183] : memref<10000x128xf32, #tpu.memory_space<vmem_shared>> -> memref<50x128xf32, #tpu.memory_space<vmem_shared>>
    %dma_wait3A_185 = arith.constant 0 : i32
    %dma_wait3A_186 = tpu.memref_slice %arg6[%add3A_62, %dma_wait3A_185] : memref<10000x128xf32, #tpu.memory_space<vmem_shared>> -> memref<50x128xf32, #tpu.memory_space<vmem_shared>>
    tpu.wait_dma2 semaphore(%arg39 : memref<!tpu.dma_semaphore, #tpu.memory_space<semaphore_mem>>) src(%arg14 : memref<50x128xf32, #tpu.memory_space<vmem>>) dst(%dma_wait3A_186 : memref<50x128xf32, #tpu.memory_space<vmem_shared>>)
    %dma_wait3A_187 = arith.constant 0 : i32
    %dma_wait3A_188 = tpu.memref_slice %arg6[%add3A_68, %dma_wait3A_187] : memref<10000x128xf32, #tpu.memory_space<vmem_shared>> -> memref<50x128xf32, #tpu.memory_space<vmem_shared>>
    %dma_wait3A_189 = arith.constant 0 : i32
    %dma_wait3A_190 = tpu.memref_slice %arg6[%add3A_68, %dma_wait3A_189] : memref<10000x128xf32, #tpu.memory_space<vmem_shared>> -> memref<50x128xf32, #tpu.memory_space<vmem_shared>>
    tpu.wait_dma2 semaphore(%arg39 : memref<!tpu.dma_semaphore, #tpu.memory_space<semaphore_mem>>) src(%arg14 : memref<50x128xf32, #tpu.memory_space<vmem>>) dst(%dma_wait3A_190 : memref<50x128xf32, #tpu.memory_space<vmem_shared>>)
    %dma_wait3A_191 = arith.constant 0 : i32
    %dma_wait3A_192 = tpu.memref_slice %arg6[%add3A_74, %dma_wait3A_191] : memref<10000x128xf32, #tpu.memory_space<vmem_shared>> -> memref<50x128xf32, #tpu.memory_space<vmem_shared>>
    %dma_wait3A_193 = arith.constant 0 : i32
    %dma_wait3A_194 = tpu.memref_slice %arg6[%add3A_74, %dma_wait3A_193] : memref<10000x128xf32, #tpu.memory_space<vmem_shared>> -> memref<50x128xf32, #tpu.memory_space<vmem_shared>>
    tpu.wait_dma2 semaphore(%arg39 : memref<!tpu.dma_semaphore, #tpu.memory_space<semaphore_mem>>) src(%arg14 : memref<50x128xf32, #tpu.memory_space<vmem>>) dst(%dma_wait3A_194 : memref<50x128xf32, #tpu.memory_space<vmem_shared>>)
    %dma_wait3A_195 = arith.constant 0 : i32
    %dma_wait3A_196 = tpu.memref_slice %arg6[%add3A_80, %dma_wait3A_195] : memref<10000x128xf32, #tpu.memory_space<vmem_shared>> -> memref<50x128xf32, #tpu.memory_space<vmem_shared>>
    %dma_wait3A_197 = arith.constant 0 : i32
    %dma_wait3A_198 = tpu.memref_slice %arg6[%add3A_80, %dma_wait3A_197] : memref<10000x128xf32, #tpu.memory_space<vmem_shared>> -> memref<50x128xf32, #tpu.memory_space<vmem_shared>>
    tpu.wait_dma2 semaphore(%arg39 : memref<!tpu.dma_semaphore, #tpu.memory_space<semaphore_mem>>) src(%arg14 : memref<50x128xf32, #tpu.memory_space<vmem>>) dst(%dma_wait3A_198 : memref<50x128xf32, #tpu.memory_space<vmem_shared>>)
    %dma_wait3A_199 = arith.constant 0 : i32
    %dma_wait3A_200 = tpu.memref_slice %arg6[%add3A_86, %dma_wait3A_199] : memref<10000x128xf32, #tpu.memory_space<vmem_shared>> -> memref<50x128xf32, #tpu.memory_space<vmem_shared>>
    %dma_wait3A_201 = arith.constant 0 : i32
    %dma_wait3A_202 = tpu.memref_slice %arg6[%add3A_86, %dma_wait3A_201] : memref<10000x128xf32, #tpu.memory_space<vmem_shared>> -> memref<50x128xf32, #tpu.memory_space<vmem_shared>>
    tpu.wait_dma2 semaphore(%arg39 : memref<!tpu.dma_semaphore, #tpu.memory_space<semaphore_mem>>) src(%arg14 : memref<50x128xf32, #tpu.memory_space<vmem>>) dst(%dma_wait3A_202 : memref<50x128xf32, #tpu.memory_space<vmem_shared>>)
    %dma_wait3A_203 = arith.constant 0 : i32
    %dma_wait3A_204 = tpu.memref_slice %arg6[%add3A_92, %dma_wait3A_203] : memref<10000x128xf32, #tpu.memory_space<vmem_shared>> -> memref<50x128xf32, #tpu.memory_space<vmem_shared>>
    %dma_wait3A_205 = arith.constant 0 : i32
    %dma_wait3A_206 = tpu.memref_slice %arg6[%add3A_92, %dma_wait3A_205] : memref<10000x128xf32, #tpu.memory_space<vmem_shared>> -> memref<50x128xf32, #tpu.memory_space<vmem_shared>>
    tpu.wait_dma2 semaphore(%arg39 : memref<!tpu.dma_semaphore, #tpu.memory_space<semaphore_mem>>) src(%arg14 : memref<50x128xf32, #tpu.memory_space<vmem>>) dst(%dma_wait3A_206 : memref<50x128xf32, #tpu.memory_space<vmem_shared>>)
    %dma_wait3A_207 = arith.constant 0 : i32
    %dma_wait3A_208 = tpu.memref_slice %arg6[%add3A_98, %dma_wait3A_207] : memref<10000x128xf32, #tpu.memory_space<vmem_shared>> -> memref<50x128xf32, #tpu.memory_space<vmem_shared>>
    %dma_wait3A_209 = arith.constant 0 : i32
    %dma_wait3A_210 = tpu.memref_slice %arg6[%add3A_98, %dma_wait3A_209] : memref<10000x128xf32, #tpu.memory_space<vmem_shared>> -> memref<50x128xf32, #tpu.memory_space<vmem_shared>>
    tpu.wait_dma2 semaphore(%arg39 : memref<!tpu.dma_semaphore, #tpu.memory_space<semaphore_mem>>) src(%arg14 : memref<50x128xf32, #tpu.memory_space<vmem>>) dst(%dma_wait3A_210 : memref<50x128xf32, #tpu.memory_space<vmem_shared>>)
    %dma_wait3A_211 = arith.constant 0 : i32
    %dma_wait3A_212 = tpu.memref_slice %arg6[%add3A_104, %dma_wait3A_211] : memref<10000x128xf32, #tpu.memory_space<vmem_shared>> -> memref<50x128xf32, #tpu.memory_space<vmem_shared>>
    %dma_wait3A_213 = arith.constant 0 : i32
    %dma_wait3A_214 = tpu.memref_slice %arg6[%add3A_104, %dma_wait3A_213] : memref<10000x128xf32, #tpu.memory_space<vmem_shared>> -> memref<50x128xf32, #tpu.memory_space<vmem_shared>>
    tpu.wait_dma2 semaphore(%arg39 : memref<!tpu.dma_semaphore, #tpu.memory_space<semaphore_mem>>) src(%arg14 : memref<50x128xf32, #tpu.memory_space<vmem>>) dst(%dma_wait3A_214 : memref<50x128xf32, #tpu.memory_space<vmem_shared>>)
    %dma_wait3A_215 = arith.constant 0 : i32
    %dma_wait3A_216 = tpu.memref_slice %arg6[%add3A_110, %dma_wait3A_215] : memref<10000x128xf32, #tpu.memory_space<vmem_shared>> -> memref<50x128xf32, #tpu.memory_space<vmem_shared>>
    %dma_wait3A_217 = arith.constant 0 : i32
    %dma_wait3A_218 = tpu.memref_slice %arg6[%add3A_110, %dma_wait3A_217] : memref<10000x128xf32, #tpu.memory_space<vmem_shared>> -> memref<50x128xf32, #tpu.memory_space<vmem_shared>>
    tpu.wait_dma2 semaphore(%arg39 : memref<!tpu.dma_semaphore, #tpu.memory_space<semaphore_mem>>) src(%arg14 : memref<50x128xf32, #tpu.memory_space<vmem>>) dst(%dma_wait3A_218 : memref<50x128xf32, #tpu.memory_space<vmem_shared>>)
    %dma_wait3A_219 = arith.constant 0 : i32
    %dma_wait3A_220 = tpu.memref_slice %arg6[%add3A_116, %dma_wait3A_219] : memref<10000x128xf32, #tpu.memory_space<vmem_shared>> -> memref<50x128xf32, #tpu.memory_space<vmem_shared>>
    %dma_wait3A_221 = arith.constant 0 : i32
    %dma_wait3A_222 = tpu.memref_slice %arg6[%add3A_116, %dma_wait3A_221] : memref<10000x128xf32, #tpu.memory_space<vmem_shared>> -> memref<50x128xf32, #tpu.memory_space<vmem_shared>>
    tpu.wait_dma2 semaphore(%arg39 : memref<!tpu.dma_semaphore, #tpu.memory_space<semaphore_mem>>) src(%arg14 : memref<50x128xf32, #tpu.memory_space<vmem>>) dst(%dma_wait3A_222 : memref<50x128xf32, #tpu.memory_space<vmem_shared>>)
    %dma_wait3A_223 = arith.constant 0 : i32
    %dma_wait3A_224 = tpu.memref_slice %arg6[%add3A_122, %dma_wait3A_223] : memref<10000x128xf32, #tpu.memory_space<vmem_shared>> -> memref<50x128xf32, #tpu.memory_space<vmem_shared>>
    %dma_wait3A_225 = arith.constant 0 : i32
    %dma_wait3A_226 = tpu.memref_slice %arg6[%add3A_122, %dma_wait3A_225] : memref<10000x128xf32, #tpu.memory_space<vmem_shared>> -> memref<50x128xf32, #tpu.memory_space<vmem_shared>>
    tpu.wait_dma2 semaphore(%arg39 : memref<!tpu.dma_semaphore, #tpu.memory_space<semaphore_mem>>) src(%arg14 : memref<50x128xf32, #tpu.memory_space<vmem>>) dst(%dma_wait3A_226 : memref<50x128xf32, #tpu.memory_space<vmem_shared>>)
    %dma_wait3A_227 = arith.constant 0 : i32
    %dma_wait3A_228 = tpu.memref_slice %arg6[%add3A_128, %dma_wait3A_227] : memref<10000x128xf32, #tpu.memory_space<vmem_shared>> -> memref<50x128xf32, #tpu.memory_space<vmem_shared>>
    %dma_wait3A_229 = arith.constant 0 : i32
    %dma_wait3A_230 = tpu.memref_slice %arg6[%add3A_128, %dma_wait3A_229] : memref<10000x128xf32, #tpu.memory_space<vmem_shared>> -> memref<50x128xf32, #tpu.memory_space<vmem_shared>>
    tpu.wait_dma2 semaphore(%arg39 : memref<!tpu.dma_semaphore, #tpu.memory_space<semaphore_mem>>) src(%arg14 : memref<50x128xf32, #tpu.memory_space<vmem>>) dst(%dma_wait3A_230 : memref<50x128xf32, #tpu.memory_space<vmem_shared>>)
    %dma_wait3A_231 = arith.constant 0 : i32
    %dma_wait3A_232 = arith.constant 0 : i32
    %dma_wait3A_233 = tpu.memref_slice %arg14[%dma_wait3A_231, %dma_wait3A_232] : memref<50x128xf32, #tpu.memory_space<vmem>> -> memref<25x128xf32, #tpu.memory_space<vmem>>
    %dma_wait3A_234 = arith.constant 0 : i32
    %dma_wait3A_235 = tpu.memref_slice %arg6[%add3A_134, %dma_wait3A_234] : memref<10000x128xf32, #tpu.memory_space<vmem_shared>> -> memref<25x128xf32, #tpu.memory_space<vmem_shared>>
    %dma_wait3A_236 = arith.constant 0 : i32
    %dma_wait3A_237 = tpu.memref_slice %arg6[%add3A_134, %dma_wait3A_236] : memref<10000x128xf32, #tpu.memory_space<vmem_shared>> -> memref<25x128xf32, #tpu.memory_space<vmem_shared>>
    %dma_wait3A_238 = arith.constant 0 : i32
    %dma_wait3A_239 = arith.constant 0 : i32
    %dma_wait3A_240 = tpu.memref_slice %arg14[%dma_wait3A_238, %dma_wait3A_239] : memref<50x128xf32, #tpu.memory_space<vmem>> -> memref<25x128xf32, #tpu.memory_space<vmem>>
    tpu.wait_dma2 semaphore(%arg39 : memref<!tpu.dma_semaphore, #tpu.memory_space<semaphore_mem>>) src(%dma_wait3A_240 : memref<25x128xf32, #tpu.memory_space<vmem>>) dst(%dma_wait3A_237 : memref<25x128xf32, #tpu.memory_space<vmem_shared>>)
    %dma_start3A_241 = arith.constant 0 : i32
    %dma_start3A_242 = arith.constant 0 : i32
    %dma_start3A_243 = tpu.memref_slice %arg7[%dma_start3A_241, %dma_start3A_242] : memref<200x50xi32, #tpu.memory_space<vmem>> -> memref<1x50xi32, #tpu.memory_space<vmem>>
    %dma_start3A_244 = tpu.memref_squeeze %dma_start3A_243 : memref<1x50xi32, #tpu.memory_space<vmem>> -> memref<50xi32, #tpu.memory_space<vmem>>
    %dma_start3A_245 = arith.constant 0 : i32
    %dma_start3A_246 = arith.constant 0 : i32
    %dma_start3A_247 = tpu.memref_slice %arg2[%dma_start3A_245, %dma_start3A_246] : memref<10000x128xf32, #tpu.memory_space<hbm>> -> memref<10000x128xf32, #tpu.memory_space<hbm>>
    tpu.enqueue_indirect_dma source(%dma_start3A_247 : memref<10000x128xf32, #tpu.memory_space<hbm>>) target(%arg14 : memref<50x128xf32, #tpu.memory_space<vmem>>) offsets(%dma_start3A_244 : memref<50xi32, #tpu.memory_space<vmem>>) semaphore(%arg26 : memref<!tpu.dma_semaphore, #tpu.memory_space<semaphore_mem>>)
    %barrier3A = arith.constant 0 : index
    tpu.barrier barrier_id(%barrier3A)
    %scan3A_248 = arith.constant 0 : i32
    %scan3A_249 = arith.constant 0 : i32
    %scan3A_250 = arith.constant 33 : i32
    %scan3A_251 = arith.addi %scan3A_249, %scan3A_250 : i32
    %scan3A_252 = arith.constant 1 : i32
    scf.for %scan3A_309 = %scan3A_249 to %scan3A_251 step %scan3A_252  : i32 {
      %mul3A_310 = arith.constant 6 : i32
      %mul3A_311 = arith.muli %scan3A_309, %mul3A_310 : i32
      %add3A_312 = arith.constant 0 : i32
      %add3A_313 = arith.addi %mul3A_311, %add3A_312 : i32
      %dma_wait3A_314 = arith.constant 0 : i32
      %dma_wait3A_315 = tpu.memref_slice %arg7[%add3A_313, %dma_wait3A_314] : memref<200x50xi32, #tpu.memory_space<vmem>> -> memref<1x50xi32, #tpu.memory_space<vmem>>
      %dma_wait3A_316 = tpu.memref_squeeze %dma_wait3A_315 : memref<1x50xi32, #tpu.memory_space<vmem>> -> memref<50xi32, #tpu.memory_space<vmem>>
      %dma_wait3A_317 = arith.constant 0 : i32
      %dma_wait3A_318 = arith.constant 0 : i32
      %dma_wait3A_319 = tpu.memref_slice %arg2[%dma_wait3A_317, %dma_wait3A_318] : memref<10000x128xf32, #tpu.memory_space<hbm>> -> memref<10000x128xf32, #tpu.memory_space<hbm>>
      tpu.wait_indirect_dma semaphore(%arg26 : memref<!tpu.dma_semaphore, #tpu.memory_space<semaphore_mem>>) src(%dma_wait3A_319 : memref<10000x128xf32, #tpu.memory_space<hbm>>) dst(%arg14 : memref<50x128xf32, #tpu.memory_space<vmem>>)
      %add3A_320 = arith.constant 0 : i32
      %add3A_321 = arith.addi %mul3A_311, %add3A_320 : i32
      %add3A_322 = arith.addi %mul3A_2, %add3A_321 : i32
      %dma_wait3A_323 = arith.constant 0 : i32
      %dma_wait3A_324 = tpu.memref_slice %arg4[%add3A_322, %dma_wait3A_323] : memref<6400x50xi32, #tpu.memory_space<hbm>> -> memref<1x50xi32, #tpu.memory_space<hbm>>
      %dma_wait3A_325 = tpu.memref_squeeze %dma_wait3A_324 : memref<1x50xi32, #tpu.memory_space<hbm>> -> memref<50xi32, #tpu.memory_space<hbm>>
      %dma_wait3A_326 = arith.constant 0 : i32
      %dma_wait3A_327 = tpu.memref_slice %arg4[%add3A_322, %dma_wait3A_326] : memref<6400x50xi32, #tpu.memory_space<hbm>> -> memref<1x50xi32, #tpu.memory_space<hbm>>
      %dma_wait3A_328 = tpu.memref_squeeze %dma_wait3A_327 : memref<1x50xi32, #tpu.memory_space<hbm>> -> memref<50xi32, #tpu.memory_space<hbm>>
      tpu.wait_dma2 semaphore(%arg20 : memref<!tpu.dma_semaphore, #tpu.memory_space<semaphore_mem>>) src(%dma_wait3A_328 : memref<50xi32, #tpu.memory_space<hbm>>) dst(%arg8 : memref<50xi32, #tpu.memory_space<vmem>>)
      %dma_start3A_329 = arith.constant 0 : i32
      %dma_start3A_330 = arith.constant 0 : i32
      %dma_start3A_331 = tpu.memref_slice %arg6[%dma_start3A_329, %dma_start3A_330] : memref<10000x128xf32, #tpu.memory_space<vmem_shared>> -> memref<10000x128xf32, #tpu.memory_space<vmem_shared>>
      tpu.enqueue_indirect_dma source(%arg14 : memref<50x128xf32, #tpu.memory_space<vmem>>) target(%dma_start3A_331 : memref<10000x128xf32, #tpu.memory_space<vmem_shared>>) offsets(%arg8 : memref<50xi32, #tpu.memory_space<vmem>>) semaphore(%arg32 : memref<!tpu.dma_semaphore, #tpu.memory_space<semaphore_mem>>) {add = true}
      %add3A_332 = arith.constant 1 : i32
      %add3A_333 = arith.addi %mul3A_311, %add3A_332 : i32
      %dma_wait3A_334 = arith.constant 0 : i32
      %dma_wait3A_335 = tpu.memref_slice %arg7[%add3A_333, %dma_wait3A_334] : memref<200x50xi32, #tpu.memory_space<vmem>> -> memref<1x50xi32, #tpu.memory_space<vmem>>
      %dma_wait3A_336 = tpu.memref_squeeze %dma_wait3A_335 : memref<1x50xi32, #tpu.memory_space<vmem>> -> memref<50xi32, #tpu.memory_space<vmem>>
      %dma_wait3A_337 = arith.constant 0 : i32
      %dma_wait3A_338 = arith.constant 0 : i32
      %dma_wait3A_339 = tpu.memref_slice %arg2[%dma_wait3A_337, %dma_wait3A_338] : memref<10000x128xf32, #tpu.memory_space<hbm>> -> memref<10000x128xf32, #tpu.memory_space<hbm>>
      tpu.wait_indirect_dma semaphore(%arg27 : memref<!tpu.dma_semaphore, #tpu.memory_space<semaphore_mem>>) src(%dma_wait3A_339 : memref<10000x128xf32, #tpu.memory_space<hbm>>) dst(%arg15 : memref<50x128xf32, #tpu.memory_space<vmem>>)
      %add3A_340 = arith.constant 1 : i32
      %add3A_341 = arith.addi %mul3A_311, %add3A_340 : i32
      %add3A_342 = arith.addi %mul3A_2, %add3A_341 : i32
      %dma_wait3A_343 = arith.constant 0 : i32
      %dma_wait3A_344 = tpu.memref_slice %arg4[%add3A_342, %dma_wait3A_343] : memref<6400x50xi32, #tpu.memory_space<hbm>> -> memref<1x50xi32, #tpu.memory_space<hbm>>
      %dma_wait3A_345 = tpu.memref_squeeze %dma_wait3A_344 : memref<1x50xi32, #tpu.memory_space<hbm>> -> memref<50xi32, #tpu.memory_space<hbm>>
      %dma_wait3A_346 = arith.constant 0 : i32
      %dma_wait3A_347 = tpu.memref_slice %arg4[%add3A_342, %dma_wait3A_346] : memref<6400x50xi32, #tpu.memory_space<hbm>> -> memref<1x50xi32, #tpu.memory_space<hbm>>
      %dma_wait3A_348 = tpu.memref_squeeze %dma_wait3A_347 : memref<1x50xi32, #tpu.memory_space<hbm>> -> memref<50xi32, #tpu.memory_space<hbm>>
      tpu.wait_dma2 semaphore(%arg21 : memref<!tpu.dma_semaphore, #tpu.memory_space<semaphore_mem>>) src(%dma_wait3A_348 : memref<50xi32, #tpu.memory_space<hbm>>) dst(%arg9 : memref<50xi32, #tpu.memory_space<vmem>>)
      %dma_start3A_349 = arith.constant 0 : i32
      %dma_start3A_350 = arith.constant 0 : i32
      %dma_start3A_351 = tpu.memref_slice %arg6[%dma_start3A_349, %dma_start3A_350] : memref<10000x128xf32, #tpu.memory_space<vmem_shared>> -> memref<10000x128xf32, #tpu.memory_space<vmem_shared>>
      tpu.enqueue_indirect_dma source(%arg15 : memref<50x128xf32, #tpu.memory_space<vmem>>) target(%dma_start3A_351 : memref<10000x128xf32, #tpu.memory_space<vmem_shared>>) offsets(%arg9 : memref<50xi32, #tpu.memory_space<vmem>>) semaphore(%arg33 : memref<!tpu.dma_semaphore, #tpu.memory_space<semaphore_mem>>) {add = true}
      %add3A_352 = arith.constant 2 : i32
      %add3A_353 = arith.addi %mul3A_311, %add3A_352 : i32
      %dma_wait3A_354 = arith.constant 0 : i32
      %dma_wait3A_355 = tpu.memref_slice %arg7[%add3A_353, %dma_wait3A_354] : memref<200x50xi32, #tpu.memory_space<vmem>> -> memref<1x50xi32, #tpu.memory_space<vmem>>
      %dma_wait3A_356 = tpu.memref_squeeze %dma_wait3A_355 : memref<1x50xi32, #tpu.memory_space<vmem>> -> memref<50xi32, #tpu.memory_space<vmem>>
      %dma_wait3A_357 = arith.constant 0 : i32
      %dma_wait3A_358 = arith.constant 0 : i32
      %dma_wait3A_359 = tpu.memref_slice %arg2[%dma_wait3A_357, %dma_wait3A_358] : memref<10000x128xf32, #tpu.memory_space<hbm>> -> memref<10000x128xf32, #tpu.memory_space<hbm>>
      tpu.wait_indirect_dma semaphore(%arg28 : memref<!tpu.dma_semaphore, #tpu.memory_space<semaphore_mem>>) src(%dma_wait3A_359 : memref<10000x128xf32, #tpu.memory_space<hbm>>) dst(%arg16 : memref<50x128xf32, #tpu.memory_space<vmem>>)
      %add3A_360 = arith.constant 2 : i32
      %add3A_361 = arith.addi %mul3A_311, %add3A_360 : i32
      %add3A_362 = arith.addi %mul3A_2, %add3A_361 : i32
      %dma_wait3A_363 = arith.constant 0 : i32
      %dma_wait3A_364 = tpu.memref_slice %arg4[%add3A_362, %dma_wait3A_363] : memref<6400x50xi32, #tpu.memory_space<hbm>> -> memref<1x50xi32, #tpu.memory_space<hbm>>
      %dma_wait3A_365 = tpu.memref_squeeze %dma_wait3A_364 : memref<1x50xi32, #tpu.memory_space<hbm>> -> memref<50xi32, #tpu.memory_space<hbm>>
      %dma_wait3A_366 = arith.constant 0 : i32
      %dma_wait3A_367 = tpu.memref_slice %arg4[%add3A_362, %dma_wait3A_366] : memref<6400x50xi32, #tpu.memory_space<hbm>> -> memref<1x50xi32, #tpu.memory_space<hbm>>
      %dma_wait3A_368 = tpu.memref_squeeze %dma_wait3A_367 : memref<1x50xi32, #tpu.memory_space<hbm>> -> memref<50xi32, #tpu.memory_space<hbm>>
      tpu.wait_dma2 semaphore(%arg22 : memref<!tpu.dma_semaphore, #tpu.memory_space<semaphore_mem>>) src(%dma_wait3A_368 : memref<50xi32, #tpu.memory_space<hbm>>) dst(%arg10 : memref<50xi32, #tpu.memory_space<vmem>>)
      %dma_start3A_369 = arith.constant 0 : i32
      %dma_start3A_370 = arith.constant 0 : i32
      %dma_start3A_371 = tpu.memref_slice %arg6[%dma_start3A_369, %dma_start3A_370] : memref<10000x128xf32, #tpu.memory_space<vmem_shared>> -> memref<10000x128xf32, #tpu.memory_space<vmem_shared>>
      tpu.enqueue_indirect_dma source(%arg16 : memref<50x128xf32, #tpu.memory_space<vmem>>) target(%dma_start3A_371 : memref<10000x128xf32, #tpu.memory_space<vmem_shared>>) offsets(%arg10 : memref<50xi32, #tpu.memory_space<vmem>>) semaphore(%arg34 : memref<!tpu.dma_semaphore, #tpu.memory_space<semaphore_mem>>) {add = true}
      %add3A_372 = arith.constant 3 : i32
      %add3A_373 = arith.addi %mul3A_311, %add3A_372 : i32
      %dma_wait3A_374 = arith.constant 0 : i32
      %dma_wait3A_375 = tpu.memref_slice %arg7[%add3A_373, %dma_wait3A_374] : memref<200x50xi32, #tpu.memory_space<vmem>> -> memref<1x50xi32, #tpu.memory_space<vmem>>
      %dma_wait3A_376 = tpu.memref_squeeze %dma_wait3A_375 : memref<1x50xi32, #tpu.memory_space<vmem>> -> memref<50xi32, #tpu.memory_space<vmem>>
      %dma_wait3A_377 = arith.constant 0 : i32
      %dma_wait3A_378 = arith.constant 0 : i32
      %dma_wait3A_379 = tpu.memref_slice %arg2[%dma_wait3A_377, %dma_wait3A_378] : memref<10000x128xf32, #tpu.memory_space<hbm>> -> memref<10000x128xf32, #tpu.memory_space<hbm>>
      tpu.wait_indirect_dma semaphore(%arg29 : memref<!tpu.dma_semaphore, #tpu.memory_space<semaphore_mem>>) src(%dma_wait3A_379 : memref<10000x128xf32, #tpu.memory_space<hbm>>) dst(%arg17 : memref<50x128xf32, #tpu.memory_space<vmem>>)
      %add3A_380 = arith.constant 3 : i32
      %add3A_381 = arith.addi %mul3A_311, %add3A_380 : i32
      %add3A_382 = arith.addi %mul3A_2, %add3A_381 : i32
      %dma_wait3A_383 = arith.constant 0 : i32
      %dma_wait3A_384 = tpu.memref_slice %arg4[%add3A_382, %dma_wait3A_383] : memref<6400x50xi32, #tpu.memory_space<hbm>> -> memref<1x50xi32, #tpu.memory_space<hbm>>
      %dma_wait3A_385 = tpu.memref_squeeze %dma_wait3A_384 : memref<1x50xi32, #tpu.memory_space<hbm>> -> memref<50xi32, #tpu.memory_space<hbm>>
      %dma_wait3A_386 = arith.constant 0 : i32
      %dma_wait3A_387 = tpu.memref_slice %arg4[%add3A_382, %dma_wait3A_386] : memref<6400x50xi32, #tpu.memory_space<hbm>> -> memref<1x50xi32, #tpu.memory_space<hbm>>
      %dma_wait3A_388 = tpu.memref_squeeze %dma_wait3A_387 : memref<1x50xi32, #tpu.memory_space<hbm>> -> memref<50xi32, #tpu.memory_space<hbm>>
      tpu.wait_dma2 semaphore(%arg23 : memref<!tpu.dma_semaphore, #tpu.memory_space<semaphore_mem>>) src(%dma_wait3A_388 : memref<50xi32, #tpu.memory_space<hbm>>) dst(%arg11 : memref<50xi32, #tpu.memory_space<vmem>>)
      %dma_start3A_389 = arith.constant 0 : i32
      %dma_start3A_390 = arith.constant 0 : i32
      %dma_start3A_391 = tpu.memref_slice %arg6[%dma_start3A_389, %dma_start3A_390] : memref<10000x128xf32, #tpu.memory_space<vmem_shared>> -> memref<10000x128xf32, #tpu.memory_space<vmem_shared>>
      tpu.enqueue_indirect_dma source(%arg17 : memref<50x128xf32, #tpu.memory_space<vmem>>) target(%dma_start3A_391 : memref<10000x128xf32, #tpu.memory_space<vmem_shared>>) offsets(%arg11 : memref<50xi32, #tpu.memory_space<vmem>>) semaphore(%arg35 : memref<!tpu.dma_semaphore, #tpu.memory_space<semaphore_mem>>) {add = true}
      %add3A_392 = arith.constant 4 : i32
      %add3A_393 = arith.addi %mul3A_311, %add3A_392 : i32
      %dma_wait3A_394 = arith.constant 0 : i32
      %dma_wait3A_395 = tpu.memref_slice %arg7[%add3A_393, %dma_wait3A_394] : memref<200x50xi32, #tpu.memory_space<vmem>> -> memref<1x50xi32, #tpu.memory_space<vmem>>
      %dma_wait3A_396 = tpu.memref_squeeze %dma_wait3A_395 : memref<1x50xi32, #tpu.memory_space<vmem>> -> memref<50xi32, #tpu.memory_space<vmem>>
      %dma_wait3A_397 = arith.constant 0 : i32
      %dma_wait3A_398 = arith.constant 0 : i32
      %dma_wait3A_399 = tpu.memref_slice %arg2[%dma_wait3A_397, %dma_wait3A_398] : memref<10000x128xf32, #tpu.memory_space<hbm>> -> memref<10000x128xf32, #tpu.memory_space<hbm>>
      tpu.wait_indirect_dma semaphore(%arg30 : memref<!tpu.dma_semaphore, #tpu.memory_space<semaphore_mem>>) src(%dma_wait3A_399 : memref<10000x128xf32, #tpu.memory_space<hbm>>) dst(%arg18 : memref<50x128xf32, #tpu.memory_space<vmem>>)
      %add3A_400 = arith.constant 4 : i32
      %add3A_401 = arith.addi %mul3A_311, %add3A_400 : i32
      %add3A_402 = arith.addi %mul3A_2, %add3A_401 : i32
      %dma_wait3A_403 = arith.constant 0 : i32
      %dma_wait3A_404 = tpu.memref_slice %arg4[%add3A_402, %dma_wait3A_403] : memref<6400x50xi32, #tpu.memory_space<hbm>> -> memref<1x50xi32, #tpu.memory_space<hbm>>
      %dma_wait3A_405 = tpu.memref_squeeze %dma_wait3A_404 : memref<1x50xi32, #tpu.memory_space<hbm>> -> memref<50xi32, #tpu.memory_space<hbm>>
      %dma_wait3A_406 = arith.constant 0 : i32
      %dma_wait3A_407 = tpu.memref_slice %arg4[%add3A_402, %dma_wait3A_406] : memref<6400x50xi32, #tpu.memory_space<hbm>> -> memref<1x50xi32, #tpu.memory_space<hbm>>
      %dma_wait3A_408 = tpu.memref_squeeze %dma_wait3A_407 : memref<1x50xi32, #tpu.memory_space<hbm>> -> memref<50xi32, #tpu.memory_space<hbm>>
      tpu.wait_dma2 semaphore(%arg24 : memref<!tpu.dma_semaphore, #tpu.memory_space<semaphore_mem>>) src(%dma_wait3A_408 : memref<50xi32, #tpu.memory_space<hbm>>) dst(%arg12 : memref<50xi32, #tpu.memory_space<vmem>>)
      %dma_start3A_409 = arith.constant 0 : i32
      %dma_start3A_410 = arith.constant 0 : i32
      %dma_start3A_411 = tpu.memref_slice %arg6[%dma_start3A_409, %dma_start3A_410] : memref<10000x128xf32, #tpu.memory_space<vmem_shared>> -> memref<10000x128xf32, #tpu.memory_space<vmem_shared>>
      tpu.enqueue_indirect_dma source(%arg18 : memref<50x128xf32, #tpu.memory_space<vmem>>) target(%dma_start3A_411 : memref<10000x128xf32, #tpu.memory_space<vmem_shared>>) offsets(%arg12 : memref<50xi32, #tpu.memory_space<vmem>>) semaphore(%arg36 : memref<!tpu.dma_semaphore, #tpu.memory_space<semaphore_mem>>) {add = true}
      %add3A_412 = arith.constant 5 : i32
      %add3A_413 = arith.addi %mul3A_311, %add3A_412 : i32
      %dma_wait3A_414 = arith.constant 0 : i32
      %dma_wait3A_415 = tpu.memref_slice %arg7[%add3A_413, %dma_wait3A_414] : memref<200x50xi32, #tpu.memory_space<vmem>> -> memref<1x50xi32, #tpu.memory_space<vmem>>
      %dma_wait3A_416 = tpu.memref_squeeze %dma_wait3A_415 : memref<1x50xi32, #tpu.memory_space<vmem>> -> memref<50xi32, #tpu.memory_space<vmem>>
      %dma_wait3A_417 = arith.constant 0 : i32
      %dma_wait3A_418 = arith.constant 0 : i32
      %dma_wait3A_419 = tpu.memref_slice %arg2[%dma_wait3A_417, %dma_wait3A_418] : memref<10000x128xf32, #tpu.memory_space<hbm>> -> memref<10000x128xf32, #tpu.memory_space<hbm>>
      tpu.wait_indirect_dma semaphore(%arg31 : memref<!tpu.dma_semaphore, #tpu.memory_space<semaphore_mem>>) src(%dma_wait3A_419 : memref<10000x128xf32, #tpu.memory_space<hbm>>) dst(%arg19 : memref<50x128xf32, #tpu.memory_space<vmem>>)
      %add3A_420 = arith.constant 5 : i32
      %add3A_421 = arith.addi %mul3A_311, %add3A_420 : i32
      %add3A_422 = arith.addi %mul3A_2, %add3A_421 : i32
      %dma_wait3A_423 = arith.constant 0 : i32
      %dma_wait3A_424 = tpu.memref_slice %arg4[%add3A_422, %dma_wait3A_423] : memref<6400x50xi32, #tpu.memory_space<hbm>> -> memref<1x50xi32, #tpu.memory_space<hbm>>
      %dma_wait3A_425 = tpu.memref_squeeze %dma_wait3A_424 : memref<1x50xi32, #tpu.memory_space<hbm>> -> memref<50xi32, #tpu.memory_space<hbm>>
      %dma_wait3A_426 = arith.constant 0 : i32
      %dma_wait3A_427 = tpu.memref_slice %arg4[%add3A_422, %dma_wait3A_426] : memref<6400x50xi32, #tpu.memory_space<hbm>> -> memref<1x50xi32, #tpu.memory_space<hbm>>
      %dma_wait3A_428 = tpu.memref_squeeze %dma_wait3A_427 : memref<1x50xi32, #tpu.memory_space<hbm>> -> memref<50xi32, #tpu.memory_space<hbm>>
      tpu.wait_dma2 semaphore(%arg25 : memref<!tpu.dma_semaphore, #tpu.memory_space<semaphore_mem>>) src(%dma_wait3A_428 : memref<50xi32, #tpu.memory_space<hbm>>) dst(%arg13 : memref<50xi32, #tpu.memory_space<vmem>>)
      %dma_start3A_429 = arith.constant 0 : i32
      %dma_start3A_430 = arith.constant 0 : i32
      %dma_start3A_431 = tpu.memref_slice %arg6[%dma_start3A_429, %dma_start3A_430] : memref<10000x128xf32, #tpu.memory_space<vmem_shared>> -> memref<10000x128xf32, #tpu.memory_space<vmem_shared>>
      tpu.enqueue_indirect_dma source(%arg19 : memref<50x128xf32, #tpu.memory_space<vmem>>) target(%dma_start3A_431 : memref<10000x128xf32, #tpu.memory_space<vmem_shared>>) offsets(%arg13 : memref<50xi32, #tpu.memory_space<vmem>>) semaphore(%arg37 : memref<!tpu.dma_semaphore, #tpu.memory_space<semaphore_mem>>) {add = true}
      %add3A_432 = arith.constant 6 : i32
      %add3A_433 = arith.addi %mul3A_311, %add3A_432 : i32
      %add3A_434 = arith.constant 0 : i32
      %add3A_435 = arith.addi %add3A_433, %add3A_434 : i32
      %lt3A = arith.constant 200 : i32
      %lt3A_436 = arith.cmpi slt, %add3A_435, %lt3A : i32
      %convert_element_type3A = arith.extui %lt3A_436 : i1 to i32
      %cond3A = arith.constant 0 : i32
      %cond3A_437 = arith.cmpi ne, %convert_element_type3A, %cond3A : i32
      scf.if %cond3A_437 {
        %dma_wait3A_483 = arith.constant 0 : i32
        %dma_wait3A_484 = arith.constant 0 : i32
        %dma_wait3A_485 = tpu.memref_slice %arg6[%dma_wait3A_483, %dma_wait3A_484] : memref<10000x128xf32, #tpu.memory_space<vmem_shared>> -> memref<10000x128xf32, #tpu.memory_space<vmem_shared>>
        tpu.wait_indirect_dma semaphore(%arg32 : memref<!tpu.dma_semaphore, #tpu.memory_space<semaphore_mem>>) src(%arg14 : memref<50x128xf32, #tpu.memory_space<vmem>>) dst(%dma_wait3A_485 : memref<10000x128xf32, #tpu.memory_space<vmem_shared>>)
        %add3A_486 = arith.addi %mul3A_2, %add3A_435 : i32
        %dma_start3A_487 = arith.constant 0 : i32
        %dma_start3A_488 = tpu.memref_slice %arg4[%add3A_486, %dma_start3A_487] : memref<6400x50xi32, #tpu.memory_space<hbm>> -> memref<1x50xi32, #tpu.memory_space<hbm>>
        %dma_start3A_489 = tpu.memref_squeeze %dma_start3A_488 : memref<1x50xi32, #tpu.memory_space<hbm>> -> memref<50xi32, #tpu.memory_space<hbm>>
        %dma_start3A_490 = arith.constant 0 : i32
        %dma_start3A_491 = tpu.memref_slice %arg4[%add3A_486, %dma_start3A_490] : memref<6400x50xi32, #tpu.memory_space<hbm>> -> memref<1x50xi32, #tpu.memory_space<hbm>>
        %dma_start3A_492 = tpu.memref_squeeze %dma_start3A_491 : memref<1x50xi32, #tpu.memory_space<hbm>> -> memref<50xi32, #tpu.memory_space<hbm>>
        tpu.enqueue_dma source(%dma_start3A_492 : memref<50xi32, #tpu.memory_space<hbm>>) target(%arg8 : memref<50xi32, #tpu.memory_space<vmem>>) target_semaphore(%arg20 : memref<!tpu.dma_semaphore, #tpu.memory_space<semaphore_mem>>)
        %dma_start3A_493 = arith.constant 0 : i32
        %dma_start3A_494 = tpu.memref_slice %arg7[%add3A_435, %dma_start3A_493] : memref<200x50xi32, #tpu.memory_space<vmem>> -> memref<1x50xi32, #tpu.memory_space<vmem>>
        %dma_start3A_495 = tpu.memref_squeeze %dma_start3A_494 : memref<1x50xi32, #tpu.memory_space<vmem>> -> memref<50xi32, #tpu.memory_space<vmem>>
        %dma_start3A_496 = arith.constant 0 : i32
        %dma_start3A_497 = arith.constant 0 : i32
        %dma_start3A_498 = tpu.memref_slice %arg2[%dma_start3A_496, %dma_start3A_497] : memref<10000x128xf32, #tpu.memory_space<hbm>> -> memref<10000x128xf32, #tpu.memory_space<hbm>>
        tpu.enqueue_indirect_dma source(%dma_start3A_498 : memref<10000x128xf32, #tpu.memory_space<hbm>>) target(%arg14 : memref<50x128xf32, #tpu.memory_space<vmem>>) offsets(%dma_start3A_495 : memref<50xi32, #tpu.memory_space<vmem>>) semaphore(%arg26 : memref<!tpu.dma_semaphore, #tpu.memory_space<semaphore_mem>>)
      } else {
      }
      %add3A_438 = arith.constant 6 : i32
      %add3A_439 = arith.addi %mul3A_311, %add3A_438 : i32
      %add3A_440 = arith.constant 1 : i32
      %add3A_441 = arith.addi %add3A_439, %add3A_440 : i32
      %lt3A_442 = arith.constant 200 : i32
      %lt3A_443 = arith.cmpi slt, %add3A_441, %lt3A_442 : i32
      %convert_element_type3A_444 = arith.extui %lt3A_443 : i1 to i32
      %cond3A_445 = arith.constant 0 : i32
      %cond3A_446 = arith.cmpi ne, %convert_element_type3A_444, %cond3A_445 : i32
      scf.if %cond3A_446 {
        %dma_wait3A_483 = arith.constant 0 : i32
        %dma_wait3A_484 = arith.constant 0 : i32
        %dma_wait3A_485 = tpu.memref_slice %arg6[%dma_wait3A_483, %dma_wait3A_484] : memref<10000x128xf32, #tpu.memory_space<vmem_shared>> -> memref<10000x128xf32, #tpu.memory_space<vmem_shared>>
        tpu.wait_indirect_dma semaphore(%arg33 : memref<!tpu.dma_semaphore, #tpu.memory_space<semaphore_mem>>) src(%arg15 : memref<50x128xf32, #tpu.memory_space<vmem>>) dst(%dma_wait3A_485 : memref<10000x128xf32, #tpu.memory_space<vmem_shared>>)
        %add3A_486 = arith.addi %mul3A_2, %add3A_441 : i32
        %dma_start3A_487 = arith.constant 0 : i32
        %dma_start3A_488 = tpu.memref_slice %arg4[%add3A_486, %dma_start3A_487] : memref<6400x50xi32, #tpu.memory_space<hbm>> -> memref<1x50xi32, #tpu.memory_space<hbm>>
        %dma_start3A_489 = tpu.memref_squeeze %dma_start3A_488 : memref<1x50xi32, #tpu.memory_space<hbm>> -> memref<50xi32, #tpu.memory_space<hbm>>
        %dma_start3A_490 = arith.constant 0 : i32
        %dma_start3A_491 = tpu.memref_slice %arg4[%add3A_486, %dma_start3A_490] : memref<6400x50xi32, #tpu.memory_space<hbm>> -> memref<1x50xi32, #tpu.memory_space<hbm>>
        %dma_start3A_492 = tpu.memref_squeeze %dma_start3A_491 : memref<1x50xi32, #tpu.memory_space<hbm>> -> memref<50xi32, #tpu.memory_space<hbm>>
        tpu.enqueue_dma source(%dma_start3A_492 : memref<50xi32, #tpu.memory_space<hbm>>) target(%arg9 : memref<50xi32, #tpu.memory_space<vmem>>) target_semaphore(%arg21 : memref<!tpu.dma_semaphore, #tpu.memory_space<semaphore_mem>>)
        %dma_start3A_493 = arith.constant 0 : i32
        %dma_start3A_494 = tpu.memref_slice %arg7[%add3A_441, %dma_start3A_493] : memref<200x50xi32, #tpu.memory_space<vmem>> -> memref<1x50xi32, #tpu.memory_space<vmem>>
        %dma_start3A_495 = tpu.memref_squeeze %dma_start3A_494 : memref<1x50xi32, #tpu.memory_space<vmem>> -> memref<50xi32, #tpu.memory_space<vmem>>
        %dma_start3A_496 = arith.constant 0 : i32
        %dma_start3A_497 = arith.constant 0 : i32
        %dma_start3A_498 = tpu.memref_slice %arg2[%dma_start3A_496, %dma_start3A_497] : memref<10000x128xf32, #tpu.memory_space<hbm>> -> memref<10000x128xf32, #tpu.memory_space<hbm>>
        tpu.enqueue_indirect_dma source(%dma_start3A_498 : memref<10000x128xf32, #tpu.memory_space<hbm>>) target(%arg15 : memref<50x128xf32, #tpu.memory_space<vmem>>) offsets(%dma_start3A_495 : memref<50xi32, #tpu.memory_space<vmem>>) semaphore(%arg27 : memref<!tpu.dma_semaphore, #tpu.memory_space<semaphore_mem>>)
      } else {
      }
      %add3A_447 = arith.constant 6 : i32
      %add3A_448 = arith.addi %mul3A_311, %add3A_447 : i32
      %add3A_449 = arith.constant 2 : i32
      %add3A_450 = arith.addi %add3A_448, %add3A_449 : i32
      %lt3A_451 = arith.constant 200 : i32
      %lt3A_452 = arith.cmpi slt, %add3A_450, %lt3A_451 : i32
      %convert_element_type3A_453 = arith.extui %lt3A_452 : i1 to i32
      %cond3A_454 = arith.constant 0 : i32
      %cond3A_455 = arith.cmpi ne, %convert_element_type3A_453, %cond3A_454 : i32
      scf.if %cond3A_455 {
        %dma_wait3A_483 = arith.constant 0 : i32
        %dma_wait3A_484 = arith.constant 0 : i32
        %dma_wait3A_485 = tpu.memref_slice %arg6[%dma_wait3A_483, %dma_wait3A_484] : memref<10000x128xf32, #tpu.memory_space<vmem_shared>> -> memref<10000x128xf32, #tpu.memory_space<vmem_shared>>
        tpu.wait_indirect_dma semaphore(%arg34 : memref<!tpu.dma_semaphore, #tpu.memory_space<semaphore_mem>>) src(%arg16 : memref<50x128xf32, #tpu.memory_space<vmem>>) dst(%dma_wait3A_485 : memref<10000x128xf32, #tpu.memory_space<vmem_shared>>)
        %add3A_486 = arith.addi %mul3A_2, %add3A_450 : i32
        %dma_start3A_487 = arith.constant 0 : i32
        %dma_start3A_488 = tpu.memref_slice %arg4[%add3A_486, %dma_start3A_487] : memref<6400x50xi32, #tpu.memory_space<hbm>> -> memref<1x50xi32, #tpu.memory_space<hbm>>
        %dma_start3A_489 = tpu.memref_squeeze %dma_start3A_488 : memref<1x50xi32, #tpu.memory_space<hbm>> -> memref<50xi32, #tpu.memory_space<hbm>>
        %dma_start3A_490 = arith.constant 0 : i32
        %dma_start3A_491 = tpu.memref_slice %arg4[%add3A_486, %dma_start3A_490] : memref<6400x50xi32, #tpu.memory_space<hbm>> -> memref<1x50xi32, #tpu.memory_space<hbm>>
        %dma_start3A_492 = tpu.memref_squeeze %dma_start3A_491 : memref<1x50xi32, #tpu.memory_space<hbm>> -> memref<50xi32, #tpu.memory_space<hbm>>
        tpu.enqueue_dma source(%dma_start3A_492 : memref<50xi32, #tpu.memory_space<hbm>>) target(%arg10 : memref<50xi32, #tpu.memory_space<vmem>>) target_semaphore(%arg22 : memref<!tpu.dma_semaphore, #tpu.memory_space<semaphore_mem>>)
        %dma_start3A_493 = arith.constant 0 : i32
        %dma_start3A_494 = tpu.memref_slice %arg7[%add3A_450, %dma_start3A_493] : memref<200x50xi32, #tpu.memory_space<vmem>> -> memref<1x50xi32, #tpu.memory_space<vmem>>
        %dma_start3A_495 = tpu.memref_squeeze %dma_start3A_494 : memref<1x50xi32, #tpu.memory_space<vmem>> -> memref<50xi32, #tpu.memory_space<vmem>>
        %dma_start3A_496 = arith.constant 0 : i32
        %dma_start3A_497 = arith.constant 0 : i32
        %dma_start3A_498 = tpu.memref_slice %arg2[%dma_start3A_496, %dma_start3A_497] : memref<10000x128xf32, #tpu.memory_space<hbm>> -> memref<10000x128xf32, #tpu.memory_space<hbm>>
        tpu.enqueue_indirect_dma source(%dma_start3A_498 : memref<10000x128xf32, #tpu.memory_space<hbm>>) target(%arg16 : memref<50x128xf32, #tpu.memory_space<vmem>>) offsets(%dma_start3A_495 : memref<50xi32, #tpu.memory_space<vmem>>) semaphore(%arg28 : memref<!tpu.dma_semaphore, #tpu.memory_space<semaphore_mem>>)
      } else {
      }
      %add3A_456 = arith.constant 6 : i32
      %add3A_457 = arith.addi %mul3A_311, %add3A_456 : i32
      %add3A_458 = arith.constant 3 : i32
      %add3A_459 = arith.addi %add3A_457, %add3A_458 : i32
      %lt3A_460 = arith.constant 200 : i32
      %lt3A_461 = arith.cmpi slt, %add3A_459, %lt3A_460 : i32
      %convert_element_type3A_462 = arith.extui %lt3A_461 : i1 to i32
      %cond3A_463 = arith.constant 0 : i32
      %cond3A_464 = arith.cmpi ne, %convert_element_type3A_462, %cond3A_463 : i32
      scf.if %cond3A_464 {
        %dma_wait3A_483 = arith.constant 0 : i32
        %dma_wait3A_484 = arith.constant 0 : i32
        %dma_wait3A_485 = tpu.memref_slice %arg6[%dma_wait3A_483, %dma_wait3A_484] : memref<10000x128xf32, #tpu.memory_space<vmem_shared>> -> memref<10000x128xf32, #tpu.memory_space<vmem_shared>>
        tpu.wait_indirect_dma semaphore(%arg35 : memref<!tpu.dma_semaphore, #tpu.memory_space<semaphore_mem>>) src(%arg17 : memref<50x128xf32, #tpu.memory_space<vmem>>) dst(%dma_wait3A_485 : memref<10000x128xf32, #tpu.memory_space<vmem_shared>>)
        %add3A_486 = arith.addi %mul3A_2, %add3A_459 : i32
        %dma_start3A_487 = arith.constant 0 : i32
        %dma_start3A_488 = tpu.memref_slice %arg4[%add3A_486, %dma_start3A_487] : memref<6400x50xi32, #tpu.memory_space<hbm>> -> memref<1x50xi32, #tpu.memory_space<hbm>>
        %dma_start3A_489 = tpu.memref_squeeze %dma_start3A_488 : memref<1x50xi32, #tpu.memory_space<hbm>> -> memref<50xi32, #tpu.memory_space<hbm>>
        %dma_start3A_490 = arith.constant 0 : i32
        %dma_start3A_491 = tpu.memref_slice %arg4[%add3A_486, %dma_start3A_490] : memref<6400x50xi32, #tpu.memory_space<hbm>> -> memref<1x50xi32, #tpu.memory_space<hbm>>
        %dma_start3A_492 = tpu.memref_squeeze %dma_start3A_491 : memref<1x50xi32, #tpu.memory_space<hbm>> -> memref<50xi32, #tpu.memory_space<hbm>>
        tpu.enqueue_dma source(%dma_start3A_492 : memref<50xi32, #tpu.memory_space<hbm>>) target(%arg11 : memref<50xi32, #tpu.memory_space<vmem>>) target_semaphore(%arg23 : memref<!tpu.dma_semaphore, #tpu.memory_space<semaphore_mem>>)
        %dma_start3A_493 = arith.constant 0 : i32
        %dma_start3A_494 = tpu.memref_slice %arg7[%add3A_459, %dma_start3A_493] : memref<200x50xi32, #tpu.memory_space<vmem>> -> memref<1x50xi32, #tpu.memory_space<vmem>>
        %dma_start3A_495 = tpu.memref_squeeze %dma_start3A_494 : memref<1x50xi32, #tpu.memory_space<vmem>> -> memref<50xi32, #tpu.memory_space<vmem>>
        %dma_start3A_496 = arith.constant 0 : i32
        %dma_start3A_497 = arith.constant 0 : i32
        %dma_start3A_498 = tpu.memref_slice %arg2[%dma_start3A_496, %dma_start3A_497] : memref<10000x128xf32, #tpu.memory_space<hbm>> -> memref<10000x128xf32, #tpu.memory_space<hbm>>
        tpu.enqueue_indirect_dma source(%dma_start3A_498 : memref<10000x128xf32, #tpu.memory_space<hbm>>) target(%arg17 : memref<50x128xf32, #tpu.memory_space<vmem>>) offsets(%dma_start3A_495 : memref<50xi32, #tpu.memory_space<vmem>>) semaphore(%arg29 : memref<!tpu.dma_semaphore, #tpu.memory_space<semaphore_mem>>)
      } else {
      }
      %add3A_465 = arith.constant 6 : i32
      %add3A_466 = arith.addi %mul3A_311, %add3A_465 : i32
      %add3A_467 = arith.constant 4 : i32
      %add3A_468 = arith.addi %add3A_466, %add3A_467 : i32
      %lt3A_469 = arith.constant 200 : i32
      %lt3A_470 = arith.cmpi slt, %add3A_468, %lt3A_469 : i32
      %convert_element_type3A_471 = arith.extui %lt3A_470 : i1 to i32
      %cond3A_472 = arith.constant 0 : i32
      %cond3A_473 = arith.cmpi ne, %convert_element_type3A_471, %cond3A_472 : i32
      scf.if %cond3A_473 {
        %dma_wait3A_483 = arith.constant 0 : i32
        %dma_wait3A_484 = arith.constant 0 : i32
        %dma_wait3A_485 = tpu.memref_slice %arg6[%dma_wait3A_483, %dma_wait3A_484] : memref<10000x128xf32, #tpu.memory_space<vmem_shared>> -> memref<10000x128xf32, #tpu.memory_space<vmem_shared>>
        tpu.wait_indirect_dma semaphore(%arg36 : memref<!tpu.dma_semaphore, #tpu.memory_space<semaphore_mem>>) src(%arg18 : memref<50x128xf32, #tpu.memory_space<vmem>>) dst(%dma_wait3A_485 : memref<10000x128xf32, #tpu.memory_space<vmem_shared>>)
        %add3A_486 = arith.addi %mul3A_2, %add3A_468 : i32
        %dma_start3A_487 = arith.constant 0 : i32
        %dma_start3A_488 = tpu.memref_slice %arg4[%add3A_486, %dma_start3A_487] : memref<6400x50xi32, #tpu.memory_space<hbm>> -> memref<1x50xi32, #tpu.memory_space<hbm>>
        %dma_start3A_489 = tpu.memref_squeeze %dma_start3A_488 : memref<1x50xi32, #tpu.memory_space<hbm>> -> memref<50xi32, #tpu.memory_space<hbm>>
        %dma_start3A_490 = arith.constant 0 : i32
        %dma_start3A_491 = tpu.memref_slice %arg4[%add3A_486, %dma_start3A_490] : memref<6400x50xi32, #tpu.memory_space<hbm>> -> memref<1x50xi32, #tpu.memory_space<hbm>>
        %dma_start3A_492 = tpu.memref_squeeze %dma_start3A_491 : memref<1x50xi32, #tpu.memory_space<hbm>> -> memref<50xi32, #tpu.memory_space<hbm>>
        tpu.enqueue_dma source(%dma_start3A_492 : memref<50xi32, #tpu.memory_space<hbm>>) target(%arg12 : memref<50xi32, #tpu.memory_space<vmem>>) target_semaphore(%arg24 : memref<!tpu.dma_semaphore, #tpu.memory_space<semaphore_mem>>)
        %dma_start3A_493 = arith.constant 0 : i32
        %dma_start3A_494 = tpu.memref_slice %arg7[%add3A_468, %dma_start3A_493] : memref<200x50xi32, #tpu.memory_space<vmem>> -> memref<1x50xi32, #tpu.memory_space<vmem>>
        %dma_start3A_495 = tpu.memref_squeeze %dma_start3A_494 : memref<1x50xi32, #tpu.memory_space<vmem>> -> memref<50xi32, #tpu.memory_space<vmem>>
        %dma_start3A_496 = arith.constant 0 : i32
        %dma_start3A_497 = arith.constant 0 : i32
        %dma_start3A_498 = tpu.memref_slice %arg2[%dma_start3A_496, %dma_start3A_497] : memref<10000x128xf32, #tpu.memory_space<hbm>> -> memref<10000x128xf32, #tpu.memory_space<hbm>>
        tpu.enqueue_indirect_dma source(%dma_start3A_498 : memref<10000x128xf32, #tpu.memory_space<hbm>>) target(%arg18 : memref<50x128xf32, #tpu.memory_space<vmem>>) offsets(%dma_start3A_495 : memref<50xi32, #tpu.memory_space<vmem>>) semaphore(%arg30 : memref<!tpu.dma_semaphore, #tpu.memory_space<semaphore_mem>>)
      } else {
      }
      %add3A_474 = arith.constant 6 : i32
      %add3A_475 = arith.addi %mul3A_311, %add3A_474 : i32
      %add3A_476 = arith.constant 5 : i32
      %add3A_477 = arith.addi %add3A_475, %add3A_476 : i32
      %lt3A_478 = arith.constant 200 : i32
      %lt3A_479 = arith.cmpi slt, %add3A_477, %lt3A_478 : i32
      %convert_element_type3A_480 = arith.extui %lt3A_479 : i1 to i32
      %cond3A_481 = arith.constant 0 : i32
      %cond3A_482 = arith.cmpi ne, %convert_element_type3A_480, %cond3A_481 : i32
      scf.if %cond3A_482 {
        %dma_wait3A_483 = arith.constant 0 : i32
        %dma_wait3A_484 = arith.constant 0 : i32
        %dma_wait3A_485 = tpu.memref_slice %arg6[%dma_wait3A_483, %dma_wait3A_484] : memref<10000x128xf32, #tpu.memory_space<vmem_shared>> -> memref<10000x128xf32, #tpu.memory_space<vmem_shared>>
        tpu.wait_indirect_dma semaphore(%arg37 : memref<!tpu.dma_semaphore, #tpu.memory_space<semaphore_mem>>) src(%arg19 : memref<50x128xf32, #tpu.memory_space<vmem>>) dst(%dma_wait3A_485 : memref<10000x128xf32, #tpu.memory_space<vmem_shared>>)
        %add3A_486 = arith.addi %mul3A_2, %add3A_477 : i32
        %dma_start3A_487 = arith.constant 0 : i32
        %dma_start3A_488 = tpu.memref_slice %arg4[%add3A_486, %dma_start3A_487] : memref<6400x50xi32, #tpu.memory_space<hbm>> -> memref<1x50xi32, #tpu.memory_space<hbm>>
        %dma_start3A_489 = tpu.memref_squeeze %dma_start3A_488 : memref<1x50xi32, #tpu.memory_space<hbm>> -> memref<50xi32, #tpu.memory_space<hbm>>
        %dma_start3A_490 = arith.constant 0 : i32
        %dma_start3A_491 = tpu.memref_slice %arg4[%add3A_486, %dma_start3A_490] : memref<6400x50xi32, #tpu.memory_space<hbm>> -> memref<1x50xi32, #tpu.memory_space<hbm>>
        %dma_start3A_492 = tpu.memref_squeeze %dma_start3A_491 : memref<1x50xi32, #tpu.memory_space<hbm>> -> memref<50xi32, #tpu.memory_space<hbm>>
        tpu.enqueue_dma source(%dma_start3A_492 : memref<50xi32, #tpu.memory_space<hbm>>) target(%arg13 : memref<50xi32, #tpu.memory_space<vmem>>) target_semaphore(%arg25 : memref<!tpu.dma_semaphore, #tpu.memory_space<semaphore_mem>>)
        %dma_start3A_493 = arith.constant 0 : i32
        %dma_start3A_494 = tpu.memref_slice %arg7[%add3A_477, %dma_start3A_493] : memref<200x50xi32, #tpu.memory_space<vmem>> -> memref<1x50xi32, #tpu.memory_space<vmem>>
        %dma_start3A_495 = tpu.memref_squeeze %dma_start3A_494 : memref<1x50xi32, #tpu.memory_space<vmem>> -> memref<50xi32, #tpu.memory_space<vmem>>
        %dma_start3A_496 = arith.constant 0 : i32
        %dma_start3A_497 = arith.constant 0 : i32
        %dma_start3A_498 = tpu.memref_slice %arg2[%dma_start3A_496, %dma_start3A_497] : memref<10000x128xf32, #tpu.memory_space<hbm>> -> memref<10000x128xf32, #tpu.memory_space<hbm>>
        tpu.enqueue_indirect_dma source(%dma_start3A_498 : memref<10000x128xf32, #tpu.memory_space<hbm>>) target(%arg19 : memref<50x128xf32, #tpu.memory_space<vmem>>) offsets(%dma_start3A_495 : memref<50xi32, #tpu.memory_space<vmem>>) semaphore(%arg31 : memref<!tpu.dma_semaphore, #tpu.memory_space<semaphore_mem>>)
      } else {
      }
    }
    %scan3A_253 = arith.constant 33 : i32
    %dma_wait3A_254 = arith.constant 198 : i32
    %dma_wait3A_255 = arith.constant 0 : i32
    %dma_wait3A_256 = tpu.memref_slice %arg7[%dma_wait3A_254, %dma_wait3A_255] : memref<200x50xi32, #tpu.memory_space<vmem>> -> memref<1x50xi32, #tpu.memory_space<vmem>>
    %dma_wait3A_257 = tpu.memref_squeeze %dma_wait3A_256 : memref<1x50xi32, #tpu.memory_space<vmem>> -> memref<50xi32, #tpu.memory_space<vmem>>
    %dma_wait3A_258 = arith.constant 0 : i32
    %dma_wait3A_259 = arith.constant 0 : i32
    %dma_wait3A_260 = tpu.memref_slice %arg2[%dma_wait3A_258, %dma_wait3A_259] : memref<10000x128xf32, #tpu.memory_space<hbm>> -> memref<10000x128xf32, #tpu.memory_space<hbm>>
    tpu.wait_indirect_dma semaphore(%arg26 : memref<!tpu.dma_semaphore, #tpu.memory_space<semaphore_mem>>) src(%dma_wait3A_260 : memref<10000x128xf32, #tpu.memory_space<hbm>>) dst(%arg14 : memref<50x128xf32, #tpu.memory_space<vmem>>)
    %add3A_261 = arith.constant 198 : i32
    %add3A_262 = arith.addi %mul3A_2, %add3A_261 : i32
    %dma_wait3A_263 = arith.constant 0 : i32
    %dma_wait3A_264 = tpu.memref_slice %arg4[%add3A_262, %dma_wait3A_263] : memref<6400x50xi32, #tpu.memory_space<hbm>> -> memref<1x50xi32, #tpu.memory_space<hbm>>
    %dma_wait3A_265 = tpu.memref_squeeze %dma_wait3A_264 : memref<1x50xi32, #tpu.memory_space<hbm>> -> memref<50xi32, #tpu.memory_space<hbm>>
    %dma_wait3A_266 = arith.constant 0 : i32
    %dma_wait3A_267 = tpu.memref_slice %arg4[%add3A_262, %dma_wait3A_266] : memref<6400x50xi32, #tpu.memory_space<hbm>> -> memref<1x50xi32, #tpu.memory_space<hbm>>
    %dma_wait3A_268 = tpu.memref_squeeze %dma_wait3A_267 : memref<1x50xi32, #tpu.memory_space<hbm>> -> memref<50xi32, #tpu.memory_space<hbm>>
    tpu.wait_dma2 semaphore(%arg20 : memref<!tpu.dma_semaphore, #tpu.memory_space<semaphore_mem>>) src(%dma_wait3A_268 : memref<50xi32, #tpu.memory_space<hbm>>) dst(%arg8 : memref<50xi32, #tpu.memory_space<vmem>>)
    %dma_start3A_269 = arith.constant 0 : i32
    %dma_start3A_270 = arith.constant 0 : i32
    %dma_start3A_271 = tpu.memref_slice %arg6[%dma_start3A_269, %dma_start3A_270] : memref<10000x128xf32, #tpu.memory_space<vmem_shared>> -> memref<10000x128xf32, #tpu.memory_space<vmem_shared>>
    tpu.enqueue_indirect_dma source(%arg14 : memref<50x128xf32, #tpu.memory_space<vmem>>) target(%dma_start3A_271 : memref<10000x128xf32, #tpu.memory_space<vmem_shared>>) offsets(%arg8 : memref<50xi32, #tpu.memory_space<vmem>>) semaphore(%arg32 : memref<!tpu.dma_semaphore, #tpu.memory_space<semaphore_mem>>) {add = true}
    %dma_wait3A_272 = arith.constant 199 : i32
    %dma_wait3A_273 = arith.constant 0 : i32
    %dma_wait3A_274 = tpu.memref_slice %arg7[%dma_wait3A_272, %dma_wait3A_273] : memref<200x50xi32, #tpu.memory_space<vmem>> -> memref<1x50xi32, #tpu.memory_space<vmem>>
    %dma_wait3A_275 = tpu.memref_squeeze %dma_wait3A_274 : memref<1x50xi32, #tpu.memory_space<vmem>> -> memref<50xi32, #tpu.memory_space<vmem>>
    %dma_wait3A_276 = arith.constant 0 : i32
    %dma_wait3A_277 = arith.constant 0 : i32
    %dma_wait3A_278 = tpu.memref_slice %arg2[%dma_wait3A_276, %dma_wait3A_277] : memref<10000x128xf32, #tpu.memory_space<hbm>> -> memref<10000x128xf32, #tpu.memory_space<hbm>>
    tpu.wait_indirect_dma semaphore(%arg27 : memref<!tpu.dma_semaphore, #tpu.memory_space<semaphore_mem>>) src(%dma_wait3A_278 : memref<10000x128xf32, #tpu.memory_space<hbm>>) dst(%arg15 : memref<50x128xf32, #tpu.memory_space<vmem>>)
    %add3A_279 = arith.constant 199 : i32
    %add3A_280 = arith.addi %mul3A_2, %add3A_279 : i32
    %dma_wait3A_281 = arith.constant 0 : i32
    %dma_wait3A_282 = tpu.memref_slice %arg4[%add3A_280, %dma_wait3A_281] : memref<6400x50xi32, #tpu.memory_space<hbm>> -> memref<1x50xi32, #tpu.memory_space<hbm>>
    %dma_wait3A_283 = tpu.memref_squeeze %dma_wait3A_282 : memref<1x50xi32, #tpu.memory_space<hbm>> -> memref<50xi32, #tpu.memory_space<hbm>>
    %dma_wait3A_284 = arith.constant 0 : i32
    %dma_wait3A_285 = tpu.memref_slice %arg4[%add3A_280, %dma_wait3A_284] : memref<6400x50xi32, #tpu.memory_space<hbm>> -> memref<1x50xi32, #tpu.memory_space<hbm>>
    %dma_wait3A_286 = tpu.memref_squeeze %dma_wait3A_285 : memref<1x50xi32, #tpu.memory_space<hbm>> -> memref<50xi32, #tpu.memory_space<hbm>>
    tpu.wait_dma2 semaphore(%arg21 : memref<!tpu.dma_semaphore, #tpu.memory_space<semaphore_mem>>) src(%dma_wait3A_286 : memref<50xi32, #tpu.memory_space<hbm>>) dst(%arg9 : memref<50xi32, #tpu.memory_space<vmem>>)
    %dma_start3A_287 = arith.constant 0 : i32
    %dma_start3A_288 = arith.constant 0 : i32
    %dma_start3A_289 = tpu.memref_slice %arg6[%dma_start3A_287, %dma_start3A_288] : memref<10000x128xf32, #tpu.memory_space<vmem_shared>> -> memref<10000x128xf32, #tpu.memory_space<vmem_shared>>
    tpu.enqueue_indirect_dma source(%arg15 : memref<50x128xf32, #tpu.memory_space<vmem>>) target(%dma_start3A_289 : memref<10000x128xf32, #tpu.memory_space<vmem_shared>>) offsets(%arg9 : memref<50xi32, #tpu.memory_space<vmem>>) semaphore(%arg33 : memref<!tpu.dma_semaphore, #tpu.memory_space<semaphore_mem>>) {add = true}
    %dma_wait3A_290 = arith.constant 0 : i32
    %dma_wait3A_291 = arith.constant 0 : i32
    %dma_wait3A_292 = tpu.memref_slice %arg6[%dma_wait3A_290, %dma_wait3A_291] : memref<10000x128xf32, #tpu.memory_space<vmem_shared>> -> memref<10000x128xf32, #tpu.memory_space<vmem_shared>>
    tpu.wait_indirect_dma semaphore(%arg32 : memref<!tpu.dma_semaphore, #tpu.memory_space<semaphore_mem>>) src(%arg14 : memref<50x128xf32, #tpu.memory_space<vmem>>) dst(%dma_wait3A_292 : memref<10000x128xf32, #tpu.memory_space<vmem_shared>>)
    %dma_wait3A_293 = arith.constant 0 : i32
    %dma_wait3A_294 = arith.constant 0 : i32
    %dma_wait3A_295 = tpu.memref_slice %arg6[%dma_wait3A_293, %dma_wait3A_294] : memref<10000x128xf32, #tpu.memory_space<vmem_shared>> -> memref<10000x128xf32, #tpu.memory_space<vmem_shared>>
    tpu.wait_indirect_dma semaphore(%arg33 : memref<!tpu.dma_semaphore, #tpu.memory_space<semaphore_mem>>) src(%arg15 : memref<50x128xf32, #tpu.memory_space<vmem>>) dst(%dma_wait3A_295 : memref<10000x128xf32, #tpu.memory_space<vmem_shared>>)
    %dma_wait3A_296 = arith.constant 0 : i32
    %dma_wait3A_297 = arith.constant 0 : i32
    %dma_wait3A_298 = tpu.memref_slice %arg6[%dma_wait3A_296, %dma_wait3A_297] : memref<10000x128xf32, #tpu.memory_space<vmem_shared>> -> memref<10000x128xf32, #tpu.memory_space<vmem_shared>>
    tpu.wait_indirect_dma semaphore(%arg34 : memref<!tpu.dma_semaphore, #tpu.memory_space<semaphore_mem>>) src(%arg16 : memref<50x128xf32, #tpu.memory_space<vmem>>) dst(%dma_wait3A_298 : memref<10000x128xf32, #tpu.memory_space<vmem_shared>>)
    %dma_wait3A_299 = arith.constant 0 : i32
    %dma_wait3A_300 = arith.constant 0 : i32
    %dma_wait3A_301 = tpu.memref_slice %arg6[%dma_wait3A_299, %dma_wait3A_300] : memref<10000x128xf32, #tpu.memory_space<vmem_shared>> -> memref<10000x128xf32, #tpu.memory_space<vmem_shared>>
    tpu.wait_indirect_dma semaphore(%arg35 : memref<!tpu.dma_semaphore, #tpu.memory_space<semaphore_mem>>) src(%arg17 : memref<50x128xf32, #tpu.memory_space<vmem>>) dst(%dma_wait3A_301 : memref<10000x128xf32, #tpu.memory_space<vmem_shared>>)
    %dma_wait3A_302 = arith.constant 0 : i32
    %dma_wait3A_303 = arith.constant 0 : i32
    %dma_wait3A_304 = tpu.memref_slice %arg6[%dma_wait3A_302, %dma_wait3A_303] : memref<10000x128xf32, #tpu.memory_space<vmem_shared>> -> memref<10000x128xf32, #tpu.memory_space<vmem_shared>>
    tpu.wait_indirect_dma semaphore(%arg36 : memref<!tpu.dma_semaphore, #tpu.memory_space<semaphore_mem>>) src(%arg18 : memref<50x128xf32, #tpu.memory_space<vmem>>) dst(%dma_wait3A_304 : memref<10000x128xf32, #tpu.memory_space<vmem_shared>>)
    %dma_wait3A_305 = arith.constant 0 : i32
    %dma_wait3A_306 = arith.constant 0 : i32
    %dma_wait3A_307 = tpu.memref_slice %arg6[%dma_wait3A_305, %dma_wait3A_306] : memref<10000x128xf32, #tpu.memory_space<vmem_shared>> -> memref<10000x128xf32, #tpu.memory_space<vmem_shared>>
    tpu.wait_indirect_dma semaphore(%arg37 : memref<!tpu.dma_semaphore, #tpu.memory_space<semaphore_mem>>) src(%arg19 : memref<50x128xf32, #tpu.memory_space<vmem>>) dst(%dma_wait3A_307 : memref<10000x128xf32, #tpu.memory_space<vmem_shared>>)
    %barrier3A_308 = arith.constant 0 : index
    tpu.barrier barrier_id(%barrier3A_308)
    "tpu.region"() ({
      %run_scoped3A = tpu.sem_alloc : memref<!tpu.dma_semaphore, #tpu.memory_space<semaphore_mem>>
      %dma_start3A_309 = arith.constant 0 : i32
      %dma_start3A_310 = tpu.memref_slice %arg5[%arg0, %mul3A_60, %dma_start3A_309] : memref<2x10000x128xf32, #tpu.memory_space<hbm>> -> memref<1x625x128xf32, #tpu.memory_space<hbm>>
      %dma_start3A_311 = tpu.memref_squeeze %dma_start3A_310 : memref<1x625x128xf32, #tpu.memory_space<hbm>> -> memref<625x128xf32, #tpu.memory_space<hbm>>
      %dma_start3A_312 = arith.constant 0 : i32
      %dma_start3A_313 = tpu.memref_slice %arg6[%mul3A_60, %dma_start3A_312] : memref<10000x128xf32, #tpu.memory_space<vmem_shared>> -> memref<625x128xf32, #tpu.memory_space<vmem_shared>>
      tpu.enqueue_dma source(%dma_start3A_313 : memref<625x128xf32, #tpu.memory_space<vmem_shared>>) target(%dma_start3A_311 : memref<625x128xf32, #tpu.memory_space<hbm>>) target_semaphore(%run_scoped3A : memref<!tpu.dma_semaphore, #tpu.memory_space<semaphore_mem>>)
      %dma_wait3A_314 = arith.constant 0 : i32
      %dma_wait3A_315 = tpu.memref_slice %arg5[%arg0, %mul3A_60, %dma_wait3A_314] : memref<2x10000x128xf32, #tpu.memory_space<hbm>> -> memref<1x625x128xf32, #tpu.memory_space<hbm>>
      %dma_wait3A_316 = tpu.memref_squeeze %dma_wait3A_315 : memref<1x625x128xf32, #tpu.memory_space<hbm>> -> memref<625x128xf32, #tpu.memory_space<hbm>>
      %dma_wait3A_317 = arith.constant 0 : i32
      %dma_wait3A_318 = tpu.memref_slice %arg6[%mul3A_60, %dma_wait3A_317] : memref<10000x128xf32, #tpu.memory_space<vmem_shared>> -> memref<625x128xf32, #tpu.memory_space<vmem_shared>>
      tpu.wait_dma2 semaphore(%run_scoped3A : memref<!tpu.dma_semaphore, #tpu.memory_space<semaphore_mem>>) src(%dma_wait3A_318 : memref<625x128xf32, #tpu.memory_space<vmem_shared>>) dst(%dma_wait3A_316 : memref<625x128xf32, #tpu.memory_space<hbm>>)
      tpu.yield
    }) : () -> ()
    return
  }
}

#map = affine_map<(d0, d1) -> (0)>
#map1 = affine_map<(d0, d1) -> (0, 0)>
module attributes {stable_mosaic.version = 14 : i64} {
  func.func @_deg_pass(%arg0: i32, %arg1: i32, %arg2: memref<320000xi32, #tpu.memory_space<hbm>>, %arg3: memref<32x10000xf32, #tpu.memory_space<hbm>>, %arg4: memref<10000xi32, #tpu.memory_space<vmem>>, %arg5: memref<10000xf32, #tpu.memory_space<vmem>>, %arg6: memref<!tpu.dma_semaphore, #tpu.memory_space<semaphore_mem>>) attributes {dimension_semantics = [#tpu.dimension_semantics<core_parallel>, #tpu.dimension_semantics<subcore_parallel>], iteration_bounds = array<i64: 2, 16>, scalar_prefetch = 0 : i64, scratch_operands = 3 : i64, tpu.core_type = #tpu.core_type<sc_vector_subcore>, window_params = [{transform_indices = #map}, {transform_indices = #map1}]} {
    %mul3A = arith.constant 16 : i32
    %mul3A_0 = arith.muli %arg0, %mul3A : i32
    %add3A = arith.addi %mul3A_0, %arg1 : i32
    %mul3A_1 = arith.constant 10000 : i32
    %mul3A_2 = arith.muli %add3A, %mul3A_1 : i32
    %dma_start3A = tpu.memref_slice %arg2[%mul3A_2] : memref<320000xi32, #tpu.memory_space<hbm>> -> memref<10000xi32, #tpu.memory_space<hbm>>
    %dma_start3A_3 = tpu.memref_slice %arg2[%mul3A_2] : memref<320000xi32, #tpu.memory_space<hbm>> -> memref<10000xi32, #tpu.memory_space<hbm>>
    tpu.enqueue_dma source(%dma_start3A_3 : memref<10000xi32, #tpu.memory_space<hbm>>) target(%arg4 : memref<10000xi32, #tpu.memory_space<vmem>>) target_semaphore(%arg6 : memref<!tpu.dma_semaphore, #tpu.memory_space<semaphore_mem>>)
    %scan3A = arith.constant 0 : i32
    %scan3A_4 = arith.constant 0 : i32
    %scan3A_5 = arith.constant 625 : i32
    %scan3A_6 = arith.addi %scan3A_4, %scan3A_5 : i32
    %scan3A_7 = arith.constant 1 : i32
    scf.for %scan3A_17 = %scan3A_4 to %scan3A_6 step %scan3A_7  : i32 {
      %broadcast_in_dim3A_18 = arith.constant 0.000000e+00 : f32
      %broadcast_in_dim3A_19 = vector.broadcast %broadcast_in_dim3A_18 : f32 to vector<16xf32>
      %mul3A_20 = arith.constant 16 : i32
      %mul3A_21 = arith.muli %scan3A_17, %mul3A_20 : i32
      %swap3A = arith.index_cast %mul3A_21 : i32 to index
      %swap3A_22 = tpu.vector_load %arg5[%swap3A] {strides = array<i32>} : memref<10000xf32, #tpu.memory_space<vmem>>, vector<16xf32>,
      tpu.vector_store %arg5[%swap3A], %broadcast_in_dim3A_19 {strides = array<i32>} : memref<10000xf32, #tpu.memory_space<vmem>>, vector<16xf32>,
    }
    %scan3A_8 = arith.constant 625 : i32
    %dma_wait3A = tpu.memref_slice %arg2[%mul3A_2] : memref<320000xi32, #tpu.memory_space<hbm>> -> memref<10000xi32, #tpu.memory_space<hbm>>
    %dma_wait3A_9 = tpu.memref_slice %arg2[%mul3A_2] : memref<320000xi32, #tpu.memory_space<hbm>> -> memref<10000xi32, #tpu.memory_space<hbm>>
    tpu.wait_dma2 semaphore(%arg6 : memref<!tpu.dma_semaphore, #tpu.memory_space<semaphore_mem>>) src(%dma_wait3A_9 : memref<10000xi32, #tpu.memory_space<hbm>>) dst(%arg4 : memref<10000xi32, #tpu.memory_space<vmem>>)
    %broadcast_in_dim3A = arith.constant 1.000000e+00 : f32
    %broadcast_in_dim3A_10 = vector.broadcast %broadcast_in_dim3A : f32 to vector<16xf32>
    %scan3A_11 = arith.constant 0 : i32
    %scan3A_12 = arith.constant 0 : i32
    %scan3A_13 = arith.constant 625 : i32
    %scan3A_14 = arith.addi %scan3A_12, %scan3A_13 : i32
    %scan3A_15 = arith.constant 1 : i32
    scf.for %scan3A_17 = %scan3A_12 to %scan3A_14 step %scan3A_15  : i32 {
      %mul3A_18 = arith.constant 16 : i32
      %mul3A_19 = arith.muli %scan3A_17, %mul3A_18 : i32
      %get3A = arith.index_cast %mul3A_19 : i32 to index
      %get3A_20 = tpu.vector_load %arg4[%get3A] {strides = array<i32>} : memref<10000xi32, #tpu.memory_space<vmem>>, vector<16xi32>,
      tpu.vector_store_idx %arg5[%get3A_20], %broadcast_in_dim3A_10 {add = true} : memref<10000xf32, #tpu.memory_space<vmem>>[vector<16xi32>], vector<16xf32>,
    }
    %scan3A_16 = arith.constant 625 : i32
    "tpu.region"() ({
      %run_scoped3A = tpu.sem_alloc : memref<!tpu.dma_semaphore, #tpu.memory_space<semaphore_mem>>
      %dma_start3A_17 = arith.constant 0 : i32
      %dma_start3A_18 = tpu.memref_slice %arg3[%add3A, %dma_start3A_17] : memref<32x10000xf32, #tpu.memory_space<hbm>> -> memref<1x10000xf32, #tpu.memory_space<hbm>>
      %dma_start3A_19 = tpu.memref_squeeze %dma_start3A_18 : memref<1x10000xf32, #tpu.memory_space<hbm>> -> memref<10000xf32, #tpu.memory_space<hbm>>
      %dma_start3A_20 = arith.constant 0 : i32
      %dma_start3A_21 = tpu.memref_slice %arg3[%add3A, %dma_start3A_20] : memref<32x10000xf32, #tpu.memory_space<hbm>> -> memref<1x10000xf32, #tpu.memory_space<hbm>>
      %dma_start3A_22 = tpu.memref_squeeze %dma_start3A_21 : memref<1x10000xf32, #tpu.memory_space<hbm>> -> memref<10000xf32, #tpu.memory_space<hbm>>
      tpu.enqueue_dma source(%arg5 : memref<10000xf32, #tpu.memory_space<vmem>>) target(%dma_start3A_22 : memref<10000xf32, #tpu.memory_space<hbm>>) target_semaphore(%run_scoped3A : memref<!tpu.dma_semaphore, #tpu.memory_space<semaphore_mem>>)
      %dma_wait3A_23 = arith.constant 0 : i32
      %dma_wait3A_24 = tpu.memref_slice %arg3[%add3A, %dma_wait3A_23] : memref<32x10000xf32, #tpu.memory_space<hbm>> -> memref<1x10000xf32, #tpu.memory_space<hbm>>
      %dma_wait3A_25 = tpu.memref_squeeze %dma_wait3A_24 : memref<1x10000xf32, #tpu.memory_space<hbm>> -> memref<10000xf32, #tpu.memory_space<hbm>>
      %dma_wait3A_26 = arith.constant 0 : i32
      %dma_wait3A_27 = tpu.memref_slice %arg3[%add3A, %dma_wait3A_26] : memref<32x10000xf32, #tpu.memory_space<hbm>> -> memref<1x10000xf32, #tpu.memory_space<hbm>>
      %dma_wait3A_28 = tpu.memref_squeeze %dma_wait3A_27 : memref<1x10000xf32, #tpu.memory_space<hbm>> -> memref<10000xf32, #tpu.memory_space<hbm>>
      tpu.wait_dma2 semaphore(%run_scoped3A : memref<!tpu.dma_semaphore, #tpu.memory_space<semaphore_mem>>) src(%arg5 : memref<10000xf32, #tpu.memory_space<vmem>>) dst(%dma_wait3A_28 : memref<10000xf32, #tpu.memory_space<hbm>>)
      tpu.yield
    }) : () -> ()
    return
  }
}

#map = affine_map<(d0, d1) -> (0, 0)>
#map1 = affine_map<(d0, d1) -> (0, 0, 0)>
module attributes {stable_mosaic.version = 14 : i64} {
  func.func @_segsum(%arg0: i32, %arg1: i32, %arg2: memref<10000x128xf32, #tpu.memory_space<hbm>>, %arg3: memref<6400x50xi32, #tpu.memory_space<hbm>>, %arg4: memref<6400x50xi32, #tpu.memory_space<hbm>>, %arg5: memref<2x10000x128xf32, #tpu.memory_space<hbm>>, %arg6: memref<10000x128xf32, #tpu.memory_space<vmem_shared>>, %arg7: memref<200x50xi32, #tpu.memory_space<vmem>>, %arg8: memref<50xi32, #tpu.memory_space<vmem>>, %arg9: memref<50xi32, #tpu.memory_space<vmem>>, %arg10: memref<50xi32, #tpu.memory_space<vmem>>, %arg11: memref<50xi32, #tpu.memory_space<vmem>>, %arg12: memref<50xi32, #tpu.memory_space<vmem>>, %arg13: memref<50xi32, #tpu.memory_space<vmem>>, %arg14: memref<50x128xf32, #tpu.memory_space<vmem>>, %arg15: memref<50x128xf32, #tpu.memory_space<vmem>>, %arg16: memref<50x128xf32, #tpu.memory_space<vmem>>, %arg17: memref<50x128xf32, #tpu.memory_space<vmem>>, %arg18: memref<50x128xf32, #tpu.memory_space<vmem>>, %arg19: memref<50x128xf32, #tpu.memory_space<vmem>>, %arg20: memref<!tpu.dma_semaphore, #tpu.memory_space<semaphore_mem>>, %arg21: memref<!tpu.dma_semaphore, #tpu.memory_space<semaphore_mem>>, %arg22: memref<!tpu.dma_semaphore, #tpu.memory_space<semaphore_mem>>, %arg23: memref<!tpu.dma_semaphore, #tpu.memory_space<semaphore_mem>>, %arg24: memref<!tpu.dma_semaphore, #tpu.memory_space<semaphore_mem>>, %arg25: memref<!tpu.dma_semaphore, #tpu.memory_space<semaphore_mem>>, %arg26: memref<!tpu.dma_semaphore, #tpu.memory_space<semaphore_mem>>, %arg27: memref<!tpu.dma_semaphore, #tpu.memory_space<semaphore_mem>>, %arg28: memref<!tpu.dma_semaphore, #tpu.memory_space<semaphore_mem>>, %arg29: memref<!tpu.dma_semaphore, #tpu.memory_space<semaphore_mem>>, %arg30: memref<!tpu.dma_semaphore, #tpu.memory_space<semaphore_mem>>, %arg31: memref<!tpu.dma_semaphore, #tpu.memory_space<semaphore_mem>>, %arg32: memref<!tpu.dma_semaphore, #tpu.memory_space<semaphore_mem>>, %arg33: memref<!tpu.dma_semaphore, #tpu.memory_space<semaphore_mem>>, %arg34: memref<!tpu.dma_semaphore, #tpu.memory_space<semaphore_mem>>, %arg35: memref<!tpu.dma_semaphore, #tpu.memory_space<semaphore_mem>>, %arg36: memref<!tpu.dma_semaphore, #tpu.memory_space<semaphore_mem>>, %arg37: memref<!tpu.dma_semaphore, #tpu.memory_space<semaphore_mem>>, %arg38: memref<!tpu.dma_semaphore, #tpu.memory_space<semaphore_mem>>, %arg39: memref<!tpu.dma_semaphore, #tpu.memory_space<semaphore_mem>>) attributes {dimension_semantics = [#tpu.dimension_semantics<core_parallel>, #tpu.dimension_semantics<subcore_parallel>], iteration_bounds = array<i64: 2, 16>, scalar_prefetch = 0 : i64, scratch_operands = 34 : i64, tpu.core_type = #tpu.core_type<sc_vector_subcore>, window_params = [{transform_indices = #map}, {transform_indices = #map}, {transform_indices = #map}, {transform_indices = #map1}]} {
    %mul3A = arith.constant 16 : i32
    %mul3A_0 = arith.muli %arg0, %mul3A : i32
    %add3A = arith.addi %mul3A_0, %arg1 : i32
    %mul3A_1 = arith.constant 200 : i32
    %mul3A_2 = arith.muli %add3A, %mul3A_1 : i32
    %dma_start3A = arith.constant 0 : i32
    %dma_start3A_3 = tpu.memref_slice %arg3[%mul3A_2, %dma_start3A] : memref<6400x50xi32, #tpu.memory_space<hbm>> -> memref<200x50xi32, #tpu.memory_space<hbm>>
    %dma_start3A_4 = arith.constant 0 : i32
    %dma_start3A_5 = tpu.memref_slice %arg3[%mul3A_2, %dma_start3A_4] : memref<6400x50xi32, #tpu.memory_space<hbm>> -> memref<200x50xi32, #tpu.memory_space<hbm>>
    tpu.enqueue_dma source(%dma_start3A_5 : memref<200x50xi32, #tpu.memory_space<hbm>>) target(%arg7 : memref<200x50xi32, #tpu.memory_space<vmem>>) target_semaphore(%arg38 : memref<!tpu.dma_semaphore, #tpu.memory_space<semaphore_mem>>)
    %add3A_6 = arith.constant 0 : i32
    %add3A_7 = arith.addi %mul3A_2, %add3A_6 : i32
    %dma_start3A_8 = arith.constant 0 : i32
    %dma_start3A_9 = tpu.memref_slice %arg4[%add3A_7, %dma_start3A_8] : memref<6400x50xi32, #tpu.memory_space<hbm>> -> memref<1x50xi32, #tpu.memory_space<hbm>>
    %dma_start3A_10 = tpu.memref_squeeze %dma_start3A_9 : memref<1x50xi32, #tpu.memory_space<hbm>> -> memref<50xi32, #tpu.memory_space<hbm>>
    %dma_start3A_11 = arith.constant 0 : i32
    %dma_start3A_12 = tpu.memref_slice %arg4[%add3A_7, %dma_start3A_11] : memref<6400x50xi32, #tpu.memory_space<hbm>> -> memref<1x50xi32, #tpu.memory_space<hbm>>
    %dma_start3A_13 = tpu.memref_squeeze %dma_start3A_12 : memref<1x50xi32, #tpu.memory_space<hbm>> -> memref<50xi32, #tpu.memory_space<hbm>>
    tpu.enqueue_dma source(%dma_start3A_13 : memref<50xi32, #tpu.memory_space<hbm>>) target(%arg8 : memref<50xi32, #tpu.memory_space<vmem>>) target_semaphore(%arg20 : memref<!tpu.dma_semaphore, #tpu.memory_space<semaphore_mem>>)
    %add3A_14 = arith.constant 1 : i32
    %add3A_15 = arith.addi %mul3A_2, %add3A_14 : i32
    %dma_start3A_16 = arith.constant 0 : i32
    %dma_start3A_17 = tpu.memref_slice %arg4[%add3A_15, %dma_start3A_16] : memref<6400x50xi32, #tpu.memory_space<hbm>> -> memref<1x50xi32, #tpu.memory_space<hbm>>
    %dma_start3A_18 = tpu.memref_squeeze %dma_start3A_17 : memref<1x50xi32, #tpu.memory_space<hbm>> -> memref<50xi32, #tpu.memory_space<hbm>>
    %dma_start3A_19 = arith.constant 0 : i32
    %dma_start3A_20 = tpu.memref_slice %arg4[%add3A_15, %dma_start3A_19] : memref<6400x50xi32, #tpu.memory_space<hbm>> -> memref<1x50xi32, #tpu.memory_space<hbm>>
    %dma_start3A_21 = tpu.memref_squeeze %dma_start3A_20 : memref<1x50xi32, #tpu.memory_space<hbm>> -> memref<50xi32, #tpu.memory_space<hbm>>
    tpu.enqueue_dma source(%dma_start3A_21 : memref<50xi32, #tpu.memory_space<hbm>>) target(%arg9 : memref<50xi32, #tpu.memory_space<vmem>>) target_semaphore(%arg21 : memref<!tpu.dma_semaphore, #tpu.memory_space<semaphore_mem>>)
    %add3A_22 = arith.constant 2 : i32
    %add3A_23 = arith.addi %mul3A_2, %add3A_22 : i32
    %dma_start3A_24 = arith.constant 0 : i32
    %dma_start3A_25 = tpu.memref_slice %arg4[%add3A_23, %dma_start3A_24] : memref<6400x50xi32, #tpu.memory_space<hbm>> -> memref<1x50xi32, #tpu.memory_space<hbm>>
    %dma_start3A_26 = tpu.memref_squeeze %dma_start3A_25 : memref<1x50xi32, #tpu.memory_space<hbm>> -> memref<50xi32, #tpu.memory_space<hbm>>
    %dma_start3A_27 = arith.constant 0 : i32
    %dma_start3A_28 = tpu.memref_slice %arg4[%add3A_23, %dma_start3A_27] : memref<6400x50xi32, #tpu.memory_space<hbm>> -> memref<1x50xi32, #tpu.memory_space<hbm>>
    %dma_start3A_29 = tpu.memref_squeeze %dma_start3A_28 : memref<1x50xi32, #tpu.memory_space<hbm>> -> memref<50xi32, #tpu.memory_space<hbm>>
    tpu.enqueue_dma source(%dma_start3A_29 : memref<50xi32, #tpu.memory_space<hbm>>) target(%arg10 : memref<50xi32, #tpu.memory_space<vmem>>) target_semaphore(%arg22 : memref<!tpu.dma_semaphore, #tpu.memory_space<semaphore_mem>>)
    %add3A_30 = arith.constant 3 : i32
    %add3A_31 = arith.addi %mul3A_2, %add3A_30 : i32
    %dma_start3A_32 = arith.constant 0 : i32
    %dma_start3A_33 = tpu.memref_slice %arg4[%add3A_31, %dma_start3A_32] : memref<6400x50xi32, #tpu.memory_space<hbm>> -> memref<1x50xi32, #tpu.memory_space<hbm>>
    %dma_start3A_34 = tpu.memref_squeeze %dma_start3A_33 : memref<1x50xi32, #tpu.memory_space<hbm>> -> memref<50xi32, #tpu.memory_space<hbm>>
    %dma_start3A_35 = arith.constant 0 : i32
    %dma_start3A_36 = tpu.memref_slice %arg4[%add3A_31, %dma_start3A_35] : memref<6400x50xi32, #tpu.memory_space<hbm>> -> memref<1x50xi32, #tpu.memory_space<hbm>>
    %dma_start3A_37 = tpu.memref_squeeze %dma_start3A_36 : memref<1x50xi32, #tpu.memory_space<hbm>> -> memref<50xi32, #tpu.memory_space<hbm>>
    tpu.enqueue_dma source(%dma_start3A_37 : memref<50xi32, #tpu.memory_space<hbm>>) target(%arg11 : memref<50xi32, #tpu.memory_space<vmem>>) target_semaphore(%arg23 : memref<!tpu.dma_semaphore, #tpu.memory_space<semaphore_mem>>)
    %add3A_38 = arith.constant 4 : i32
    %add3A_39 = arith.addi %mul3A_2, %add3A_38 : i32
    %dma_start3A_40 = arith.constant 0 : i32
    %dma_start3A_41 = tpu.memref_slice %arg4[%add3A_39, %dma_start3A_40] : memref<6400x50xi32, #tpu.memory_space<hbm>> -> memref<1x50xi32, #tpu.memory_space<hbm>>
    %dma_start3A_42 = tpu.memref_squeeze %dma_start3A_41 : memref<1x50xi32, #tpu.memory_space<hbm>> -> memref<50xi32, #tpu.memory_space<hbm>>
    %dma_start3A_43 = arith.constant 0 : i32
    %dma_start3A_44 = tpu.memref_slice %arg4[%add3A_39, %dma_start3A_43] : memref<6400x50xi32, #tpu.memory_space<hbm>> -> memref<1x50xi32, #tpu.memory_space<hbm>>
    %dma_start3A_45 = tpu.memref_squeeze %dma_start3A_44 : memref<1x50xi32, #tpu.memory_space<hbm>> -> memref<50xi32, #tpu.memory_space<hbm>>
    tpu.enqueue_dma source(%dma_start3A_45 : memref<50xi32, #tpu.memory_space<hbm>>) target(%arg12 : memref<50xi32, #tpu.memory_space<vmem>>) target_semaphore(%arg24 : memref<!tpu.dma_semaphore, #tpu.memory_space<semaphore_mem>>)
    %add3A_46 = arith.constant 5 : i32
    %add3A_47 = arith.addi %mul3A_2, %add3A_46 : i32
    %dma_start3A_48 = arith.constant 0 : i32
    %dma_start3A_49 = tpu.memref_slice %arg4[%add3A_47, %dma_start3A_48] : memref<6400x50xi32, #tpu.memory_space<hbm>> -> memref<1x50xi32, #tpu.memory_space<hbm>>
    %dma_start3A_50 = tpu.memref_squeeze %dma_start3A_49 : memref<1x50xi32, #tpu.memory_space<hbm>> -> memref<50xi32, #tpu.memory_space<hbm>>
    %dma_start3A_51 = arith.constant 0 : i32
    %dma_start3A_52 = tpu.memref_slice %arg4[%add3A_47, %dma_start3A_51] : memref<6400x50xi32, #tpu.memory_space<hbm>> -> memref<1x50xi32, #tpu.memory_space<hbm>>
    %dma_start3A_53 = tpu.memref_squeeze %dma_start3A_52 : memref<1x50xi32, #tpu.memory_space<hbm>> -> memref<50xi32, #tpu.memory_space<hbm>>
    tpu.enqueue_dma source(%dma_start3A_53 : memref<50xi32, #tpu.memory_space<hbm>>) target(%arg13 : memref<50xi32, #tpu.memory_space<vmem>>) target_semaphore(%arg25 : memref<!tpu.dma_semaphore, #tpu.memory_space<semaphore_mem>>)
    %scan3A = arith.constant 0 : i32
    %scan3A_54 = arith.constant 0 : i32
    %scan3A_55 = arith.constant 50 : i32
    %scan3A_56 = arith.addi %scan3A_54, %scan3A_55 : i32
    %scan3A_57 = arith.constant 1 : i32
    scf.for %scan3A_309 = %scan3A_54 to %scan3A_56 step %scan3A_57  : i32 {
      %broadcast_in_dim3A = arith.constant 0.000000e+00 : f32
      %broadcast_in_dim3A_310 = vector.broadcast %broadcast_in_dim3A : f32 to vector<16xf32>
      %swap3A = arith.index_cast %scan3A_309 : i32 to index
      %swap3A_311 = arith.constant 0 : index
      %swap3A_312 = tpu.vector_load %arg14[%swap3A, %swap3A_311] {strides = array<i32>} : memref<50x128xf32, #tpu.memory_space<vmem>>, vector<16xf32>,
      tpu.vector_store %arg14[%swap3A, %swap3A_311], %broadcast_in_dim3A_310 {strides = array<i32>} : memref<50x128xf32, #tpu.memory_space<vmem>>, vector<16xf32>,
      %broadcast_in_dim3A_313 = arith.constant 0.000000e+00 : f32
      %broadcast_in_dim3A_314 = vector.broadcast %broadcast_in_dim3A_313 : f32 to vector<16xf32>
      %swap3A_315 = arith.index_cast %scan3A_309 : i32 to index
      %swap3A_316 = arith.constant 16 : index
      %swap3A_317 = tpu.vector_load %arg14[%swap3A_315, %swap3A_316] {strides = array<i32>} : memref<50x128xf32, #tpu.memory_space<vmem>>, vector<16xf32>,
      tpu.vector_store %arg14[%swap3A_315, %swap3A_316], %broadcast_in_dim3A_314 {strides = array<i32>} : memref<50x128xf32, #tpu.memory_space<vmem>>, vector<16xf32>,
      %broadcast_in_dim3A_318 = arith.constant 0.000000e+00 : f32
      %broadcast_in_dim3A_319 = vector.broadcast %broadcast_in_dim3A_318 : f32 to vector<16xf32>
      %swap3A_320 = arith.index_cast %scan3A_309 : i32 to index
      %swap3A_321 = arith.constant 32 : index
      %swap3A_322 = tpu.vector_load %arg14[%swap3A_320, %swap3A_321] {strides = array<i32>} : memref<50x128xf32, #tpu.memory_space<vmem>>, vector<16xf32>,
      tpu.vector_store %arg14[%swap3A_320, %swap3A_321], %broadcast_in_dim3A_319 {strides = array<i32>} : memref<50x128xf32, #tpu.memory_space<vmem>>, vector<16xf32>,
      %broadcast_in_dim3A_323 = arith.constant 0.000000e+00 : f32
      %broadcast_in_dim3A_324 = vector.broadcast %broadcast_in_dim3A_323 : f32 to vector<16xf32>
      %swap3A_325 = arith.index_cast %scan3A_309 : i32 to index
      %swap3A_326 = arith.constant 48 : index
      %swap3A_327 = tpu.vector_load %arg14[%swap3A_325, %swap3A_326] {strides = array<i32>} : memref<50x128xf32, #tpu.memory_space<vmem>>, vector<16xf32>,
      tpu.vector_store %arg14[%swap3A_325, %swap3A_326], %broadcast_in_dim3A_324 {strides = array<i32>} : memref<50x128xf32, #tpu.memory_space<vmem>>, vector<16xf32>,
      %broadcast_in_dim3A_328 = arith.constant 0.000000e+00 : f32
      %broadcast_in_dim3A_329 = vector.broadcast %broadcast_in_dim3A_328 : f32 to vector<16xf32>
      %swap3A_330 = arith.index_cast %scan3A_309 : i32 to index
      %swap3A_331 = arith.constant 64 : index
      %swap3A_332 = tpu.vector_load %arg14[%swap3A_330, %swap3A_331] {strides = array<i32>} : memref<50x128xf32, #tpu.memory_space<vmem>>, vector<16xf32>,
      tpu.vector_store %arg14[%swap3A_330, %swap3A_331], %broadcast_in_dim3A_329 {strides = array<i32>} : memref<50x128xf32, #tpu.memory_space<vmem>>, vector<16xf32>,
      %broadcast_in_dim3A_333 = arith.constant 0.000000e+00 : f32
      %broadcast_in_dim3A_334 = vector.broadcast %broadcast_in_dim3A_333 : f32 to vector<16xf32>
      %swap3A_335 = arith.index_cast %scan3A_309 : i32 to index
      %swap3A_336 = arith.constant 80 : index
      %swap3A_337 = tpu.vector_load %arg14[%swap3A_335, %swap3A_336] {strides = array<i32>} : memref<50x128xf32, #tpu.memory_space<vmem>>, vector<16xf32>,
      tpu.vector_store %arg14[%swap3A_335, %swap3A_336], %broadcast_in_dim3A_334 {strides = array<i32>} : memref<50x128xf32, #tpu.memory_space<vmem>>, vector<16xf32>,
      %broadcast_in_dim3A_338 = arith.constant 0.000000e+00 : f32
      %broadcast_in_dim3A_339 = vector.broadcast %broadcast_in_dim3A_338 : f32 to vector<16xf32>
      %swap3A_340 = arith.index_cast %scan3A_309 : i32 to index
      %swap3A_341 = arith.constant 96 : index
      %swap3A_342 = tpu.vector_load %arg14[%swap3A_340, %swap3A_341] {strides = array<i32>} : memref<50x128xf32, #tpu.memory_space<vmem>>, vector<16xf32>,
      tpu.vector_store %arg14[%swap3A_340, %swap3A_341], %broadcast_in_dim3A_339 {strides = array<i32>} : memref<50x128xf32, #tpu.memory_space<vmem>>, vector<16xf32>,
      %broadcast_in_dim3A_343 = arith.constant 0.000000e+00 : f32
      %broadcast_in_dim3A_344 = vector.broadcast %broadcast_in_dim3A_343 : f32 to vector<16xf32>
      %swap3A_345 = arith.index_cast %scan3A_309 : i32 to index
      %swap3A_346 = arith.constant 112 : index
      %swap3A_347 = tpu.vector_load %arg14[%swap3A_345, %swap3A_346] {strides = array<i32>} : memref<50x128xf32, #tpu.memory_space<vmem>>, vector<16xf32>,
      tpu.vector_store %arg14[%swap3A_345, %swap3A_346], %broadcast_in_dim3A_344 {strides = array<i32>} : memref<50x128xf32, #tpu.memory_space<vmem>>, vector<16xf32>,
    }
    %scan3A_58 = arith.constant 50 : i32
    %mul3A_59 = arith.constant 625 : i32
    %mul3A_60 = arith.muli %arg1, %mul3A_59 : i32
    %add3A_61 = arith.constant 0 : i32
    %add3A_62 = arith.addi %mul3A_60, %add3A_61 : i32
    %dma_start3A_63 = arith.constant 0 : i32
    %dma_start3A_64 = tpu.memref_slice %arg6[%add3A_62, %dma_start3A_63] : memref<10000x128xf32, #tpu.memory_space<vmem_shared>> -> memref<50x128xf32, #tpu.memory_space<vmem_shared>>
    %dma_start3A_65 = arith.constant 0 : i32
    %dma_start3A_66 = tpu.memref_slice %arg6[%add3A_62, %dma_start3A_65] : memref<10000x128xf32, #tpu.memory_space<vmem_shared>> -> memref<50x128xf32, #tpu.memory_space<vmem_shared>>
    tpu.enqueue_dma source(%arg14 : memref<50x128xf32, #tpu.memory_space<vmem>>) target(%dma_start3A_66 : memref<50x128xf32, #tpu.memory_space<vmem_shared>>) target_semaphore(%arg39 : memref<!tpu.dma_semaphore, #tpu.memory_space<semaphore_mem>>)
    %add3A_67 = arith.constant 50 : i32
    %add3A_68 = arith.addi %mul3A_60, %add3A_67 : i32
    %dma_start3A_69 = arith.constant 0 : i32
    %dma_start3A_70 = tpu.memref_slice %arg6[%add3A_68, %dma_start3A_69] : memref<10000x128xf32, #tpu.memory_space<vmem_shared>> -> memref<50x128xf32, #tpu.memory_space<vmem_shared>>
    %dma_start3A_71 = arith.constant 0 : i32
    %dma_start3A_72 = tpu.memref_slice %arg6[%add3A_68, %dma_start3A_71] : memref<10000x128xf32, #tpu.memory_space<vmem_shared>> -> memref<50x128xf32, #tpu.memory_space<vmem_shared>>
    tpu.enqueue_dma source(%arg14 : memref<50x128xf32, #tpu.memory_space<vmem>>) target(%dma_start3A_72 : memref<50x128xf32, #tpu.memory_space<vmem_shared>>) target_semaphore(%arg39 : memref<!tpu.dma_semaphore, #tpu.memory_space<semaphore_mem>>)
    %add3A_73 = arith.constant 100 : i32
    %add3A_74 = arith.addi %mul3A_60, %add3A_73 : i32
    %dma_start3A_75 = arith.constant 0 : i32
    %dma_start3A_76 = tpu.memref_slice %arg6[%add3A_74, %dma_start3A_75] : memref<10000x128xf32, #tpu.memory_space<vmem_shared>> -> memref<50x128xf32, #tpu.memory_space<vmem_shared>>
    %dma_start3A_77 = arith.constant 0 : i32
    %dma_start3A_78 = tpu.memref_slice %arg6[%add3A_74, %dma_start3A_77] : memref<10000x128xf32, #tpu.memory_space<vmem_shared>> -> memref<50x128xf32, #tpu.memory_space<vmem_shared>>
    tpu.enqueue_dma source(%arg14 : memref<50x128xf32, #tpu.memory_space<vmem>>) target(%dma_start3A_78 : memref<50x128xf32, #tpu.memory_space<vmem_shared>>) target_semaphore(%arg39 : memref<!tpu.dma_semaphore, #tpu.memory_space<semaphore_mem>>)
    %add3A_79 = arith.constant 150 : i32
    %add3A_80 = arith.addi %mul3A_60, %add3A_79 : i32
    %dma_start3A_81 = arith.constant 0 : i32
    %dma_start3A_82 = tpu.memref_slice %arg6[%add3A_80, %dma_start3A_81] : memref<10000x128xf32, #tpu.memory_space<vmem_shared>> -> memref<50x128xf32, #tpu.memory_space<vmem_shared>>
    %dma_start3A_83 = arith.constant 0 : i32
    %dma_start3A_84 = tpu.memref_slice %arg6[%add3A_80, %dma_start3A_83] : memref<10000x128xf32, #tpu.memory_space<vmem_shared>> -> memref<50x128xf32, #tpu.memory_space<vmem_shared>>
    tpu.enqueue_dma source(%arg14 : memref<50x128xf32, #tpu.memory_space<vmem>>) target(%dma_start3A_84 : memref<50x128xf32, #tpu.memory_space<vmem_shared>>) target_semaphore(%arg39 : memref<!tpu.dma_semaphore, #tpu.memory_space<semaphore_mem>>)
    %add3A_85 = arith.constant 200 : i32
    %add3A_86 = arith.addi %mul3A_60, %add3A_85 : i32
    %dma_start3A_87 = arith.constant 0 : i32
    %dma_start3A_88 = tpu.memref_slice %arg6[%add3A_86, %dma_start3A_87] : memref<10000x128xf32, #tpu.memory_space<vmem_shared>> -> memref<50x128xf32, #tpu.memory_space<vmem_shared>>
    %dma_start3A_89 = arith.constant 0 : i32
    %dma_start3A_90 = tpu.memref_slice %arg6[%add3A_86, %dma_start3A_89] : memref<10000x128xf32, #tpu.memory_space<vmem_shared>> -> memref<50x128xf32, #tpu.memory_space<vmem_shared>>
    tpu.enqueue_dma source(%arg14 : memref<50x128xf32, #tpu.memory_space<vmem>>) target(%dma_start3A_90 : memref<50x128xf32, #tpu.memory_space<vmem_shared>>) target_semaphore(%arg39 : memref<!tpu.dma_semaphore, #tpu.memory_space<semaphore_mem>>)
    %add3A_91 = arith.constant 250 : i32
    %add3A_92 = arith.addi %mul3A_60, %add3A_91 : i32
    %dma_start3A_93 = arith.constant 0 : i32
    %dma_start3A_94 = tpu.memref_slice %arg6[%add3A_92, %dma_start3A_93] : memref<10000x128xf32, #tpu.memory_space<vmem_shared>> -> memref<50x128xf32, #tpu.memory_space<vmem_shared>>
    %dma_start3A_95 = arith.constant 0 : i32
    %dma_start3A_96 = tpu.memref_slice %arg6[%add3A_92, %dma_start3A_95] : memref<10000x128xf32, #tpu.memory_space<vmem_shared>> -> memref<50x128xf32, #tpu.memory_space<vmem_shared>>
    tpu.enqueue_dma source(%arg14 : memref<50x128xf32, #tpu.memory_space<vmem>>) target(%dma_start3A_96 : memref<50x128xf32, #tpu.memory_space<vmem_shared>>) target_semaphore(%arg39 : memref<!tpu.dma_semaphore, #tpu.memory_space<semaphore_mem>>)
    %add3A_97 = arith.constant 300 : i32
    %add3A_98 = arith.addi %mul3A_60, %add3A_97 : i32
    %dma_start3A_99 = arith.constant 0 : i32
    %dma_start3A_100 = tpu.memref_slice %arg6[%add3A_98, %dma_start3A_99] : memref<10000x128xf32, #tpu.memory_space<vmem_shared>> -> memref<50x128xf32, #tpu.memory_space<vmem_shared>>
    %dma_start3A_101 = arith.constant 0 : i32
    %dma_start3A_102 = tpu.memref_slice %arg6[%add3A_98, %dma_start3A_101] : memref<10000x128xf32, #tpu.memory_space<vmem_shared>> -> memref<50x128xf32, #tpu.memory_space<vmem_shared>>
    tpu.enqueue_dma source(%arg14 : memref<50x128xf32, #tpu.memory_space<vmem>>) target(%dma_start3A_102 : memref<50x128xf32, #tpu.memory_space<vmem_shared>>) target_semaphore(%arg39 : memref<!tpu.dma_semaphore, #tpu.memory_space<semaphore_mem>>)
    %add3A_103 = arith.constant 350 : i32
    %add3A_104 = arith.addi %mul3A_60, %add3A_103 : i32
    %dma_start3A_105 = arith.constant 0 : i32
    %dma_start3A_106 = tpu.memref_slice %arg6[%add3A_104, %dma_start3A_105] : memref<10000x128xf32, #tpu.memory_space<vmem_shared>> -> memref<50x128xf32, #tpu.memory_space<vmem_shared>>
    %dma_start3A_107 = arith.constant 0 : i32
    %dma_start3A_108 = tpu.memref_slice %arg6[%add3A_104, %dma_start3A_107] : memref<10000x128xf32, #tpu.memory_space<vmem_shared>> -> memref<50x128xf32, #tpu.memory_space<vmem_shared>>
    tpu.enqueue_dma source(%arg14 : memref<50x128xf32, #tpu.memory_space<vmem>>) target(%dma_start3A_108 : memref<50x128xf32, #tpu.memory_space<vmem_shared>>) target_semaphore(%arg39 : memref<!tpu.dma_semaphore, #tpu.memory_space<semaphore_mem>>)
    %add3A_109 = arith.constant 400 : i32
    %add3A_110 = arith.addi %mul3A_60, %add3A_109 : i32
    %dma_start3A_111 = arith.constant 0 : i32
    %dma_start3A_112 = tpu.memref_slice %arg6[%add3A_110, %dma_start3A_111] : memref<10000x128xf32, #tpu.memory_space<vmem_shared>> -> memref<50x128xf32, #tpu.memory_space<vmem_shared>>
    %dma_start3A_113 = arith.constant 0 : i32
    %dma_start3A_114 = tpu.memref_slice %arg6[%add3A_110, %dma_start3A_113] : memref<10000x128xf32, #tpu.memory_space<vmem_shared>> -> memref<50x128xf32, #tpu.memory_space<vmem_shared>>
    tpu.enqueue_dma source(%arg14 : memref<50x128xf32, #tpu.memory_space<vmem>>) target(%dma_start3A_114 : memref<50x128xf32, #tpu.memory_space<vmem_shared>>) target_semaphore(%arg39 : memref<!tpu.dma_semaphore, #tpu.memory_space<semaphore_mem>>)
    %add3A_115 = arith.constant 450 : i32
    %add3A_116 = arith.addi %mul3A_60, %add3A_115 : i32
    %dma_start3A_117 = arith.constant 0 : i32
    %dma_start3A_118 = tpu.memref_slice %arg6[%add3A_116, %dma_start3A_117] : memref<10000x128xf32, #tpu.memory_space<vmem_shared>> -> memref<50x128xf32, #tpu.memory_space<vmem_shared>>
    %dma_start3A_119 = arith.constant 0 : i32
    %dma_start3A_120 = tpu.memref_slice %arg6[%add3A_116, %dma_start3A_119] : memref<10000x128xf32, #tpu.memory_space<vmem_shared>> -> memref<50x128xf32, #tpu.memory_space<vmem_shared>>
    tpu.enqueue_dma source(%arg14 : memref<50x128xf32, #tpu.memory_space<vmem>>) target(%dma_start3A_120 : memref<50x128xf32, #tpu.memory_space<vmem_shared>>) target_semaphore(%arg39 : memref<!tpu.dma_semaphore, #tpu.memory_space<semaphore_mem>>)
    %add3A_121 = arith.constant 500 : i32
    %add3A_122 = arith.addi %mul3A_60, %add3A_121 : i32
    %dma_start3A_123 = arith.constant 0 : i32
    %dma_start3A_124 = tpu.memref_slice %arg6[%add3A_122, %dma_start3A_123] : memref<10000x128xf32, #tpu.memory_space<vmem_shared>> -> memref<50x128xf32, #tpu.memory_space<vmem_shared>>
    %dma_start3A_125 = arith.constant 0 : i32
    %dma_start3A_126 = tpu.memref_slice %arg6[%add3A_122, %dma_start3A_125] : memref<10000x128xf32, #tpu.memory_space<vmem_shared>> -> memref<50x128xf32, #tpu.memory_space<vmem_shared>>
    tpu.enqueue_dma source(%arg14 : memref<50x128xf32, #tpu.memory_space<vmem>>) target(%dma_start3A_126 : memref<50x128xf32, #tpu.memory_space<vmem_shared>>) target_semaphore(%arg39 : memref<!tpu.dma_semaphore, #tpu.memory_space<semaphore_mem>>)
    %add3A_127 = arith.constant 550 : i32
    %add3A_128 = arith.addi %mul3A_60, %add3A_127 : i32
    %dma_start3A_129 = arith.constant 0 : i32
    %dma_start3A_130 = tpu.memref_slice %arg6[%add3A_128, %dma_start3A_129] : memref<10000x128xf32, #tpu.memory_space<vmem_shared>> -> memref<50x128xf32, #tpu.memory_space<vmem_shared>>
    %dma_start3A_131 = arith.constant 0 : i32
    %dma_start3A_132 = tpu.memref_slice %arg6[%add3A_128, %dma_start3A_131] : memref<10000x128xf32, #tpu.memory_space<vmem_shared>> -> memref<50x128xf32, #tpu.memory_space<vmem_shared>>
    tpu.enqueue_dma source(%arg14 : memref<50x128xf32, #tpu.memory_space<vmem>>) target(%dma_start3A_132 : memref<50x128xf32, #tpu.memory_space<vmem_shared>>) target_semaphore(%arg39 : memref<!tpu.dma_semaphore, #tpu.memory_space<semaphore_mem>>)
    %add3A_133 = arith.constant 600 : i32
    %add3A_134 = arith.addi %mul3A_60, %add3A_133 : i32
    %dma_start3A_135 = arith.constant 0 : i32
    %dma_start3A_136 = arith.constant 0 : i32
    %dma_start3A_137 = tpu.memref_slice %arg14[%dma_start3A_135, %dma_start3A_136] : memref<50x128xf32, #tpu.memory_space<vmem>> -> memref<25x128xf32, #tpu.memory_space<vmem>>
    %dma_start3A_138 = arith.constant 0 : i32
    %dma_start3A_139 = tpu.memref_slice %arg6[%add3A_134, %dma_start3A_138] : memref<10000x128xf32, #tpu.memory_space<vmem_shared>> -> memref<25x128xf32, #tpu.memory_space<vmem_shared>>
    %dma_start3A_140 = arith.constant 0 : i32
    %dma_start3A_141 = tpu.memref_slice %arg6[%add3A_134, %dma_start3A_140] : memref<10000x128xf32, #tpu.memory_space<vmem_shared>> -> memref<25x128xf32, #tpu.memory_space<vmem_shared>>
    %dma_start3A_142 = arith.constant 0 : i32
    %dma_start3A_143 = arith.constant 0 : i32
    %dma_start3A_144 = tpu.memref_slice %arg14[%dma_start3A_142, %dma_start3A_143] : memref<50x128xf32, #tpu.memory_space<vmem>> -> memref<25x128xf32, #tpu.memory_space<vmem>>
    tpu.enqueue_dma source(%dma_start3A_144 : memref<25x128xf32, #tpu.memory_space<vmem>>) target(%dma_start3A_141 : memref<25x128xf32, #tpu.memory_space<vmem_shared>>) target_semaphore(%arg39 : memref<!tpu.dma_semaphore, #tpu.memory_space<semaphore_mem>>)
    %dma_wait3A = arith.constant 0 : i32
    %dma_wait3A_145 = tpu.memref_slice %arg3[%mul3A_2, %dma_wait3A] : memref<6400x50xi32, #tpu.memory_space<hbm>> -> memref<200x50xi32, #tpu.memory_space<hbm>>
    %dma_wait3A_146 = arith.constant 0 : i32
    %dma_wait3A_147 = tpu.memref_slice %arg3[%mul3A_2, %dma_wait3A_146] : memref<6400x50xi32, #tpu.memory_space<hbm>> -> memref<200x50xi32, #tpu.memory_space<hbm>>
    tpu.wait_dma2 semaphore(%arg38 : memref<!tpu.dma_semaphore, #tpu.memory_space<semaphore_mem>>) src(%dma_wait3A_147 : memref<200x50xi32, #tpu.memory_space<hbm>>) dst(%arg7 : memref<200x50xi32, #tpu.memory_space<vmem>>)
    %dma_start3A_148 = arith.constant 1 : i32
    %dma_start3A_149 = arith.constant 0 : i32
    %dma_start3A_150 = tpu.memref_slice %arg7[%dma_start3A_148, %dma_start3A_149] : memref<200x50xi32, #tpu.memory_space<vmem>> -> memref<1x50xi32, #tpu.memory_space<vmem>>
    %dma_start3A_151 = tpu.memref_squeeze %dma_start3A_150 : memref<1x50xi32, #tpu.memory_space<vmem>> -> memref<50xi32, #tpu.memory_space<vmem>>
    %dma_start3A_152 = arith.constant 0 : i32
    %dma_start3A_153 = arith.constant 0 : i32
    %dma_start3A_154 = tpu.memref_slice %arg2[%dma_start3A_152, %dma_start3A_153] : memref<10000x128xf32, #tpu.memory_space<hbm>> -> memref<10000x128xf32, #tpu.memory_space<hbm>>
    tpu.enqueue_indirect_dma source(%dma_start3A_154 : memref<10000x128xf32, #tpu.memory_space<hbm>>) target(%arg15 : memref<50x128xf32, #tpu.memory_space<vmem>>) offsets(%dma_start3A_151 : memref<50xi32, #tpu.memory_space<vmem>>) semaphore(%arg27 : memref<!tpu.dma_semaphore, #tpu.memory_space<semaphore_mem>>)
    %dma_start3A_155 = arith.constant 2 : i32
    %dma_start3A_156 = arith.constant 0 : i32
    %dma_start3A_157 = tpu.memref_slice %arg7[%dma_start3A_155, %dma_start3A_156] : memref<200x50xi32, #tpu.memory_space<vmem>> -> memref<1x50xi32, #tpu.memory_space<vmem>>
    %dma_start3A_158 = tpu.memref_squeeze %dma_start3A_157 : memref<1x50xi32, #tpu.memory_space<vmem>> -> memref<50xi32, #tpu.memory_space<vmem>>
    %dma_start3A_159 = arith.constant 0 : i32
    %dma_start3A_160 = arith.constant 0 : i32
    %dma_start3A_161 = tpu.memref_slice %arg2[%dma_start3A_159, %dma_start3A_160] : memref<10000x128xf32, #tpu.memory_space<hbm>> -> memref<10000x128xf32, #tpu.memory_space<hbm>>
    tpu.enqueue_indirect_dma source(%dma_start3A_161 : memref<10000x128xf32, #tpu.memory_space<hbm>>) target(%arg16 : memref<50x128xf32, #tpu.memory_space<vmem>>) offsets(%dma_start3A_158 : memref<50xi32, #tpu.memory_space<vmem>>) semaphore(%arg28 : memref<!tpu.dma_semaphore, #tpu.memory_space<semaphore_mem>>)
    %dma_start3A_162 = arith.constant 3 : i32
    %dma_start3A_163 = arith.constant 0 : i32
    %dma_start3A_164 = tpu.memref_slice %arg7[%dma_start3A_162, %dma_start3A_163] : memref<200x50xi32, #tpu.memory_space<vmem>> -> memref<1x50xi32, #tpu.memory_space<vmem>>
    %dma_start3A_165 = tpu.memref_squeeze %dma_start3A_164 : memref<1x50xi32, #tpu.memory_space<vmem>> -> memref<50xi32, #tpu.memory_space<vmem>>
    %dma_start3A_166 = arith.constant 0 : i32
    %dma_start3A_167 = arith.constant 0 : i32
    %dma_start3A_168 = tpu.memref_slice %arg2[%dma_start3A_166, %dma_start3A_167] : memref<10000x128xf32, #tpu.memory_space<hbm>> -> memref<10000x128xf32, #tpu.memory_space<hbm>>
    tpu.enqueue_indirect_dma source(%dma_start3A_168 : memref<10000x128xf32, #tpu.memory_space<hbm>>) target(%arg17 : memref<50x128xf32, #tpu.memory_space<vmem>>) offsets(%dma_start3A_165 : memref<50xi32, #tpu.memory_space<vmem>>) semaphore(%arg29 : memref<!tpu.dma_semaphore, #tpu.memory_space<semaphore_mem>>)
    %dma_start3A_169 = arith.constant 4 : i32
    %dma_start3A_170 = arith.constant 0 : i32
    %dma_start3A_171 = tpu.memref_slice %arg7[%dma_start3A_169, %dma_start3A_170] : memref<200x50xi32, #tpu.memory_space<vmem>> -> memref<1x50xi32, #tpu.memory_space<vmem>>
    %dma_start3A_172 = tpu.memref_squeeze %dma_start3A_171 : memref<1x50xi32, #tpu.memory_space<vmem>> -> memref<50xi32, #tpu.memory_space<vmem>>
    %dma_start3A_173 = arith.constant 0 : i32
    %dma_start3A_174 = arith.constant 0 : i32
    %dma_start3A_175 = tpu.memref_slice %arg2[%dma_start3A_173, %dma_start3A_174] : memref<10000x128xf32, #tpu.memory_space<hbm>> -> memref<10000x128xf32, #tpu.memory_space<hbm>>
    tpu.enqueue_indirect_dma source(%dma_start3A_175 : memref<10000x128xf32, #tpu.memory_space<hbm>>) target(%arg18 : memref<50x128xf32, #tpu.memory_space<vmem>>) offsets(%dma_start3A_172 : memref<50xi32, #tpu.memory_space<vmem>>) semaphore(%arg30 : memref<!tpu.dma_semaphore, #tpu.memory_space<semaphore_mem>>)
    %dma_start3A_176 = arith.constant 5 : i32
    %dma_start3A_177 = arith.constant 0 : i32
    %dma_start3A_178 = tpu.memref_slice %arg7[%dma_start3A_176, %dma_start3A_177] : memref<200x50xi32, #tpu.memory_space<vmem>> -> memref<1x50xi32, #tpu.memory_space<vmem>>
    %dma_start3A_179 = tpu.memref_squeeze %dma_start3A_178 : memref<1x50xi32, #tpu.memory_space<vmem>> -> memref<50xi32, #tpu.memory_space<vmem>>
    %dma_start3A_180 = arith.constant 0 : i32
    %dma_start3A_181 = arith.constant 0 : i32
    %dma_start3A_182 = tpu.memref_slice %arg2[%dma_start3A_180, %dma_start3A_181] : memref<10000x128xf32, #tpu.memory_space<hbm>> -> memref<10000x128xf32, #tpu.memory_space<hbm>>
    tpu.enqueue_indirect_dma source(%dma_start3A_182 : memref<10000x128xf32, #tpu.memory_space<hbm>>) target(%arg19 : memref<50x128xf32, #tpu.memory_space<vmem>>) offsets(%dma_start3A_179 : memref<50xi32, #tpu.memory_space<vmem>>) semaphore(%arg31 : memref<!tpu.dma_semaphore, #tpu.memory_space<semaphore_mem>>)
    %dma_wait3A_183 = arith.constant 0 : i32
    %dma_wait3A_184 = tpu.memref_slice %arg6[%add3A_62, %dma_wait3A_183] : memref<10000x128xf32, #tpu.memory_space<vmem_shared>> -> memref<50x128xf32, #tpu.memory_space<vmem_shared>>
    %dma_wait3A_185 = arith.constant 0 : i32
    %dma_wait3A_186 = tpu.memref_slice %arg6[%add3A_62, %dma_wait3A_185] : memref<10000x128xf32, #tpu.memory_space<vmem_shared>> -> memref<50x128xf32, #tpu.memory_space<vmem_shared>>
    tpu.wait_dma2 semaphore(%arg39 : memref<!tpu.dma_semaphore, #tpu.memory_space<semaphore_mem>>) src(%arg14 : memref<50x128xf32, #tpu.memory_space<vmem>>) dst(%dma_wait3A_186 : memref<50x128xf32, #tpu.memory_space<vmem_shared>>)
    %dma_wait3A_187 = arith.constant 0 : i32
    %dma_wait3A_188 = tpu.memref_slice %arg6[%add3A_68, %dma_wait3A_187] : memref<10000x128xf32, #tpu.memory_space<vmem_shared>> -> memref<50x128xf32, #tpu.memory_space<vmem_shared>>
    %dma_wait3A_189 = arith.constant 0 : i32
    %dma_wait3A_190 = tpu.memref_slice %arg6[%add3A_68, %dma_wait3A_189] : memref<10000x128xf32, #tpu.memory_space<vmem_shared>> -> memref<50x128xf32, #tpu.memory_space<vmem_shared>>
    tpu.wait_dma2 semaphore(%arg39 : memref<!tpu.dma_semaphore, #tpu.memory_space<semaphore_mem>>) src(%arg14 : memref<50x128xf32, #tpu.memory_space<vmem>>) dst(%dma_wait3A_190 : memref<50x128xf32, #tpu.memory_space<vmem_shared>>)
    %dma_wait3A_191 = arith.constant 0 : i32
    %dma_wait3A_192 = tpu.memref_slice %arg6[%add3A_74, %dma_wait3A_191] : memref<10000x128xf32, #tpu.memory_space<vmem_shared>> -> memref<50x128xf32, #tpu.memory_space<vmem_shared>>
    %dma_wait3A_193 = arith.constant 0 : i32
    %dma_wait3A_194 = tpu.memref_slice %arg6[%add3A_74, %dma_wait3A_193] : memref<10000x128xf32, #tpu.memory_space<vmem_shared>> -> memref<50x128xf32, #tpu.memory_space<vmem_shared>>
    tpu.wait_dma2 semaphore(%arg39 : memref<!tpu.dma_semaphore, #tpu.memory_space<semaphore_mem>>) src(%arg14 : memref<50x128xf32, #tpu.memory_space<vmem>>) dst(%dma_wait3A_194 : memref<50x128xf32, #tpu.memory_space<vmem_shared>>)
    %dma_wait3A_195 = arith.constant 0 : i32
    %dma_wait3A_196 = tpu.memref_slice %arg6[%add3A_80, %dma_wait3A_195] : memref<10000x128xf32, #tpu.memory_space<vmem_shared>> -> memref<50x128xf32, #tpu.memory_space<vmem_shared>>
    %dma_wait3A_197 = arith.constant 0 : i32
    %dma_wait3A_198 = tpu.memref_slice %arg6[%add3A_80, %dma_wait3A_197] : memref<10000x128xf32, #tpu.memory_space<vmem_shared>> -> memref<50x128xf32, #tpu.memory_space<vmem_shared>>
    tpu.wait_dma2 semaphore(%arg39 : memref<!tpu.dma_semaphore, #tpu.memory_space<semaphore_mem>>) src(%arg14 : memref<50x128xf32, #tpu.memory_space<vmem>>) dst(%dma_wait3A_198 : memref<50x128xf32, #tpu.memory_space<vmem_shared>>)
    %dma_wait3A_199 = arith.constant 0 : i32
    %dma_wait3A_200 = tpu.memref_slice %arg6[%add3A_86, %dma_wait3A_199] : memref<10000x128xf32, #tpu.memory_space<vmem_shared>> -> memref<50x128xf32, #tpu.memory_space<vmem_shared>>
    %dma_wait3A_201 = arith.constant 0 : i32
    %dma_wait3A_202 = tpu.memref_slice %arg6[%add3A_86, %dma_wait3A_201] : memref<10000x128xf32, #tpu.memory_space<vmem_shared>> -> memref<50x128xf32, #tpu.memory_space<vmem_shared>>
    tpu.wait_dma2 semaphore(%arg39 : memref<!tpu.dma_semaphore, #tpu.memory_space<semaphore_mem>>) src(%arg14 : memref<50x128xf32, #tpu.memory_space<vmem>>) dst(%dma_wait3A_202 : memref<50x128xf32, #tpu.memory_space<vmem_shared>>)
    %dma_wait3A_203 = arith.constant 0 : i32
    %dma_wait3A_204 = tpu.memref_slice %arg6[%add3A_92, %dma_wait3A_203] : memref<10000x128xf32, #tpu.memory_space<vmem_shared>> -> memref<50x128xf32, #tpu.memory_space<vmem_shared>>
    %dma_wait3A_205 = arith.constant 0 : i32
    %dma_wait3A_206 = tpu.memref_slice %arg6[%add3A_92, %dma_wait3A_205] : memref<10000x128xf32, #tpu.memory_space<vmem_shared>> -> memref<50x128xf32, #tpu.memory_space<vmem_shared>>
    tpu.wait_dma2 semaphore(%arg39 : memref<!tpu.dma_semaphore, #tpu.memory_space<semaphore_mem>>) src(%arg14 : memref<50x128xf32, #tpu.memory_space<vmem>>) dst(%dma_wait3A_206 : memref<50x128xf32, #tpu.memory_space<vmem_shared>>)
    %dma_wait3A_207 = arith.constant 0 : i32
    %dma_wait3A_208 = tpu.memref_slice %arg6[%add3A_98, %dma_wait3A_207] : memref<10000x128xf32, #tpu.memory_space<vmem_shared>> -> memref<50x128xf32, #tpu.memory_space<vmem_shared>>
    %dma_wait3A_209 = arith.constant 0 : i32
    %dma_wait3A_210 = tpu.memref_slice %arg6[%add3A_98, %dma_wait3A_209] : memref<10000x128xf32, #tpu.memory_space<vmem_shared>> -> memref<50x128xf32, #tpu.memory_space<vmem_shared>>
    tpu.wait_dma2 semaphore(%arg39 : memref<!tpu.dma_semaphore, #tpu.memory_space<semaphore_mem>>) src(%arg14 : memref<50x128xf32, #tpu.memory_space<vmem>>) dst(%dma_wait3A_210 : memref<50x128xf32, #tpu.memory_space<vmem_shared>>)
    %dma_wait3A_211 = arith.constant 0 : i32
    %dma_wait3A_212 = tpu.memref_slice %arg6[%add3A_104, %dma_wait3A_211] : memref<10000x128xf32, #tpu.memory_space<vmem_shared>> -> memref<50x128xf32, #tpu.memory_space<vmem_shared>>
    %dma_wait3A_213 = arith.constant 0 : i32
    %dma_wait3A_214 = tpu.memref_slice %arg6[%add3A_104, %dma_wait3A_213] : memref<10000x128xf32, #tpu.memory_space<vmem_shared>> -> memref<50x128xf32, #tpu.memory_space<vmem_shared>>
    tpu.wait_dma2 semaphore(%arg39 : memref<!tpu.dma_semaphore, #tpu.memory_space<semaphore_mem>>) src(%arg14 : memref<50x128xf32, #tpu.memory_space<vmem>>) dst(%dma_wait3A_214 : memref<50x128xf32, #tpu.memory_space<vmem_shared>>)
    %dma_wait3A_215 = arith.constant 0 : i32
    %dma_wait3A_216 = tpu.memref_slice %arg6[%add3A_110, %dma_wait3A_215] : memref<10000x128xf32, #tpu.memory_space<vmem_shared>> -> memref<50x128xf32, #tpu.memory_space<vmem_shared>>
    %dma_wait3A_217 = arith.constant 0 : i32
    %dma_wait3A_218 = tpu.memref_slice %arg6[%add3A_110, %dma_wait3A_217] : memref<10000x128xf32, #tpu.memory_space<vmem_shared>> -> memref<50x128xf32, #tpu.memory_space<vmem_shared>>
    tpu.wait_dma2 semaphore(%arg39 : memref<!tpu.dma_semaphore, #tpu.memory_space<semaphore_mem>>) src(%arg14 : memref<50x128xf32, #tpu.memory_space<vmem>>) dst(%dma_wait3A_218 : memref<50x128xf32, #tpu.memory_space<vmem_shared>>)
    %dma_wait3A_219 = arith.constant 0 : i32
    %dma_wait3A_220 = tpu.memref_slice %arg6[%add3A_116, %dma_wait3A_219] : memref<10000x128xf32, #tpu.memory_space<vmem_shared>> -> memref<50x128xf32, #tpu.memory_space<vmem_shared>>
    %dma_wait3A_221 = arith.constant 0 : i32
    %dma_wait3A_222 = tpu.memref_slice %arg6[%add3A_116, %dma_wait3A_221] : memref<10000x128xf32, #tpu.memory_space<vmem_shared>> -> memref<50x128xf32, #tpu.memory_space<vmem_shared>>
    tpu.wait_dma2 semaphore(%arg39 : memref<!tpu.dma_semaphore, #tpu.memory_space<semaphore_mem>>) src(%arg14 : memref<50x128xf32, #tpu.memory_space<vmem>>) dst(%dma_wait3A_222 : memref<50x128xf32, #tpu.memory_space<vmem_shared>>)
    %dma_wait3A_223 = arith.constant 0 : i32
    %dma_wait3A_224 = tpu.memref_slice %arg6[%add3A_122, %dma_wait3A_223] : memref<10000x128xf32, #tpu.memory_space<vmem_shared>> -> memref<50x128xf32, #tpu.memory_space<vmem_shared>>
    %dma_wait3A_225 = arith.constant 0 : i32
    %dma_wait3A_226 = tpu.memref_slice %arg6[%add3A_122, %dma_wait3A_225] : memref<10000x128xf32, #tpu.memory_space<vmem_shared>> -> memref<50x128xf32, #tpu.memory_space<vmem_shared>>
    tpu.wait_dma2 semaphore(%arg39 : memref<!tpu.dma_semaphore, #tpu.memory_space<semaphore_mem>>) src(%arg14 : memref<50x128xf32, #tpu.memory_space<vmem>>) dst(%dma_wait3A_226 : memref<50x128xf32, #tpu.memory_space<vmem_shared>>)
    %dma_wait3A_227 = arith.constant 0 : i32
    %dma_wait3A_228 = tpu.memref_slice %arg6[%add3A_128, %dma_wait3A_227] : memref<10000x128xf32, #tpu.memory_space<vmem_shared>> -> memref<50x128xf32, #tpu.memory_space<vmem_shared>>
    %dma_wait3A_229 = arith.constant 0 : i32
    %dma_wait3A_230 = tpu.memref_slice %arg6[%add3A_128, %dma_wait3A_229] : memref<10000x128xf32, #tpu.memory_space<vmem_shared>> -> memref<50x128xf32, #tpu.memory_space<vmem_shared>>
    tpu.wait_dma2 semaphore(%arg39 : memref<!tpu.dma_semaphore, #tpu.memory_space<semaphore_mem>>) src(%arg14 : memref<50x128xf32, #tpu.memory_space<vmem>>) dst(%dma_wait3A_230 : memref<50x128xf32, #tpu.memory_space<vmem_shared>>)
    %dma_wait3A_231 = arith.constant 0 : i32
    %dma_wait3A_232 = arith.constant 0 : i32
    %dma_wait3A_233 = tpu.memref_slice %arg14[%dma_wait3A_231, %dma_wait3A_232] : memref<50x128xf32, #tpu.memory_space<vmem>> -> memref<25x128xf32, #tpu.memory_space<vmem>>
    %dma_wait3A_234 = arith.constant 0 : i32
    %dma_wait3A_235 = tpu.memref_slice %arg6[%add3A_134, %dma_wait3A_234] : memref<10000x128xf32, #tpu.memory_space<vmem_shared>> -> memref<25x128xf32, #tpu.memory_space<vmem_shared>>
    %dma_wait3A_236 = arith.constant 0 : i32
    %dma_wait3A_237 = tpu.memref_slice %arg6[%add3A_134, %dma_wait3A_236] : memref<10000x128xf32, #tpu.memory_space<vmem_shared>> -> memref<25x128xf32, #tpu.memory_space<vmem_shared>>
    %dma_wait3A_238 = arith.constant 0 : i32
    %dma_wait3A_239 = arith.constant 0 : i32
    %dma_wait3A_240 = tpu.memref_slice %arg14[%dma_wait3A_238, %dma_wait3A_239] : memref<50x128xf32, #tpu.memory_space<vmem>> -> memref<25x128xf32, #tpu.memory_space<vmem>>
    tpu.wait_dma2 semaphore(%arg39 : memref<!tpu.dma_semaphore, #tpu.memory_space<semaphore_mem>>) src(%dma_wait3A_240 : memref<25x128xf32, #tpu.memory_space<vmem>>) dst(%dma_wait3A_237 : memref<25x128xf32, #tpu.memory_space<vmem_shared>>)
    %dma_start3A_241 = arith.constant 0 : i32
    %dma_start3A_242 = arith.constant 0 : i32
    %dma_start3A_243 = tpu.memref_slice %arg7[%dma_start3A_241, %dma_start3A_242] : memref<200x50xi32, #tpu.memory_space<vmem>> -> memref<1x50xi32, #tpu.memory_space<vmem>>
    %dma_start3A_244 = tpu.memref_squeeze %dma_start3A_243 : memref<1x50xi32, #tpu.memory_space<vmem>> -> memref<50xi32, #tpu.memory_space<vmem>>
    %dma_start3A_245 = arith.constant 0 : i32
    %dma_start3A_246 = arith.constant 0 : i32
    %dma_start3A_247 = tpu.memref_slice %arg2[%dma_start3A_245, %dma_start3A_246] : memref<10000x128xf32, #tpu.memory_space<hbm>> -> memref<10000x128xf32, #tpu.memory_space<hbm>>
    tpu.enqueue_indirect_dma source(%dma_start3A_247 : memref<10000x128xf32, #tpu.memory_space<hbm>>) target(%arg14 : memref<50x128xf32, #tpu.memory_space<vmem>>) offsets(%dma_start3A_244 : memref<50xi32, #tpu.memory_space<vmem>>) semaphore(%arg26 : memref<!tpu.dma_semaphore, #tpu.memory_space<semaphore_mem>>)
    %barrier3A = arith.constant 0 : index
    tpu.barrier barrier_id(%barrier3A)
    %scan3A_248 = arith.constant 0 : i32
    %scan3A_249 = arith.constant 0 : i32
    %scan3A_250 = arith.constant 33 : i32
    %scan3A_251 = arith.addi %scan3A_249, %scan3A_250 : i32
    %scan3A_252 = arith.constant 1 : i32
    scf.for %scan3A_309 = %scan3A_249 to %scan3A_251 step %scan3A_252  : i32 {
      %mul3A_310 = arith.constant 6 : i32
      %mul3A_311 = arith.muli %scan3A_309, %mul3A_310 : i32
      %add3A_312 = arith.constant 0 : i32
      %add3A_313 = arith.addi %mul3A_311, %add3A_312 : i32
      %dma_wait3A_314 = arith.constant 0 : i32
      %dma_wait3A_315 = tpu.memref_slice %arg7[%add3A_313, %dma_wait3A_314] : memref<200x50xi32, #tpu.memory_space<vmem>> -> memref<1x50xi32, #tpu.memory_space<vmem>>
      %dma_wait3A_316 = tpu.memref_squeeze %dma_wait3A_315 : memref<1x50xi32, #tpu.memory_space<vmem>> -> memref<50xi32, #tpu.memory_space<vmem>>
      %dma_wait3A_317 = arith.constant 0 : i32
      %dma_wait3A_318 = arith.constant 0 : i32
      %dma_wait3A_319 = tpu.memref_slice %arg2[%dma_wait3A_317, %dma_wait3A_318] : memref<10000x128xf32, #tpu.memory_space<hbm>> -> memref<10000x128xf32, #tpu.memory_space<hbm>>
      tpu.wait_indirect_dma semaphore(%arg26 : memref<!tpu.dma_semaphore, #tpu.memory_space<semaphore_mem>>) src(%dma_wait3A_319 : memref<10000x128xf32, #tpu.memory_space<hbm>>) dst(%arg14 : memref<50x128xf32, #tpu.memory_space<vmem>>)
      %add3A_320 = arith.constant 0 : i32
      %add3A_321 = arith.addi %mul3A_311, %add3A_320 : i32
      %add3A_322 = arith.addi %mul3A_2, %add3A_321 : i32
      %dma_wait3A_323 = arith.constant 0 : i32
      %dma_wait3A_324 = tpu.memref_slice %arg4[%add3A_322, %dma_wait3A_323] : memref<6400x50xi32, #tpu.memory_space<hbm>> -> memref<1x50xi32, #tpu.memory_space<hbm>>
      %dma_wait3A_325 = tpu.memref_squeeze %dma_wait3A_324 : memref<1x50xi32, #tpu.memory_space<hbm>> -> memref<50xi32, #tpu.memory_space<hbm>>
      %dma_wait3A_326 = arith.constant 0 : i32
      %dma_wait3A_327 = tpu.memref_slice %arg4[%add3A_322, %dma_wait3A_326] : memref<6400x50xi32, #tpu.memory_space<hbm>> -> memref<1x50xi32, #tpu.memory_space<hbm>>
      %dma_wait3A_328 = tpu.memref_squeeze %dma_wait3A_327 : memref<1x50xi32, #tpu.memory_space<hbm>> -> memref<50xi32, #tpu.memory_space<hbm>>
      tpu.wait_dma2 semaphore(%arg20 : memref<!tpu.dma_semaphore, #tpu.memory_space<semaphore_mem>>) src(%dma_wait3A_328 : memref<50xi32, #tpu.memory_space<hbm>>) dst(%arg8 : memref<50xi32, #tpu.memory_space<vmem>>)
      %dma_start3A_329 = arith.constant 0 : i32
      %dma_start3A_330 = arith.constant 0 : i32
      %dma_start3A_331 = tpu.memref_slice %arg6[%dma_start3A_329, %dma_start3A_330] : memref<10000x128xf32, #tpu.memory_space<vmem_shared>> -> memref<10000x128xf32, #tpu.memory_space<vmem_shared>>
      tpu.enqueue_indirect_dma source(%arg14 : memref<50x128xf32, #tpu.memory_space<vmem>>) target(%dma_start3A_331 : memref<10000x128xf32, #tpu.memory_space<vmem_shared>>) offsets(%arg8 : memref<50xi32, #tpu.memory_space<vmem>>) semaphore(%arg32 : memref<!tpu.dma_semaphore, #tpu.memory_space<semaphore_mem>>) {add = true}
      %add3A_332 = arith.constant 1 : i32
      %add3A_333 = arith.addi %mul3A_311, %add3A_332 : i32
      %dma_wait3A_334 = arith.constant 0 : i32
      %dma_wait3A_335 = tpu.memref_slice %arg7[%add3A_333, %dma_wait3A_334] : memref<200x50xi32, #tpu.memory_space<vmem>> -> memref<1x50xi32, #tpu.memory_space<vmem>>
      %dma_wait3A_336 = tpu.memref_squeeze %dma_wait3A_335 : memref<1x50xi32, #tpu.memory_space<vmem>> -> memref<50xi32, #tpu.memory_space<vmem>>
      %dma_wait3A_337 = arith.constant 0 : i32
      %dma_wait3A_338 = arith.constant 0 : i32
      %dma_wait3A_339 = tpu.memref_slice %arg2[%dma_wait3A_337, %dma_wait3A_338] : memref<10000x128xf32, #tpu.memory_space<hbm>> -> memref<10000x128xf32, #tpu.memory_space<hbm>>
      tpu.wait_indirect_dma semaphore(%arg27 : memref<!tpu.dma_semaphore, #tpu.memory_space<semaphore_mem>>) src(%dma_wait3A_339 : memref<10000x128xf32, #tpu.memory_space<hbm>>) dst(%arg15 : memref<50x128xf32, #tpu.memory_space<vmem>>)
      %add3A_340 = arith.constant 1 : i32
      %add3A_341 = arith.addi %mul3A_311, %add3A_340 : i32
      %add3A_342 = arith.addi %mul3A_2, %add3A_341 : i32
      %dma_wait3A_343 = arith.constant 0 : i32
      %dma_wait3A_344 = tpu.memref_slice %arg4[%add3A_342, %dma_wait3A_343] : memref<6400x50xi32, #tpu.memory_space<hbm>> -> memref<1x50xi32, #tpu.memory_space<hbm>>
      %dma_wait3A_345 = tpu.memref_squeeze %dma_wait3A_344 : memref<1x50xi32, #tpu.memory_space<hbm>> -> memref<50xi32, #tpu.memory_space<hbm>>
      %dma_wait3A_346 = arith.constant 0 : i32
      %dma_wait3A_347 = tpu.memref_slice %arg4[%add3A_342, %dma_wait3A_346] : memref<6400x50xi32, #tpu.memory_space<hbm>> -> memref<1x50xi32, #tpu.memory_space<hbm>>
      %dma_wait3A_348 = tpu.memref_squeeze %dma_wait3A_347 : memref<1x50xi32, #tpu.memory_space<hbm>> -> memref<50xi32, #tpu.memory_space<hbm>>
      tpu.wait_dma2 semaphore(%arg21 : memref<!tpu.dma_semaphore, #tpu.memory_space<semaphore_mem>>) src(%dma_wait3A_348 : memref<50xi32, #tpu.memory_space<hbm>>) dst(%arg9 : memref<50xi32, #tpu.memory_space<vmem>>)
      %dma_start3A_349 = arith.constant 0 : i32
      %dma_start3A_350 = arith.constant 0 : i32
      %dma_start3A_351 = tpu.memref_slice %arg6[%dma_start3A_349, %dma_start3A_350] : memref<10000x128xf32, #tpu.memory_space<vmem_shared>> -> memref<10000x128xf32, #tpu.memory_space<vmem_shared>>
      tpu.enqueue_indirect_dma source(%arg15 : memref<50x128xf32, #tpu.memory_space<vmem>>) target(%dma_start3A_351 : memref<10000x128xf32, #tpu.memory_space<vmem_shared>>) offsets(%arg9 : memref<50xi32, #tpu.memory_space<vmem>>) semaphore(%arg33 : memref<!tpu.dma_semaphore, #tpu.memory_space<semaphore_mem>>) {add = true}
      %add3A_352 = arith.constant 2 : i32
      %add3A_353 = arith.addi %mul3A_311, %add3A_352 : i32
      %dma_wait3A_354 = arith.constant 0 : i32
      %dma_wait3A_355 = tpu.memref_slice %arg7[%add3A_353, %dma_wait3A_354] : memref<200x50xi32, #tpu.memory_space<vmem>> -> memref<1x50xi32, #tpu.memory_space<vmem>>
      %dma_wait3A_356 = tpu.memref_squeeze %dma_wait3A_355 : memref<1x50xi32, #tpu.memory_space<vmem>> -> memref<50xi32, #tpu.memory_space<vmem>>
      %dma_wait3A_357 = arith.constant 0 : i32
      %dma_wait3A_358 = arith.constant 0 : i32
      %dma_wait3A_359 = tpu.memref_slice %arg2[%dma_wait3A_357, %dma_wait3A_358] : memref<10000x128xf32, #tpu.memory_space<hbm>> -> memref<10000x128xf32, #tpu.memory_space<hbm>>
      tpu.wait_indirect_dma semaphore(%arg28 : memref<!tpu.dma_semaphore, #tpu.memory_space<semaphore_mem>>) src(%dma_wait3A_359 : memref<10000x128xf32, #tpu.memory_space<hbm>>) dst(%arg16 : memref<50x128xf32, #tpu.memory_space<vmem>>)
      %add3A_360 = arith.constant 2 : i32
      %add3A_361 = arith.addi %mul3A_311, %add3A_360 : i32
      %add3A_362 = arith.addi %mul3A_2, %add3A_361 : i32
      %dma_wait3A_363 = arith.constant 0 : i32
      %dma_wait3A_364 = tpu.memref_slice %arg4[%add3A_362, %dma_wait3A_363] : memref<6400x50xi32, #tpu.memory_space<hbm>> -> memref<1x50xi32, #tpu.memory_space<hbm>>
      %dma_wait3A_365 = tpu.memref_squeeze %dma_wait3A_364 : memref<1x50xi32, #tpu.memory_space<hbm>> -> memref<50xi32, #tpu.memory_space<hbm>>
      %dma_wait3A_366 = arith.constant 0 : i32
      %dma_wait3A_367 = tpu.memref_slice %arg4[%add3A_362, %dma_wait3A_366] : memref<6400x50xi32, #tpu.memory_space<hbm>> -> memref<1x50xi32, #tpu.memory_space<hbm>>
      %dma_wait3A_368 = tpu.memref_squeeze %dma_wait3A_367 : memref<1x50xi32, #tpu.memory_space<hbm>> -> memref<50xi32, #tpu.memory_space<hbm>>
      tpu.wait_dma2 semaphore(%arg22 : memref<!tpu.dma_semaphore, #tpu.memory_space<semaphore_mem>>) src(%dma_wait3A_368 : memref<50xi32, #tpu.memory_space<hbm>>) dst(%arg10 : memref<50xi32, #tpu.memory_space<vmem>>)
      %dma_start3A_369 = arith.constant 0 : i32
      %dma_start3A_370 = arith.constant 0 : i32
      %dma_start3A_371 = tpu.memref_slice %arg6[%dma_start3A_369, %dma_start3A_370] : memref<10000x128xf32, #tpu.memory_space<vmem_shared>> -> memref<10000x128xf32, #tpu.memory_space<vmem_shared>>
      tpu.enqueue_indirect_dma source(%arg16 : memref<50x128xf32, #tpu.memory_space<vmem>>) target(%dma_start3A_371 : memref<10000x128xf32, #tpu.memory_space<vmem_shared>>) offsets(%arg10 : memref<50xi32, #tpu.memory_space<vmem>>) semaphore(%arg34 : memref<!tpu.dma_semaphore, #tpu.memory_space<semaphore_mem>>) {add = true}
      %add3A_372 = arith.constant 3 : i32
      %add3A_373 = arith.addi %mul3A_311, %add3A_372 : i32
      %dma_wait3A_374 = arith.constant 0 : i32
      %dma_wait3A_375 = tpu.memref_slice %arg7[%add3A_373, %dma_wait3A_374] : memref<200x50xi32, #tpu.memory_space<vmem>> -> memref<1x50xi32, #tpu.memory_space<vmem>>
      %dma_wait3A_376 = tpu.memref_squeeze %dma_wait3A_375 : memref<1x50xi32, #tpu.memory_space<vmem>> -> memref<50xi32, #tpu.memory_space<vmem>>
      %dma_wait3A_377 = arith.constant 0 : i32
      %dma_wait3A_378 = arith.constant 0 : i32
      %dma_wait3A_379 = tpu.memref_slice %arg2[%dma_wait3A_377, %dma_wait3A_378] : memref<10000x128xf32, #tpu.memory_space<hbm>> -> memref<10000x128xf32, #tpu.memory_space<hbm>>
      tpu.wait_indirect_dma semaphore(%arg29 : memref<!tpu.dma_semaphore, #tpu.memory_space<semaphore_mem>>) src(%dma_wait3A_379 : memref<10000x128xf32, #tpu.memory_space<hbm>>) dst(%arg17 : memref<50x128xf32, #tpu.memory_space<vmem>>)
      %add3A_380 = arith.constant 3 : i32
      %add3A_381 = arith.addi %mul3A_311, %add3A_380 : i32
      %add3A_382 = arith.addi %mul3A_2, %add3A_381 : i32
      %dma_wait3A_383 = arith.constant 0 : i32
      %dma_wait3A_384 = tpu.memref_slice %arg4[%add3A_382, %dma_wait3A_383] : memref<6400x50xi32, #tpu.memory_space<hbm>> -> memref<1x50xi32, #tpu.memory_space<hbm>>
      %dma_wait3A_385 = tpu.memref_squeeze %dma_wait3A_384 : memref<1x50xi32, #tpu.memory_space<hbm>> -> memref<50xi32, #tpu.memory_space<hbm>>
      %dma_wait3A_386 = arith.constant 0 : i32
      %dma_wait3A_387 = tpu.memref_slice %arg4[%add3A_382, %dma_wait3A_386] : memref<6400x50xi32, #tpu.memory_space<hbm>> -> memref<1x50xi32, #tpu.memory_space<hbm>>
      %dma_wait3A_388 = tpu.memref_squeeze %dma_wait3A_387 : memref<1x50xi32, #tpu.memory_space<hbm>> -> memref<50xi32, #tpu.memory_space<hbm>>
      tpu.wait_dma2 semaphore(%arg23 : memref<!tpu.dma_semaphore, #tpu.memory_space<semaphore_mem>>) src(%dma_wait3A_388 : memref<50xi32, #tpu.memory_space<hbm>>) dst(%arg11 : memref<50xi32, #tpu.memory_space<vmem>>)
      %dma_start3A_389 = arith.constant 0 : i32
      %dma_start3A_390 = arith.constant 0 : i32
      %dma_start3A_391 = tpu.memref_slice %arg6[%dma_start3A_389, %dma_start3A_390] : memref<10000x128xf32, #tpu.memory_space<vmem_shared>> -> memref<10000x128xf32, #tpu.memory_space<vmem_shared>>
      tpu.enqueue_indirect_dma source(%arg17 : memref<50x128xf32, #tpu.memory_space<vmem>>) target(%dma_start3A_391 : memref<10000x128xf32, #tpu.memory_space<vmem_shared>>) offsets(%arg11 : memref<50xi32, #tpu.memory_space<vmem>>) semaphore(%arg35 : memref<!tpu.dma_semaphore, #tpu.memory_space<semaphore_mem>>) {add = true}
      %add3A_392 = arith.constant 4 : i32
      %add3A_393 = arith.addi %mul3A_311, %add3A_392 : i32
      %dma_wait3A_394 = arith.constant 0 : i32
      %dma_wait3A_395 = tpu.memref_slice %arg7[%add3A_393, %dma_wait3A_394] : memref<200x50xi32, #tpu.memory_space<vmem>> -> memref<1x50xi32, #tpu.memory_space<vmem>>
      %dma_wait3A_396 = tpu.memref_squeeze %dma_wait3A_395 : memref<1x50xi32, #tpu.memory_space<vmem>> -> memref<50xi32, #tpu.memory_space<vmem>>
      %dma_wait3A_397 = arith.constant 0 : i32
      %dma_wait3A_398 = arith.constant 0 : i32
      %dma_wait3A_399 = tpu.memref_slice %arg2[%dma_wait3A_397, %dma_wait3A_398] : memref<10000x128xf32, #tpu.memory_space<hbm>> -> memref<10000x128xf32, #tpu.memory_space<hbm>>
      tpu.wait_indirect_dma semaphore(%arg30 : memref<!tpu.dma_semaphore, #tpu.memory_space<semaphore_mem>>) src(%dma_wait3A_399 : memref<10000x128xf32, #tpu.memory_space<hbm>>) dst(%arg18 : memref<50x128xf32, #tpu.memory_space<vmem>>)
      %add3A_400 = arith.constant 4 : i32
      %add3A_401 = arith.addi %mul3A_311, %add3A_400 : i32
      %add3A_402 = arith.addi %mul3A_2, %add3A_401 : i32
      %dma_wait3A_403 = arith.constant 0 : i32
      %dma_wait3A_404 = tpu.memref_slice %arg4[%add3A_402, %dma_wait3A_403] : memref<6400x50xi32, #tpu.memory_space<hbm>> -> memref<1x50xi32, #tpu.memory_space<hbm>>
      %dma_wait3A_405 = tpu.memref_squeeze %dma_wait3A_404 : memref<1x50xi32, #tpu.memory_space<hbm>> -> memref<50xi32, #tpu.memory_space<hbm>>
      %dma_wait3A_406 = arith.constant 0 : i32
      %dma_wait3A_407 = tpu.memref_slice %arg4[%add3A_402, %dma_wait3A_406] : memref<6400x50xi32, #tpu.memory_space<hbm>> -> memref<1x50xi32, #tpu.memory_space<hbm>>
      %dma_wait3A_408 = tpu.memref_squeeze %dma_wait3A_407 : memref<1x50xi32, #tpu.memory_space<hbm>> -> memref<50xi32, #tpu.memory_space<hbm>>
      tpu.wait_dma2 semaphore(%arg24 : memref<!tpu.dma_semaphore, #tpu.memory_space<semaphore_mem>>) src(%dma_wait3A_408 : memref<50xi32, #tpu.memory_space<hbm>>) dst(%arg12 : memref<50xi32, #tpu.memory_space<vmem>>)
      %dma_start3A_409 = arith.constant 0 : i32
      %dma_start3A_410 = arith.constant 0 : i32
      %dma_start3A_411 = tpu.memref_slice %arg6[%dma_start3A_409, %dma_start3A_410] : memref<10000x128xf32, #tpu.memory_space<vmem_shared>> -> memref<10000x128xf32, #tpu.memory_space<vmem_shared>>
      tpu.enqueue_indirect_dma source(%arg18 : memref<50x128xf32, #tpu.memory_space<vmem>>) target(%dma_start3A_411 : memref<10000x128xf32, #tpu.memory_space<vmem_shared>>) offsets(%arg12 : memref<50xi32, #tpu.memory_space<vmem>>) semaphore(%arg36 : memref<!tpu.dma_semaphore, #tpu.memory_space<semaphore_mem>>) {add = true}
      %add3A_412 = arith.constant 5 : i32
      %add3A_413 = arith.addi %mul3A_311, %add3A_412 : i32
      %dma_wait3A_414 = arith.constant 0 : i32
      %dma_wait3A_415 = tpu.memref_slice %arg7[%add3A_413, %dma_wait3A_414] : memref<200x50xi32, #tpu.memory_space<vmem>> -> memref<1x50xi32, #tpu.memory_space<vmem>>
      %dma_wait3A_416 = tpu.memref_squeeze %dma_wait3A_415 : memref<1x50xi32, #tpu.memory_space<vmem>> -> memref<50xi32, #tpu.memory_space<vmem>>
      %dma_wait3A_417 = arith.constant 0 : i32
      %dma_wait3A_418 = arith.constant 0 : i32
      %dma_wait3A_419 = tpu.memref_slice %arg2[%dma_wait3A_417, %dma_wait3A_418] : memref<10000x128xf32, #tpu.memory_space<hbm>> -> memref<10000x128xf32, #tpu.memory_space<hbm>>
      tpu.wait_indirect_dma semaphore(%arg31 : memref<!tpu.dma_semaphore, #tpu.memory_space<semaphore_mem>>) src(%dma_wait3A_419 : memref<10000x128xf32, #tpu.memory_space<hbm>>) dst(%arg19 : memref<50x128xf32, #tpu.memory_space<vmem>>)
      %add3A_420 = arith.constant 5 : i32
      %add3A_421 = arith.addi %mul3A_311, %add3A_420 : i32
      %add3A_422 = arith.addi %mul3A_2, %add3A_421 : i32
      %dma_wait3A_423 = arith.constant 0 : i32
      %dma_wait3A_424 = tpu.memref_slice %arg4[%add3A_422, %dma_wait3A_423] : memref<6400x50xi32, #tpu.memory_space<hbm>> -> memref<1x50xi32, #tpu.memory_space<hbm>>
      %dma_wait3A_425 = tpu.memref_squeeze %dma_wait3A_424 : memref<1x50xi32, #tpu.memory_space<hbm>> -> memref<50xi32, #tpu.memory_space<hbm>>
      %dma_wait3A_426 = arith.constant 0 : i32
      %dma_wait3A_427 = tpu.memref_slice %arg4[%add3A_422, %dma_wait3A_426] : memref<6400x50xi32, #tpu.memory_space<hbm>> -> memref<1x50xi32, #tpu.memory_space<hbm>>
      %dma_wait3A_428 = tpu.memref_squeeze %dma_wait3A_427 : memref<1x50xi32, #tpu.memory_space<hbm>> -> memref<50xi32, #tpu.memory_space<hbm>>
      tpu.wait_dma2 semaphore(%arg25 : memref<!tpu.dma_semaphore, #tpu.memory_space<semaphore_mem>>) src(%dma_wait3A_428 : memref<50xi32, #tpu.memory_space<hbm>>) dst(%arg13 : memref<50xi32, #tpu.memory_space<vmem>>)
      %dma_start3A_429 = arith.constant 0 : i32
      %dma_start3A_430 = arith.constant 0 : i32
      %dma_start3A_431 = tpu.memref_slice %arg6[%dma_start3A_429, %dma_start3A_430] : memref<10000x128xf32, #tpu.memory_space<vmem_shared>> -> memref<10000x128xf32, #tpu.memory_space<vmem_shared>>
      tpu.enqueue_indirect_dma source(%arg19 : memref<50x128xf32, #tpu.memory_space<vmem>>) target(%dma_start3A_431 : memref<10000x128xf32, #tpu.memory_space<vmem_shared>>) offsets(%arg13 : memref<50xi32, #tpu.memory_space<vmem>>) semaphore(%arg37 : memref<!tpu.dma_semaphore, #tpu.memory_space<semaphore_mem>>) {add = true}
      %add3A_432 = arith.constant 6 : i32
      %add3A_433 = arith.addi %mul3A_311, %add3A_432 : i32
      %add3A_434 = arith.constant 0 : i32
      %add3A_435 = arith.addi %add3A_433, %add3A_434 : i32
      %lt3A = arith.constant 200 : i32
      %lt3A_436 = arith.cmpi slt, %add3A_435, %lt3A : i32
      %convert_element_type3A = arith.extui %lt3A_436 : i1 to i32
      %cond3A = arith.constant 0 : i32
      %cond3A_437 = arith.cmpi ne, %convert_element_type3A, %cond3A : i32
      scf.if %cond3A_437 {
        %dma_wait3A_483 = arith.constant 0 : i32
        %dma_wait3A_484 = arith.constant 0 : i32
        %dma_wait3A_485 = tpu.memref_slice %arg6[%dma_wait3A_483, %dma_wait3A_484] : memref<10000x128xf32, #tpu.memory_space<vmem_shared>> -> memref<10000x128xf32, #tpu.memory_space<vmem_shared>>
        tpu.wait_indirect_dma semaphore(%arg32 : memref<!tpu.dma_semaphore, #tpu.memory_space<semaphore_mem>>) src(%arg14 : memref<50x128xf32, #tpu.memory_space<vmem>>) dst(%dma_wait3A_485 : memref<10000x128xf32, #tpu.memory_space<vmem_shared>>)
        %add3A_486 = arith.addi %mul3A_2, %add3A_435 : i32
        %dma_start3A_487 = arith.constant 0 : i32
        %dma_start3A_488 = tpu.memref_slice %arg4[%add3A_486, %dma_start3A_487] : memref<6400x50xi32, #tpu.memory_space<hbm>> -> memref<1x50xi32, #tpu.memory_space<hbm>>
        %dma_start3A_489 = tpu.memref_squeeze %dma_start3A_488 : memref<1x50xi32, #tpu.memory_space<hbm>> -> memref<50xi32, #tpu.memory_space<hbm>>
        %dma_start3A_490 = arith.constant 0 : i32
        %dma_start3A_491 = tpu.memref_slice %arg4[%add3A_486, %dma_start3A_490] : memref<6400x50xi32, #tpu.memory_space<hbm>> -> memref<1x50xi32, #tpu.memory_space<hbm>>
        %dma_start3A_492 = tpu.memref_squeeze %dma_start3A_491 : memref<1x50xi32, #tpu.memory_space<hbm>> -> memref<50xi32, #tpu.memory_space<hbm>>
        tpu.enqueue_dma source(%dma_start3A_492 : memref<50xi32, #tpu.memory_space<hbm>>) target(%arg8 : memref<50xi32, #tpu.memory_space<vmem>>) target_semaphore(%arg20 : memref<!tpu.dma_semaphore, #tpu.memory_space<semaphore_mem>>)
        %dma_start3A_493 = arith.constant 0 : i32
        %dma_start3A_494 = tpu.memref_slice %arg7[%add3A_435, %dma_start3A_493] : memref<200x50xi32, #tpu.memory_space<vmem>> -> memref<1x50xi32, #tpu.memory_space<vmem>>
        %dma_start3A_495 = tpu.memref_squeeze %dma_start3A_494 : memref<1x50xi32, #tpu.memory_space<vmem>> -> memref<50xi32, #tpu.memory_space<vmem>>
        %dma_start3A_496 = arith.constant 0 : i32
        %dma_start3A_497 = arith.constant 0 : i32
        %dma_start3A_498 = tpu.memref_slice %arg2[%dma_start3A_496, %dma_start3A_497] : memref<10000x128xf32, #tpu.memory_space<hbm>> -> memref<10000x128xf32, #tpu.memory_space<hbm>>
        tpu.enqueue_indirect_dma source(%dma_start3A_498 : memref<10000x128xf32, #tpu.memory_space<hbm>>) target(%arg14 : memref<50x128xf32, #tpu.memory_space<vmem>>) offsets(%dma_start3A_495 : memref<50xi32, #tpu.memory_space<vmem>>) semaphore(%arg26 : memref<!tpu.dma_semaphore, #tpu.memory_space<semaphore_mem>>)
      } else {
      }
      %add3A_438 = arith.constant 6 : i32
      %add3A_439 = arith.addi %mul3A_311, %add3A_438 : i32
      %add3A_440 = arith.constant 1 : i32
      %add3A_441 = arith.addi %add3A_439, %add3A_440 : i32
      %lt3A_442 = arith.constant 200 : i32
      %lt3A_443 = arith.cmpi slt, %add3A_441, %lt3A_442 : i32
      %convert_element_type3A_444 = arith.extui %lt3A_443 : i1 to i32
      %cond3A_445 = arith.constant 0 : i32
      %cond3A_446 = arith.cmpi ne, %convert_element_type3A_444, %cond3A_445 : i32
      scf.if %cond3A_446 {
        %dma_wait3A_483 = arith.constant 0 : i32
        %dma_wait3A_484 = arith.constant 0 : i32
        %dma_wait3A_485 = tpu.memref_slice %arg6[%dma_wait3A_483, %dma_wait3A_484] : memref<10000x128xf32, #tpu.memory_space<vmem_shared>> -> memref<10000x128xf32, #tpu.memory_space<vmem_shared>>
        tpu.wait_indirect_dma semaphore(%arg33 : memref<!tpu.dma_semaphore, #tpu.memory_space<semaphore_mem>>) src(%arg15 : memref<50x128xf32, #tpu.memory_space<vmem>>) dst(%dma_wait3A_485 : memref<10000x128xf32, #tpu.memory_space<vmem_shared>>)
        %add3A_486 = arith.addi %mul3A_2, %add3A_441 : i32
        %dma_start3A_487 = arith.constant 0 : i32
        %dma_start3A_488 = tpu.memref_slice %arg4[%add3A_486, %dma_start3A_487] : memref<6400x50xi32, #tpu.memory_space<hbm>> -> memref<1x50xi32, #tpu.memory_space<hbm>>
        %dma_start3A_489 = tpu.memref_squeeze %dma_start3A_488 : memref<1x50xi32, #tpu.memory_space<hbm>> -> memref<50xi32, #tpu.memory_space<hbm>>
        %dma_start3A_490 = arith.constant 0 : i32
        %dma_start3A_491 = tpu.memref_slice %arg4[%add3A_486, %dma_start3A_490] : memref<6400x50xi32, #tpu.memory_space<hbm>> -> memref<1x50xi32, #tpu.memory_space<hbm>>
        %dma_start3A_492 = tpu.memref_squeeze %dma_start3A_491 : memref<1x50xi32, #tpu.memory_space<hbm>> -> memref<50xi32, #tpu.memory_space<hbm>>
        tpu.enqueue_dma source(%dma_start3A_492 : memref<50xi32, #tpu.memory_space<hbm>>) target(%arg9 : memref<50xi32, #tpu.memory_space<vmem>>) target_semaphore(%arg21 : memref<!tpu.dma_semaphore, #tpu.memory_space<semaphore_mem>>)
        %dma_start3A_493 = arith.constant 0 : i32
        %dma_start3A_494 = tpu.memref_slice %arg7[%add3A_441, %dma_start3A_493] : memref<200x50xi32, #tpu.memory_space<vmem>> -> memref<1x50xi32, #tpu.memory_space<vmem>>
        %dma_start3A_495 = tpu.memref_squeeze %dma_start3A_494 : memref<1x50xi32, #tpu.memory_space<vmem>> -> memref<50xi32, #tpu.memory_space<vmem>>
        %dma_start3A_496 = arith.constant 0 : i32
        %dma_start3A_497 = arith.constant 0 : i32
        %dma_start3A_498 = tpu.memref_slice %arg2[%dma_start3A_496, %dma_start3A_497] : memref<10000x128xf32, #tpu.memory_space<hbm>> -> memref<10000x128xf32, #tpu.memory_space<hbm>>
        tpu.enqueue_indirect_dma source(%dma_start3A_498 : memref<10000x128xf32, #tpu.memory_space<hbm>>) target(%arg15 : memref<50x128xf32, #tpu.memory_space<vmem>>) offsets(%dma_start3A_495 : memref<50xi32, #tpu.memory_space<vmem>>) semaphore(%arg27 : memref<!tpu.dma_semaphore, #tpu.memory_space<semaphore_mem>>)
      } else {
      }
      %add3A_447 = arith.constant 6 : i32
      %add3A_448 = arith.addi %mul3A_311, %add3A_447 : i32
      %add3A_449 = arith.constant 2 : i32
      %add3A_450 = arith.addi %add3A_448, %add3A_449 : i32
      %lt3A_451 = arith.constant 200 : i32
      %lt3A_452 = arith.cmpi slt, %add3A_450, %lt3A_451 : i32
      %convert_element_type3A_453 = arith.extui %lt3A_452 : i1 to i32
      %cond3A_454 = arith.constant 0 : i32
      %cond3A_455 = arith.cmpi ne, %convert_element_type3A_453, %cond3A_454 : i32
      scf.if %cond3A_455 {
        %dma_wait3A_483 = arith.constant 0 : i32
        %dma_wait3A_484 = arith.constant 0 : i32
        %dma_wait3A_485 = tpu.memref_slice %arg6[%dma_wait3A_483, %dma_wait3A_484] : memref<10000x128xf32, #tpu.memory_space<vmem_shared>> -> memref<10000x128xf32, #tpu.memory_space<vmem_shared>>
        tpu.wait_indirect_dma semaphore(%arg34 : memref<!tpu.dma_semaphore, #tpu.memory_space<semaphore_mem>>) src(%arg16 : memref<50x128xf32, #tpu.memory_space<vmem>>) dst(%dma_wait3A_485 : memref<10000x128xf32, #tpu.memory_space<vmem_shared>>)
        %add3A_486 = arith.addi %mul3A_2, %add3A_450 : i32
        %dma_start3A_487 = arith.constant 0 : i32
        %dma_start3A_488 = tpu.memref_slice %arg4[%add3A_486, %dma_start3A_487] : memref<6400x50xi32, #tpu.memory_space<hbm>> -> memref<1x50xi32, #tpu.memory_space<hbm>>
        %dma_start3A_489 = tpu.memref_squeeze %dma_start3A_488 : memref<1x50xi32, #tpu.memory_space<hbm>> -> memref<50xi32, #tpu.memory_space<hbm>>
        %dma_start3A_490 = arith.constant 0 : i32
        %dma_start3A_491 = tpu.memref_slice %arg4[%add3A_486, %dma_start3A_490] : memref<6400x50xi32, #tpu.memory_space<hbm>> -> memref<1x50xi32, #tpu.memory_space<hbm>>
        %dma_start3A_492 = tpu.memref_squeeze %dma_start3A_491 : memref<1x50xi32, #tpu.memory_space<hbm>> -> memref<50xi32, #tpu.memory_space<hbm>>
        tpu.enqueue_dma source(%dma_start3A_492 : memref<50xi32, #tpu.memory_space<hbm>>) target(%arg10 : memref<50xi32, #tpu.memory_space<vmem>>) target_semaphore(%arg22 : memref<!tpu.dma_semaphore, #tpu.memory_space<semaphore_mem>>)
        %dma_start3A_493 = arith.constant 0 : i32
        %dma_start3A_494 = tpu.memref_slice %arg7[%add3A_450, %dma_start3A_493] : memref<200x50xi32, #tpu.memory_space<vmem>> -> memref<1x50xi32, #tpu.memory_space<vmem>>
        %dma_start3A_495 = tpu.memref_squeeze %dma_start3A_494 : memref<1x50xi32, #tpu.memory_space<vmem>> -> memref<50xi32, #tpu.memory_space<vmem>>
        %dma_start3A_496 = arith.constant 0 : i32
        %dma_start3A_497 = arith.constant 0 : i32
        %dma_start3A_498 = tpu.memref_slice %arg2[%dma_start3A_496, %dma_start3A_497] : memref<10000x128xf32, #tpu.memory_space<hbm>> -> memref<10000x128xf32, #tpu.memory_space<hbm>>
        tpu.enqueue_indirect_dma source(%dma_start3A_498 : memref<10000x128xf32, #tpu.memory_space<hbm>>) target(%arg16 : memref<50x128xf32, #tpu.memory_space<vmem>>) offsets(%dma_start3A_495 : memref<50xi32, #tpu.memory_space<vmem>>) semaphore(%arg28 : memref<!tpu.dma_semaphore, #tpu.memory_space<semaphore_mem>>)
      } else {
      }
      %add3A_456 = arith.constant 6 : i32
      %add3A_457 = arith.addi %mul3A_311, %add3A_456 : i32
      %add3A_458 = arith.constant 3 : i32
      %add3A_459 = arith.addi %add3A_457, %add3A_458 : i32
      %lt3A_460 = arith.constant 200 : i32
      %lt3A_461 = arith.cmpi slt, %add3A_459, %lt3A_460 : i32
      %convert_element_type3A_462 = arith.extui %lt3A_461 : i1 to i32
      %cond3A_463 = arith.constant 0 : i32
      %cond3A_464 = arith.cmpi ne, %convert_element_type3A_462, %cond3A_463 : i32
      scf.if %cond3A_464 {
        %dma_wait3A_483 = arith.constant 0 : i32
        %dma_wait3A_484 = arith.constant 0 : i32
        %dma_wait3A_485 = tpu.memref_slice %arg6[%dma_wait3A_483, %dma_wait3A_484] : memref<10000x128xf32, #tpu.memory_space<vmem_shared>> -> memref<10000x128xf32, #tpu.memory_space<vmem_shared>>
        tpu.wait_indirect_dma semaphore(%arg35 : memref<!tpu.dma_semaphore, #tpu.memory_space<semaphore_mem>>) src(%arg17 : memref<50x128xf32, #tpu.memory_space<vmem>>) dst(%dma_wait3A_485 : memref<10000x128xf32, #tpu.memory_space<vmem_shared>>)
        %add3A_486 = arith.addi %mul3A_2, %add3A_459 : i32
        %dma_start3A_487 = arith.constant 0 : i32
        %dma_start3A_488 = tpu.memref_slice %arg4[%add3A_486, %dma_start3A_487] : memref<6400x50xi32, #tpu.memory_space<hbm>> -> memref<1x50xi32, #tpu.memory_space<hbm>>
        %dma_start3A_489 = tpu.memref_squeeze %dma_start3A_488 : memref<1x50xi32, #tpu.memory_space<hbm>> -> memref<50xi32, #tpu.memory_space<hbm>>
        %dma_start3A_490 = arith.constant 0 : i32
        %dma_start3A_491 = tpu.memref_slice %arg4[%add3A_486, %dma_start3A_490] : memref<6400x50xi32, #tpu.memory_space<hbm>> -> memref<1x50xi32, #tpu.memory_space<hbm>>
        %dma_start3A_492 = tpu.memref_squeeze %dma_start3A_491 : memref<1x50xi32, #tpu.memory_space<hbm>> -> memref<50xi32, #tpu.memory_space<hbm>>
        tpu.enqueue_dma source(%dma_start3A_492 : memref<50xi32, #tpu.memory_space<hbm>>) target(%arg11 : memref<50xi32, #tpu.memory_space<vmem>>) target_semaphore(%arg23 : memref<!tpu.dma_semaphore, #tpu.memory_space<semaphore_mem>>)
        %dma_start3A_493 = arith.constant 0 : i32
        %dma_start3A_494 = tpu.memref_slice %arg7[%add3A_459, %dma_start3A_493] : memref<200x50xi32, #tpu.memory_space<vmem>> -> memref<1x50xi32, #tpu.memory_space<vmem>>
        %dma_start3A_495 = tpu.memref_squeeze %dma_start3A_494 : memref<1x50xi32, #tpu.memory_space<vmem>> -> memref<50xi32, #tpu.memory_space<vmem>>
        %dma_start3A_496 = arith.constant 0 : i32
        %dma_start3A_497 = arith.constant 0 : i32
        %dma_start3A_498 = tpu.memref_slice %arg2[%dma_start3A_496, %dma_start3A_497] : memref<10000x128xf32, #tpu.memory_space<hbm>> -> memref<10000x128xf32, #tpu.memory_space<hbm>>
        tpu.enqueue_indirect_dma source(%dma_start3A_498 : memref<10000x128xf32, #tpu.memory_space<hbm>>) target(%arg17 : memref<50x128xf32, #tpu.memory_space<vmem>>) offsets(%dma_start3A_495 : memref<50xi32, #tpu.memory_space<vmem>>) semaphore(%arg29 : memref<!tpu.dma_semaphore, #tpu.memory_space<semaphore_mem>>)
      } else {
      }
      %add3A_465 = arith.constant 6 : i32
      %add3A_466 = arith.addi %mul3A_311, %add3A_465 : i32
      %add3A_467 = arith.constant 4 : i32
      %add3A_468 = arith.addi %add3A_466, %add3A_467 : i32
      %lt3A_469 = arith.constant 200 : i32
      %lt3A_470 = arith.cmpi slt, %add3A_468, %lt3A_469 : i32
      %convert_element_type3A_471 = arith.extui %lt3A_470 : i1 to i32
      %cond3A_472 = arith.constant 0 : i32
      %cond3A_473 = arith.cmpi ne, %convert_element_type3A_471, %cond3A_472 : i32
      scf.if %cond3A_473 {
        %dma_wait3A_483 = arith.constant 0 : i32
        %dma_wait3A_484 = arith.constant 0 : i32
        %dma_wait3A_485 = tpu.memref_slice %arg6[%dma_wait3A_483, %dma_wait3A_484] : memref<10000x128xf32, #tpu.memory_space<vmem_shared>> -> memref<10000x128xf32, #tpu.memory_space<vmem_shared>>
        tpu.wait_indirect_dma semaphore(%arg36 : memref<!tpu.dma_semaphore, #tpu.memory_space<semaphore_mem>>) src(%arg18 : memref<50x128xf32, #tpu.memory_space<vmem>>) dst(%dma_wait3A_485 : memref<10000x128xf32, #tpu.memory_space<vmem_shared>>)
        %add3A_486 = arith.addi %mul3A_2, %add3A_468 : i32
        %dma_start3A_487 = arith.constant 0 : i32
        %dma_start3A_488 = tpu.memref_slice %arg4[%add3A_486, %dma_start3A_487] : memref<6400x50xi32, #tpu.memory_space<hbm>> -> memref<1x50xi32, #tpu.memory_space<hbm>>
        %dma_start3A_489 = tpu.memref_squeeze %dma_start3A_488 : memref<1x50xi32, #tpu.memory_space<hbm>> -> memref<50xi32, #tpu.memory_space<hbm>>
        %dma_start3A_490 = arith.constant 0 : i32
        %dma_start3A_491 = tpu.memref_slice %arg4[%add3A_486, %dma_start3A_490] : memref<6400x50xi32, #tpu.memory_space<hbm>> -> memref<1x50xi32, #tpu.memory_space<hbm>>
        %dma_start3A_492 = tpu.memref_squeeze %dma_start3A_491 : memref<1x50xi32, #tpu.memory_space<hbm>> -> memref<50xi32, #tpu.memory_space<hbm>>
        tpu.enqueue_dma source(%dma_start3A_492 : memref<50xi32, #tpu.memory_space<hbm>>) target(%arg12 : memref<50xi32, #tpu.memory_space<vmem>>) target_semaphore(%arg24 : memref<!tpu.dma_semaphore, #tpu.memory_space<semaphore_mem>>)
        %dma_start3A_493 = arith.constant 0 : i32
        %dma_start3A_494 = tpu.memref_slice %arg7[%add3A_468, %dma_start3A_493] : memref<200x50xi32, #tpu.memory_space<vmem>> -> memref<1x50xi32, #tpu.memory_space<vmem>>
        %dma_start3A_495 = tpu.memref_squeeze %dma_start3A_494 : memref<1x50xi32, #tpu.memory_space<vmem>> -> memref<50xi32, #tpu.memory_space<vmem>>
        %dma_start3A_496 = arith.constant 0 : i32
        %dma_start3A_497 = arith.constant 0 : i32
        %dma_start3A_498 = tpu.memref_slice %arg2[%dma_start3A_496, %dma_start3A_497] : memref<10000x128xf32, #tpu.memory_space<hbm>> -> memref<10000x128xf32, #tpu.memory_space<hbm>>
        tpu.enqueue_indirect_dma source(%dma_start3A_498 : memref<10000x128xf32, #tpu.memory_space<hbm>>) target(%arg18 : memref<50x128xf32, #tpu.memory_space<vmem>>) offsets(%dma_start3A_495 : memref<50xi32, #tpu.memory_space<vmem>>) semaphore(%arg30 : memref<!tpu.dma_semaphore, #tpu.memory_space<semaphore_mem>>)
      } else {
      }
      %add3A_474 = arith.constant 6 : i32
      %add3A_475 = arith.addi %mul3A_311, %add3A_474 : i32
      %add3A_476 = arith.constant 5 : i32
      %add3A_477 = arith.addi %add3A_475, %add3A_476 : i32
      %lt3A_478 = arith.constant 200 : i32
      %lt3A_479 = arith.cmpi slt, %add3A_477, %lt3A_478 : i32
      %convert_element_type3A_480 = arith.extui %lt3A_479 : i1 to i32
      %cond3A_481 = arith.constant 0 : i32
      %cond3A_482 = arith.cmpi ne, %convert_element_type3A_480, %cond3A_481 : i32
      scf.if %cond3A_482 {
        %dma_wait3A_483 = arith.constant 0 : i32
        %dma_wait3A_484 = arith.constant 0 : i32
        %dma_wait3A_485 = tpu.memref_slice %arg6[%dma_wait3A_483, %dma_wait3A_484] : memref<10000x128xf32, #tpu.memory_space<vmem_shared>> -> memref<10000x128xf32, #tpu.memory_space<vmem_shared>>
        tpu.wait_indirect_dma semaphore(%arg37 : memref<!tpu.dma_semaphore, #tpu.memory_space<semaphore_mem>>) src(%arg19 : memref<50x128xf32, #tpu.memory_space<vmem>>) dst(%dma_wait3A_485 : memref<10000x128xf32, #tpu.memory_space<vmem_shared>>)
        %add3A_486 = arith.addi %mul3A_2, %add3A_477 : i32
        %dma_start3A_487 = arith.constant 0 : i32
        %dma_start3A_488 = tpu.memref_slice %arg4[%add3A_486, %dma_start3A_487] : memref<6400x50xi32, #tpu.memory_space<hbm>> -> memref<1x50xi32, #tpu.memory_space<hbm>>
        %dma_start3A_489 = tpu.memref_squeeze %dma_start3A_488 : memref<1x50xi32, #tpu.memory_space<hbm>> -> memref<50xi32, #tpu.memory_space<hbm>>
        %dma_start3A_490 = arith.constant 0 : i32
        %dma_start3A_491 = tpu.memref_slice %arg4[%add3A_486, %dma_start3A_490] : memref<6400x50xi32, #tpu.memory_space<hbm>> -> memref<1x50xi32, #tpu.memory_space<hbm>>
        %dma_start3A_492 = tpu.memref_squeeze %dma_start3A_491 : memref<1x50xi32, #tpu.memory_space<hbm>> -> memref<50xi32, #tpu.memory_space<hbm>>
        tpu.enqueue_dma source(%dma_start3A_492 : memref<50xi32, #tpu.memory_space<hbm>>) target(%arg13 : memref<50xi32, #tpu.memory_space<vmem>>) target_semaphore(%arg25 : memref<!tpu.dma_semaphore, #tpu.memory_space<semaphore_mem>>)
        %dma_start3A_493 = arith.constant 0 : i32
        %dma_start3A_494 = tpu.memref_slice %arg7[%add3A_477, %dma_start3A_493] : memref<200x50xi32, #tpu.memory_space<vmem>> -> memref<1x50xi32, #tpu.memory_space<vmem>>
        %dma_start3A_495 = tpu.memref_squeeze %dma_start3A_494 : memref<1x50xi32, #tpu.memory_space<vmem>> -> memref<50xi32, #tpu.memory_space<vmem>>
        %dma_start3A_496 = arith.constant 0 : i32
        %dma_start3A_497 = arith.constant 0 : i32
        %dma_start3A_498 = tpu.memref_slice %arg2[%dma_start3A_496, %dma_start3A_497] : memref<10000x128xf32, #tpu.memory_space<hbm>> -> memref<10000x128xf32, #tpu.memory_space<hbm>>
        tpu.enqueue_indirect_dma source(%dma_start3A_498 : memref<10000x128xf32, #tpu.memory_space<hbm>>) target(%arg19 : memref<50x128xf32, #tpu.memory_space<vmem>>) offsets(%dma_start3A_495 : memref<50xi32, #tpu.memory_space<vmem>>) semaphore(%arg31 : memref<!tpu.dma_semaphore, #tpu.memory_space<semaphore_mem>>)
      } else {
      }
    }
    %scan3A_253 = arith.constant 33 : i32
    %dma_wait3A_254 = arith.constant 198 : i32
    %dma_wait3A_255 = arith.constant 0 : i32
    %dma_wait3A_256 = tpu.memref_slice %arg7[%dma_wait3A_254, %dma_wait3A_255] : memref<200x50xi32, #tpu.memory_space<vmem>> -> memref<1x50xi32, #tpu.memory_space<vmem>>
    %dma_wait3A_257 = tpu.memref_squeeze %dma_wait3A_256 : memref<1x50xi32, #tpu.memory_space<vmem>> -> memref<50xi32, #tpu.memory_space<vmem>>
    %dma_wait3A_258 = arith.constant 0 : i32
    %dma_wait3A_259 = arith.constant 0 : i32
    %dma_wait3A_260 = tpu.memref_slice %arg2[%dma_wait3A_258, %dma_wait3A_259] : memref<10000x128xf32, #tpu.memory_space<hbm>> -> memref<10000x128xf32, #tpu.memory_space<hbm>>
    tpu.wait_indirect_dma semaphore(%arg26 : memref<!tpu.dma_semaphore, #tpu.memory_space<semaphore_mem>>) src(%dma_wait3A_260 : memref<10000x128xf32, #tpu.memory_space<hbm>>) dst(%arg14 : memref<50x128xf32, #tpu.memory_space<vmem>>)
    %add3A_261 = arith.constant 198 : i32
    %add3A_262 = arith.addi %mul3A_2, %add3A_261 : i32
    %dma_wait3A_263 = arith.constant 0 : i32
    %dma_wait3A_264 = tpu.memref_slice %arg4[%add3A_262, %dma_wait3A_263] : memref<6400x50xi32, #tpu.memory_space<hbm>> -> memref<1x50xi32, #tpu.memory_space<hbm>>
    %dma_wait3A_265 = tpu.memref_squeeze %dma_wait3A_264 : memref<1x50xi32, #tpu.memory_space<hbm>> -> memref<50xi32, #tpu.memory_space<hbm>>
    %dma_wait3A_266 = arith.constant 0 : i32
    %dma_wait3A_267 = tpu.memref_slice %arg4[%add3A_262, %dma_wait3A_266] : memref<6400x50xi32, #tpu.memory_space<hbm>> -> memref<1x50xi32, #tpu.memory_space<hbm>>
    %dma_wait3A_268 = tpu.memref_squeeze %dma_wait3A_267 : memref<1x50xi32, #tpu.memory_space<hbm>> -> memref<50xi32, #tpu.memory_space<hbm>>
    tpu.wait_dma2 semaphore(%arg20 : memref<!tpu.dma_semaphore, #tpu.memory_space<semaphore_mem>>) src(%dma_wait3A_268 : memref<50xi32, #tpu.memory_space<hbm>>) dst(%arg8 : memref<50xi32, #tpu.memory_space<vmem>>)
    %dma_start3A_269 = arith.constant 0 : i32
    %dma_start3A_270 = arith.constant 0 : i32
    %dma_start3A_271 = tpu.memref_slice %arg6[%dma_start3A_269, %dma_start3A_270] : memref<10000x128xf32, #tpu.memory_space<vmem_shared>> -> memref<10000x128xf32, #tpu.memory_space<vmem_shared>>
    tpu.enqueue_indirect_dma source(%arg14 : memref<50x128xf32, #tpu.memory_space<vmem>>) target(%dma_start3A_271 : memref<10000x128xf32, #tpu.memory_space<vmem_shared>>) offsets(%arg8 : memref<50xi32, #tpu.memory_space<vmem>>) semaphore(%arg32 : memref<!tpu.dma_semaphore, #tpu.memory_space<semaphore_mem>>) {add = true}
    %dma_wait3A_272 = arith.constant 199 : i32
    %dma_wait3A_273 = arith.constant 0 : i32
    %dma_wait3A_274 = tpu.memref_slice %arg7[%dma_wait3A_272, %dma_wait3A_273] : memref<200x50xi32, #tpu.memory_space<vmem>> -> memref<1x50xi32, #tpu.memory_space<vmem>>
    %dma_wait3A_275 = tpu.memref_squeeze %dma_wait3A_274 : memref<1x50xi32, #tpu.memory_space<vmem>> -> memref<50xi32, #tpu.memory_space<vmem>>
    %dma_wait3A_276 = arith.constant 0 : i32
    %dma_wait3A_277 = arith.constant 0 : i32
    %dma_wait3A_278 = tpu.memref_slice %arg2[%dma_wait3A_276, %dma_wait3A_277] : memref<10000x128xf32, #tpu.memory_space<hbm>> -> memref<10000x128xf32, #tpu.memory_space<hbm>>
    tpu.wait_indirect_dma semaphore(%arg27 : memref<!tpu.dma_semaphore, #tpu.memory_space<semaphore_mem>>) src(%dma_wait3A_278 : memref<10000x128xf32, #tpu.memory_space<hbm>>) dst(%arg15 : memref<50x128xf32, #tpu.memory_space<vmem>>)
    %add3A_279 = arith.constant 199 : i32
    %add3A_280 = arith.addi %mul3A_2, %add3A_279 : i32
    %dma_wait3A_281 = arith.constant 0 : i32
    %dma_wait3A_282 = tpu.memref_slice %arg4[%add3A_280, %dma_wait3A_281] : memref<6400x50xi32, #tpu.memory_space<hbm>> -> memref<1x50xi32, #tpu.memory_space<hbm>>
    %dma_wait3A_283 = tpu.memref_squeeze %dma_wait3A_282 : memref<1x50xi32, #tpu.memory_space<hbm>> -> memref<50xi32, #tpu.memory_space<hbm>>
    %dma_wait3A_284 = arith.constant 0 : i32
    %dma_wait3A_285 = tpu.memref_slice %arg4[%add3A_280, %dma_wait3A_284] : memref<6400x50xi32, #tpu.memory_space<hbm>> -> memref<1x50xi32, #tpu.memory_space<hbm>>
    %dma_wait3A_286 = tpu.memref_squeeze %dma_wait3A_285 : memref<1x50xi32, #tpu.memory_space<hbm>> -> memref<50xi32, #tpu.memory_space<hbm>>
    tpu.wait_dma2 semaphore(%arg21 : memref<!tpu.dma_semaphore, #tpu.memory_space<semaphore_mem>>) src(%dma_wait3A_286 : memref<50xi32, #tpu.memory_space<hbm>>) dst(%arg9 : memref<50xi32, #tpu.memory_space<vmem>>)
    %dma_start3A_287 = arith.constant 0 : i32
    %dma_start3A_288 = arith.constant 0 : i32
    %dma_start3A_289 = tpu.memref_slice %arg6[%dma_start3A_287, %dma_start3A_288] : memref<10000x128xf32, #tpu.memory_space<vmem_shared>> -> memref<10000x128xf32, #tpu.memory_space<vmem_shared>>
    tpu.enqueue_indirect_dma source(%arg15 : memref<50x128xf32, #tpu.memory_space<vmem>>) target(%dma_start3A_289 : memref<10000x128xf32, #tpu.memory_space<vmem_shared>>) offsets(%arg9 : memref<50xi32, #tpu.memory_space<vmem>>) semaphore(%arg33 : memref<!tpu.dma_semaphore, #tpu.memory_space<semaphore_mem>>) {add = true}
    %dma_wait3A_290 = arith.constant 0 : i32
    %dma_wait3A_291 = arith.constant 0 : i32
    %dma_wait3A_292 = tpu.memref_slice %arg6[%dma_wait3A_290, %dma_wait3A_291] : memref<10000x128xf32, #tpu.memory_space<vmem_shared>> -> memref<10000x128xf32, #tpu.memory_space<vmem_shared>>
    tpu.wait_indirect_dma semaphore(%arg32 : memref<!tpu.dma_semaphore, #tpu.memory_space<semaphore_mem>>) src(%arg14 : memref<50x128xf32, #tpu.memory_space<vmem>>) dst(%dma_wait3A_292 : memref<10000x128xf32, #tpu.memory_space<vmem_shared>>)
    %dma_wait3A_293 = arith.constant 0 : i32
    %dma_wait3A_294 = arith.constant 0 : i32
    %dma_wait3A_295 = tpu.memref_slice %arg6[%dma_wait3A_293, %dma_wait3A_294] : memref<10000x128xf32, #tpu.memory_space<vmem_shared>> -> memref<10000x128xf32, #tpu.memory_space<vmem_shared>>
    tpu.wait_indirect_dma semaphore(%arg33 : memref<!tpu.dma_semaphore, #tpu.memory_space<semaphore_mem>>) src(%arg15 : memref<50x128xf32, #tpu.memory_space<vmem>>) dst(%dma_wait3A_295 : memref<10000x128xf32, #tpu.memory_space<vmem_shared>>)
    %dma_wait3A_296 = arith.constant 0 : i32
    %dma_wait3A_297 = arith.constant 0 : i32
    %dma_wait3A_298 = tpu.memref_slice %arg6[%dma_wait3A_296, %dma_wait3A_297] : memref<10000x128xf32, #tpu.memory_space<vmem_shared>> -> memref<10000x128xf32, #tpu.memory_space<vmem_shared>>
    tpu.wait_indirect_dma semaphore(%arg34 : memref<!tpu.dma_semaphore, #tpu.memory_space<semaphore_mem>>) src(%arg16 : memref<50x128xf32, #tpu.memory_space<vmem>>) dst(%dma_wait3A_298 : memref<10000x128xf32, #tpu.memory_space<vmem_shared>>)
    %dma_wait3A_299 = arith.constant 0 : i32
    %dma_wait3A_300 = arith.constant 0 : i32
    %dma_wait3A_301 = tpu.memref_slice %arg6[%dma_wait3A_299, %dma_wait3A_300] : memref<10000x128xf32, #tpu.memory_space<vmem_shared>> -> memref<10000x128xf32, #tpu.memory_space<vmem_shared>>
    tpu.wait_indirect_dma semaphore(%arg35 : memref<!tpu.dma_semaphore, #tpu.memory_space<semaphore_mem>>) src(%arg17 : memref<50x128xf32, #tpu.memory_space<vmem>>) dst(%dma_wait3A_301 : memref<10000x128xf32, #tpu.memory_space<vmem_shared>>)
    %dma_wait3A_302 = arith.constant 0 : i32
    %dma_wait3A_303 = arith.constant 0 : i32
    %dma_wait3A_304 = tpu.memref_slice %arg6[%dma_wait3A_302, %dma_wait3A_303] : memref<10000x128xf32, #tpu.memory_space<vmem_shared>> -> memref<10000x128xf32, #tpu.memory_space<vmem_shared>>
    tpu.wait_indirect_dma semaphore(%arg36 : memref<!tpu.dma_semaphore, #tpu.memory_space<semaphore_mem>>) src(%arg18 : memref<50x128xf32, #tpu.memory_space<vmem>>) dst(%dma_wait3A_304 : memref<10000x128xf32, #tpu.memory_space<vmem_shared>>)
    %dma_wait3A_305 = arith.constant 0 : i32
    %dma_wait3A_306 = arith.constant 0 : i32
    %dma_wait3A_307 = tpu.memref_slice %arg6[%dma_wait3A_305, %dma_wait3A_306] : memref<10000x128xf32, #tpu.memory_space<vmem_shared>> -> memref<10000x128xf32, #tpu.memory_space<vmem_shared>>
    tpu.wait_indirect_dma semaphore(%arg37 : memref<!tpu.dma_semaphore, #tpu.memory_space<semaphore_mem>>) src(%arg19 : memref<50x128xf32, #tpu.memory_space<vmem>>) dst(%dma_wait3A_307 : memref<10000x128xf32, #tpu.memory_space<vmem_shared>>)
    %barrier3A_308 = arith.constant 0 : index
    tpu.barrier barrier_id(%barrier3A_308)
    "tpu.region"() ({
      %run_scoped3A = tpu.sem_alloc : memref<!tpu.dma_semaphore, #tpu.memory_space<semaphore_mem>>
      %dma_start3A_309 = arith.constant 0 : i32
      %dma_start3A_310 = tpu.memref_slice %arg5[%arg0, %mul3A_60, %dma_start3A_309] : memref<2x10000x128xf32, #tpu.memory_space<hbm>> -> memref<1x625x128xf32, #tpu.memory_space<hbm>>
      %dma_start3A_311 = tpu.memref_squeeze %dma_start3A_310 : memref<1x625x128xf32, #tpu.memory_space<hbm>> -> memref<625x128xf32, #tpu.memory_space<hbm>>
      %dma_start3A_312 = arith.constant 0 : i32
      %dma_start3A_313 = tpu.memref_slice %arg6[%mul3A_60, %dma_start3A_312] : memref<10000x128xf32, #tpu.memory_space<vmem_shared>> -> memref<625x128xf32, #tpu.memory_space<vmem_shared>>
      tpu.enqueue_dma source(%dma_start3A_313 : memref<625x128xf32, #tpu.memory_space<vmem_shared>>) target(%dma_start3A_311 : memref<625x128xf32, #tpu.memory_space<hbm>>) target_semaphore(%run_scoped3A : memref<!tpu.dma_semaphore, #tpu.memory_space<semaphore_mem>>)
      %dma_wait3A_314 = arith.constant 0 : i32
      %dma_wait3A_315 = tpu.memref_slice %arg5[%arg0, %mul3A_60, %dma_wait3A_314] : memref<2x10000x128xf32, #tpu.memory_space<hbm>> -> memref<1x625x128xf32, #tpu.memory_space<hbm>>
      %dma_wait3A_316 = tpu.memref_squeeze %dma_wait3A_315 : memref<1x625x128xf32, #tpu.memory_space<hbm>> -> memref<625x128xf32, #tpu.memory_space<hbm>>
      %dma_wait3A_317 = arith.constant 0 : i32
      %dma_wait3A_318 = tpu.memref_slice %arg6[%mul3A_60, %dma_wait3A_317] : memref<10000x128xf32, #tpu.memory_space<vmem_shared>> -> memref<625x128xf32, #tpu.memory_space<vmem_shared>>
      tpu.wait_dma2 semaphore(%run_scoped3A : memref<!tpu.dma_semaphore, #tpu.memory_space<semaphore_mem>>) src(%dma_wait3A_318 : memref<625x128xf32, #tpu.memory_space<vmem_shared>>) dst(%dma_wait3A_316 : memref<625x128xf32, #tpu.memory_space<hbm>>)
      tpu.yield
    }) : () -> ()
    return
  }
}

#map = affine_map<(d0, d1) -> (0, 0)>
module attributes {stable_mosaic.version = 14 : i64} {
  func.func @_gather_pass(%arg0: i32, %arg1: i32, %arg2: memref<10000x128xf32, #tpu.memory_space<hbm>>, %arg3: memref<512x100xi32, #tpu.memory_space<hbm>>, %arg4: memref<51200x128xf32, #tpu.memory_space<hbm>>, %arg5: memref<16x100xi32, #tpu.memory_space<vmem>>, %arg6: memref<100x128xf32, #tpu.memory_space<vmem>>, %arg7: memref<100x128xf32, #tpu.memory_space<vmem>>, %arg8: memref<100x128xf32, #tpu.memory_space<vmem>>, %arg9: memref<100x128xf32, #tpu.memory_space<vmem>>, %arg10: memref<!tpu.dma_semaphore, #tpu.memory_space<semaphore_mem>>, %arg11: memref<!tpu.dma_semaphore, #tpu.memory_space<semaphore_mem>>, %arg12: memref<!tpu.dma_semaphore, #tpu.memory_space<semaphore_mem>>, %arg13: memref<!tpu.dma_semaphore, #tpu.memory_space<semaphore_mem>>, %arg14: memref<!tpu.dma_semaphore, #tpu.memory_space<semaphore_mem>>, %arg15: memref<!tpu.dma_semaphore, #tpu.memory_space<semaphore_mem>>, %arg16: memref<!tpu.dma_semaphore, #tpu.memory_space<semaphore_mem>>, %arg17: memref<!tpu.dma_semaphore, #tpu.memory_space<semaphore_mem>>) attributes {dimension_semantics = [#tpu.dimension_semantics<core_parallel>, #tpu.dimension_semantics<subcore_parallel>], iteration_bounds = array<i64: 2, 16>, scalar_prefetch = 0 : i64, scratch_operands = 13 : i64, tpu.core_type = #tpu.core_type<sc_vector_subcore>, window_params = [{transform_indices = #map}, {transform_indices = #map}, {transform_indices = #map}]} {
    %mul3A = arith.constant 16 : i32
    %mul3A_0 = arith.muli %arg0, %mul3A : i32
    %add3A = arith.addi %mul3A_0, %arg1 : i32
    %mul3A_1 = arith.constant 16 : i32
    %mul3A_2 = arith.muli %add3A, %mul3A_1 : i32
    "tpu.region"() ({
      %run_scoped3A = tpu.sem_alloc : memref<!tpu.dma_semaphore, #tpu.memory_space<semaphore_mem>>
      %dma_start3A_89 = arith.constant 0 : i32
      %dma_start3A_90 = tpu.memref_slice %arg3[%mul3A_2, %dma_start3A_89] : memref<512x100xi32, #tpu.memory_space<hbm>> -> memref<16x100xi32, #tpu.memory_space<hbm>>
      %dma_start3A_91 = arith.constant 0 : i32
      %dma_start3A_92 = tpu.memref_slice %arg3[%mul3A_2, %dma_start3A_91] : memref<512x100xi32, #tpu.memory_space<hbm>> -> memref<16x100xi32, #tpu.memory_space<hbm>>
      tpu.enqueue_dma source(%dma_start3A_92 : memref<16x100xi32, #tpu.memory_space<hbm>>) target(%arg5 : memref<16x100xi32, #tpu.memory_space<vmem>>) target_semaphore(%run_scoped3A : memref<!tpu.dma_semaphore, #tpu.memory_space<semaphore_mem>>)
      %dma_wait3A_93 = arith.constant 0 : i32
      %dma_wait3A_94 = tpu.memref_slice %arg3[%mul3A_2, %dma_wait3A_93] : memref<512x100xi32, #tpu.memory_space<hbm>> -> memref<16x100xi32, #tpu.memory_space<hbm>>
      %dma_wait3A_95 = arith.constant 0 : i32
      %dma_wait3A_96 = tpu.memref_slice %arg3[%mul3A_2, %dma_wait3A_95] : memref<512x100xi32, #tpu.memory_space<hbm>> -> memref<16x100xi32, #tpu.memory_space<hbm>>
      tpu.wait_dma2 semaphore(%run_scoped3A : memref<!tpu.dma_semaphore, #tpu.memory_space<semaphore_mem>>) src(%dma_wait3A_96 : memref<16x100xi32, #tpu.memory_space<hbm>>) dst(%arg5 : memref<16x100xi32, #tpu.memory_space<vmem>>)
      tpu.yield
    }) : () -> ()
    %dma_start3A = arith.constant 0 : i32
    %dma_start3A_3 = arith.constant 0 : i32
    %dma_start3A_4 = tpu.memref_slice %arg5[%dma_start3A, %dma_start3A_3] : memref<16x100xi32, #tpu.memory_space<vmem>> -> memref<1x100xi32, #tpu.memory_space<vmem>>
    %dma_start3A_5 = tpu.memref_squeeze %dma_start3A_4 : memref<1x100xi32, #tpu.memory_space<vmem>> -> memref<100xi32, #tpu.memory_space<vmem>>
    %dma_start3A_6 = arith.constant 0 : i32
    %dma_start3A_7 = arith.constant 0 : i32
    %dma_start3A_8 = tpu.memref_slice %arg2[%dma_start3A_6, %dma_start3A_7] : memref<10000x128xf32, #tpu.memory_space<hbm>> -> memref<10000x128xf32, #tpu.memory_space<hbm>>
    tpu.enqueue_indirect_dma source(%dma_start3A_8 : memref<10000x128xf32, #tpu.memory_space<hbm>>) target(%arg6 : memref<100x128xf32, #tpu.memory_space<vmem>>) offsets(%dma_start3A_5 : memref<100xi32, #tpu.memory_space<vmem>>) semaphore(%arg10 : memref<!tpu.dma_semaphore, #tpu.memory_space<semaphore_mem>>)
    %dma_start3A_9 = arith.constant 1 : i32
    %dma_start3A_10 = arith.constant 0 : i32
    %dma_start3A_11 = tpu.memref_slice %arg5[%dma_start3A_9, %dma_start3A_10] : memref<16x100xi32, #tpu.memory_space<vmem>> -> memref<1x100xi32, #tpu.memory_space<vmem>>
    %dma_start3A_12 = tpu.memref_squeeze %dma_start3A_11 : memref<1x100xi32, #tpu.memory_space<vmem>> -> memref<100xi32, #tpu.memory_space<vmem>>
    %dma_start3A_13 = arith.constant 0 : i32
    %dma_start3A_14 = arith.constant 0 : i32
    %dma_start3A_15 = tpu.memref_slice %arg2[%dma_start3A_13, %dma_start3A_14] : memref<10000x128xf32, #tpu.memory_space<hbm>> -> memref<10000x128xf32, #tpu.memory_space<hbm>>
    tpu.enqueue_indirect_dma source(%dma_start3A_15 : memref<10000x128xf32, #tpu.memory_space<hbm>>) target(%arg7 : memref<100x128xf32, #tpu.memory_space<vmem>>) offsets(%dma_start3A_12 : memref<100xi32, #tpu.memory_space<vmem>>) semaphore(%arg11 : memref<!tpu.dma_semaphore, #tpu.memory_space<semaphore_mem>>)
    %dma_start3A_16 = arith.constant 2 : i32
    %dma_start3A_17 = arith.constant 0 : i32
    %dma_start3A_18 = tpu.memref_slice %arg5[%dma_start3A_16, %dma_start3A_17] : memref<16x100xi32, #tpu.memory_space<vmem>> -> memref<1x100xi32, #tpu.memory_space<vmem>>
    %dma_start3A_19 = tpu.memref_squeeze %dma_start3A_18 : memref<1x100xi32, #tpu.memory_space<vmem>> -> memref<100xi32, #tpu.memory_space<vmem>>
    %dma_start3A_20 = arith.constant 0 : i32
    %dma_start3A_21 = arith.constant 0 : i32
    %dma_start3A_22 = tpu.memref_slice %arg2[%dma_start3A_20, %dma_start3A_21] : memref<10000x128xf32, #tpu.memory_space<hbm>> -> memref<10000x128xf32, #tpu.memory_space<hbm>>
    tpu.enqueue_indirect_dma source(%dma_start3A_22 : memref<10000x128xf32, #tpu.memory_space<hbm>>) target(%arg8 : memref<100x128xf32, #tpu.memory_space<vmem>>) offsets(%dma_start3A_19 : memref<100xi32, #tpu.memory_space<vmem>>) semaphore(%arg12 : memref<!tpu.dma_semaphore, #tpu.memory_space<semaphore_mem>>)
    %dma_start3A_23 = arith.constant 3 : i32
    %dma_start3A_24 = arith.constant 0 : i32
    %dma_start3A_25 = tpu.memref_slice %arg5[%dma_start3A_23, %dma_start3A_24] : memref<16x100xi32, #tpu.memory_space<vmem>> -> memref<1x100xi32, #tpu.memory_space<vmem>>
    %dma_start3A_26 = tpu.memref_squeeze %dma_start3A_25 : memref<1x100xi32, #tpu.memory_space<vmem>> -> memref<100xi32, #tpu.memory_space<vmem>>
    %dma_start3A_27 = arith.constant 0 : i32
    %dma_start3A_28 = arith.constant 0 : i32
    %dma_start3A_29 = tpu.memref_slice %arg2[%dma_start3A_27, %dma_start3A_28] : memref<10000x128xf32, #tpu.memory_space<hbm>> -> memref<10000x128xf32, #tpu.memory_space<hbm>>
    tpu.enqueue_indirect_dma source(%dma_start3A_29 : memref<10000x128xf32, #tpu.memory_space<hbm>>) target(%arg9 : memref<100x128xf32, #tpu.memory_space<vmem>>) offsets(%dma_start3A_26 : memref<100xi32, #tpu.memory_space<vmem>>) semaphore(%arg13 : memref<!tpu.dma_semaphore, #tpu.memory_space<semaphore_mem>>)
    %scan3A = arith.constant 0 : i32
    %scan3A_30 = arith.constant 0 : i32
    %scan3A_31 = arith.constant 4 : i32
    %scan3A_32 = arith.addi %scan3A_30, %scan3A_31 : i32
    %scan3A_33 = arith.constant 1 : i32
    scf.for %scan3A_89 = %scan3A_30 to %scan3A_32 step %scan3A_33  : i32 {
      %mul3A_90 = arith.constant 4 : i32
      %mul3A_91 = arith.muli %scan3A_89, %mul3A_90 : i32
      %add3A_92 = arith.constant 0 : i32
      %add3A_93 = arith.addi %mul3A_91, %add3A_92 : i32
      %dma_wait3A_94 = arith.constant 0 : i32
      %dma_wait3A_95 = tpu.memref_slice %arg5[%add3A_93, %dma_wait3A_94] : memref<16x100xi32, #tpu.memory_space<vmem>> -> memref<1x100xi32, #tpu.memory_space<vmem>>
      %dma_wait3A_96 = tpu.memref_squeeze %dma_wait3A_95 : memref<1x100xi32, #tpu.memory_space<vmem>> -> memref<100xi32, #tpu.memory_space<vmem>>
      %dma_wait3A_97 = arith.constant 0 : i32
      %dma_wait3A_98 = arith.constant 0 : i32
      %dma_wait3A_99 = tpu.memref_slice %arg2[%dma_wait3A_97, %dma_wait3A_98] : memref<10000x128xf32, #tpu.memory_space<hbm>> -> memref<10000x128xf32, #tpu.memory_space<hbm>>
      tpu.wait_indirect_dma semaphore(%arg10 : memref<!tpu.dma_semaphore, #tpu.memory_space<semaphore_mem>>) src(%dma_wait3A_99 : memref<10000x128xf32, #tpu.memory_space<hbm>>) dst(%arg6 : memref<100x128xf32, #tpu.memory_space<vmem>>)
      %mul3A_100 = arith.constant 16 : i32
      %mul3A_101 = arith.muli %add3A, %mul3A_100 : i32
      %add3A_102 = arith.addi %mul3A_101, %mul3A_91 : i32
      %add3A_103 = arith.constant 0 : i32
      %add3A_104 = arith.addi %add3A_102, %add3A_103 : i32
      %mul3A_105 = arith.constant 100 : i32
      %mul3A_106 = arith.muli %add3A_104, %mul3A_105 : i32
      %dma_start3A_107 = arith.constant 0 : i32
      %dma_start3A_108 = tpu.memref_slice %arg4[%mul3A_106, %dma_start3A_107] : memref<51200x128xf32, #tpu.memory_space<hbm>> -> memref<100x128xf32, #tpu.memory_space<hbm>>
      %dma_start3A_109 = arith.constant 0 : i32
      %dma_start3A_110 = tpu.memref_slice %arg4[%mul3A_106, %dma_start3A_109] : memref<51200x128xf32, #tpu.memory_space<hbm>> -> memref<100x128xf32, #tpu.memory_space<hbm>>
      tpu.enqueue_dma source(%arg6 : memref<100x128xf32, #tpu.memory_space<vmem>>) target(%dma_start3A_110 : memref<100x128xf32, #tpu.memory_space<hbm>>) target_semaphore(%arg14 : memref<!tpu.dma_semaphore, #tpu.memory_space<semaphore_mem>>)
      %add3A_111 = arith.constant 1 : i32
      %add3A_112 = arith.addi %mul3A_91, %add3A_111 : i32
      %dma_wait3A_113 = arith.constant 0 : i32
      %dma_wait3A_114 = tpu.memref_slice %arg5[%add3A_112, %dma_wait3A_113] : memref<16x100xi32, #tpu.memory_space<vmem>> -> memref<1x100xi32, #tpu.memory_space<vmem>>
      %dma_wait3A_115 = tpu.memref_squeeze %dma_wait3A_114 : memref<1x100xi32, #tpu.memory_space<vmem>> -> memref<100xi32, #tpu.memory_space<vmem>>
      %dma_wait3A_116 = arith.constant 0 : i32
      %dma_wait3A_117 = arith.constant 0 : i32
      %dma_wait3A_118 = tpu.memref_slice %arg2[%dma_wait3A_116, %dma_wait3A_117] : memref<10000x128xf32, #tpu.memory_space<hbm>> -> memref<10000x128xf32, #tpu.memory_space<hbm>>
      tpu.wait_indirect_dma semaphore(%arg11 : memref<!tpu.dma_semaphore, #tpu.memory_space<semaphore_mem>>) src(%dma_wait3A_118 : memref<10000x128xf32, #tpu.memory_space<hbm>>) dst(%arg7 : memref<100x128xf32, #tpu.memory_space<vmem>>)
      %mul3A_119 = arith.constant 16 : i32
      %mul3A_120 = arith.muli %add3A, %mul3A_119 : i32
      %add3A_121 = arith.addi %mul3A_120, %mul3A_91 : i32
      %add3A_122 = arith.constant 1 : i32
      %add3A_123 = arith.addi %add3A_121, %add3A_122 : i32
      %mul3A_124 = arith.constant 100 : i32
      %mul3A_125 = arith.muli %add3A_123, %mul3A_124 : i32
      %dma_start3A_126 = arith.constant 0 : i32
      %dma_start3A_127 = tpu.memref_slice %arg4[%mul3A_125, %dma_start3A_126] : memref<51200x128xf32, #tpu.memory_space<hbm>> -> memref<100x128xf32, #tpu.memory_space<hbm>>
      %dma_start3A_128 = arith.constant 0 : i32
      %dma_start3A_129 = tpu.memref_slice %arg4[%mul3A_125, %dma_start3A_128] : memref<51200x128xf32, #tpu.memory_space<hbm>> -> memref<100x128xf32, #tpu.memory_space<hbm>>
      tpu.enqueue_dma source(%arg7 : memref<100x128xf32, #tpu.memory_space<vmem>>) target(%dma_start3A_129 : memref<100x128xf32, #tpu.memory_space<hbm>>) target_semaphore(%arg15 : memref<!tpu.dma_semaphore, #tpu.memory_space<semaphore_mem>>)
      %add3A_130 = arith.constant 2 : i32
      %add3A_131 = arith.addi %mul3A_91, %add3A_130 : i32
      %dma_wait3A_132 = arith.constant 0 : i32
      %dma_wait3A_133 = tpu.memref_slice %arg5[%add3A_131, %dma_wait3A_132] : memref<16x100xi32, #tpu.memory_space<vmem>> -> memref<1x100xi32, #tpu.memory_space<vmem>>
      %dma_wait3A_134 = tpu.memref_squeeze %dma_wait3A_133 : memref<1x100xi32, #tpu.memory_space<vmem>> -> memref<100xi32, #tpu.memory_space<vmem>>
      %dma_wait3A_135 = arith.constant 0 : i32
      %dma_wait3A_136 = arith.constant 0 : i32
      %dma_wait3A_137 = tpu.memref_slice %arg2[%dma_wait3A_135, %dma_wait3A_136] : memref<10000x128xf32, #tpu.memory_space<hbm>> -> memref<10000x128xf32, #tpu.memory_space<hbm>>
      tpu.wait_indirect_dma semaphore(%arg12 : memref<!tpu.dma_semaphore, #tpu.memory_space<semaphore_mem>>) src(%dma_wait3A_137 : memref<10000x128xf32, #tpu.memory_space<hbm>>) dst(%arg8 : memref<100x128xf32, #tpu.memory_space<vmem>>)
      %mul3A_138 = arith.constant 16 : i32
      %mul3A_139 = arith.muli %add3A, %mul3A_138 : i32
      %add3A_140 = arith.addi %mul3A_139, %mul3A_91 : i32
      %add3A_141 = arith.constant 2 : i32
      %add3A_142 = arith.addi %add3A_140, %add3A_141 : i32
      %mul3A_143 = arith.constant 100 : i32
      %mul3A_144 = arith.muli %add3A_142, %mul3A_143 : i32
      %dma_start3A_145 = arith.constant 0 : i32
      %dma_start3A_146 = tpu.memref_slice %arg4[%mul3A_144, %dma_start3A_145] : memref<51200x128xf32, #tpu.memory_space<hbm>> -> memref<100x128xf32, #tpu.memory_space<hbm>>
      %dma_start3A_147 = arith.constant 0 : i32
      %dma_start3A_148 = tpu.memref_slice %arg4[%mul3A_144, %dma_start3A_147] : memref<51200x128xf32, #tpu.memory_space<hbm>> -> memref<100x128xf32, #tpu.memory_space<hbm>>
      tpu.enqueue_dma source(%arg8 : memref<100x128xf32, #tpu.memory_space<vmem>>) target(%dma_start3A_148 : memref<100x128xf32, #tpu.memory_space<hbm>>) target_semaphore(%arg16 : memref<!tpu.dma_semaphore, #tpu.memory_space<semaphore_mem>>)
      %add3A_149 = arith.constant 3 : i32
      %add3A_150 = arith.addi %mul3A_91, %add3A_149 : i32
      %dma_wait3A_151 = arith.constant 0 : i32
      %dma_wait3A_152 = tpu.memref_slice %arg5[%add3A_150, %dma_wait3A_151] : memref<16x100xi32, #tpu.memory_space<vmem>> -> memref<1x100xi32, #tpu.memory_space<vmem>>
      %dma_wait3A_153 = tpu.memref_squeeze %dma_wait3A_152 : memref<1x100xi32, #tpu.memory_space<vmem>> -> memref<100xi32, #tpu.memory_space<vmem>>
      %dma_wait3A_154 = arith.constant 0 : i32
      %dma_wait3A_155 = arith.constant 0 : i32
      %dma_wait3A_156 = tpu.memref_slice %arg2[%dma_wait3A_154, %dma_wait3A_155] : memref<10000x128xf32, #tpu.memory_space<hbm>> -> memref<10000x128xf32, #tpu.memory_space<hbm>>
      tpu.wait_indirect_dma semaphore(%arg13 : memref<!tpu.dma_semaphore, #tpu.memory_space<semaphore_mem>>) src(%dma_wait3A_156 : memref<10000x128xf32, #tpu.memory_space<hbm>>) dst(%arg9 : memref<100x128xf32, #tpu.memory_space<vmem>>)
      %mul3A_157 = arith.constant 16 : i32
      %mul3A_158 = arith.muli %add3A, %mul3A_157 : i32
      %add3A_159 = arith.addi %mul3A_158, %mul3A_91 : i32
      %add3A_160 = arith.constant 3 : i32
      %add3A_161 = arith.addi %add3A_159, %add3A_160 : i32
      %mul3A_162 = arith.constant 100 : i32
      %mul3A_163 = arith.muli %add3A_161, %mul3A_162 : i32
      %dma_start3A_164 = arith.constant 0 : i32
      %dma_start3A_165 = tpu.memref_slice %arg4[%mul3A_163, %dma_start3A_164] : memref<51200x128xf32, #tpu.memory_space<hbm>> -> memref<100x128xf32, #tpu.memory_space<hbm>>
      %dma_start3A_166 = arith.constant 0 : i32
      %dma_start3A_167 = tpu.memref_slice %arg4[%mul3A_163, %dma_start3A_166] : memref<51200x128xf32, #tpu.memory_space<hbm>> -> memref<100x128xf32, #tpu.memory_space<hbm>>
      tpu.enqueue_dma source(%arg9 : memref<100x128xf32, #tpu.memory_space<vmem>>) target(%dma_start3A_167 : memref<100x128xf32, #tpu.memory_space<hbm>>) target_semaphore(%arg17 : memref<!tpu.dma_semaphore, #tpu.memory_space<semaphore_mem>>)
      %add3A_168 = arith.constant 4 : i32
      %add3A_169 = arith.addi %mul3A_91, %add3A_168 : i32
      %add3A_170 = arith.constant 0 : i32
      %add3A_171 = arith.addi %add3A_169, %add3A_170 : i32
      %lt3A = arith.constant 16 : i32
      %lt3A_172 = arith.cmpi slt, %add3A_171, %lt3A : i32
      %convert_element_type3A = arith.extui %lt3A_172 : i1 to i32
      %cond3A = arith.constant 0 : i32
      %cond3A_173 = arith.cmpi ne, %convert_element_type3A, %cond3A : i32
      scf.if %cond3A_173 {
        %mul3A_201 = arith.constant 16 : i32
        %mul3A_202 = arith.muli %add3A, %mul3A_201 : i32
        %add3A_203 = arith.addi %mul3A_202, %mul3A_91 : i32
        %add3A_204 = arith.constant 0 : i32
        %add3A_205 = arith.addi %add3A_203, %add3A_204 : i32
        %mul3A_206 = arith.constant 100 : i32
        %mul3A_207 = arith.muli %add3A_205, %mul3A_206 : i32
        %dma_wait3A_208 = arith.constant 0 : i32
        %dma_wait3A_209 = tpu.memref_slice %arg4[%mul3A_207, %dma_wait3A_208] : memref<51200x128xf32, #tpu.memory_space<hbm>> -> memref<100x128xf32, #tpu.memory_space<hbm>>
        %dma_wait3A_210 = arith.constant 0 : i32
        %dma_wait3A_211 = tpu.memref_slice %arg4[%mul3A_207, %dma_wait3A_210] : memref<51200x128xf32, #tpu.memory_space<hbm>> -> memref<100x128xf32, #tpu.memory_space<hbm>>
        tpu.wait_dma2 semaphore(%arg14 : memref<!tpu.dma_semaphore, #tpu.memory_space<semaphore_mem>>) src(%arg6 : memref<100x128xf32, #tpu.memory_space<vmem>>) dst(%dma_wait3A_211 : memref<100x128xf32, #tpu.memory_space<hbm>>)
        %dma_start3A_212 = arith.constant 0 : i32
        %dma_start3A_213 = tpu.memref_slice %arg5[%add3A_171, %dma_start3A_212] : memref<16x100xi32, #tpu.memory_space<vmem>> -> memref<1x100xi32, #tpu.memory_space<vmem>>
        %dma_start3A_214 = tpu.memref_squeeze %dma_start3A_213 : memref<1x100xi32, #tpu.memory_space<vmem>> -> memref<100xi32, #tpu.memory_space<vmem>>
        %dma_start3A_215 = arith.constant 0 : i32
        %dma_start3A_216 = arith.constant 0 : i32
        %dma_start3A_217 = tpu.memref_slice %arg2[%dma_start3A_215, %dma_start3A_216] : memref<10000x128xf32, #tpu.memory_space<hbm>> -> memref<10000x128xf32, #tpu.memory_space<hbm>>
        tpu.enqueue_indirect_dma source(%dma_start3A_217 : memref<10000x128xf32, #tpu.memory_space<hbm>>) target(%arg6 : memref<100x128xf32, #tpu.memory_space<vmem>>) offsets(%dma_start3A_214 : memref<100xi32, #tpu.memory_space<vmem>>) semaphore(%arg10 : memref<!tpu.dma_semaphore, #tpu.memory_space<semaphore_mem>>)
      } else {
      }
      %add3A_174 = arith.constant 4 : i32
      %add3A_175 = arith.addi %mul3A_91, %add3A_174 : i32
      %add3A_176 = arith.constant 1 : i32
      %add3A_177 = arith.addi %add3A_175, %add3A_176 : i32
      %lt3A_178 = arith.constant 16 : i32
      %lt3A_179 = arith.cmpi slt, %add3A_177, %lt3A_178 : i32
      %convert_element_type3A_180 = arith.extui %lt3A_179 : i1 to i32
      %cond3A_181 = arith.constant 0 : i32
      %cond3A_182 = arith.cmpi ne, %convert_element_type3A_180, %cond3A_181 : i32
      scf.if %cond3A_182 {
        %mul3A_201 = arith.constant 16 : i32
        %mul3A_202 = arith.muli %add3A, %mul3A_201 : i32
        %add3A_203 = arith.addi %mul3A_202, %mul3A_91 : i32
        %add3A_204 = arith.constant 1 : i32
        %add3A_205 = arith.addi %add3A_203, %add3A_204 : i32
        %mul3A_206 = arith.constant 100 : i32
        %mul3A_207 = arith.muli %add3A_205, %mul3A_206 : i32
        %dma_wait3A_208 = arith.constant 0 : i32
        %dma_wait3A_209 = tpu.memref_slice %arg4[%mul3A_207, %dma_wait3A_208] : memref<51200x128xf32, #tpu.memory_space<hbm>> -> memref<100x128xf32, #tpu.memory_space<hbm>>
        %dma_wait3A_210 = arith.constant 0 : i32
        %dma_wait3A_211 = tpu.memref_slice %arg4[%mul3A_207, %dma_wait3A_210] : memref<51200x128xf32, #tpu.memory_space<hbm>> -> memref<100x128xf32, #tpu.memory_space<hbm>>
        tpu.wait_dma2 semaphore(%arg15 : memref<!tpu.dma_semaphore, #tpu.memory_space<semaphore_mem>>) src(%arg7 : memref<100x128xf32, #tpu.memory_space<vmem>>) dst(%dma_wait3A_211 : memref<100x128xf32, #tpu.memory_space<hbm>>)
        %dma_start3A_212 = arith.constant 0 : i32
        %dma_start3A_213 = tpu.memref_slice %arg5[%add3A_177, %dma_start3A_212] : memref<16x100xi32, #tpu.memory_space<vmem>> -> memref<1x100xi32, #tpu.memory_space<vmem>>
        %dma_start3A_214 = tpu.memref_squeeze %dma_start3A_213 : memref<1x100xi32, #tpu.memory_space<vmem>> -> memref<100xi32, #tpu.memory_space<vmem>>
        %dma_start3A_215 = arith.constant 0 : i32
        %dma_start3A_216 = arith.constant 0 : i32
        %dma_start3A_217 = tpu.memref_slice %arg2[%dma_start3A_215, %dma_start3A_216] : memref<10000x128xf32, #tpu.memory_space<hbm>> -> memref<10000x128xf32, #tpu.memory_space<hbm>>
        tpu.enqueue_indirect_dma source(%dma_start3A_217 : memref<10000x128xf32, #tpu.memory_space<hbm>>) target(%arg7 : memref<100x128xf32, #tpu.memory_space<vmem>>) offsets(%dma_start3A_214 : memref<100xi32, #tpu.memory_space<vmem>>) semaphore(%arg11 : memref<!tpu.dma_semaphore, #tpu.memory_space<semaphore_mem>>)
      } else {
      }
      %add3A_183 = arith.constant 4 : i32
      %add3A_184 = arith.addi %mul3A_91, %add3A_183 : i32
      %add3A_185 = arith.constant 2 : i32
      %add3A_186 = arith.addi %add3A_184, %add3A_185 : i32
      %lt3A_187 = arith.constant 16 : i32
      %lt3A_188 = arith.cmpi slt, %add3A_186, %lt3A_187 : i32
      %convert_element_type3A_189 = arith.extui %lt3A_188 : i1 to i32
      %cond3A_190 = arith.constant 0 : i32
      %cond3A_191 = arith.cmpi ne, %convert_element_type3A_189, %cond3A_190 : i32
      scf.if %cond3A_191 {
        %mul3A_201 = arith.constant 16 : i32
        %mul3A_202 = arith.muli %add3A, %mul3A_201 : i32
        %add3A_203 = arith.addi %mul3A_202, %mul3A_91 : i32
        %add3A_204 = arith.constant 2 : i32
        %add3A_205 = arith.addi %add3A_203, %add3A_204 : i32
        %mul3A_206 = arith.constant 100 : i32
        %mul3A_207 = arith.muli %add3A_205, %mul3A_206 : i32
        %dma_wait3A_208 = arith.constant 0 : i32
        %dma_wait3A_209 = tpu.memref_slice %arg4[%mul3A_207, %dma_wait3A_208] : memref<51200x128xf32, #tpu.memory_space<hbm>> -> memref<100x128xf32, #tpu.memory_space<hbm>>
        %dma_wait3A_210 = arith.constant 0 : i32
        %dma_wait3A_211 = tpu.memref_slice %arg4[%mul3A_207, %dma_wait3A_210] : memref<51200x128xf32, #tpu.memory_space<hbm>> -> memref<100x128xf32, #tpu.memory_space<hbm>>
        tpu.wait_dma2 semaphore(%arg16 : memref<!tpu.dma_semaphore, #tpu.memory_space<semaphore_mem>>) src(%arg8 : memref<100x128xf32, #tpu.memory_space<vmem>>) dst(%dma_wait3A_211 : memref<100x128xf32, #tpu.memory_space<hbm>>)
        %dma_start3A_212 = arith.constant 0 : i32
        %dma_start3A_213 = tpu.memref_slice %arg5[%add3A_186, %dma_start3A_212] : memref<16x100xi32, #tpu.memory_space<vmem>> -> memref<1x100xi32, #tpu.memory_space<vmem>>
        %dma_start3A_214 = tpu.memref_squeeze %dma_start3A_213 : memref<1x100xi32, #tpu.memory_space<vmem>> -> memref<100xi32, #tpu.memory_space<vmem>>
        %dma_start3A_215 = arith.constant 0 : i32
        %dma_start3A_216 = arith.constant 0 : i32
        %dma_start3A_217 = tpu.memref_slice %arg2[%dma_start3A_215, %dma_start3A_216] : memref<10000x128xf32, #tpu.memory_space<hbm>> -> memref<10000x128xf32, #tpu.memory_space<hbm>>
        tpu.enqueue_indirect_dma source(%dma_start3A_217 : memref<10000x128xf32, #tpu.memory_space<hbm>>) target(%arg8 : memref<100x128xf32, #tpu.memory_space<vmem>>) offsets(%dma_start3A_214 : memref<100xi32, #tpu.memory_space<vmem>>) semaphore(%arg12 : memref<!tpu.dma_semaphore, #tpu.memory_space<semaphore_mem>>)
      } else {
      }
      %add3A_192 = arith.constant 4 : i32
      %add3A_193 = arith.addi %mul3A_91, %add3A_192 : i32
      %add3A_194 = arith.constant 3 : i32
      %add3A_195 = arith.addi %add3A_193, %add3A_194 : i32
      %lt3A_196 = arith.constant 16 : i32
      %lt3A_197 = arith.cmpi slt, %add3A_195, %lt3A_196 : i32
      %convert_element_type3A_198 = arith.extui %lt3A_197 : i1 to i32
      %cond3A_199 = arith.constant 0 : i32
      %cond3A_200 = arith.cmpi ne, %convert_element_type3A_198, %cond3A_199 : i32
      scf.if %cond3A_200 {
        %mul3A_201 = arith.constant 16 : i32
        %mul3A_202 = arith.muli %add3A, %mul3A_201 : i32
        %add3A_203 = arith.addi %mul3A_202, %mul3A_91 : i32
        %add3A_204 = arith.constant 3 : i32
        %add3A_205 = arith.addi %add3A_203, %add3A_204 : i32
        %mul3A_206 = arith.constant 100 : i32
        %mul3A_207 = arith.muli %add3A_205, %mul3A_206 : i32
        %dma_wait3A_208 = arith.constant 0 : i32
        %dma_wait3A_209 = tpu.memref_slice %arg4[%mul3A_207, %dma_wait3A_208] : memref<51200x128xf32, #tpu.memory_space<hbm>> -> memref<100x128xf32, #tpu.memory_space<hbm>>
        %dma_wait3A_210 = arith.constant 0 : i32
        %dma_wait3A_211 = tpu.memref_slice %arg4[%mul3A_207, %dma_wait3A_210] : memref<51200x128xf32, #tpu.memory_space<hbm>> -> memref<100x128xf32, #tpu.memory_space<hbm>>
        tpu.wait_dma2 semaphore(%arg17 : memref<!tpu.dma_semaphore, #tpu.memory_space<semaphore_mem>>) src(%arg9 : memref<100x128xf32, #tpu.memory_space<vmem>>) dst(%dma_wait3A_211 : memref<100x128xf32, #tpu.memory_space<hbm>>)
        %dma_start3A_212 = arith.constant 0 : i32
        %dma_start3A_213 = tpu.memref_slice %arg5[%add3A_195, %dma_start3A_212] : memref<16x100xi32, #tpu.memory_space<vmem>> -> memref<1x100xi32, #tpu.memory_space<vmem>>
        %dma_start3A_214 = tpu.memref_squeeze %dma_start3A_213 : memref<1x100xi32, #tpu.memory_space<vmem>> -> memref<100xi32, #tpu.memory_space<vmem>>
        %dma_start3A_215 = arith.constant 0 : i32
        %dma_start3A_216 = arith.constant 0 : i32
        %dma_start3A_217 = tpu.memref_slice %arg2[%dma_start3A_215, %dma_start3A_216] : memref<10000x128xf32, #tpu.memory_space<hbm>> -> memref<10000x128xf32, #tpu.memory_space<hbm>>
        tpu.enqueue_indirect_dma source(%dma_start3A_217 : memref<10000x128xf32, #tpu.memory_space<hbm>>) target(%arg9 : memref<100x128xf32, #tpu.memory_space<vmem>>) offsets(%dma_start3A_214 : memref<100xi32, #tpu.memory_space<vmem>>) semaphore(%arg13 : memref<!tpu.dma_semaphore, #tpu.memory_space<semaphore_mem>>)
      } else {
      }
    }
    %scan3A_34 = arith.constant 4 : i32
    %mul3A_35 = arith.constant 16 : i32
    %mul3A_36 = arith.muli %add3A, %mul3A_35 : i32
    %add3A_37 = arith.constant 16 : i32
    %add3A_38 = arith.addi %mul3A_36, %add3A_37 : i32
    %sub3A = arith.constant 4 : i32
    %sub3A_39 = arith.subi %add3A_38, %sub3A : i32
    %add3A_40 = arith.constant 0 : i32
    %add3A_41 = arith.addi %sub3A_39, %add3A_40 : i32
    %mul3A_42 = arith.constant 100 : i32
    %mul3A_43 = arith.muli %add3A_41, %mul3A_42 : i32
    %dma_wait3A = arith.constant 0 : i32
    %dma_wait3A_44 = tpu.memref_slice %arg4[%mul3A_43, %dma_wait3A] : memref<51200x128xf32, #tpu.memory_space<hbm>> -> memref<100x128xf32, #tpu.memory_space<hbm>>
    %dma_wait3A_45 = arith.constant 0 : i32
    %dma_wait3A_46 = tpu.memref_slice %arg4[%mul3A_43, %dma_wait3A_45] : memref<51200x128xf32, #tpu.memory_space<hbm>> -> memref<100x128xf32, #tpu.memory_space<hbm>>
    tpu.wait_dma2 semaphore(%arg14 : memref<!tpu.dma_semaphore, #tpu.memory_space<semaphore_mem>>) src(%arg6 : memref<100x128xf32, #tpu.memory_space<vmem>>) dst(%dma_wait3A_46 : memref<100x128xf32, #tpu.memory_space<hbm>>)
    %mul3A_47 = arith.constant 16 : i32
    %mul3A_48 = arith.muli %add3A, %mul3A_47 : i32
    %add3A_49 = arith.constant 16 : i32
    %add3A_50 = arith.addi %mul3A_48, %add3A_49 : i32
    %sub3A_51 = arith.constant 4 : i32
    %sub3A_52 = arith.subi %add3A_50, %sub3A_51 : i32
    %add3A_53 = arith.constant 1 : i32
    %add3A_54 = arith.addi %sub3A_52, %add3A_53 : i32
    %mul3A_55 = arith.constant 100 : i32
    %mul3A_56 = arith.muli %add3A_54, %mul3A_55 : i32
    %dma_wait3A_57 = arith.constant 0 : i32
    %dma_wait3A_58 = tpu.memref_slice %arg4[%mul3A_56, %dma_wait3A_57] : memref<51200x128xf32, #tpu.memory_space<hbm>> -> memref<100x128xf32, #tpu.memory_space<hbm>>
    %dma_wait3A_59 = arith.constant 0 : i32
    %dma_wait3A_60 = tpu.memref_slice %arg4[%mul3A_56, %dma_wait3A_59] : memref<51200x128xf32, #tpu.memory_space<hbm>> -> memref<100x128xf32, #tpu.memory_space<hbm>>
    tpu.wait_dma2 semaphore(%arg15 : memref<!tpu.dma_semaphore, #tpu.memory_space<semaphore_mem>>) src(%arg7 : memref<100x128xf32, #tpu.memory_space<vmem>>) dst(%dma_wait3A_60 : memref<100x128xf32, #tpu.memory_space<hbm>>)
    %mul3A_61 = arith.constant 16 : i32
    %mul3A_62 = arith.muli %add3A, %mul3A_61 : i32
    %add3A_63 = arith.constant 16 : i32
    %add3A_64 = arith.addi %mul3A_62, %add3A_63 : i32
    %sub3A_65 = arith.constant 4 : i32
    %sub3A_66 = arith.subi %add3A_64, %sub3A_65 : i32
    %add3A_67 = arith.constant 2 : i32
    %add3A_68 = arith.addi %sub3A_66, %add3A_67 : i32
    %mul3A_69 = arith.constant 100 : i32
    %mul3A_70 = arith.muli %add3A_68, %mul3A_69 : i32
    %dma_wait3A_71 = arith.constant 0 : i32
    %dma_wait3A_72 = tpu.memref_slice %arg4[%mul3A_70, %dma_wait3A_71] : memref<51200x128xf32, #tpu.memory_space<hbm>> -> memref<100x128xf32, #tpu.memory_space<hbm>>
    %dma_wait3A_73 = arith.constant 0 : i32
    %dma_wait3A_74 = tpu.memref_slice %arg4[%mul3A_70, %dma_wait3A_73] : memref<51200x128xf32, #tpu.memory_space<hbm>> -> memref<100x128xf32, #tpu.memory_space<hbm>>
    tpu.wait_dma2 semaphore(%arg16 : memref<!tpu.dma_semaphore, #tpu.memory_space<semaphore_mem>>) src(%arg8 : memref<100x128xf32, #tpu.memory_space<vmem>>) dst(%dma_wait3A_74 : memref<100x128xf32, #tpu.memory_space<hbm>>)
    %mul3A_75 = arith.constant 16 : i32
    %mul3A_76 = arith.muli %add3A, %mul3A_75 : i32
    %add3A_77 = arith.constant 16 : i32
    %add3A_78 = arith.addi %mul3A_76, %add3A_77 : i32
    %sub3A_79 = arith.constant 4 : i32
    %sub3A_80 = arith.subi %add3A_78, %sub3A_79 : i32
    %add3A_81 = arith.constant 3 : i32
    %add3A_82 = arith.addi %sub3A_80, %add3A_81 : i32
    %mul3A_83 = arith.constant 100 : i32
    %mul3A_84 = arith.muli %add3A_82, %mul3A_83 : i32
    %dma_wait3A_85 = arith.constant 0 : i32
    %dma_wait3A_86 = tpu.memref_slice %arg4[%mul3A_84, %dma_wait3A_85] : memref<51200x128xf32, #tpu.memory_space<hbm>> -> memref<100x128xf32, #tpu.memory_space<hbm>>
    %dma_wait3A_87 = arith.constant 0 : i32
    %dma_wait3A_88 = tpu.memref_slice %arg4[%mul3A_84, %dma_wait3A_87] : memref<51200x128xf32, #tpu.memory_space<hbm>> -> memref<100x128xf32, #tpu.memory_space<hbm>>
    tpu.wait_dma2 semaphore(%arg17 : memref<!tpu.dma_semaphore, #tpu.memory_space<semaphore_mem>>) src(%arg9 : memref<100x128xf32, #tpu.memory_space<vmem>>) dst(%dma_wait3A_88 : memref<100x128xf32, #tpu.memory_space<hbm>>)
    return
  }
}

module attributes {stable_mosaic.version = 14 : i64} {
  func.func @_tc1_body(%arg0: memref<32x10000xf32, #tpu.memory_space<vmem>>, %arg1: memref<10000x128xf32, #tpu.memory_space<vmem>>, %arg2: memref<10000x128xf32, #tpu.memory_space<vmem>>, %arg3: memref<10000x1xf32, #tpu.memory_space<vmem>>) attributes {dimension_semantics = [], scalar_prefetch = 0 : i64, scratch_operands = 0 : i64, tpu.core_type = #tpu.core_type<tc>} {
    %broadcast_in_dim3A = arith.constant 1.000000e+00 : f32
    %broadcast_in_dim3A_0 = vector.broadcast %broadcast_in_dim3A : f32 to vector<32x1xf32>
    %get3A = arith.constant 0 : index
    %get3A_1 = arith.constant 0 : index
    %get3A_2 = vector.load %arg0[%get3A, %get3A_1] : memref<32x10000xf32, #tpu.memory_space<vmem>>, vector<32x10000xf32>
    %dot_general3A = arith.constant dense<0.000000e+00> : vector<10000x1xf32>
    %dot_general3A_3 = tpu.matmul %get3A_2, %broadcast_in_dim3A_0, %dot_general3A {dimension_numbers = #tpu.dot_dimension_numbers<[0], [0], [1], [1], [0, 1, 1, 1], [], []>, transpose_lhs_hint = false} : vector<32x10000xf32>, vector<32x1xf32>, vector<10000x1xf32> -> vector<10000x1xf32>
    %add3A = arith.constant 1.000000e+00 : f32
    %add3A_4 = vector.broadcast %add3A : f32 to vector<10000x1xf32>
    %add3A_5 = arith.addf %dot_general3A_3, %add3A_4 : vector<10000x1xf32>
    %rsqrt3A = math.rsqrt %add3A_5 : vector<10000x1xf32>
    %get3A_6 = arith.constant 0 : index
    %get3A_7 = arith.constant 0 : index
    %get3A_8 = vector.load %arg1[%get3A_6, %get3A_7] : memref<10000x128xf32, #tpu.memory_space<vmem>>, vector<10000x128xf32>
    %mul3A = vector.broadcast %rsqrt3A : vector<10000x1xf32> to vector<10000x128xf32>
    %mul3A_9 = arith.mulf %get3A_8, %mul3A : vector<10000x128xf32>
    %swap3A = arith.constant 0 : index
    %swap3A_10 = arith.constant 0 : index
    %swap3A_11 = vector.load %arg2[%swap3A, %swap3A_10] : memref<10000x128xf32, #tpu.memory_space<vmem>>, vector<10000x128xf32>
    tpu.vector_store %arg2[%swap3A, %swap3A_10], %mul3A_9 {strides = array<i32>} : memref<10000x128xf32, #tpu.memory_space<vmem>>, vector<10000x128xf32>,
    %swap3A_12 = arith.constant 0 : index
    %swap3A_13 = arith.constant 0 : index
    %swap3A_14 = vector.load %arg3[%swap3A_12, %swap3A_13] : memref<10000x1xf32, #tpu.memory_space<vmem>>, vector<10000x1xf32>
    tpu.vector_store %arg3[%swap3A_12, %swap3A_13], %rsqrt3A {strides = array<i32>} : memref<10000x1xf32, #tpu.memory_space<vmem>>, vector<10000x1xf32>,
    return
  }
}

module attributes {stable_mosaic.version = 14 : i64} {
  func.func @_tcc_body(%arg0: memref<32x10000xf32, #tpu.memory_space<vmem>>, %arg1: memref<10000x1xf32, #tpu.memory_space<vmem>>) attributes {dimension_semantics = [], scalar_prefetch = 0 : i64, scratch_operands = 0 : i64, tpu.core_type = #tpu.core_type<tc>} {
    %broadcast_in_dim3A = arith.constant 1.000000e+00 : f32
    %broadcast_in_dim3A_0 = vector.broadcast %broadcast_in_dim3A : f32 to vector<32x1xf32>
    %get3A = arith.constant 0 : index
    %get3A_1 = arith.constant 0 : index
    %get3A_2 = vector.load %arg0[%get3A, %get3A_1] : memref<32x10000xf32, #tpu.memory_space<vmem>>, vector<32x10000xf32>
    %dot_general3A = arith.constant dense<0.000000e+00> : vector<10000x1xf32>
    %dot_general3A_3 = tpu.matmul %get3A_2, %broadcast_in_dim3A_0, %dot_general3A {dimension_numbers = #tpu.dot_dimension_numbers<[0], [0], [1], [1], [0, 1, 1, 1], [], []>, transpose_lhs_hint = false} : vector<32x10000xf32>, vector<32x1xf32>, vector<10000x1xf32> -> vector<10000x1xf32>
    %swap3A = arith.constant 0 : index
    %swap3A_4 = arith.constant 0 : index
    %swap3A_5 = vector.load %arg1[%swap3A, %swap3A_4] : memref<10000x1xf32, #tpu.memory_space<vmem>>, vector<10000x1xf32>
    tpu.vector_store %arg1[%swap3A, %swap3A_4], %dot_general3A_3 {strides = array<i32>} : memref<10000x1xf32, #tpu.memory_space<vmem>>, vector<10000x1xf32>,
    return
  }
}

module attributes {stable_mosaic.version = 14 : i64} {
  func.func @_tc2_body(%arg0: i32, %arg1: memref<2x1000x128xf32, #tpu.memory_space<vmem>>, %arg2: memref<1000x128xf32, #tpu.memory_space<vmem>>, %arg3: memref<1000x1xf32, #tpu.memory_space<vmem>>, %arg4: memref<1000x1xf32, #tpu.memory_space<vmem>>, %arg5: memref<128x256xf32, #tpu.memory_space<vmem>>, %arg6: memref<1x256xf32, #tpu.memory_space<vmem>>, %arg7: memref<1000x128xf32, #tpu.memory_space<vmem>>, %arg8: memref<1000x256xf32, #tpu.memory_space<vmem>>) attributes {dimension_semantics = [#tpu.dimension_semantics<arbitrary>], iteration_bounds = array<i64: 10>, scalar_prefetch = 0 : i64, scratch_operands = 0 : i64, tpu.core_type = #tpu.core_type<tc>, window_params = [{transform_indices = @transform_0, window_bounds = array<i64: 2, 1000, 128>}, {transform_indices = @transform_1, window_bounds = array<i64: 1000, 128>}, {transform_indices = @transform_2, window_bounds = array<i64: 1000, 1>}, {transform_indices = @transform_3, window_bounds = array<i64: 1000, 1>}, {pipeline_mode = #tpu.pipeline_mode<synchronous>, transform_indices = @transform_4, window_bounds = array<i64: 128, 256>}, {pipeline_mode = #tpu.pipeline_mode<synchronous>, transform_indices = @transform_5, window_bounds = array<i64: 1, 256>}, {transform_indices = @transform_6, window_bounds = array<i64: 1000, 128>}, {transform_indices = @transform_7, window_bounds = array<i64: 1000, 256>}]} {
    %get3A = arith.constant 0 : index
    %get3A_0 = arith.constant 0 : index
    %get3A_1 = arith.constant 0 : index
    %get3A_2 = vector.load %arg1[%get3A, %get3A_0, %get3A_1] : memref<2x1000x128xf32, #tpu.memory_space<vmem>>, vector<1x1000x128xf32>
    %get3A_3 = vector.shape_cast %get3A_2 : vector<1x1000x128xf32> to vector<1000x128xf32>
    %get3A_4 = arith.constant 1 : index
    %get3A_5 = arith.constant 0 : index
    %get3A_6 = arith.constant 0 : index
    %get3A_7 = vector.load %arg1[%get3A_4, %get3A_5, %get3A_6] : memref<2x1000x128xf32, #tpu.memory_space<vmem>>, vector<1x1000x128xf32>
    %get3A_8 = vector.shape_cast %get3A_7 : vector<1x1000x128xf32> to vector<1000x128xf32>
    %add3A = arith.addf %get3A_3, %get3A_8 : vector<1000x128xf32>
    %get3A_9 = arith.constant 0 : index
    %get3A_10 = arith.constant 0 : index
    %get3A_11 = vector.load %arg3[%get3A_9, %get3A_10] : memref<1000x1xf32, #tpu.memory_space<vmem>>, vector<1000x1xf32>
    %get3A_12 = arith.constant 0 : index
    %get3A_13 = arith.constant 0 : index
    %get3A_14 = vector.load %arg2[%get3A_12, %get3A_13] : memref<1000x128xf32, #tpu.memory_space<vmem>>, vector<1000x128xf32>
    %add3A_15 = arith.addf %add3A, %get3A_14 : vector<1000x128xf32>
    %get3A_16 = arith.constant 0 : index
    %get3A_17 = arith.constant 0 : index
    %get3A_18 = vector.load %arg6[%get3A_16, %get3A_17] : memref<1x256xf32, #tpu.memory_space<vmem>>, vector<1x256xf32>
    %get3A_19 = arith.constant 0 : index
    %get3A_20 = arith.constant 0 : index
    %get3A_21 = vector.load %arg5[%get3A_19, %get3A_20] : memref<128x256xf32, #tpu.memory_space<vmem>>, vector<128x256xf32>
    %dot_general3A = arith.constant dense<0.000000e+00> : vector<1000x256xf32>
    %dot_general3A_22 = tpu.matmul %add3A_15, %get3A_21, %dot_general3A {dimension_numbers = #tpu.dot_dimension_numbers<[1], [0], [0], [1], [0, 0, 1, 1], [], []>, transpose_lhs_hint = false} : vector<1000x128xf32>, vector<128x256xf32>, vector<1000x256xf32> -> vector<1000x256xf32>
    %mul3A = vector.broadcast %get3A_11 : vector<1000x1xf32> to vector<1000x256xf32>
    %mul3A_23 = arith.mulf %mul3A, %dot_general3A_22 : vector<1000x256xf32>
    %add3A_24 = vector.broadcast %get3A_18 : vector<1x256xf32> to vector<1000x256xf32>
    %add3A_25 = arith.addf %mul3A_23, %add3A_24 : vector<1000x256xf32>
    %mul3A_26 = arith.mulf %get3A_11, %get3A_11 : vector<1000x1xf32>
    %mul3A_27 = vector.broadcast %mul3A_26 : vector<1000x1xf32> to vector<1000x128xf32>
    %mul3A_28 = arith.mulf %mul3A_27, %add3A_15 : vector<1000x128xf32>
    %swap3A = arith.constant 0 : index
    %swap3A_29 = arith.constant 0 : index
    %swap3A_30 = vector.load %arg7[%swap3A, %swap3A_29] : memref<1000x128xf32, #tpu.memory_space<vmem>>, vector<1000x128xf32>
    tpu.vector_store %arg7[%swap3A, %swap3A_29], %mul3A_28 {strides = array<i32>} : memref<1000x128xf32, #tpu.memory_space<vmem>>, vector<1000x128xf32>,
    %mul3A_31 = vector.broadcast %get3A_11 : vector<1000x1xf32> to vector<1000x256xf32>
    %mul3A_32 = arith.mulf %mul3A_31, %add3A_25 : vector<1000x256xf32>
    %get3A_33 = arith.constant 0 : index
    %get3A_34 = arith.constant 0 : index
    %get3A_35 = vector.load %arg4[%get3A_33, %get3A_34] : memref<1000x1xf32, #tpu.memory_space<vmem>>, vector<1000x1xf32>
    %mul3A_36 = vector.broadcast %get3A_35 : vector<1000x1xf32> to vector<1000x256xf32>
    %mul3A_37 = vector.broadcast %get3A_18 : vector<1x256xf32> to vector<1000x256xf32>
    %mul3A_38 = arith.mulf %mul3A_36, %mul3A_37 : vector<1000x256xf32>
    %add3A_39 = arith.addf %mul3A_32, %mul3A_38 : vector<1000x256xf32>
    %swap3A_40 = arith.constant 0 : index
    %swap3A_41 = arith.constant 0 : index
    %swap3A_42 = vector.load %arg8[%swap3A_40, %swap3A_41] : memref<1000x256xf32, #tpu.memory_space<vmem>>, vector<1000x256xf32>
    tpu.vector_store %arg8[%swap3A_40, %swap3A_41], %add3A_39 {strides = array<i32>} : memref<1000x256xf32, #tpu.memory_space<vmem>>, vector<1000x256xf32>,
    return
  }
  func.func @transform_0(%arg0: i32) -> (i32, i32, i32) {
    %c0_i32 = arith.constant 0 : i32
    %c0_i32_0 = arith.constant 0 : i32
    %c0_i32_1 = arith.constant 0 : i32
    return %c0_i32, %arg0, %c0_i32_0 : i32, i32, i32
  }
  func.func @transform_1(%arg0: i32) -> (i32, i32) {
    %c0_i32 = arith.constant 0 : i32
    %c0_i32_0 = arith.constant 0 : i32
    return %arg0, %c0_i32 : i32, i32
  }
  func.func @transform_2(%arg0: i32) -> (i32, i32) {
    %c0_i32 = arith.constant 0 : i32
    %c0_i32_0 = arith.constant 0 : i32
    return %arg0, %c0_i32 : i32, i32
  }
  func.func @transform_3(%arg0: i32) -> (i32, i32) {
    %c0_i32 = arith.constant 0 : i32
    %c0_i32_0 = arith.constant 0 : i32
    return %arg0, %c0_i32 : i32, i32
  }
  func.func @transform_4(%arg0: i32) -> (i32, i32) {
    %c0_i32 = arith.constant 0 : i32
    %c0_i32_0 = arith.constant 0 : i32
    %c0_i32_1 = arith.constant 0 : i32
    return %c0_i32, %c0_i32_0 : i32, i32
  }
  func.func @transform_5(%arg0: i32) -> (i32, i32) {
    %c0_i32 = arith.constant 0 : i32
    %c0_i32_0 = arith.constant 0 : i32
    %c0_i32_1 = arith.constant 0 : i32
    return %c0_i32, %c0_i32_0 : i32, i32
  }
  func.func @transform_6(%arg0: i32) -> (i32, i32) {
    %c0_i32 = arith.constant 0 : i32
    %c0_i32_0 = arith.constant 0 : i32
    return %arg0, %c0_i32 : i32, i32
  }
  func.func @transform_7(%arg0: i32) -> (i32, i32) {
    %c0_i32 = arith.constant 0 : i32
    %c0_i32_0 = arith.constant 0 : i32
    return %arg0, %c0_i32 : i32, i32
  }
}

module attributes {stable_mosaic.version = 14 : i64} {
  func.func @_tc3_body(%arg0: i32, %arg1: memref<2x1000x128xf32, #tpu.memory_space<vmem>>, %arg2: memref<1000x256xf32, #tpu.memory_space<vmem>>, %arg3: memref<1000x1xf32, #tpu.memory_space<vmem>>, %arg4: memref<128x256xf32, #tpu.memory_space<vmem>>, %arg5: memref<256x128xf32, #tpu.memory_space<vmem>>, %arg6: memref<1x128xf32, #tpu.memory_space<vmem>>, %arg7: memref<1000x128xf32, #tpu.memory_space<vmem>>) attributes {dimension_semantics = [#tpu.dimension_semantics<arbitrary>], iteration_bounds = array<i64: 10>, scalar_prefetch = 0 : i64, scratch_operands = 0 : i64, tpu.core_type = #tpu.core_type<tc>, window_params = [{transform_indices = @transform_0, window_bounds = array<i64: 2, 1000, 128>}, {transform_indices = @transform_1, window_bounds = array<i64: 1000, 256>}, {transform_indices = @transform_2, window_bounds = array<i64: 1000, 1>}, {pipeline_mode = #tpu.pipeline_mode<synchronous>, transform_indices = @transform_3, window_bounds = array<i64: 128, 256>}, {pipeline_mode = #tpu.pipeline_mode<synchronous>, transform_indices = @transform_4, window_bounds = array<i64: 256, 128>}, {pipeline_mode = #tpu.pipeline_mode<synchronous>, transform_indices = @transform_5, window_bounds = array<i64: 1, 128>}, {transform_indices = @transform_6, window_bounds = array<i64: 1000, 128>}]} {
    %get3A = arith.constant 0 : index
    %get3A_0 = arith.constant 0 : index
    %get3A_1 = arith.constant 0 : index
    %get3A_2 = vector.load %arg1[%get3A, %get3A_0, %get3A_1] : memref<2x1000x128xf32, #tpu.memory_space<vmem>>, vector<1x1000x128xf32>
    %get3A_3 = vector.shape_cast %get3A_2 : vector<1x1000x128xf32> to vector<1000x128xf32>
    %get3A_4 = arith.constant 1 : index
    %get3A_5 = arith.constant 0 : index
    %get3A_6 = arith.constant 0 : index
    %get3A_7 = vector.load %arg1[%get3A_4, %get3A_5, %get3A_6] : memref<2x1000x128xf32, #tpu.memory_space<vmem>>, vector<1x1000x128xf32>
    %get3A_8 = vector.shape_cast %get3A_7 : vector<1x1000x128xf32> to vector<1000x128xf32>
    %add3A = arith.addf %get3A_3, %get3A_8 : vector<1000x128xf32>
    %get3A_9 = arith.constant 0 : index
    %get3A_10 = arith.constant 0 : index
    %get3A_11 = vector.load %arg4[%get3A_9, %get3A_10] : memref<128x256xf32, #tpu.memory_space<vmem>>, vector<128x256xf32>
    %dot_general3A = arith.constant dense<0.000000e+00> : vector<1000x256xf32>
    %dot_general3A_12 = tpu.matmul %add3A, %get3A_11, %dot_general3A {dimension_numbers = #tpu.dot_dimension_numbers<[1], [0], [0], [1], [0, 0, 1, 1], [], []>, transpose_lhs_hint = false} : vector<1000x128xf32>, vector<128x256xf32>, vector<1000x256xf32> -> vector<1000x256xf32>
    %get3A_13 = arith.constant 0 : index
    %get3A_14 = arith.constant 0 : index
    %get3A_15 = vector.load %arg2[%get3A_13, %get3A_14] : memref<1000x256xf32, #tpu.memory_space<vmem>>, vector<1000x256xf32>
    %add3A_16 = arith.addf %dot_general3A_12, %get3A_15 : vector<1000x256xf32>
    %get3A_17 = arith.constant 0 : index
    %get3A_18 = arith.constant 0 : index
    %get3A_19 = vector.load %arg3[%get3A_17, %get3A_18] : memref<1000x1xf32, #tpu.memory_space<vmem>>, vector<1000x1xf32>
    %get3A_20 = arith.constant 0 : index
    %get3A_21 = arith.constant 0 : index
    %get3A_22 = vector.load %arg5[%get3A_20, %get3A_21] : memref<256x128xf32, #tpu.memory_space<vmem>>, vector<256x128xf32>
    %dot_general3A_23 = arith.constant dense<0.000000e+00> : vector<1000x128xf32>
    %dot_general3A_24 = tpu.matmul %add3A_16, %get3A_22, %dot_general3A_23 {dimension_numbers = #tpu.dot_dimension_numbers<[1], [0], [0], [1], [0, 0, 1, 1], [], []>, transpose_lhs_hint = false} : vector<1000x256xf32>, vector<256x128xf32>, vector<1000x128xf32> -> vector<1000x128xf32>
    %mul3A = vector.broadcast %get3A_19 : vector<1000x1xf32> to vector<1000x128xf32>
    %mul3A_25 = arith.mulf %mul3A, %dot_general3A_24 : vector<1000x128xf32>
    %get3A_26 = arith.constant 0 : index
    %get3A_27 = arith.constant 0 : index
    %get3A_28 = vector.load %arg6[%get3A_26, %get3A_27] : memref<1x128xf32, #tpu.memory_space<vmem>>, vector<1x128xf32>
    %add3A_29 = vector.broadcast %get3A_28 : vector<1x128xf32> to vector<1000x128xf32>
    %add3A_30 = arith.addf %mul3A_25, %add3A_29 : vector<1000x128xf32>
    %swap3A = arith.constant 0 : index
    %swap3A_31 = arith.constant 0 : index
    %swap3A_32 = vector.load %arg7[%swap3A, %swap3A_31] : memref<1000x128xf32, #tpu.memory_space<vmem>>, vector<1000x128xf32>
    tpu.vector_store %arg7[%swap3A, %swap3A_31], %add3A_30 {strides = array<i32>} : memref<1000x128xf32, #tpu.memory_space<vmem>>, vector<1000x128xf32>,
    return
  }
  func.func @transform_0(%arg0: i32) -> (i32, i32, i32) {
    %c0_i32 = arith.constant 0 : i32
    %c0_i32_0 = arith.constant 0 : i32
    %c0_i32_1 = arith.constant 0 : i32
    return %c0_i32, %arg0, %c0_i32_0 : i32, i32, i32
  }
  func.func @transform_1(%arg0: i32) -> (i32, i32) {
    %c0_i32 = arith.constant 0 : i32
    %c0_i32_0 = arith.constant 0 : i32
    return %arg0, %c0_i32 : i32, i32
  }
  func.func @transform_2(%arg0: i32) -> (i32, i32) {
    %c0_i32 = arith.constant 0 : i32
    %c0_i32_0 = arith.constant 0 : i32
    return %arg0, %c0_i32 : i32, i32
  }
  func.func @transform_3(%arg0: i32) -> (i32, i32) {
    %c0_i32 = arith.constant 0 : i32
    %c0_i32_0 = arith.constant 0 : i32
    %c0_i32_1 = arith.constant 0 : i32
    return %c0_i32, %c0_i32_0 : i32, i32
  }
  func.func @transform_4(%arg0: i32) -> (i32, i32) {
    %c0_i32 = arith.constant 0 : i32
    %c0_i32_0 = arith.constant 0 : i32
    %c0_i32_1 = arith.constant 0 : i32
    return %c0_i32, %c0_i32_0 : i32, i32
  }
  func.func @transform_5(%arg0: i32) -> (i32, i32) {
    %c0_i32 = arith.constant 0 : i32
    %c0_i32_0 = arith.constant 0 : i32
    %c0_i32_1 = arith.constant 0 : i32
    return %c0_i32, %c0_i32_0 : i32, i32
  }
  func.func @transform_6(%arg0: i32) -> (i32, i32) {
    %c0_i32 = arith.constant 0 : i32
    %c0_i32_0 = arith.constant 0 : i32
    return %arg0, %c0_i32 : i32, i32
  }
}

</mosaic_0001>

<sc_bundles>
// kernel: kernel.11.cloned.1.call-start
scs
__scs_entry_jumppad:
0x0: {  	(pc) =	sbr.rel $0x88, $3  }
0x1: {  	(tag) =	ssettag $0x0;
	lr =	simm.s32 $0x1  }
0x2: {  	[smem:$0x3F9A] =	sst lr;
	_ =	strace $0xD0000000  }
0x3: {  	_ = 	snop  }
0x4: {  	_ = 	snop  }
0x5: {  	_ = 	snop  }
0x6: {  	_ = 	snop  }
0x7: {  	_ = 	snop  }
__scs_overlays_trampoline_lowered:
0x8: {  	[smem:$0x3FA9] =	sst s0  }
0x9: {  	[smem:$0x3FAA] =	sst s1  }
0xa: {  	[smem:$0x3FAB] =	sst s2  }
0xb: {  	[smem:$0x3FAC] =	sst s3  }
0xc: {  	[smem:$0x3FAD] =	sst s4  }
0xd: {  	[smem:$0x3FAE] =	sst s5  }
0xe: {  	[smem:$0x3FAF] =	sst s6  }
0xf: {  	[smem:$0x3FB0] =	sst s7  }
0x10: {  	[smem:$0x3FB1] =	sst s8  }
0x11: {  	[smem:$0x3FB2] =	sst s9;
	s0 =	simm.s32 @!p0 $0x0  }
0x12: {  	s1 =	sld [smem:$0x3F98];
	s0 =	simm.s32 @p0 $0x1  }
0x13: {  	[smem:$0x3FB3] =	sst s0;
	s0 =	simm.s32 @!p1 $0x0  }
0x14: {  	s2 =	sld [smem:$0x3F97];
	s0 =	simm.s32 @p1 $0x1  }
0x15: {  	[smem:$0x3FB4] =	sst s0;
	s0 =	simm.s32 @!p2 $0x0  }
0x16: {  	s3 =	sld [smem:$0x3FDB];
	s0 =	simm.s32 @p2 $0x1  }
0x17: {  	s4 =	simm.s32 $0x1BF5;
	[smem:$0x3FB6] =	sst s0  }
0x18: {  	s0 =	sld [smem:$0x3F99];
	_ =	swait.ge [sflag:s4], $0x0  }
0x19: {  	s7 =	sld [smem:$0x3F9A]  }
0x1a: {  	s8 =	sadd.s32 $0xFFFFE003, lr  }
0x1b: {  	s9 =	sadd.s32 $0xFFFFFEF7, lr;
	s5 =	simm.s32 $0xFFFFFFFF;
	p2 =	slt.u32 s8, $0xFFFFF086  }
0x1c: {  	p1 =	slt.u32 s9, $0xF7A;
	s5 =	simm.s32 @!p2 $0x0  }
0x1d: {  	s5 =	simm.s32 @p1 $0x1;
	p0 =	seq.s32 s7, s2  }
0x1e: {  	s7 =	smul.u32 @!p0 $0xF7A, s2;
	p2 =	seq.s32 @!p0 s5, $0x0  }
0x1f: {  	s9 =	smul.u32 $0xF7A, s1;
	s8 =	simm.s32 @!p0 $0x1BF5;
	p2 =	por !p2, p0  }
0x20: {  	[sflag:s8] =	ssyncset.s32 @!p0 $0xFFFFF086;
	s6 =	sadd.s32 @!p0 s3, s7;
	s7 =	simm.s32 @!p0 $0x108  }
0x21: {  	s3 =	sadd.s32 s3, s9;
	s6 =	sadd.s32 @!p0 $0x88, s6;
	s7 =	simm.s32 @p2 $0x1082  }
0x22: {  	[simem:s7], [sflag:s8] =	dma.local @!p0 [hbm:s6], $0xF7A  }
0x23: {  	s9 =	sor.u32 $0xD0000000, s2;
	s6 =	simm.s32 $0x108;
	_ =	swait.ge @!p0 [sflag:s8], $0x0  }
0x24: {  	s3 =	sadd.s32 $0x88, s3;
	s6 =	simm.s32 @!p1 $0x1082;
	[sflag:s4] =	ssyncset.s32 $0xFFFFF086  }
0x25: {  	[simem:s6], [sflag:s4] =	dma.local [hbm:s3], $0xF7A  }
0x26: {  	[smem:$0x3F9A] =	sst s1;
	(tag) =	ssettag s2;
	_ =	strace s9  }
0x27: {  	s1 =	sld [smem:$0x3FAA]  }
0x28: {  	s2 =	sld [smem:$0x3FAB]  }
0x29: {  	s4 =	sld [smem:$0x3FAD]  }
0x2a: {  	p0 =	seq.s32 s5, $0x0;
	s5 =	sld [smem:$0x3FAE]  }
0x2b: {  	s6 =	sld [smem:$0x3FAF]  }
0x2c: {  	s7 =	sld [smem:$0x3FB0]  }
0x2d: {  	s3 =	simm.s32 $0x108;
	s8 =	sld [smem:$0x3FB1]  }
0x2e: {  	s3 =	simm.s32 @!p0 $0x1082;
	s9 =	sld [smem:$0x3FB2]  }
0x2f: {  	lr =	sadd.s32 s0, s3;
	s0 =	sld [smem:$0x3FA9]  }
0x30: {  	s3 =	sld [smem:$0x3FAC]  }
0x31: {  	[smem:$0x3FB5] =	sst s10  }
0x32: {  	s10 =	sld [smem:$0x3FB3];
	_ =	sdelay $0x3  }
0x33: {  	p0 =	seq.s32 s10, $0x1;
	s10 =	sld [smem:$0x3FB5];
	_ =	sdelay $0x3  }
0x34: {  	[smem:$0x3FB5] =	sst s10  }
0x35: {  	s10 =	sld [smem:$0x3FB4];
	_ =	sdelay $0x3  }
0x36: {  	p1 =	seq.s32 s10, $0x1;
	s10 =	sld [smem:$0x3FB5];
	_ =	sdelay $0x3  }
0x37: {  	[smem:$0x3FB5] =	sst s10  }
0x38: {  	s10 =	sld [smem:$0x3FB6]  }
0x39: {  	_ = 	snop;
	(pc) =	sbr.ind lr, $3  }
0x3a: {  	_ = 	snop  }
0x3b: {  	_ = 	snop  }
0x3c: {  	p2 =	seq.s32 s10, $0x1;
	s10 =	sld [smem:$0x3FB5]  }
0x3d: {  	_ =	shalt  }
0x3e: {  	_ =	shalt  }
0x3f: {  	_ =	shalt  }
0x40: {  	_ =	shalt  }
0x41: {  	_ =	shalt  }
0x42: {  	_ =	shalt  }
0x43: {  	_ =	shalt  }
0x44: {  	_ =	shalt  }
0x45: {  	_ =	shalt  }
0x46: {  	_ =	shalt  }
0x47: {  	_ =	shalt  }
0x48: {  	_ =	shalt  }
0x49: {  	_ =	shalt  }
0x4a: {  	_ =	shalt  }
0x4b: {  	_ =	shalt  }
0x4c: {  	_ =	shalt  }
0x4d: {  	_ =	shalt  }
0x4e: {  	_ =	shalt  }
0x4f: {  	_ =	shalt  }
0x50: {  	_ =	shalt  }
0x51: {  	_ =	shalt  }
0x52: {  	_ =	shalt  }
0x53: {  	_ =	shalt  }
0x54: {  	_ =	shalt  }
0x55: {  	_ =	shalt  }
0x56: {  	_ =	shalt  }
0x57: {  	_ =	shalt  }
0x58: {  	_ =	shalt  }
0x59: {  	_ =	shalt  }
0x5a: {  	_ =	shalt  }
0x5b: {  	_ =	shalt  }
0x5c: {  	_ =	shalt  }
0x5d: {  	_ =	shalt  }
0x5e: {  	_ =	shalt  }
0x5f: {  	_ =	shalt  }
0x60: {  	_ =	shalt  }
0x61: {  	_ =	shalt  }
0x62: {  	_ =	shalt  }
0x63: {  	_ =	shalt  }
0x64: {  	_ =	shalt  }
0x65: {  	_ =	shalt  }
0x66: {  	_ =	shalt  }
0x67: {  	_ =	shalt  }
0x68: {  	_ =	shalt  }
0x69: {  	_ =	shalt  }
0x6a: {  	_ =	shalt  }
0x6b: {  	_ =	shalt  }
0x6c: {  	_ =	shalt  }
0x6d: {  	_ =	shalt  }
0x6e: {  	_ =	shalt  }
0x6f: {  	_ =	shalt  }
0x70: {  	_ =	shalt  }
0x71: {  	_ =	shalt  }
0x72: {  	_ =	shalt  }
0x73: {  	_ =	shalt  }
0x74: {  	_ =	shalt  }
0x75: {  	_ =	shalt  }
0x76: {  	_ =	shalt  }
0x77: {  	_ =	shalt  }
0x78: {  	_ =	shalt  }
0x79: {  	_ =	shalt  }
0x7a: {  	_ =	shalt  }
0x7b: {  	_ =	shalt  }
0x7c: {  	_ =	shalt  }
0x7d: {  	_ =	shalt  }
0x7e: {  	_ =	shalt  }
0x7f: {  	_ =	shalt  }
0x80: {  	_ =	shalt  }
0x81: {  	_ =	shalt  }
0x82: {  	_ =	shalt  }
0x83: {  	_ =	shalt  }
0x84: {  	_ =	shalt  }
0x85: {  	_ =	shalt  }
0x86: {  	_ =	shalt  }
0x87: {  	_ =	shalt  }
.Lfunc_end0:
.L_simem_size_0:
called_computation_lowered:
.L_overlay_start_0:
0x88: {  	s2 =	sld [smem:$0x3FD9]  }
0x89: {  	s3 =	sld [smem:$0x3FFE];
	_ =	sdelay $0x1  }
0x8a: {  	s1 =	srdreg.scid  }
0x8b: {  	s0 =	sand.u32 $0x1, s1  }
0x8c: {  	s17 =	sshll.u32 s0, $0xA;
	s2 =	sadd.s32 s3, s2  }
0x8d: {  	s2 =	sadd.s32 s2, s17  }
0x8e: {  	[smem:$0x3FC1] =	sst s2  }
0x8f: {  	_ = 	snop  }
0x90: {  	s2 =	sld [smem:$0x3FD0];
	(tm) =	ssettm $0x1  }
0x91: {  	s18 =	sld [smem:$0x3FFB];
	_ =	sdelay $0x3  }
0x92: {  	_ =	strace s18  }
0x93: {  	s3 =	sld [smem:$0x3FFC];
	_ =	sdelay $0x3  }
0x94: {  	_ =	strace s3  }
0x95: {  	s3 =	sld [smem:$0x3FFD];
	_ =	sdelay $0x3  }
0x96: {  	_ =	strace s3  }
0x97: {  	_ =	strace $0x8FFFFFFF  }
0x98: {  	s19 =	sld [smem:$0x3FDB];
	_ =	sdelay $0x1  }
0x99: {  	s4 =	simm.s32 $_scs_section_size  }
0x9a: {  	s5 =	simm.s32 $_size__tile_overlayer_lowered;
	s6 =	simm.s32 $_tile_overlayer_lowered  }
0x9b: {  	s22 =	simm.s32 $0x1BFF;
	s21 =	sshll.u32 s6, $0x1;
	s3 =	sadd.s32 s4, s19  }
0x9c: {  	s7 =	simm.s32 $0x0;
	s20 =	sshll.u32 s5, $0x1;
	s5 =	sadd.s32 s21, s3  }
0x9d: {  	[timem:s7], [sflag:s22] =	dma.local [hbm:s5], s20  }
0x9e: {  	_ =	swait.ge [sflag:s22], s20  }
0x9f: {  	s4 =	ssub.s32 $0x0, s20;
	[sflag:s22] =	ssyncset.done $0x0  }
0xa0: {  	[sflag:s22] =	ssyncadd.s32 s4;
	_ =	sdelay $0x1  }
0xa1: {  	s23 =	simm.s32 $0x1B8B  }
0xa2: {  	_ =	swait.ge [sflag:s23], $0x1  }
0xa3: {  	[sflag:s23] =	ssyncset.done $0x0  }
0xa4: {  	s25 =	simm.s32 $0x1B8E;
	s24 =	sld [smem:$0x3FFE];
	[sflag:s23] =	ssyncadd.s32 $0xFFFFFFFF  }
0xa5: {  	s26 =	simm.s32 $execute0_lowered;
	[smem:$0x3FD2] =	sst s25  }
0xa6: {  	s5 =	sshll.u32 s26, $0x1;
	_ =	strace $0x80000046;
	[dreg:$0x1] =	wrdreg $0xFFFFFFFF  }
0xa7: {  	s28 =	simm.s32 $_size_execute0_lowered;
	s3 =	sadd.s32 s3, s5;
	[dreg:$0x0] =	wrdreg $0x0  }
0xa8: {  	s5 =	sshll.u32 s28, $0x1;
	[dreg:$0x2] =	wrdreg s3  }
0xa9: {  	[dreg:$0x3] =	wrdreg s5  }
0xaa: {  	[dreg:$0x4] =	wrdreg $0xC0  }
0xab: {  	_ =	task [dreg:s7], $0x5FFFF  }
0xac: {  	[dreg:$0x1] =	wrdreg $0xFFFFFFFF  }
0xad: {  	[dreg:$0x0] =	wrdreg $0x60  }
0xae: {  	[dreg:$0x2] =	wrdreg s24  }
0xaf: {  	[dreg:$0x3] =	wrdreg s2  }
0xb0: {  	[dreg:$0x4] =	wrdreg $0x9  }
0xb1: {  	_ =	task.clear_ibuf [dreg:s7], $0x5FFFF;
	_ =	strace $0x90000046  }
0xb2: {  	s29 =	simm.s32 $0x9;
	_ =	strace $0x80000048  }
0xb3: {  	_ =	swait.ge [sflag:s29], $0x1  }
0xb4: {  	[sflag:s29] =	ssyncadd.s32 $0xFFFFFFFF  }
0xb5: {  	_ =	strace $0x90000048  }
0xb6: {  	_ =	sfence  }
0xb7: {  	s30 =	sld [smem:$0x0];
	_ =	sdelay $0x2  }
0xb8: {  	s31 =	sshll.u32 s1, $0xD;
	s1 =	sshrl.u32 s1, $0x2  }
0xb9: {  	s3 =	sand.u32 $0x4000, s31;
	s1 =	sadd.s32 s1, s30  }
0xba: {  	s0 =	sor.u32 s3, s0;
	s1 =	sshll.u32 s1, $0x11  }
0xbb: {  	s0 =	sor.u32 s1, s0  }
0xbc: {  	s0 =	sadd.s32 $0x8F2B, s0  }
0xbd: {  	[sflag:s0] =	ssyncadd.remote.s32 $0x1  }
0xbe: {  	_ =	sfence.sel $0xFFFF  }
0xbf: {  	[dreg:$0x0] =	wrdreg $0xFFFFFFFF;
	(pc) =	sbr.abs _section_cstart, $3  }
0xc0: {  	[dreg:$0x1] =	wrdreg $0xFFFFFFFF  }
0xc1: {  	_ =	task.clear_ibuf [dreg:s7], $0x2FFFF;
	_ =	strace $0x9FFFFFFF  }
0xc2: {  	(tm) =	ssettm $0x7FFFFFFF  }
0xc3: {  	_ =	shalt  }
tec
execute0_lowered:
.L_overlay_start_1:
0x0: {  	(tag) =	ssettag $0x1  }
0x1: {  	s0 =	srdreg.scid  }
0x2: {  	s3 =	sand.u32 $0x1, s0  }
0x3: {  	s4 =	rddreg [dreg:$0x0];
	s0 =	stileid.u32;
	s1 =	sshll.u32 s3, $0x4  }
0x4: {  	s5 =	rddreg [dreg:$0x1];
	s2 =	simm.s32 $0x0;
	s1 =	sor.u32 s0, s1  }
0x5: {  	s8 =	simm.s32 $0x2;
	s3 =	ssub.s32 $0x2, s3;
	s6 =	smul.u32 $0x4E2, s1  }
0x6: {  	s9 =	simm.s32 $0x0;
	[smem:$0x7FF] =	sst s2;
	s7 =	sshrl.u32 s3, $0x1  }
0x7: {  	s1 =	rddreg [dreg:$0x2];
	_ =	strace $0x80000047;
	s4 =	sadd.s32 s6, s4  }
0x8: {  	s7 =	ssub.s32 s3, s7;
	s3 =	sadd.s32 $0xCE00, s4;
	s4 =	sadd.s32 s5, s6  }
0x9: {  	v0 =	vimm.f32 $0.0e+00;
	v1 =	vimm.f32 $1.000000000e+00;
	s5 =	smax.u32 s7, $0x1;
	s6 =	simm.s32 $0x1;
	s7 =	simm.s32 $0x2710  }
.LBB2_1:
0xa: {  	[tilespmem:s2], [sflag:$0x1] =	stream.linear.gather [hbm4b:s3+s2], $0x2710, $0x38;
	[tilespmem:$0x4E20] =	vst v63  }
0xb: {  	s10 =	simm.s32 $0x40;
	s11 =	simm.s32 $0x0  }
.LBB2_2:
0xc: {  	p0 =	sne.s32 s10, $0x9C00;
	[tilespmem:s11+$0x2710] =	vst v0;
	s11 =	smov.u32 s10;
	s10 =	sadd.s32 $0x40, s10  }
.Ltmp0:
0xd: {  	(pc) =	sbr.rel @p0 .LBB2_2-.Ltmp0, $2  }
0xe: {  	_ =	sdelay $0x2  }
0xf: {  	s11 =	sshra.s32 s11, $0x2  }
0x10: {  	[tilespmem:s11+$0x2710] =	vst v0  }
0x11: {  	_ =	swait.ge [sflag:s6], $0x2710  }
0x12: {  	[sflag:s6] =	ssyncset.done $0x0  }
0x13: {  	s11 =	simm.s32 $0x0;
	s10 =	simm.s32 $0x40;
	[sflag:s6] =	ssyncadd.s32 $0xFFFFD8F0  }
.LBB2_4:
0x14: {  	p0 =	sne.s32 s10, $0x9C00;
	v2 =	vld [tilespmem:s11+$0x0];
	_ =	sdelay $0x3  }
.Ltmp1:
0x15: {  	(pc) =	sbr.rel @p0 .LBB2_4-.Ltmp1, $2  }
0x16: {  	_ =	sdelay $0x2  }
0x17: {  	s11 =	sshra.s32 s10, $0x2;
	s10 =	sadd.s32 $0x40, s10;
	[tilespmem:v2+s7+$0x0] =	vst.idx.add.f32.msk $0xffff, v1  }
0x18: {  	v2 =	vld [tilespmem:s11+$0x0];
	_ =	sdelay $0x5  }
0x19: {  	s9 =	sadd.s32 $0x1, s9  }
0x1a: {  	p0 =	sne.s32 s9, s5  }
.Ltmp2:
0x1b: {  	[tilespmem:v2+s7+$0x0] =	vst.idx.add.f32.msk $0xffff, v1;
	(pc) =	sbr.rel @p0 .LBB2_1-.Ltmp2, $4  }
0x1c: {  	[hbm4b:s4+s2] =	stream.linear.scatter [tilespmem:s7], [sflag:$0x2], $0x2710, $0x38;
	[tilespmem:$0x4E20] =	vst v63  }
0x1d: {  	_ =	swait.ge [sflag:s8], $0x2710  }
0x1e: {  	[sflag:s8] =	ssyncset.done $0x0  }
0x1f: {  	[sflag:s8] =	ssyncadd.s32 $0xFFFFD8F0  }
0x20: {  	_ =	sfence.sel $0x180000  }
0x21: {  	[bflag:$0x0] =	sbarrier.arrive $0xFFFF  }
0x22: {  	p0 =	sne.s32 s0, $0x0;
	_ =	strace $0x90000047  }
0x23: {  	s0 =	sadd.s32 @!p0 $0x100000, s1;
	[bflag:$0x2] =	sbarrier.arrive $0xFFFF  }
0x24: {  	[sflag:s0] =	ssyncadd.tile.s32 @!p0 $0x1;
	_ =	shalt  }
.Lfunc_end2:
_tile_overlayer_lowered:
.L_overlay_start_2:
0x25: {  	(tag) =	ssettag $0x2  }
0x26: {  	s0 =	rddreg [dreg:$0x0];
	s2 =	stileid.u32  }
0x27: {  	s1 =	rddreg [dreg:$0x1];
	p0 =	sne.s32 s2, $0x0  }
0x28: {  	s3 =	rddreg [dreg:$0x2];
	[bflag:$0x3] =	sbarrier.arrive $0xFFFF;
	s2 =	simm.s32 @!p0 $0x1C02  }
0x29: {  	[timem:s3], [sflag:s2] =	dma.local @!p0 [hbm:s0], s1  }
0x2a: {  	s0 =	simm.s32 @!p0 $0x2  }
0x2b: {  	_ =	swait.ge @!p0 [sflag:s0], s1  }
0x2c: {  	s1 =	ssub.s32 @!p0 $0x0, s1;
	[sflag:s0] =	ssyncset.done @!p0 $0x0  }
0x2d: {  	[sflag:s0] =	ssyncadd.s32 @!p0 s1  }
0x2e: {  	[bflag:$0x3] =	sbarrier.arrive $0xFFFF  }
0x2f: {  	_ =	shalt  }

// kernel: kernel.14.cloned.1.call-start
scs
__scs_entry_jumppad:
0x0: {  	(pc) =	sbr.rel $0x88, $3  }
0x1: {  	(tag) =	ssettag $0x0;
	lr =	simm.s32 $0x1  }
0x2: {  	[smem:$0x3F9A] =	sst lr;
	_ =	strace $0xD0000000  }
0x3: {  	_ = 	snop  }
0x4: {  	_ = 	snop  }
0x5: {  	_ = 	snop  }
0x6: {  	_ = 	snop  }
0x7: {  	_ = 	snop  }
__scs_overlays_trampoline_lowered:
0x8: {  	[smem:$0x3FA9] =	sst s0  }
0x9: {  	[smem:$0x3FAA] =	sst s1  }
0xa: {  	[smem:$0x3FAB] =	sst s2  }
0xb: {  	[smem:$0x3FAC] =	sst s3  }
0xc: {  	[smem:$0x3FAD] =	sst s4  }
0xd: {  	[smem:$0x3FAE] =	sst s5  }
0xe: {  	[smem:$0x3FAF] =	sst s6  }
0xf: {  	[smem:$0x3FB0] =	sst s7  }
0x10: {  	[smem:$0x3FB1] =	sst s8  }
0x11: {  	[smem:$0x3FB2] =	sst s9;
	s0 =	simm.s32 @!p0 $0x0  }
0x12: {  	s1 =	sld [smem:$0x3F98];
	s0 =	simm.s32 @p0 $0x1  }
0x13: {  	[smem:$0x3FB3] =	sst s0;
	s0 =	simm.s32 @!p1 $0x0  }
0x14: {  	s2 =	sld [smem:$0x3F97];
	s0 =	simm.s32 @p1 $0x1  }
0x15: {  	[smem:$0x3FB4] =	sst s0;
	s0 =	simm.s32 @!p2 $0x0  }
0x16: {  	s3 =	sld [smem:$0x3FDB];
	s0 =	simm.s32 @p2 $0x1  }
0x17: {  	s4 =	simm.s32 $0x1BF5;
	[smem:$0x3FB6] =	sst s0  }
0x18: {  	s0 =	sld [smem:$0x3F99];
	_ =	swait.ge [sflag:s4], $0x0  }
0x19: {  	s7 =	sld [smem:$0x3F9A]  }
0x1a: {  	s8 =	sadd.s32 $0xFFFFE003, lr  }
0x1b: {  	s9 =	sadd.s32 $0xFFFFFEF7, lr;
	s5 =	simm.s32 $0xFFFFFFFF;
	p2 =	slt.u32 s8, $0xFFFFF086  }
0x1c: {  	p1 =	slt.u32 s9, $0xF7A;
	s5 =	simm.s32 @!p2 $0x0  }
0x1d: {  	s5 =	simm.s32 @p1 $0x1;
	p0 =	seq.s32 s7, s2  }
0x1e: {  	s7 =	smul.u32 @!p0 $0xF7A, s2;
	p2 =	seq.s32 @!p0 s5, $0x0  }
0x1f: {  	s9 =	smul.u32 $0xF7A, s1;
	s8 =	simm.s32 @!p0 $0x1BF5;
	p2 =	por !p2, p0  }
0x20: {  	[sflag:s8] =	ssyncset.s32 @!p0 $0xFFFFF086;
	s6 =	sadd.s32 @!p0 s3, s7;
	s7 =	simm.s32 @!p0 $0x108  }
0x21: {  	s3 =	sadd.s32 s3, s9;
	s6 =	sadd.s32 @!p0 $0x88, s6;
	s7 =	simm.s32 @p2 $0x1082  }
0x22: {  	[simem:s7], [sflag:s8] =	dma.local @!p0 [hbm:s6], $0xF7A  }
0x23: {  	s9 =	sor.u32 $0xD0000000, s2;
	s6 =	simm.s32 $0x108;
	_ =	swait.ge @!p0 [sflag:s8], $0x0  }
0x24: {  	s3 =	sadd.s32 $0x88, s3;
	s6 =	simm.s32 @!p1 $0x1082;
	[sflag:s4] =	ssyncset.s32 $0xFFFFF086  }
0x25: {  	[simem:s6], [sflag:s4] =	dma.local [hbm:s3], $0xF7A  }
0x26: {  	[smem:$0x3F9A] =	sst s1;
	(tag) =	ssettag s2;
	_ =	strace s9  }
0x27: {  	s1 =	sld [smem:$0x3FAA]  }
0x28: {  	s2 =	sld [smem:$0x3FAB]  }
0x29: {  	s4 =	sld [smem:$0x3FAD]  }
0x2a: {  	p0 =	seq.s32 s5, $0x0;
	s5 =	sld [smem:$0x3FAE]  }
0x2b: {  	s6 =	sld [smem:$0x3FAF]  }
0x2c: {  	s7 =	sld [smem:$0x3FB0]  }
0x2d: {  	s3 =	simm.s32 $0x108;
	s8 =	sld [smem:$0x3FB1]  }
0x2e: {  	s3 =	simm.s32 @!p0 $0x1082;
	s9 =	sld [smem:$0x3FB2]  }
0x2f: {  	lr =	sadd.s32 s0, s3;
	s0 =	sld [smem:$0x3FA9]  }
0x30: {  	s3 =	sld [smem:$0x3FAC]  }
0x31: {  	[smem:$0x3FB5] =	sst s10  }
0x32: {  	s10 =	sld [smem:$0x3FB3];
	_ =	sdelay $0x3  }
0x33: {  	p0 =	seq.s32 s10, $0x1;
	s10 =	sld [smem:$0x3FB5];
	_ =	sdelay $0x3  }
0x34: {  	[smem:$0x3FB5] =	sst s10  }
0x35: {  	s10 =	sld [smem:$0x3FB4];
	_ =	sdelay $0x3  }
0x36: {  	p1 =	seq.s32 s10, $0x1;
	s10 =	sld [smem:$0x3FB5];
	_ =	sdelay $0x3  }
0x37: {  	[smem:$0x3FB5] =	sst s10  }
0x38: {  	s10 =	sld [smem:$0x3FB6]  }
0x39: {  	_ = 	snop;
	(pc) =	sbr.ind lr, $3  }
0x3a: {  	_ = 	snop  }
0x3b: {  	_ = 	snop  }
0x3c: {  	p2 =	seq.s32 s10, $0x1;
	s10 =	sld [smem:$0x3FB5]  }
0x3d: {  	_ =	shalt  }
0x3e: {  	_ =	shalt  }
0x3f: {  	_ =	shalt  }
0x40: {  	_ =	shalt  }
0x41: {  	_ =	shalt  }
0x42: {  	_ =	shalt  }
0x43: {  	_ =	shalt  }
0x44: {  	_ =	shalt  }
0x45: {  	_ =	shalt  }
0x46: {  	_ =	shalt  }
0x47: {  	_ =	shalt  }
0x48: {  	_ =	shalt  }
0x49: {  	_ =	shalt  }
0x4a: {  	_ =	shalt  }
0x4b: {  	_ =	shalt  }
0x4c: {  	_ =	shalt  }
0x4d: {  	_ =	shalt  }
0x4e: {  	_ =	shalt  }
0x4f: {  	_ =	shalt  }
0x50: {  	_ =	shalt  }
0x51: {  	_ =	shalt  }
0x52: {  	_ =	shalt  }
0x53: {  	_ =	shalt  }
0x54: {  	_ =	shalt  }
0x55: {  	_ =	shalt  }
0x56: {  	_ =	shalt  }
0x57: {  	_ =	shalt  }
0x58: {  	_ =	shalt  }
0x59: {  	_ =	shalt  }
0x5a: {  	_ =	shalt  }
0x5b: {  	_ =	shalt  }
0x5c: {  	_ =	shalt  }
0x5d: {  	_ =	shalt  }
0x5e: {  	_ =	shalt  }
0x5f: {  	_ =	shalt  }
0x60: {  	_ =	shalt  }
0x61: {  	_ =	shalt  }
0x62: {  	_ =	shalt  }
0x63: {  	_ =	shalt  }
0x64: {  	_ =	shalt  }
0x65: {  	_ =	shalt  }
0x66: {  	_ =	shalt  }
0x67: {  	_ =	shalt  }
0x68: {  	_ =	shalt  }
0x69: {  	_ =	shalt  }
0x6a: {  	_ =	shalt  }
0x6b: {  	_ =	shalt  }
0x6c: {  	_ =	shalt  }
0x6d: {  	_ =	shalt  }
0x6e: {  	_ =	shalt  }
0x6f: {  	_ =	shalt  }
0x70: {  	_ =	shalt  }
0x71: {  	_ =	shalt  }
0x72: {  	_ =	shalt  }
0x73: {  	_ =	shalt  }
0x74: {  	_ =	shalt  }
0x75: {  	_ =	shalt  }
0x76: {  	_ =	shalt  }
0x77: {  	_ =	shalt  }
0x78: {  	_ =	shalt  }
0x79: {  	_ =	shalt  }
0x7a: {  	_ =	shalt  }
0x7b: {  	_ =	shalt  }
0x7c: {  	_ =	shalt  }
0x7d: {  	_ =	shalt  }
0x7e: {  	_ =	shalt  }
0x7f: {  	_ =	shalt  }
0x80: {  	_ =	shalt  }
0x81: {  	_ =	shalt  }
0x82: {  	_ =	shalt  }
0x83: {  	_ =	shalt  }
0x84: {  	_ =	shalt  }
0x85: {  	_ =	shalt  }
0x86: {  	_ =	shalt  }
0x87: {  	_ =	shalt  }
.Lfunc_end0:
.L_simem_size_0:
called_computation.1_lowered:
.L_overlay_start_0:
0x88: {  	s2 =	sld [smem:$0x3FD9]  }
0x89: {  	s3 =	sld [smem:$0x3FFE];
	_ =	sdelay $0x1  }
0x8a: {  	s1 =	srdreg.scid  }
0x8b: {  	s0 =	sand.u32 $0x1, s1  }
0x8c: {  	s17 =	sshll.u32 s0, $0xA;
	s2 =	sadd.s32 s3, s2  }
0x8d: {  	s2 =	sadd.s32 s2, s17  }
0x8e: {  	[smem:$0x3FC1] =	sst s2  }
0x8f: {  	_ = 	snop  }
0x90: {  	s18 =	sld [smem:$0x3FD0];
	(tm) =	ssettm $0x1  }
0x91: {  	s19 =	sld [smem:$0x3FFB];
	_ =	sdelay $0x3  }
0x92: {  	_ =	strace s19  }
0x93: {  	s2 =	sld [smem:$0x3FFC];
	_ =	sdelay $0x3  }
0x94: {  	_ =	strace s2  }
0x95: {  	s2 =	sld [smem:$0x3FFD];
	_ =	sdelay $0x3  }
0x96: {  	_ =	strace s2  }
0x97: {  	_ =	strace $0x8FFFFFFF  }
0x98: {  	s20 =	sld [smem:$0x3FDB];
	_ =	sdelay $0x1  }
0x99: {  	s4 =	simm.s32 $_scs_section_size  }
0x9a: {  	s5 =	simm.s32 $_size__tile_overlayer_lowered;
	s6 =	simm.s32 $_tile_overlayer_lowered  }
0x9b: {  	s7 =	simm.s32 $0x1BFF;
	s21 =	sshll.u32 s6, $0x1;
	s4 =	sadd.s32 s4, s20  }
0x9c: {  	s22 =	simm.s32 $0x0;
	s5 =	sshll.u32 s5, $0x1;
	s6 =	sadd.s32 s21, s4  }
0x9d: {  	[timem:s22], [sflag:s7] =	dma.local [hbm:s6], s5  }
0x9e: {  	_ =	swait.ge [sflag:s7], s5  }
0x9f: {  	s5 =	ssub.s32 $0x0, s5;
	[sflag:s7] =	ssyncset.done $0x0  }
0xa0: {  	[sflag:s7] =	ssyncadd.s32 s5;
	_ =	sdelay $0x1  }
0xa1: {  	s23 =	simm.s32 $0x1B8B  }
0xa2: {  	_ =	swait.ge [sflag:s23], $0x1  }
0xa3: {  	[sflag:s23] =	ssyncset.done $0x0  }
0xa4: {  	[sflag:s23] =	ssyncadd.s32 $0xFFFFFFFF  }
0xa5: {  	s5 =	sld [smem:$0x0]  }
0xa6: {  	s6 =	sand.u32 $0xFFFFFFFE, s1  }
0xa7: {  	p0 =	sne.s32 s1, s6  }
0xa8: {  	s6 =	sshll.u32 @p0 s6, $0xE  }
0xa9: {  	s6 =	sadd.s32 @p0 $0x11B8D, s6;
	s7 =	sshll.u32 @p0 s5, $0x11  }
0xaa: {  	s6 =	sor.u32 @p0 s7, s6  }
0xab: {  	[sflag:s6] =	ssyncadd.remote.s32 @p0 $0x1;
	_ =	sdelay $0x1  }
0xac: {  	s6 =	simm.s32 @p0 $0x1B8D  }
0xad: {  	_ =	swait.eq @p0 [sflag:s6], $0x1  }
0xae: {  	[sflag:s6] =	ssyncadd.s32 @p0 $0xFFFFFFFF  }
0xaf: {  	s7 =	sshll.u32 @!p0 s1, $0xE  }
0xb0: {  	s7 =	sor.u32 @!p0 $0x4000, s7;
	s6 =	simm.s32 @!p0 $0x1B8D  }
0xb1: {  	s5 =	sshll.u32 @!p0 s5, $0x11;
	s7 =	sadd.s32 @!p0 $0x11B8D, s7;
	_ =	swait.eq @!p0 [sflag:s6], $0x1  }
0xb2: {  	s5 =	sor.u32 @!p0 s5, s7;
	[sflag:s6] =	ssyncadd.s32 @!p0 $0xFFFFFFFF  }
0xb3: {  	s25 =	simm.s32 $0x1B8E;
	s24 =	sld [smem:$0x3FFE];
	[sflag:s5] =	ssyncadd.remote.s32 @!p0 $0x1  }
0xb4: {  	s26 =	simm.s32 $execute0_lowered;
	[smem:$0x3FD2] =	sst s25  }
0xb5: {  	s6 =	sshll.u32 s26, $0x1;
	_ =	strace $0x8000004C;
	[dreg:$0x1] =	wrdreg $0xFFFFFFFF  }
0xb6: {  	s28 =	simm.s32 $_size_execute0_lowered;
	s4 =	sadd.s32 s4, s6;
	[dreg:$0x0] =	wrdreg $0x0  }
0xb7: {  	s6 =	sshll.u32 s28, $0x1;
	[dreg:$0x2] =	wrdreg s4  }
0xb8: {  	[dreg:$0x3] =	wrdreg s6  }
0xb9: {  	[dreg:$0x4] =	wrdreg $0xC0  }
0xba: {  	_ =	task [dreg:s22], $0x5FFFF  }
0xbb: {  	[dreg:$0x1] =	wrdreg $0xFFFFFFFF  }
0xbc: {  	[dreg:$0x0] =	wrdreg $0x60  }
0xbd: {  	[dreg:$0x2] =	wrdreg s18  }
0xbe: {  	[dreg:$0x3] =	wrdreg s24  }
0xbf: {  	[dreg:$0x4] =	wrdreg $0x0  }
0xc0: {  	[dreg:$0x5] =	wrdreg $0x9  }
0xc1: {  	_ =	task.clear_ibuf [dreg:s22], $0x6FFFF;
	_ =	strace $0x9000004C  }
0xc2: {  	s29 =	simm.s32 $0x9;
	_ =	strace $0x8000004E  }
0xc3: {  	_ =	swait.ge [sflag:s29], $0x1  }
0xc4: {  	[sflag:s29] =	ssyncadd.s32 $0xFFFFFFFF  }
0xc5: {  	_ =	strace $0x9000004E  }
0xc6: {  	_ =	sfence  }
0xc7: {  	s30 =	sld [smem:$0x0];
	_ =	sdelay $0x2  }
0xc8: {  	s31 =	sshll.u32 s1, $0xD;
	s1 =	sshrl.u32 s1, $0x2  }
0xc9: {  	s4 =	sand.u32 $0x4000, s31;
	s1 =	sadd.s32 s1, s30  }
0xca: {  	s0 =	sor.u32 s4, s0;
	s1 =	sshll.u32 s1, $0x11  }
0xcb: {  	s0 =	sor.u32 s1, s0  }
0xcc: {  	s0 =	sadd.s32 $0x8F2B, s0  }
0xcd: {  	[sflag:s0] =	ssyncadd.remote.s32 $0x1  }
0xce: {  	_ =	sfence.sel $0xFFFF  }
0xcf: {  	[dreg:$0x0] =	wrdreg $0xFFFFFFFF;
	(pc) =	sbr.abs _section_cstart, $3  }
0xd0: {  	[dreg:$0x1] =	wrdreg $0xFFFFFFFF  }
0xd1: {  	_ =	task.clear_ibuf [dreg:s22], $0x2FFFF;
	_ =	strace $0x9FFFFFFF  }
0xd2: {  	(tm) =	ssettm $0x7FFFFFFF  }
0xd3: {  	_ =	shalt  }
tec
execute0_lowered:
.L_overlay_start_1:
0x0: {  	(tag) =	ssettag $0x1  }
0x1: {  	s1 =	rddreg [dreg:$0x0]  }
0x2: {  	s0 =	srdreg.scid;
	s5 =	rddreg [dreg:$0x1]  }
0x3: {  	s13 =	stileid.u32;
	s3 =	rddreg [dreg:$0x2]  }
0x4: {  	s4 =	simm.s32 $0x0;
	s30 =	simm.s32 $0x16440;
	s7 =	smul.u32 $0x13880, s13  }
0x5: {  	s28 =	simm.s32 $0xC;
	s29 =	simm.s32 $0x17E90;
	s24 =	smul.u32 $0x4E200, s13  }
0x6: {  	s0 =	sand.u32 $0x1, s0;
	[smem:$0x7FF] =	sst s4;
	s18 =	smul.u32 $0x578, s13  }
0x7: {  	s10 =	sadd.s32 $0x2C000, s5;
	s2 =	sshll.u32 s0, $0x4;
	s8 =	smul.u32 $0x138800, s0  }
0x8: {  	_ =	strace $0x8000004D;
	s11 =	ssub.s32 $0x2, s0;
	s0 =	smul.u32 $0x5780, s0  }
0x9: {  	s2 =	sor.u32 s13, s2;
	s12 =	sshrl.u32 s11, $0x1;
	s25 =	sshrl.u32 s24, $0x2  }
0xa: {  	s31 =	sadd.s32 s7, s3;
	s13 =	simm.s32 $0x16478;
	s6 =	smul.u32 $0x578, s2  }
0xb: {  	s8 =	sadd.s32 s7, s8;
	s2 =	smul.u32 $0x2BC0, s2;
	s26 =	sadd.s32 s25, s3  }
0xc: {  	s0 =	sadd.s32 s0, s10;
	[dreg:$0xa] =	wrdreg s31;
	s8 =	sshrl.u32 s8, $0x3  }
0xd: {  	s15 =	sadd.s32 $0x7D00, s26;
	s16 =	sadd.s32 $0x9600, s26;
	s17 =	sadd.s32 $0xAF00, s26  }
0xe: {  	s19 =	sadd.s32 $0xC800, s26;
	s20 =	sadd.s32 $0xE100, s26;
	[dreg:$0xf] =	wrdreg s15  }
0xf: {  	s0 =	sadd.s32 s18, s0;
	s21 =	sadd.s32 $0xFA00, s26;
	[dreg:$0x10] =	wrdreg s16  }
0x10: {  	s18 =	simm.s32 $0x1;
	s9 =	sadd.s32 s6, s5;
	[dreg:$0x11] =	wrdreg s17  }
0x11: {  	s5 =	sadd.s32 s8, s5;
	s8 =	ssub.s32 s11, s12;
	[dreg:$0x12] =	wrdreg s19  }
0x12: {  	s12 =	sadd.s32 s10, s6;
	s22 =	sshrl.u32 s2, $0x3;
	[dreg:$0x13] =	wrdreg s20  }
0x13: {  	s23 =	sadd.s32 $0xA8, s2;
	s2 =	sadd.s32 $0x118, s2;
	[dreg:$0x14] =	wrdreg s0  }
0x14: {  	s11 =	sadd.s32 $0x4B00, s26;
	[dreg:$0x15] =	wrdreg s21;
	s15 =	simm.s32 $0x16558  }
0x15: {  	s17 =	simm.s32 $0x1E290;
	s19 =	simm.s32 $0x8;
	s20 =	simm.s32 $0x2  }
0x16: {  	s16 =	simm.s32 $0xE;
	s21 =	simm.s32 $0xF;
	s0 =	simm.s32 $0x11  }
0x17: {  	s9 =	sadd.s32 $0x21000, s9;
	s6 =	sadd.s32 s10, s22;
	[dreg:$0xd] =	wrdreg s11  }
0x18: {  	s2 =	sshrl.u32 s2, $0x3;
	s22 =	sadd.s32 $0x11300, s26;
	[dreg:$0x5] =	wrdreg s12  }
0x19: {  	s24 =	sadd.s32 $0x37000, s5;
	s25 =	smax.u32 s8, $0x1;
	[dreg:$0x4] =	wrdreg s9  }
0x1a: {  	s11 =	simm.s32 $0xD;
	s5 =	simm.s32 $0x12;
	[dreg:$0x16] =	wrdreg s22  }
0x1b: {  	s9 =	sshrl.u32 s23, $0x3;
	s14 =	sadd.s32 $0xE, s6;
	[dreg:$0x18] =	wrdreg s24  }
0x1c: {  	s6 =	sadd.s32 $0x1C, s6;
	s2 =	sadd.s32 s10, s2;
	[dreg:$0x19] =	wrdreg s25  }
0x1d: {  	s23 =	sadd.s32 $0x12C00, s26;
	s22 =	simm.s32 $0x19790;
	[dreg:$0x6] =	wrdreg s14  }
0x1e: {  	s24 =	simm.s32 $0x1B090;
	s25 =	simm.s32 $0x1C990;
	[dreg:$0x8] =	wrdreg s6  }
0x1f: {  	s9 =	sadd.s32 s10, s9;
	[dreg:$0x9] =	wrdreg s2;
	s6 =	sadd.s32 $0x1900, s26  }
0x20: {  	s14 =	sadd.s32 $0x6400, s26;
	[dreg:$0x17] =	wrdreg s23;
	s10 =	simm.s32 $0x16520  }
.Ltmp0:
0x21: {  	s23 =	simm.s32 $0x17E90;
	[dreg:$0x7] =	wrdreg s9;
	(pc) =	sbr.rel .LBB2_1-.Ltmp0, $4  }
0x22: {  	s2 =	simm.s32 $0x10;
	[dreg:$0xb] =	wrdreg s6;
	s9 =	sadd.s32 $0x3200, s26  }
0x23: {  	[dreg:$0xe] =	wrdreg s14;
	s26 =	sadd.s32 $0x7, s12;
	s12 =	simm.s32 $0x13880  }
0x24: {  	s14 =	simm.s32 $0x164E8;
	s6 =	simm.s32 $0x32;
	[dreg:$0xc] =	wrdreg s9  }
0x25: {  	v0 =	vimm.f32 $0.0e+00;
	[dreg:$0x1a] =	wrdreg s26;
	s9 =	simm.s32 $0x6;
	s26 =	simm.s32 $0x0  }
.LBB2_6:
0x26: {  	s7 =	simm.s32 $0x7  }
0x27: {  	_ =	swait.ge [sflag:s7], $0x1900  }
0x28: {  	[sflag:s7] =	ssyncset.done $0x0  }
0x29: {  	[sflag:s7] =	ssyncadd.s32 $0xFFFFE700  }
0x2a: {  	_ =	swait.ge [sflag:s18], $0x38  }
0x2b: {  	[sflag:s18] =	ssyncset.done $0x0  }
0x2c: {  	s17 =	simm.s32 $0x16440;
	[sflag:s18] =	ssyncadd.s32 $0xFFFFFFC8  }
0x2d: {  	[spmem:s3] =	stream.indirect.scatter.add.f32 [tilespmem:s22], [sflag:$0xD], $0x80, s17, s6, $0xb8;
	[tilespmem:$0x1FB90] =	vst v63  }
0x2e: {  	_ =	swait.ge [sflag:s19], $0x1900  }
0x2f: {  	[sflag:s19] =	ssyncset.done $0x0  }
0x30: {  	[sflag:s19] =	ssyncadd.s32 $0xFFFFE700  }
0x31: {  	_ =	swait.ge [sflag:s20], $0x38  }
0x32: {  	[sflag:s20] =	ssyncset.done $0x0  }
0x33: {  	[sflag:s20] =	ssyncadd.s32 $0xFFFFFFC8  }
0x34: {  	[spmem:s3] =	stream.indirect.scatter.add.f32 [tilespmem:s23], [sflag:$0xE], $0x80, s13, s6, $0xb8;
	[tilespmem:$0x1FB90] =	vst v63  }
0x35: {  	_ =	swait.ge [sflag:s11], $0x1900  }
0x36: {  	[sflag:s11] =	ssyncset.done $0x0  }
0x37: {  	[sflag:s11] =	ssyncadd.s32 $0xFFFFE700  }
0x38: {  	_ =	swait.ge [sflag:s16], $0x1900  }
0x39: {  	[sflag:s16] =	ssyncset.done $0x0  }
0x3a: {  	[sflag:s16] =	ssyncadd.s32 $0xFFFFE700  }
0x3b: {  	_ =	swait.ge [sflag:s21], $0x1900  }
0x3c: {  	[sflag:s21] =	ssyncset.done $0x0  }
0x3d: {  	[sflag:s21] =	ssyncadd.s32 $0xFFFFE700  }
0x3e: {  	_ =	swait.ge [sflag:s2], $0x1900  }
0x3f: {  	[sflag:s2] =	ssyncset.done $0x0  }
0x40: {  	[sflag:s2] =	ssyncadd.s32 $0xFFFFE700  }
0x41: {  	_ =	swait.ge [sflag:s0], $0x1900  }
0x42: {  	[sflag:s0] =	ssyncset.done $0x0  }
0x43: {  	[sflag:s0] =	ssyncadd.s32 $0xFFFFE700  }
0x44: {  	_ =	swait.ge [sflag:s5], $0x1900  }
0x45: {  	[sflag:s5] =	ssyncset.done $0x0  }
0x46: {  	[sflag:s5] =	ssyncadd.s32 $0xFFFFE700  }
0x47: {  	s24 =	stileid.u32;
	[bflag:$0x0] =	sbarrier.arrive $0xFFFF  }
0x48: {  	s8 =	simm.s32 $0x15;
	s7 =	sshll.u32 s24, $0x6;
	s31 =	rddreg [dreg:$0xa]  }
0x49: {  	s7 =	sor.u32 $0x1C15, s7;
	s30 =	rddreg [dreg:$0x18];
	s12 =	sshrl.u32 s31, $0x3  }
0x4a: {  	[hbm:s30], [sflag:s7] =	dma.local [spmem:s12], $0x2710  }
0x4b: {  	_ =	swait.ge [sflag:s8], $0x2710  }
0x4c: {  	s26 =	rddreg [dreg:$0x1b]  }
0x4d: {  	s25 =	rddreg [dreg:$0x19];
	s26 =	sadd.s32 $0x1, s26  }
0x4e: {  	p0 =	sne.s32 s26, s25  }
.Ltmp1:
0x4f: {  	_ = 	snop;
	(pc) =	sbr.rel @!p0 .LBB2_7-.Ltmp1, $4  }
0x50: {  	s15 =	simm.s32 $0x16558;
	s14 =	simm.s32 $0x164E8  }
0x51: {  	s10 =	simm.s32 $0x16520;
	s24 =	simm.s32 $0x1B090;
	s22 =	simm.s32 $0x19790  }
0x52: {  	s17 =	simm.s32 $0x1E290;
	s30 =	simm.s32 $0x16440;
	[sflag:s8] =	ssyncset.done $0x0  }
0x53: {  	s12 =	simm.s32 $0x13880;
	[sflag:s8] =	ssyncadd.s32 $0xFFFFD8F0;
	s25 =	simm.s32 $0x1C990  }
.LBB2_1:
0x54: {  	[dreg:$0x1b] =	wrdreg s26  }
0x55: {  	s7 =	rddreg [dreg:$0x4]  }
0x56: {  	[tilespmem:s12], [sflag:$0x13] =	stream.linear.gather [hbm4b:s7+s4], $0x2BC0, $0x38;
	[tilespmem:$0x1FB90] =	vst v63  }
0x57: {  	s26 =	rddreg [dreg:$0x5]  }
0x58: {  	[tilespmem:s30], [sflag:$0x1] =	stream.linear.gather [hbm4b:s26+s4], $0x38, $0x38;
	[tilespmem:$0x1FB90] =	vst v63  }
0x59: {  	s8 =	rddreg [dreg:$0x1a]  }
0x5a: {  	[tilespmem:s13], [sflag:$0x2] =	stream.linear.gather [hbm4b:s8+s4], $0x38, $0x38;
	[tilespmem:$0x1FB90] =	vst v63  }
0x5b: {  	s26 =	rddreg [dreg:$0x6];
	s8 =	simm.s32 $0x164B0  }
0x5c: {  	[tilespmem:s8], [sflag:$0x3] =	stream.linear.gather [hbm4b:s26+s4], $0x38, $0x38;
	[tilespmem:$0x1FB90] =	vst v63  }
0x5d: {  	s13 =	rddreg [dreg:$0x7]  }
0x5e: {  	[tilespmem:s14], [sflag:$0x4] =	stream.linear.gather [hbm4b:s13+s4], $0x38, $0x38;
	[tilespmem:$0x1FB90] =	vst v63  }
0x5f: {  	s14 =	rddreg [dreg:$0x8]  }
0x60: {  	[tilespmem:s10], [sflag:$0x5] =	stream.linear.gather [hbm4b:s14+s4], $0x38, $0x38;
	[tilespmem:$0x1FB90] =	vst v63  }
0x61: {  	s7 =	simm.s32 $0x0;
	s30 =	simm.s32 $0x200;
	s26 =	rddreg [dreg:$0x9]  }
0x62: {  	[tilespmem:s15], [sflag:$0x6] =	stream.linear.gather [hbm4b:s26+s4], $0x38, $0x38;
	[tilespmem:$0x1FB90] =	vst v63  }
.LBB2_2:
0x63: {  	p0 =	sne.s32 s30, $0x6200;
	[tilespmem:s7+$0x16600] =	vst v0  }
0x64: {  	[tilespmem:s7+$0x16590] =	vst v0  }
0x65: {  	[tilespmem:s7+$0x165A0] =	vst v0  }
.Ltmp2:
0x66: {  	[tilespmem:s7+$0x165B0] =	vst v0;
	(pc) =	sbr.rel @p0 .LBB2_2-.Ltmp2, $4  }
0x67: {  	[tilespmem:s7+$0x165C0] =	vst v0  }
0x68: {  	[tilespmem:s7+$0x165D0] =	vst v0  }
0x69: {  	[tilespmem:s7+$0x165E0] =	vst v0  }
0x6a: {  	[tilespmem:s7+$0x165F0] =	vst v0;
	s7 =	sshra.s32 s30, $0x2;
	s30 =	sadd.s32 $0x200, s30  }
0x6b: {  	[tilespmem:s7+$0x16600] =	vst v0  }
0x6c: {  	[tilespmem:s7+$0x16590] =	vst v0  }
0x6d: {  	[tilespmem:s7+$0x165A0] =	vst v0  }
0x6e: {  	[tilespmem:s7+$0x165B0] =	vst v0  }
0x6f: {  	[tilespmem:s7+$0x165C0] =	vst v0  }
0x70: {  	[tilespmem:s7+$0x165D0] =	vst v0  }
0x71: {  	[tilespmem:s7+$0x165E0] =	vst v0  }
0x72: {  	[tilespmem:s7+$0x165F0] =	vst v0;
	s8 =	simm.s32 $0x16590  }
0x73: {  	[spmem:s31] =	stream.linear.scatter [tilespmem:s8], [sflag:$0x14], $0x1900, $0x38;
	[tilespmem:$0x1FB90] =	vst v63  }
0x74: {  	s14 =	rddreg [dreg:$0xb]  }
0x75: {  	[spmem:s14] =	stream.linear.scatter [tilespmem:s8], [sflag:$0x14], $0x1900, $0x38;
	[tilespmem:$0x1FB90] =	vst v63  }
0x76: {  	s15 =	rddreg [dreg:$0xc]  }
0x77: {  	[spmem:s15] =	stream.linear.scatter [tilespmem:s8], [sflag:$0x14], $0x1900, $0x38;
	[tilespmem:$0x1FB90] =	vst v63  }
0x78: {  	s26 =	rddreg [dreg:$0xd]  }
0x79: {  	[spmem:s26] =	stream.linear.scatter [tilespmem:s8], [sflag:$0x14], $0x1900, $0x38;
	[tilespmem:$0x1FB90] =	vst v63  }
0x7a: {  	s10 =	rddreg [dreg:$0xe]  }
0x7b: {  	[spmem:s10] =	stream.linear.scatter [tilespmem:s8], [sflag:$0x14], $0x1900, $0x38;
	[tilespmem:$0x1FB90] =	vst v63  }
0x7c: {  	s13 =	rddreg [dreg:$0xf]  }
0x7d: {  	[spmem:s13] =	stream.linear.scatter [tilespmem:s8], [sflag:$0x14], $0x1900, $0x38;
	[tilespmem:$0x1FB90] =	vst v63  }
0x7e: {  	s14 =	rddreg [dreg:$0x10]  }
0x7f: {  	[spmem:s14] =	stream.linear.scatter [tilespmem:s8], [sflag:$0x14], $0x1900, $0x38;
	[tilespmem:$0x1FB90] =	vst v63  }
0x80: {  	s15 =	rddreg [dreg:$0x11]  }
0x81: {  	[spmem:s15] =	stream.linear.scatter [tilespmem:s8], [sflag:$0x14], $0x1900, $0x38;
	[tilespmem:$0x1FB90] =	vst v63  }
0x82: {  	s26 =	rddreg [dreg:$0x12]  }
0x83: {  	[spmem:s26] =	stream.linear.scatter [tilespmem:s8], [sflag:$0x14], $0x1900, $0x38;
	[tilespmem:$0x1FB90] =	vst v63  }
0x84: {  	s10 =	rddreg [dreg:$0x13]  }
0x85: {  	[spmem:s10] =	stream.linear.scatter [tilespmem:s8], [sflag:$0x14], $0x1900, $0x38;
	[tilespmem:$0x1FB90] =	vst v63  }
0x86: {  	s13 =	rddreg [dreg:$0x15]  }
0x87: {  	[spmem:s13] =	stream.linear.scatter [tilespmem:s8], [sflag:$0x14], $0x1900, $0x38;
	[tilespmem:$0x1FB90] =	vst v63  }
0x88: {  	s14 =	rddreg [dreg:$0x16]  }
0x89: {  	[spmem:s14] =	stream.linear.scatter [tilespmem:s8], [sflag:$0x14], $0x1900, $0x38;
	[tilespmem:$0x1FB90] =	vst v63  }
0x8a: {  	s15 =	rddreg [dreg:$0x17];
	s26 =	simm.s32 $0x13  }
0x8b: {  	[spmem:s15] =	stream.linear.scatter [tilespmem:s8], [sflag:$0x14], $0xC80, $0x38;
	[tilespmem:$0x1FB90] =	vst v63  }
0x8c: {  	_ =	swait.ge [sflag:s26], $0x2BC0  }
0x8d: {  	[sflag:s26] =	ssyncset.done $0x0  }
0x8e: {  	s10 =	simm.s32 $0x138B8;
	[sflag:s26] =	ssyncadd.s32 $0xFFFFD440  }
0x8f: {  	[tilespmem:s23], [sflag:$0x8] =	stream.indirect.gather [hbm4b:s1+s6], $0x80, s10, s6, $0xb8;
	[tilespmem:$0x1FB90] =	vst v63  }
0x90: {  	s13 =	simm.s32 $0x138F0  }
0x91: {  	[tilespmem:s22], [sflag:$0x9] =	stream.indirect.gather [hbm4b:s1+s6], $0x80, s13, s6, $0xb8;
	[tilespmem:$0x1FB90] =	vst v63  }
0x92: {  	s14 =	simm.s32 $0x13928  }
0x93: {  	[tilespmem:s24], [sflag:$0xA] =	stream.indirect.gather [hbm4b:s1+s6], $0x80, s14, s6, $0xb8;
	[tilespmem:$0x1FB90] =	vst v63  }
0x94: {  	s15 =	simm.s32 $0x13960  }
0x95: {  	[tilespmem:s25], [sflag:$0xB] =	stream.indirect.gather [hbm4b:s1+s6], $0x80, s15, s6, $0xb8;
	[tilespmem:$0x1FB90] =	vst v63  }
0x96: {  	s26 =	simm.s32 $0x14;
	s23 =	simm.s32 $0x13998  }
0x97: {  	[tilespmem:s17], [sflag:$0xC] =	stream.indirect.gather [hbm4b:s1+s6], $0x80, s23, s6, $0xb8;
	[tilespmem:$0x1FB90] =	vst v63  }
0x98: {  	_ =	swait.ge [sflag:s26], $0x1900  }
0x99: {  	[sflag:s26] =	ssyncset.done $0x0  }
0x9a: {  	[sflag:s26] =	ssyncadd.s32 $0xFFFFE700  }
0x9b: {  	_ =	swait.ge [sflag:s26], $0x1900  }
0x9c: {  	[sflag:s26] =	ssyncset.done $0x0  }
0x9d: {  	[sflag:s26] =	ssyncadd.s32 $0xFFFFE700  }
0x9e: {  	_ =	swait.ge [sflag:s26], $0x1900  }
0x9f: {  	[sflag:s26] =	ssyncset.done $0x0  }
0xa0: {  	[sflag:s26] =	ssyncadd.s32 $0xFFFFE700  }
0xa1: {  	_ =	swait.ge [sflag:s26], $0x1900  }
0xa2: {  	[sflag:s26] =	ssyncset.done $0x0  }
0xa3: {  	[sflag:s26] =	ssyncadd.s32 $0xFFFFE700  }
0xa4: {  	_ =	swait.ge [sflag:s26], $0x1900  }
0xa5: {  	[sflag:s26] =	ssyncset.done $0x0  }
0xa6: {  	[sflag:s26] =	ssyncadd.s32 $0xFFFFE700  }
0xa7: {  	_ =	swait.ge [sflag:s26], $0x1900  }
0xa8: {  	[sflag:s26] =	ssyncset.done $0x0  }
0xa9: {  	[sflag:s26] =	ssyncadd.s32 $0xFFFFE700  }
0xaa: {  	_ =	swait.ge [sflag:s26], $0x1900  }
0xab: {  	[sflag:s26] =	ssyncset.done $0x0  }
0xac: {  	[sflag:s26] =	ssyncadd.s32 $0xFFFFE700  }
0xad: {  	_ =	swait.ge [sflag:s26], $0x1900  }
0xae: {  	[sflag:s26] =	ssyncset.done $0x0  }
0xaf: {  	[sflag:s26] =	ssyncadd.s32 $0xFFFFE700  }
0xb0: {  	_ =	swait.ge [sflag:s26], $0x1900  }
0xb1: {  	[sflag:s26] =	ssyncset.done $0x0  }
0xb2: {  	[sflag:s26] =	ssyncadd.s32 $0xFFFFE700  }
0xb3: {  	_ =	swait.ge [sflag:s26], $0x1900  }
0xb4: {  	[sflag:s26] =	ssyncset.done $0x0  }
0xb5: {  	[sflag:s26] =	ssyncadd.s32 $0xFFFFE700  }
0xb6: {  	_ =	swait.ge [sflag:s26], $0x1900  }
0xb7: {  	[sflag:s26] =	ssyncset.done $0x0  }
0xb8: {  	[sflag:s26] =	ssyncadd.s32 $0xFFFFE700  }
0xb9: {  	_ =	swait.ge [sflag:s26], $0x1900  }
0xba: {  	[sflag:s26] =	ssyncset.done $0x0  }
0xbb: {  	[sflag:s26] =	ssyncadd.s32 $0xFFFFE700  }
0xbc: {  	_ =	swait.ge [sflag:s26], $0xC80  }
0xbd: {  	s7 =	simm.s32 $0x0;
	s30 =	simm.s32 $0x13AE8;
	[sflag:s26] =	ssyncset.done $0x0  }
0xbe: {  	s31 =	simm.s32 $0x16558;
	s10 =	simm.s32 $0x16520;
	[sflag:s26] =	ssyncadd.s32 $0xFFFFF380  }
0xbf: {  	[tilespmem:s8], [sflag:$0x7] =	stream.indirect.gather [hbm4b:s1+s6], $0x80, s12, s6, $0xb8;
	[tilespmem:$0x1FB90] =	vst v63  }
0xc0: {  	s14 =	simm.s32 $0x164B0;
	s15 =	simm.s32 $0x164E8;
	[bflag:$0x0] =	sbarrier.arrive $0xFFFF  }
.LBB2_4:
0xc1: {  	s8 =	simm.s32 $0x7  }
0xc2: {  	_ =	swait.ge [sflag:s8], $0x1900  }
0xc3: {  	[sflag:s8] =	ssyncset.done $0x0  }
0xc4: {  	[sflag:s8] =	ssyncadd.s32 $0xFFFFE700  }
0xc5: {  	_ =	swait.ge [sflag:s18], $0x38  }
0xc6: {  	[sflag:s18] =	ssyncset.done $0x0  }
0xc7: {  	s13 =	simm.s32 $0x16440;
	s23 =	simm.s32 $0x16590;
	[sflag:s18] =	ssyncadd.s32 $0xFFFFFFC8  }
0xc8: {  	[spmem:s3] =	stream.indirect.scatter.add.f32 [tilespmem:s23], [sflag:$0xD], $0x80, s13, s6, $0xb8;
	[tilespmem:$0x1FB90] =	vst v63  }
0xc9: {  	_ =	swait.ge [sflag:s19], $0x1900  }
0xca: {  	[sflag:s19] =	ssyncset.done $0x0  }
0xcb: {  	[sflag:s19] =	ssyncadd.s32 $0xFFFFE700  }
0xcc: {  	_ =	swait.ge [sflag:s20], $0x38  }
0xcd: {  	[sflag:s20] =	ssyncset.done $0x0  }
0xce: {  	s12 =	simm.s32 $0x16478;
	[sflag:s20] =	ssyncadd.s32 $0xFFFFFFC8  }
0xcf: {  	[spmem:s3] =	stream.indirect.scatter.add.f32 [tilespmem:s29], [sflag:$0xE], $0x80, s12, s6, $0xb8;
	[tilespmem:$0x1FB90] =	vst v63  }
0xd0: {  	s12 =	simm.s32 $0x9  }
0xd1: {  	_ =	swait.ge [sflag:s12], $0x1900  }
0xd2: {  	[sflag:s12] =	ssyncset.done $0x0  }
0xd3: {  	s26 =	simm.s32 $0x3;
	[sflag:s12] =	ssyncadd.s32 $0xFFFFE700  }
0xd4: {  	_ =	swait.ge [sflag:s26], $0x38  }
0xd5: {  	[sflag:s26] =	ssyncset.done $0x0  }
0xd6: {  	s12 =	simm.s32 $0xA;
	[sflag:s26] =	ssyncadd.s32 $0xFFFFFFC8  }
0xd7: {  	[spmem:s3] =	stream.indirect.scatter.add.f32 [tilespmem:s22], [sflag:$0xF], $0x80, s14, s6, $0xb8;
	[tilespmem:$0x1FB90] =	vst v63  }
0xd8: {  	_ =	swait.ge [sflag:s12], $0x1900  }
0xd9: {  	[sflag:s12] =	ssyncset.done $0x0  }
0xda: {  	s22 =	simm.s32 $0x4;
	[sflag:s12] =	ssyncadd.s32 $0xFFFFE700  }
0xdb: {  	_ =	swait.ge [sflag:s22], $0x38  }
0xdc: {  	[sflag:s22] =	ssyncset.done $0x0  }
0xdd: {  	s26 =	simm.s32 $0xB;
	[sflag:s22] =	ssyncadd.s32 $0xFFFFFFC8  }
0xde: {  	[spmem:s3] =	stream.indirect.scatter.add.f32 [tilespmem:s24], [sflag:$0x10], $0x80, s15, s6, $0xb8;
	[tilespmem:$0x1FB90] =	vst v63  }
0xdf: {  	_ =	swait.ge [sflag:s26], $0x1900  }
0xe0: {  	[sflag:s26] =	ssyncset.done $0x0  }
0xe1: {  	s12 =	simm.s32 $0x5;
	[sflag:s26] =	ssyncadd.s32 $0xFFFFE700  }
0xe2: {  	_ =	swait.ge [sflag:s12], $0x38  }
0xe3: {  	[sflag:s12] =	ssyncset.done $0x0  }
0xe4: {  	[sflag:s12] =	ssyncadd.s32 $0xFFFFFFC8  }
0xe5: {  	[spmem:s3] =	stream.indirect.scatter.add.f32 [tilespmem:s25], [sflag:$0x11], $0x80, s10, s6, $0xb8;
	[tilespmem:$0x1FB90] =	vst v63  }
0xe6: {  	_ =	swait.ge [sflag:s28], $0x1900  }
0xe7: {  	[sflag:s28] =	ssyncset.done $0x0  }
0xe8: {  	[sflag:s28] =	ssyncadd.s32 $0xFFFFE700  }
0xe9: {  	_ =	swait.ge [sflag:s9], $0x38  }
0xea: {  	[sflag:s9] =	ssyncset.done $0x0  }
0xeb: {  	[sflag:s9] =	ssyncadd.s32 $0xFFFFFFC8  }
0xec: {  	[spmem:s3] =	stream.indirect.scatter.add.f32 [tilespmem:s17], [sflag:$0x12], $0x80, s31, s6, $0xb8;
	[tilespmem:$0x1FB90] =	vst v63  }
0xed: {  	_ =	swait.ge [sflag:s11], $0x1900  }
0xee: {  	s22 =	rddreg [dreg:$0x14]  }
0xef: {  	[sflag:s11] =	ssyncset.done $0x0;
	s31 =	sadd.s32 s7, s22  }
0xf0: {  	p0 =	seq.s32 s7, $0x540;
	[sflag:s11] =	ssyncadd.s32 $0xFFFFE700;
	s12 =	sadd.s32 $0x2A, s31  }
0xf1: {  	[tilespmem:s13], [sflag:$0x1] =	stream.linear.gather [hbm4b:s12+s4], $0x38, $0x38;
	[tilespmem:$0x1FB90] =	vst v63  }
0xf2: {  	s8 =	simm.s32 $0x16558;
	s24 =	simm.s32 $0x19790;
	s12 =	sadd.s32 $0xFFFFFEE8, s30  }
0xf3: {  	[tilespmem:s23], [sflag:$0x7] =	stream.indirect.gather [hbm4b:s1+s6], $0x80, s12, s6, $0xb8;
	[tilespmem:$0x1FB90] =	vst v63  }
0xf4: {  	s26 =	simm.s32 $0x1E290;
	s25 =	simm.s32 $0x1B090;
	_ =	swait.ge [sflag:s16], $0x1900  }
.Ltmp3:
0xf5: {  	s17 =	simm.s32 $0x1C990;
	[sflag:s16] =	ssyncset.done $0x0;
	(pc) =	sbr.rel @p0 .LBB2_6-.Ltmp3, $4  }
0xf6: {  	s13 =	simm.s32 $0x16478;
	s23 =	sadd.s32 $0x31, s31;
	[sflag:s16] =	ssyncadd.s32 $0xFFFFE700  }
0xf7: {  	[tilespmem:s13], [sflag:$0x2] =	stream.linear.gather [hbm4b:s23+s4], $0x38, $0x38;
	[tilespmem:$0x1FB90] =	vst v63  }
0xf8: {  	s22 =	simm.s32 $0x16590;
	s12 =	sadd.s32 $0xFFFFFF20, s30;
	s23 =	simm.s32 $0x17E90  }
0xf9: {  	[tilespmem:s29], [sflag:$0x8] =	stream.indirect.gather [hbm4b:s1+s6], $0x80, s12, s6, $0xb8;
	[tilespmem:$0x1FB90] =	vst v63  }
0xfa: {  	_ =	swait.ge [sflag:s21], $0x1900  }
0xfb: {  	[sflag:s21] =	ssyncset.done $0x0  }
0xfc: {  	s12 =	sadd.s32 $0x38, s31;
	[sflag:s21] =	ssyncadd.s32 $0xFFFFE700  }
0xfd: {  	[tilespmem:s14], [sflag:$0x3] =	stream.linear.gather [hbm4b:s12+s4], $0x38, $0x38;
	[tilespmem:$0x1FB90] =	vst v63  }
0xfe: {  	s23 =	sadd.s32 $0xFFFFFF58, s30  }
0xff: {  	[tilespmem:s24], [sflag:$0x9] =	stream.indirect.gather [hbm4b:s1+s6], $0x80, s23, s6, $0xb8;
	[tilespmem:$0x1FB90] =	vst v63  }
0x100: {  	_ =	swait.ge [sflag:s2], $0x1900  }
0x101: {  	[sflag:s2] =	ssyncset.done $0x0  }
0x102: {  	s13 =	sadd.s32 $0x3F, s31;
	[sflag:s2] =	ssyncadd.s32 $0xFFFFE700  }
0x103: {  	[tilespmem:s15], [sflag:$0x4] =	stream.linear.gather [hbm4b:s13+s4], $0x38, $0x38;
	[tilespmem:$0x1FB90] =	vst v63  }
0x104: {  	s22 =	sadd.s32 $0xFFFFFF90, s30  }
0x105: {  	[tilespmem:s25], [sflag:$0xA] =	stream.indirect.gather [hbm4b:s1+s6], $0x80, s22, s6, $0xb8;
	[tilespmem:$0x1FB90] =	vst v63  }
0x106: {  	_ =	swait.ge [sflag:s0], $0x1900  }
0x107: {  	[sflag:s0] =	ssyncset.done $0x0  }
0x108: {  	s23 =	sadd.s32 $0x46, s31;
	[sflag:s0] =	ssyncadd.s32 $0xFFFFE700  }
0x109: {  	[tilespmem:s10], [sflag:$0x5] =	stream.linear.gather [hbm4b:s23+s4], $0x38, $0x38;
	[tilespmem:$0x1FB90] =	vst v63  }
0x10a: {  	s24 =	sadd.s32 $0xFFFFFFC8, s30  }
0x10b: {  	[tilespmem:s17], [sflag:$0xB] =	stream.indirect.gather [hbm4b:s1+s6], $0x80, s24, s6, $0xb8;
	[tilespmem:$0x1FB90] =	vst v63  }
0x10c: {  	_ =	swait.ge [sflag:s5], $0x1900  }
0x10d: {  	s7 =	sadd.s32 $0x2A, s7;
	[sflag:s5] =	ssyncset.done $0x0  }
.Ltmp4:
0x10e: {  	s25 =	sadd.s32 $0x4D, s31;
	[sflag:s5] =	ssyncadd.s32 $0xFFFFE700;
	(pc) =	sbr.rel .LBB2_4-.Ltmp4, $4  }
0x10f: {  	[tilespmem:s8], [sflag:$0x6] =	stream.linear.gather [hbm4b:s25+s4], $0x38, $0x38;
	[tilespmem:$0x1FB90] =	vst v63  }
0x110: {  	s31 =	simm.s32 $0x16558;
	s22 =	simm.s32 $0x19790;
	s24 =	simm.s32 $0x1B090  }
0x111: {  	[tilespmem:s26], [sflag:$0xC] =	stream.indirect.gather [hbm4b:s1+s6], $0x80, s30, s6, $0xb8;
	[tilespmem:$0x1FB90] =	vst v63  }
0x112: {  	s17 =	simm.s32 $0x1E290;
	s25 =	simm.s32 $0x1C990;
	s30 =	sadd.s32 $0x150, s30  }
.LBB2_7:
0x113: {  	_ =	sfence.sel $0x180000  }
0x114: {  	[bflag:$0x0] =	sbarrier.arrive $0xFFFF  }
0x115: {  	_ =	strace $0x9000004D  }
0x116: {  	s0 =	stileid.u32;
	[bflag:$0x2] =	sbarrier.arrive $0xFFFF  }
0x117: {  	p0 =	sne.s32 s0, $0x0;
	s0 =	rddreg [dreg:$0x3]  }
0x118: {  	s0 =	sadd.s32 @!p0 $0x100000, s0  }
0x119: {  	[sflag:s0] =	ssyncadd.tile.s32 @!p0 $0x1;
	_ =	shalt  }
.Lfunc_end2:
_tile_overlayer_lowered:
.L_overlay_start_2:
0x11a: {  	(tag) =	ssettag $0x2  }
0x11b: {  	s0 =	rddreg [dreg:$0x0];
	s2 =	stileid.u32  }
0x11c: {  	s1 =	rddreg [dreg:$0x1];
	p0 =	sne.s32 s2, $0x0  }
0x11d: {  	s3 =	rddreg [dreg:$0x2];
	[bflag:$0x3] =	sbarrier.arrive $0xFFFF;
	s2 =	simm.s32 @!p0 $0x1C15  }
0x11e: {  	[timem:s3], [sflag:s2] =	dma.local @!p0 [hbm:s0], s1  }
0x11f: {  	s0 =	simm.s32 @!p0 $0x15  }
0x120: {  	_ =	swait.ge @!p0 [sflag:s0], s1  }
0x121: {  	s1 =	ssub.s32 @!p0 $0x0, s1;
	[sflag:s0] =	ssyncset.done @!p0 $0x0  }
0x122: {  	[sflag:s0] =	ssyncadd.s32 @!p0 s1  }
0x123: {  	[bflag:$0x3] =	sbarrier.arrive $0xFFFF  }
0x124: {  	_ =	shalt  }

// kernel: kernel.17.cloned.1.call-start
scs
__scs_entry_jumppad:
0x0: {  	(pc) =	sbr.rel $0x88, $3  }
0x1: {  	(tag) =	ssettag $0x0;
	lr =	simm.s32 $0x1  }
0x2: {  	[smem:$0x3F9A] =	sst lr;
	_ =	strace $0xD0000000  }
0x3: {  	_ = 	snop  }
0x4: {  	_ = 	snop  }
0x5: {  	_ = 	snop  }
0x6: {  	_ = 	snop  }
0x7: {  	_ = 	snop  }
__scs_overlays_trampoline_lowered:
0x8: {  	[smem:$0x3FA9] =	sst s0  }
0x9: {  	[smem:$0x3FAA] =	sst s1  }
0xa: {  	[smem:$0x3FAB] =	sst s2  }
0xb: {  	[smem:$0x3FAC] =	sst s3  }
0xc: {  	[smem:$0x3FAD] =	sst s4  }
0xd: {  	[smem:$0x3FAE] =	sst s5  }
0xe: {  	[smem:$0x3FAF] =	sst s6  }
0xf: {  	[smem:$0x3FB0] =	sst s7  }
0x10: {  	[smem:$0x3FB1] =	sst s8  }
0x11: {  	[smem:$0x3FB2] =	sst s9;
	s0 =	simm.s32 @!p0 $0x0  }
0x12: {  	s1 =	sld [smem:$0x3F98];
	s0 =	simm.s32 @p0 $0x1  }
0x13: {  	[smem:$0x3FB3] =	sst s0;
	s0 =	simm.s32 @!p1 $0x0  }
0x14: {  	s2 =	sld [smem:$0x3F97];
	s0 =	simm.s32 @p1 $0x1  }
0x15: {  	[smem:$0x3FB4] =	sst s0;
	s0 =	simm.s32 @!p2 $0x0  }
0x16: {  	s3 =	sld [smem:$0x3FDB];
	s0 =	simm.s32 @p2 $0x1  }
0x17: {  	s4 =	simm.s32 $0x1BF5;
	[smem:$0x3FB6] =	sst s0  }
0x18: {  	s0 =	sld [smem:$0x3F99];
	_ =	swait.ge [sflag:s4], $0x0  }
0x19: {  	s7 =	sld [smem:$0x3F9A]  }
0x1a: {  	s8 =	sadd.s32 $0xFFFFE003, lr  }
0x1b: {  	s9 =	sadd.s32 $0xFFFFFEF7, lr;
	s5 =	simm.s32 $0xFFFFFFFF;
	p2 =	slt.u32 s8, $0xFFFFF086  }
0x1c: {  	p1 =	slt.u32 s9, $0xF7A;
	s5 =	simm.s32 @!p2 $0x0  }
0x1d: {  	s5 =	simm.s32 @p1 $0x1;
	p0 =	seq.s32 s7, s2  }
0x1e: {  	s7 =	smul.u32 @!p0 $0xF7A, s2;
	p2 =	seq.s32 @!p0 s5, $0x0  }
0x1f: {  	s9 =	smul.u32 $0xF7A, s1;
	s8 =	simm.s32 @!p0 $0x1BF5;
	p2 =	por !p2, p0  }
0x20: {  	[sflag:s8] =	ssyncset.s32 @!p0 $0xFFFFF086;
	s6 =	sadd.s32 @!p0 s3, s7;
	s7 =	simm.s32 @!p0 $0x108  }
0x21: {  	s3 =	sadd.s32 s3, s9;
	s6 =	sadd.s32 @!p0 $0x88, s6;
	s7 =	simm.s32 @p2 $0x1082  }
0x22: {  	[simem:s7], [sflag:s8] =	dma.local @!p0 [hbm:s6], $0xF7A  }
0x23: {  	s9 =	sor.u32 $0xD0000000, s2;
	s6 =	simm.s32 $0x108;
	_ =	swait.ge @!p0 [sflag:s8], $0x0  }
0x24: {  	s3 =	sadd.s32 $0x88, s3;
	s6 =	simm.s32 @!p1 $0x1082;
	[sflag:s4] =	ssyncset.s32 $0xFFFFF086  }
0x25: {  	[simem:s6], [sflag:s4] =	dma.local [hbm:s3], $0xF7A  }
0x26: {  	[smem:$0x3F9A] =	sst s1;
	(tag) =	ssettag s2;
	_ =	strace s9  }
0x27: {  	s1 =	sld [smem:$0x3FAA]  }
0x28: {  	s2 =	sld [smem:$0x3FAB]  }
0x29: {  	s4 =	sld [smem:$0x3FAD]  }
0x2a: {  	p0 =	seq.s32 s5, $0x0;
	s5 =	sld [smem:$0x3FAE]  }
0x2b: {  	s6 =	sld [smem:$0x3FAF]  }
0x2c: {  	s7 =	sld [smem:$0x3FB0]  }
0x2d: {  	s3 =	simm.s32 $0x108;
	s8 =	sld [smem:$0x3FB1]  }
0x2e: {  	s3 =	simm.s32 @!p0 $0x1082;
	s9 =	sld [smem:$0x3FB2]  }
0x2f: {  	lr =	sadd.s32 s0, s3;
	s0 =	sld [smem:$0x3FA9]  }
0x30: {  	s3 =	sld [smem:$0x3FAC]  }
0x31: {  	[smem:$0x3FB5] =	sst s10  }
0x32: {  	s10 =	sld [smem:$0x3FB3];
	_ =	sdelay $0x3  }
0x33: {  	p0 =	seq.s32 s10, $0x1;
	s10 =	sld [smem:$0x3FB5];
	_ =	sdelay $0x3  }
0x34: {  	[smem:$0x3FB5] =	sst s10  }
0x35: {  	s10 =	sld [smem:$0x3FB4];
	_ =	sdelay $0x3  }
0x36: {  	p1 =	seq.s32 s10, $0x1;
	s10 =	sld [smem:$0x3FB5];
	_ =	sdelay $0x3  }
0x37: {  	[smem:$0x3FB5] =	sst s10  }
0x38: {  	s10 =	sld [smem:$0x3FB6]  }
0x39: {  	_ = 	snop;
	(pc) =	sbr.ind lr, $3  }
0x3a: {  	_ = 	snop  }
0x3b: {  	_ = 	snop  }
0x3c: {  	p2 =	seq.s32 s10, $0x1;
	s10 =	sld [smem:$0x3FB5]  }
0x3d: {  	_ =	shalt  }
0x3e: {  	_ =	shalt  }
0x3f: {  	_ =	shalt  }
0x40: {  	_ =	shalt  }
0x41: {  	_ =	shalt  }
0x42: {  	_ =	shalt  }
0x43: {  	_ =	shalt  }
0x44: {  	_ =	shalt  }
0x45: {  	_ =	shalt  }
0x46: {  	_ =	shalt  }
0x47: {  	_ =	shalt  }
0x48: {  	_ =	shalt  }
0x49: {  	_ =	shalt  }
0x4a: {  	_ =	shalt  }
0x4b: {  	_ =	shalt  }
0x4c: {  	_ =	shalt  }
0x4d: {  	_ =	shalt  }
0x4e: {  	_ =	shalt  }
0x4f: {  	_ =	shalt  }
0x50: {  	_ =	shalt  }
0x51: {  	_ =	shalt  }
0x52: {  	_ =	shalt  }
0x53: {  	_ =	shalt  }
0x54: {  	_ =	shalt  }
0x55: {  	_ =	shalt  }
0x56: {  	_ =	shalt  }
0x57: {  	_ =	shalt  }
0x58: {  	_ =	shalt  }
0x59: {  	_ =	shalt  }
0x5a: {  	_ =	shalt  }
0x5b: {  	_ =	shalt  }
0x5c: {  	_ =	shalt  }
0x5d: {  	_ =	shalt  }
0x5e: {  	_ =	shalt  }
0x5f: {  	_ =	shalt  }
0x60: {  	_ =	shalt  }
0x61: {  	_ =	shalt  }
0x62: {  	_ =	shalt  }
0x63: {  	_ =	shalt  }
0x64: {  	_ =	shalt  }
0x65: {  	_ =	shalt  }
0x66: {  	_ =	shalt  }
0x67: {  	_ =	shalt  }
0x68: {  	_ =	shalt  }
0x69: {  	_ =	shalt  }
0x6a: {  	_ =	shalt  }
0x6b: {  	_ =	shalt  }
0x6c: {  	_ =	shalt  }
0x6d: {  	_ =	shalt  }
0x6e: {  	_ =	shalt  }
0x6f: {  	_ =	shalt  }
0x70: {  	_ =	shalt  }
0x71: {  	_ =	shalt  }
0x72: {  	_ =	shalt  }
0x73: {  	_ =	shalt  }
0x74: {  	_ =	shalt  }
0x75: {  	_ =	shalt  }
0x76: {  	_ =	shalt  }
0x77: {  	_ =	shalt  }
0x78: {  	_ =	shalt  }
0x79: {  	_ =	shalt  }
0x7a: {  	_ =	shalt  }
0x7b: {  	_ =	shalt  }
0x7c: {  	_ =	shalt  }
0x7d: {  	_ =	shalt  }
0x7e: {  	_ =	shalt  }
0x7f: {  	_ =	shalt  }
0x80: {  	_ =	shalt  }
0x81: {  	_ =	shalt  }
0x82: {  	_ =	shalt  }
0x83: {  	_ =	shalt  }
0x84: {  	_ =	shalt  }
0x85: {  	_ =	shalt  }
0x86: {  	_ =	shalt  }
0x87: {  	_ =	shalt  }
.Lfunc_end0:
.L_simem_size_0:
called_computation.2_lowered:
.L_overlay_start_0:
0x88: {  	s2 =	sld [smem:$0x3FD9]  }
0x89: {  	s3 =	sld [smem:$0x3FFE];
	_ =	sdelay $0x1  }
0x8a: {  	s1 =	srdreg.scid  }
0x8b: {  	s0 =	sand.u32 $0x1, s1  }
0x8c: {  	s16 =	sshll.u32 s0, $0xA;
	s2 =	sadd.s32 s3, s2  }
0x8d: {  	s2 =	sadd.s32 s2, s16  }
0x8e: {  	[smem:$0x3FC1] =	sst s2  }
0x8f: {  	_ = 	snop  }
0x90: {  	(tm) =	ssettm $0x1  }
0x91: {  	s17 =	sld [smem:$0x3FFB];
	_ =	sdelay $0x3  }
0x92: {  	_ =	strace s17  }
0x93: {  	s2 =	sld [smem:$0x3FFC];
	_ =	sdelay $0x3  }
0x94: {  	_ =	strace s2  }
0x95: {  	s2 =	sld [smem:$0x3FFD];
	_ =	sdelay $0x3  }
0x96: {  	_ =	strace s2  }
0x97: {  	_ =	strace $0x8FFFFFFF  }
0x98: {  	s18 =	sld [smem:$0x3FDB];
	_ =	sdelay $0x1  }
0x99: {  	s19 =	simm.s32 $_scs_section_size  }
0x9a: {  	s4 =	simm.s32 $_size__tile_overlayer_lowered;
	s5 =	simm.s32 $_tile_overlayer_lowered  }
0x9b: {  	s22 =	simm.s32 $0x1BFF;
	s21 =	sshll.u32 s5, $0x1;
	s2 =	sadd.s32 s19, s18  }
0x9c: {  	s6 =	simm.s32 $0x0;
	s20 =	sshll.u32 s4, $0x1;
	s4 =	sadd.s32 s21, s2  }
0x9d: {  	[timem:s6], [sflag:s22] =	dma.local [hbm:s4], s20  }
0x9e: {  	_ =	swait.ge [sflag:s22], s20  }
0x9f: {  	s3 =	ssub.s32 $0x0, s20;
	[sflag:s22] =	ssyncset.done $0x0  }
0xa0: {  	[sflag:s22] =	ssyncadd.s32 s3;
	_ =	sdelay $0x1  }
0xa1: {  	s23 =	simm.s32 $0x1B8B  }
0xa2: {  	_ =	swait.ge [sflag:s23], $0x1  }
0xa3: {  	[sflag:s23] =	ssyncset.done $0x0  }
0xa4: {  	s25 =	simm.s32 $0x1B8E;
	s24 =	sld [smem:$0x3FFE];
	[sflag:s23] =	ssyncadd.s32 $0xFFFFFFFF  }
0xa5: {  	s26 =	simm.s32 $execute0_lowered;
	[smem:$0x3FD2] =	sst s25  }
0xa6: {  	s4 =	sshll.u32 s26, $0x1;
	_ =	strace $0x80000049;
	[dreg:$0x1] =	wrdreg $0xFFFFFFFF  }
0xa7: {  	s28 =	simm.s32 $_size_execute0_lowered;
	s2 =	sadd.s32 s2, s4;
	[dreg:$0x0] =	wrdreg $0x0  }
0xa8: {  	s4 =	sshll.u32 s28, $0x1;
	[dreg:$0x2] =	wrdreg s2  }
0xa9: {  	[dreg:$0x3] =	wrdreg s4  }
0xaa: {  	[dreg:$0x4] =	wrdreg $0xC0  }
0xab: {  	_ =	task [dreg:s6], $0x5FFFF  }
0xac: {  	[dreg:$0x1] =	wrdreg $0xFFFFFFFF  }
0xad: {  	[dreg:$0x0] =	wrdreg $0x60  }
0xae: {  	[dreg:$0x2] =	wrdreg s24  }
0xaf: {  	[dreg:$0x3] =	wrdreg $0xA  }
0xb0: {  	_ =	task.clear_ibuf [dreg:s6], $0x4FFFF;
	_ =	strace $0x90000049  }
0xb1: {  	s29 =	simm.s32 $0xA;
	_ =	strace $0x8000004B  }
0xb2: {  	_ =	swait.ge [sflag:s29], $0x1  }
0xb3: {  	[sflag:s29] =	ssyncadd.s32 $0xFFFFFFFF  }
0xb4: {  	_ =	strace $0x9000004B  }
0xb5: {  	_ =	sfence  }
0xb6: {  	s30 =	sld [smem:$0x0];
	_ =	sdelay $0x2  }
0xb7: {  	s31 =	sshll.u32 s1, $0xD;
	s1 =	sshrl.u32 s1, $0x2  }
0xb8: {  	s3 =	sand.u32 $0x4000, s31;
	s1 =	sadd.s32 s1, s30  }
0xb9: {  	s0 =	sor.u32 s3, s0;
	s1 =	sshll.u32 s1, $0x11  }
0xba: {  	s0 =	sor.u32 s1, s0  }
0xbb: {  	s0 =	sadd.s32 $0x8F2B, s0  }
0xbc: {  	[sflag:s0] =	ssyncadd.remote.s32 $0x1  }
0xbd: {  	_ =	sfence.sel $0xFFFF  }
0xbe: {  	[dreg:$0x0] =	wrdreg $0xFFFFFFFF;
	(pc) =	sbr.abs _section_cstart, $3  }
0xbf: {  	[dreg:$0x1] =	wrdreg $0xFFFFFFFF  }
0xc0: {  	_ =	task.clear_ibuf [dreg:s6], $0x2FFFF;
	_ =	strace $0x9FFFFFFF  }
0xc1: {  	(tm) =	ssettm $0x7FFFFFFF  }
tec
execute0_lowered:
.L_overlay_start_1:
0x0: {  	(tag) =	ssettag $0x1  }
0x1: {  	s0 =	srdreg.scid;
	s4 =	rddreg [dreg:$0x0]  }
0x2: {  	s2 =	simm.s32 $0x0;
	s9 =	simm.s32 $0x2710;
	s3 =	sand.u32 $0x1, s0  }
0x3: {  	s10 =	simm.s32 $0x1;
	s0 =	stileid.u32;
	s1 =	sshll.u32 s3, $0x4  }
0x4: {  	s11 =	simm.s32 $0x7530;
	s12 =	simm.s32 $0x2;
	s5 =	sor.u32 s0, s1  }
0x5: {  	s13 =	simm.s32 $0x0;
	[smem:$0x7FF] =	sst s2;
	s5 =	smul.u32 $0x4E2, s5  }
0x6: {  	s6 =	ssub.s32 $0x2, s3;
	s3 =	sadd.s32 $0x16C00, s4;
	s1 =	rddreg [dreg:$0x1]  }
0x7: {  	_ =	strace $0x8000004A;
	s31 =	sshrl.u32 s6, $0x1;
	s7 =	sadd.s32 s5, s4  }
0x8: {  	s8 =	ssub.s32 s6, s31;
	s4 =	sadd.s32 $0x3000, s7;
	s5 =	sadd.s32 $0xCE00, s7  }
0x9: {  	v0 =	vimm.f32 $0.0e+00;
	s6 =	sadd.s32 $0x17200, s7;
	s7 =	smax.u32 s8, $0x1;
	s8 =	simm.s32 $0x4E20  }
.LBB2_1:
0xa: {  	[tilespmem:s8], [sflag:$0x1] =	stream.linear.gather [hbm4b:s3+s2], $0x2710, $0x38;
	[tilespmem:$0x9C40] =	vst v63  }
0xb: {  	_ = 	snop  }
0xc: {  	[tilespmem:s2], [sflag:$0x1] =	stream.linear.gather [hbm4b:s4+s2], $0x2710, $0x38;
	[tilespmem:$0x9C40] =	vst v63  }
0xd: {  	s14 =	simm.s32 $0x40;
	s15 =	simm.s32 $0x0  }
0xe: {  	[tilespmem:s9], [sflag:$0x1] =	stream.linear.gather [hbm4b:s5+s2], $0x2710, $0x38;
	[tilespmem:$0x9C40] =	vst v63  }
.LBB2_2:
0xf: {  	p0 =	sne.s32 s14, $0x9C00;
	[tilespmem:s15+$0x7530] =	vst v0;
	s15 =	smov.u32 s14;
	s14 =	sadd.s32 $0x40, s14  }
.Ltmp0:
0x10: {  	(pc) =	sbr.rel @p0 .LBB2_2-.Ltmp0, $2  }
0x11: {  	_ =	sdelay $0x2  }
0x12: {  	s15 =	sshra.s32 s15, $0x2  }
0x13: {  	[tilespmem:s15+$0x7530] =	vst v0  }
0x14: {  	_ =	swait.ge [sflag:s10], $0x2710  }
0x15: {  	[sflag:s10] =	ssyncset.done $0x0  }
0x16: {  	[sflag:s10] =	ssyncadd.s32 $0xFFFFD8F0  }
0x17: {  	_ =	swait.ge [sflag:s10], $0x2710  }
0x18: {  	[sflag:s10] =	ssyncset.done $0x0  }
0x19: {  	[sflag:s10] =	ssyncadd.s32 $0xFFFFD8F0  }
0x1a: {  	_ =	swait.ge [sflag:s10], $0x2710  }
0x1b: {  	[sflag:s10] =	ssyncset.done $0x0  }
0x1c: {  	s15 =	simm.s32 $0x0;
	s14 =	simm.s32 $0x40;
	[sflag:s10] =	ssyncadd.s32 $0xFFFFD8F0  }
.LBB2_4:
0x1d: {  	p0 =	sne.s32 s14, $0x9C00;
	v1 =	vld [tilespmem:s15+$0x0];
	_ =	sdelay $0x5  }
0x1e: {  	v2 =	vld [tilespmem:s15+$0x2710];
	_ =	sdelay $0x1  }
0x1f: {  	v1 =	vld.idx.msk [tilespmem:v1+s8+$0x0], $0xffff;
	_ =	sdelay $0x1  }
.Ltmp1:
0x20: {  	(pc) =	sbr.rel @p0 .LBB2_4-.Ltmp1, $2  }
0x21: {  	_ =	sdelay $0x2  }
0x22: {  	s15 =	sshra.s32 s14, $0x2;
	s14 =	sadd.s32 $0x40, s14;
	[tilespmem:v2+s11+$0x0] =	vst.idx.add.f32.msk $0xffff, v1  }
0x23: {  	v1 =	vld [tilespmem:s15+$0x0];
	_ =	sdelay $0x4  }
0x24: {  	v2 =	vld [tilespmem:s15+$0x2710];
	_ =	sdelay $0x2  }
0x25: {  	v1 =	vld.idx.msk [tilespmem:v1+s8+$0x0], $0xffff;
	_ =	sdelay $0x2  }
0x26: {  	s13 =	sadd.s32 $0x1, s13  }
0x27: {  	p0 =	sne.s32 s13, s7  }
.Ltmp2:
0x28: {  	[tilespmem:v2+s11+$0x0] =	vst.idx.add.f32.msk $0xffff, v1;
	(pc) =	sbr.rel @p0 .LBB2_1-.Ltmp2, $4  }
0x29: {  	[hbm4b:s6+s2] =	stream.linear.scatter [tilespmem:s11], [sflag:$0x2], $0x2710, $0x38;
	[tilespmem:$0x9C40] =	vst v63  }
0x2a: {  	_ =	swait.ge [sflag:s12], $0x2710  }
0x2b: {  	[sflag:s12] =	ssyncset.done $0x0  }
0x2c: {  	[sflag:s12] =	ssyncadd.s32 $0xFFFFD8F0  }
0x2d: {  	_ =	sfence.sel $0x180000  }
0x2e: {  	[bflag:$0x0] =	sbarrier.arrive $0xFFFF  }
0x2f: {  	p0 =	sne.s32 s0, $0x0;
	_ =	strace $0x9000004A  }
0x30: {  	s0 =	sadd.s32 @!p0 $0x100000, s1;
	[bflag:$0x2] =	sbarrier.arrive $0xFFFF  }
0x31: {  	[sflag:s0] =	ssyncadd.tile.s32 @!p0 $0x1;
	_ =	shalt  }
.Lfunc_end2:
_tile_overlayer_lowered:
.L_overlay_start_2:
0x32: {  	(tag) =	ssettag $0x2  }
0x33: {  	s0 =	rddreg [dreg:$0x0];
	s2 =	stileid.u32  }
0x34: {  	s1 =	rddreg [dreg:$0x1];
	p0 =	sne.s32 s2, $0x0  }
0x35: {  	s3 =	rddreg [dreg:$0x2];
	[bflag:$0x3] =	sbarrier.arrive $0xFFFF;
	s2 =	simm.s32 @!p0 $0x1C02  }
0x36: {  	[timem:s3], [sflag:s2] =	dma.local @!p0 [hbm:s0], s1  }
0x37: {  	s0 =	simm.s32 @!p0 $0x2  }
0x38: {  	_ =	swait.ge @!p0 [sflag:s0], s1  }
0x39: {  	s1 =	ssub.s32 @!p0 $0x0, s1;
	[sflag:s0] =	ssyncset.done @!p0 $0x0  }
0x3a: {  	[sflag:s0] =	ssyncadd.s32 @!p0 s1  }
0x3b: {  	[bflag:$0x3] =	sbarrier.arrive $0xFFFF  }
0x3c: {  	_ =	shalt  }

// kernel: kernel.20.cloned.1.call-start
scs
__scs_entry_jumppad:
0x0: {  	(pc) =	sbr.rel $0x88, $3  }
0x1: {  	(tag) =	ssettag $0x0;
	lr =	simm.s32 $0x1  }
0x2: {  	[smem:$0x3F9A] =	sst lr;
	_ =	strace $0xD0000000  }
0x3: {  	_ = 	snop  }
0x4: {  	_ = 	snop  }
0x5: {  	_ = 	snop  }
0x6: {  	_ = 	snop  }
0x7: {  	_ = 	snop  }
__scs_overlays_trampoline_lowered:
0x8: {  	[smem:$0x3FA9] =	sst s0  }
0x9: {  	[smem:$0x3FAA] =	sst s1  }
0xa: {  	[smem:$0x3FAB] =	sst s2  }
0xb: {  	[smem:$0x3FAC] =	sst s3  }
0xc: {  	[smem:$0x3FAD] =	sst s4  }
0xd: {  	[smem:$0x3FAE] =	sst s5  }
0xe: {  	[smem:$0x3FAF] =	sst s6  }
0xf: {  	[smem:$0x3FB0] =	sst s7  }
0x10: {  	[smem:$0x3FB1] =	sst s8  }
0x11: {  	[smem:$0x3FB2] =	sst s9;
	s0 =	simm.s32 @!p0 $0x0  }
0x12: {  	s1 =	sld [smem:$0x3F98];
	s0 =	simm.s32 @p0 $0x1  }
0x13: {  	[smem:$0x3FB3] =	sst s0;
	s0 =	simm.s32 @!p1 $0x0  }
0x14: {  	s2 =	sld [smem:$0x3F97];
	s0 =	simm.s32 @p1 $0x1  }
0x15: {  	[smem:$0x3FB4] =	sst s0;
	s0 =	simm.s32 @!p2 $0x0  }
0x16: {  	s3 =	sld [smem:$0x3FDB];
	s0 =	simm.s32 @p2 $0x1  }
0x17: {  	s4 =	simm.s32 $0x1BF5;
	[smem:$0x3FB6] =	sst s0  }
0x18: {  	s0 =	sld [smem:$0x3F99];
	_ =	swait.ge [sflag:s4], $0x0  }
0x19: {  	s7 =	sld [smem:$0x3F9A]  }
0x1a: {  	s8 =	sadd.s32 $0xFFFFE003, lr  }
0x1b: {  	s9 =	sadd.s32 $0xFFFFFEF7, lr;
	s5 =	simm.s32 $0xFFFFFFFF;
	p2 =	slt.u32 s8, $0xFFFFF086  }
0x1c: {  	p1 =	slt.u32 s9, $0xF7A;
	s5 =	simm.s32 @!p2 $0x0  }
0x1d: {  	s5 =	simm.s32 @p1 $0x1;
	p0 =	seq.s32 s7, s2  }
0x1e: {  	s7 =	smul.u32 @!p0 $0xF7A, s2;
	p2 =	seq.s32 @!p0 s5, $0x0  }
0x1f: {  	s9 =	smul.u32 $0xF7A, s1;
	s8 =	simm.s32 @!p0 $0x1BF5;
	p2 =	por !p2, p0  }
0x20: {  	[sflag:s8] =	ssyncset.s32 @!p0 $0xFFFFF086;
	s6 =	sadd.s32 @!p0 s3, s7;
	s7 =	simm.s32 @!p0 $0x108  }
0x21: {  	s3 =	sadd.s32 s3, s9;
	s6 =	sadd.s32 @!p0 $0x88, s6;
	s7 =	simm.s32 @p2 $0x1082  }
0x22: {  	[simem:s7], [sflag:s8] =	dma.local @!p0 [hbm:s6], $0xF7A  }
0x23: {  	s9 =	sor.u32 $0xD0000000, s2;
	s6 =	simm.s32 $0x108;
	_ =	swait.ge @!p0 [sflag:s8], $0x0  }
0x24: {  	s3 =	sadd.s32 $0x88, s3;
	s6 =	simm.s32 @!p1 $0x1082;
	[sflag:s4] =	ssyncset.s32 $0xFFFFF086  }
0x25: {  	[simem:s6], [sflag:s4] =	dma.local [hbm:s3], $0xF7A  }
0x26: {  	[smem:$0x3F9A] =	sst s1;
	(tag) =	ssettag s2;
	_ =	strace s9  }
0x27: {  	s1 =	sld [smem:$0x3FAA]  }
0x28: {  	s2 =	sld [smem:$0x3FAB]  }
0x29: {  	s4 =	sld [smem:$0x3FAD]  }
0x2a: {  	p0 =	seq.s32 s5, $0x0;
	s5 =	sld [smem:$0x3FAE]  }
0x2b: {  	s6 =	sld [smem:$0x3FAF]  }
0x2c: {  	s7 =	sld [smem:$0x3FB0]  }
0x2d: {  	s3 =	simm.s32 $0x108;
	s8 =	sld [smem:$0x3FB1]  }
0x2e: {  	s3 =	simm.s32 @!p0 $0x1082;
	s9 =	sld [smem:$0x3FB2]  }
0x2f: {  	lr =	sadd.s32 s0, s3;
	s0 =	sld [smem:$0x3FA9]  }
0x30: {  	s3 =	sld [smem:$0x3FAC]  }
0x31: {  	[smem:$0x3FB5] =	sst s10  }
0x32: {  	s10 =	sld [smem:$0x3FB3];
	_ =	sdelay $0x3  }
0x33: {  	p0 =	seq.s32 s10, $0x1;
	s10 =	sld [smem:$0x3FB5];
	_ =	sdelay $0x3  }
0x34: {  	[smem:$0x3FB5] =	sst s10  }
0x35: {  	s10 =	sld [smem:$0x3FB4];
	_ =	sdelay $0x3  }
0x36: {  	p1 =	seq.s32 s10, $0x1;
	s10 =	sld [smem:$0x3FB5];
	_ =	sdelay $0x3  }
0x37: {  	[smem:$0x3FB5] =	sst s10  }
0x38: {  	s10 =	sld [smem:$0x3FB6]  }
0x39: {  	_ = 	snop;
	(pc) =	sbr.ind lr, $3  }
0x3a: {  	_ = 	snop  }
0x3b: {  	_ = 	snop  }
0x3c: {  	p2 =	seq.s32 s10, $0x1;
	s10 =	sld [smem:$0x3FB5]  }
0x3d: {  	_ =	shalt  }
0x3e: {  	_ =	shalt  }
0x3f: {  	_ =	shalt  }
0x40: {  	_ =	shalt  }
0x41: {  	_ =	shalt  }
0x42: {  	_ =	shalt  }
0x43: {  	_ =	shalt  }
0x44: {  	_ =	shalt  }
0x45: {  	_ =	shalt  }
0x46: {  	_ =	shalt  }
0x47: {  	_ =	shalt  }
0x48: {  	_ =	shalt  }
0x49: {  	_ =	shalt  }
0x4a: {  	_ =	shalt  }
0x4b: {  	_ =	shalt  }
0x4c: {  	_ =	shalt  }
0x4d: {  	_ =	shalt  }
0x4e: {  	_ =	shalt  }
0x4f: {  	_ =	shalt  }
0x50: {  	_ =	shalt  }
0x51: {  	_ =	shalt  }
0x52: {  	_ =	shalt  }
0x53: {  	_ =	shalt  }
0x54: {  	_ =	shalt  }
0x55: {  	_ =	shalt  }
0x56: {  	_ =	shalt  }
0x57: {  	_ =	shalt  }
0x58: {  	_ =	shalt  }
0x59: {  	_ =	shalt  }
0x5a: {  	_ =	shalt  }
0x5b: {  	_ =	shalt  }
0x5c: {  	_ =	shalt  }
0x5d: {  	_ =	shalt  }
0x5e: {  	_ =	shalt  }
0x5f: {  	_ =	shalt  }
0x60: {  	_ =	shalt  }
0x61: {  	_ =	shalt  }
0x62: {  	_ =	shalt  }
0x63: {  	_ =	shalt  }
0x64: {  	_ =	shalt  }
0x65: {  	_ =	shalt  }
0x66: {  	_ =	shalt  }
0x67: {  	_ =	shalt  }
0x68: {  	_ =	shalt  }
0x69: {  	_ =	shalt  }
0x6a: {  	_ =	shalt  }
0x6b: {  	_ =	shalt  }
0x6c: {  	_ =	shalt  }
0x6d: {  	_ =	shalt  }
0x6e: {  	_ =	shalt  }
0x6f: {  	_ =	shalt  }
0x70: {  	_ =	shalt  }
0x71: {  	_ =	shalt  }
0x72: {  	_ =	shalt  }
0x73: {  	_ =	shalt  }
0x74: {  	_ =	shalt  }
0x75: {  	_ =	shalt  }
0x76: {  	_ =	shalt  }
0x77: {  	_ =	shalt  }
0x78: {  	_ =	shalt  }
0x79: {  	_ =	shalt  }
0x7a: {  	_ =	shalt  }
0x7b: {  	_ =	shalt  }
0x7c: {  	_ =	shalt  }
0x7d: {  	_ =	shalt  }
0x7e: {  	_ =	shalt  }
0x7f: {  	_ =	shalt  }
0x80: {  	_ =	shalt  }
0x81: {  	_ =	shalt  }
0x82: {  	_ =	shalt  }
0x83: {  	_ =	shalt  }
0x84: {  	_ =	shalt  }
0x85: {  	_ =	shalt  }
0x86: {  	_ =	shalt  }
0x87: {  	_ =	shalt  }
.Lfunc_end0:
.L_simem_size_0:
called_computation.3_lowered:
.L_overlay_start_0:
0x88: {  	s2 =	sld [smem:$0x3FD9]  }
0x89: {  	s3 =	sld [smem:$0x3FFE];
	_ =	sdelay $0x1  }
0x8a: {  	s1 =	srdreg.scid  }
0x8b: {  	s0 =	sand.u32 $0x1, s1  }
0x8c: {  	s16 =	sshll.u32 s0, $0xA;
	s2 =	sadd.s32 s3, s2  }
0x8d: {  	s2 =	sadd.s32 s2, s16  }
0x8e: {  	[smem:$0x3FC1] =	sst s2  }
0x8f: {  	_ = 	snop  }
0x90: {  	(tm) =	ssettm $0x1  }
0x91: {  	s17 =	sld [smem:$0x3FFB];
	_ =	sdelay $0x3  }
0x92: {  	_ =	strace s17  }
0x93: {  	s2 =	sld [smem:$0x3FFC];
	_ =	sdelay $0x3  }
0x94: {  	_ =	strace s2  }
0x95: {  	s2 =	sld [smem:$0x3FFD];
	_ =	sdelay $0x3  }
0x96: {  	_ =	strace s2  }
0x97: {  	_ =	strace $0x8FFFFFFF  }
0x98: {  	s18 =	sld [smem:$0x3FDB];
	_ =	sdelay $0x1  }
0x99: {  	s19 =	simm.s32 $_scs_section_size  }
0x9a: {  	s4 =	simm.s32 $_size__tile_overlayer_lowered;
	s5 =	simm.s32 $_tile_overlayer_lowered  }
0x9b: {  	s22 =	simm.s32 $0x1BFF;
	s21 =	sshll.u32 s5, $0x1;
	s2 =	sadd.s32 s19, s18  }
0x9c: {  	s6 =	simm.s32 $0x0;
	s20 =	sshll.u32 s4, $0x1;
	s4 =	sadd.s32 s21, s2  }
0x9d: {  	[timem:s6], [sflag:s22] =	dma.local [hbm:s4], s20  }
0x9e: {  	_ =	swait.ge [sflag:s22], s20  }
0x9f: {  	s3 =	ssub.s32 $0x0, s20;
	[sflag:s22] =	ssyncset.done $0x0  }
0xa0: {  	[sflag:s22] =	ssyncadd.s32 s3;
	_ =	sdelay $0x1  }
0xa1: {  	s23 =	simm.s32 $0x1B8B  }
0xa2: {  	_ =	swait.ge [sflag:s23], $0x1  }
0xa3: {  	[sflag:s23] =	ssyncset.done $0x0  }
0xa4: {  	s25 =	simm.s32 $0x1B8E;
	s24 =	sld [smem:$0x3FFE];
	[sflag:s23] =	ssyncadd.s32 $0xFFFFFFFF  }
0xa5: {  	s26 =	simm.s32 $execute0_lowered;
	[smem:$0x3FD2] =	sst s25  }
0xa6: {  	s4 =	sshll.u32 s26, $0x1;
	_ =	strace $0x8000004F;
	[dreg:$0x1] =	wrdreg $0xFFFFFFFF  }
0xa7: {  	s28 =	simm.s32 $_size_execute0_lowered;
	s2 =	sadd.s32 s2, s4;
	[dreg:$0x0] =	wrdreg $0x0  }
0xa8: {  	s4 =	sshll.u32 s28, $0x1;
	[dreg:$0x2] =	wrdreg s2  }
0xa9: {  	[dreg:$0x3] =	wrdreg s4  }
0xaa: {  	[dreg:$0x4] =	wrdreg $0xC0  }
0xab: {  	_ =	task [dreg:s6], $0x5FFFF  }
0xac: {  	[dreg:$0x1] =	wrdreg $0xFFFFFFFF  }
0xad: {  	[dreg:$0x0] =	wrdreg $0x60  }
0xae: {  	[dreg:$0x2] =	wrdreg s24  }
0xaf: {  	[dreg:$0x3] =	wrdreg $0x0  }
0xb0: {  	[dreg:$0x4] =	wrdreg $0x9  }
0xb1: {  	_ =	task.clear_ibuf [dreg:s6], $0x5FFFF;
	_ =	strace $0x9000004F  }
0xb2: {  	s29 =	simm.s32 $0x9;
	_ =	strace $0x80000051  }
0xb3: {  	_ =	swait.ge [sflag:s29], $0x1  }
0xb4: {  	[sflag:s29] =	ssyncadd.s32 $0xFFFFFFFF  }
0xb5: {  	_ =	strace $0x90000051  }
0xb6: {  	_ =	sfence  }
0xb7: {  	s30 =	sld [smem:$0x0];
	_ =	sdelay $0x2  }
0xb8: {  	s31 =	sshll.u32 s1, $0xD;
	s1 =	sshrl.u32 s1, $0x2  }
0xb9: {  	s3 =	sand.u32 $0x4000, s31;
	s1 =	sadd.s32 s1, s30  }
0xba: {  	s0 =	sor.u32 s3, s0;
	s1 =	sshll.u32 s1, $0x11  }
0xbb: {  	s0 =	sor.u32 s1, s0  }
0xbc: {  	s0 =	sadd.s32 $0x8F2B, s0  }
0xbd: {  	[sflag:s0] =	ssyncadd.remote.s32 $0x1  }
0xbe: {  	_ =	sfence.sel $0xFFFF  }
0xbf: {  	[dreg:$0x0] =	wrdreg $0xFFFFFFFF;
	(pc) =	sbr.abs _section_cstart, $3  }
0xc0: {  	[dreg:$0x1] =	wrdreg $0xFFFFFFFF  }
0xc1: {  	_ =	task.clear_ibuf [dreg:s6], $0x2FFFF;
	_ =	strace $0x9FFFFFFF  }
0xc2: {  	(tm) =	ssettm $0x7FFFFFFF  }
0xc3: {  	_ =	shalt  }
tec
execute0_lowered:
.L_overlay_start_1:
0x0: {  	(tag) =	ssettag $0x1  }
0x1: {  	s0 =	srdreg.scid;
	s5 =	rddreg [dreg:$0x0]  }
0x2: {  	s13 =	stileid.u32;
	s2 =	rddreg [dreg:$0x1];
	s3 =	simm.s32 $0x0  }
0x3: {  	s30 =	simm.s32 $0x16440;
	s28 =	simm.s32 $0xC;
	s7 =	smul.u32 $0x13880, s13  }
0x4: {  	s29 =	simm.s32 $0x17E90;
	s0 =	sand.u32 $0x1, s0;
	s24 =	smul.u32 $0x4E200, s13  }
0x5: {  	[smem:$0x7FF] =	sst s3;
	s4 =	sadd.s32 $0x37000, s5;
	s18 =	smul.u32 $0x578, s13  }
0x6: {  	s10 =	sadd.s32 $0x2C000, s5;
	s1 =	sshll.u32 s0, $0x4;
	s8 =	smul.u32 $0x138800, s0  }
0x7: {  	_ =	strace $0x80000050;
	s11 =	ssub.s32 $0x2, s0;
	s0 =	smul.u32 $0x5780, s0  }
0x8: {  	s1 =	sor.u32 s13, s1;
	s12 =	sshrl.u32 s11, $0x1;
	s25 =	sshrl.u32 s24, $0x2  }
0x9: {  	s31 =	sadd.s32 s7, s2;
	s13 =	simm.s32 $0x16478;
	s6 =	smul.u32 $0x578, s1  }
0xa: {  	s8 =	sadd.s32 s7, s8;
	s1 =	smul.u32 $0x2BC0, s1;
	s26 =	sadd.s32 s25, s2  }
0xb: {  	s0 =	sadd.s32 s0, s10;
	[dreg:$0x9] =	wrdreg s31;
	s8 =	sshrl.u32 s8, $0x3  }
0xc: {  	s15 =	sadd.s32 $0x7D00, s26;
	s16 =	sadd.s32 $0x9600, s26;
	s17 =	sadd.s32 $0xAF00, s26  }
0xd: {  	s19 =	sadd.s32 $0xC800, s26;
	s20 =	sadd.s32 $0xE100, s26;
	[dreg:$0xe] =	wrdreg s15  }
0xe: {  	s0 =	sadd.s32 s18, s0;
	s21 =	sadd.s32 $0xFA00, s26;
	[dreg:$0xf] =	wrdreg s16  }
0xf: {  	s18 =	simm.s32 $0x1;
	s9 =	sadd.s32 s6, s5;
	[dreg:$0x10] =	wrdreg s17  }
0x10: {  	s5 =	sadd.s32 s8, s5;
	s8 =	ssub.s32 s11, s12;
	[dreg:$0x11] =	wrdreg s19  }
0x11: {  	s12 =	sadd.s32 s10, s6;
	s22 =	sshrl.u32 s1, $0x3;
	[dreg:$0x12] =	wrdreg s20  }
0x12: {  	s23 =	sadd.s32 $0xA8, s1;
	s1 =	sadd.s32 $0x118, s1;
	[dreg:$0x13] =	wrdreg s0  }
0x13: {  	s11 =	sadd.s32 $0x4B00, s26;
	[dreg:$0x14] =	wrdreg s21;
	s15 =	simm.s32 $0x16558  }
0x14: {  	s17 =	simm.s32 $0x1E290;
	s19 =	simm.s32 $0x8;
	s20 =	simm.s32 $0x2  }
0x15: {  	s16 =	simm.s32 $0xE;
	s21 =	simm.s32 $0xF;
	s0 =	simm.s32 $0x11  }
0x16: {  	s9 =	sadd.s32 $0x21000, s9;
	s6 =	sadd.s32 s10, s22;
	[dreg:$0xc] =	wrdreg s11  }
0x17: {  	s1 =	sshrl.u32 s1, $0x3;
	s22 =	sadd.s32 $0x11300, s26;
	[dreg:$0x4] =	wrdreg s12  }
0x18: {  	s24 =	sadd.s32 $0x5E200, s5;
	s25 =	smax.u32 s8, $0x1;
	[dreg:$0x3] =	wrdreg s9  }
0x19: {  	s11 =	simm.s32 $0xD;
	s5 =	simm.s32 $0x12;
	[dreg:$0x15] =	wrdreg s22  }
0x1a: {  	s9 =	sshrl.u32 s23, $0x3;
	s14 =	sadd.s32 $0xE, s6;
	[dreg:$0x17] =	wrdreg s24  }
0x1b: {  	s6 =	sadd.s32 $0x1C, s6;
	s1 =	sadd.s32 s10, s1;
	[dreg:$0x18] =	wrdreg s25  }
0x1c: {  	s23 =	sadd.s32 $0x12C00, s26;
	s22 =	simm.s32 $0x19790;
	[dreg:$0x5] =	wrdreg s14  }
0x1d: {  	s24 =	simm.s32 $0x1B090;
	s25 =	simm.s32 $0x1C990;
	[dreg:$0x7] =	wrdreg s6  }
0x1e: {  	s9 =	sadd.s32 s10, s9;
	[dreg:$0x8] =	wrdreg s1;
	s6 =	sadd.s32 $0x1900, s26  }
0x1f: {  	s14 =	sadd.s32 $0x6400, s26;
	[dreg:$0x16] =	wrdreg s23;
	s10 =	simm.s32 $0x16520  }
.Ltmp0:
0x20: {  	s23 =	simm.s32 $0x17E90;
	[dreg:$0x6] =	wrdreg s9;
	(pc) =	sbr.rel .LBB2_1-.Ltmp0, $4  }
0x21: {  	s1 =	simm.s32 $0x10;
	[dreg:$0xa] =	wrdreg s6;
	s9 =	sadd.s32 $0x3200, s26  }
0x22: {  	[dreg:$0xd] =	wrdreg s14;
	s26 =	sadd.s32 $0x7, s12;
	s12 =	simm.s32 $0x13880  }
0x23: {  	s14 =	simm.s32 $0x164E8;
	s6 =	simm.s32 $0x32;
	[dreg:$0xb] =	wrdreg s9  }
0x24: {  	v0 =	vimm.f32 $0.0e+00;
	[dreg:$0x19] =	wrdreg s26;
	s9 =	simm.s32 $0x6;
	s26 =	simm.s32 $0x0  }
.LBB2_6:
0x25: {  	s7 =	simm.s32 $0x7  }
0x26: {  	_ =	swait.ge [sflag:s7], $0x1900  }
0x27: {  	[sflag:s7] =	ssyncset.done $0x0  }
0x28: {  	[sflag:s7] =	ssyncadd.s32 $0xFFFFE700  }
0x29: {  	_ =	swait.ge [sflag:s18], $0x38  }
0x2a: {  	[sflag:s18] =	ssyncset.done $0x0  }
0x2b: {  	s17 =	simm.s32 $0x16440;
	[sflag:s18] =	ssyncadd.s32 $0xFFFFFFC8  }
0x2c: {  	[spmem:s2] =	stream.indirect.scatter.add.f32 [tilespmem:s22], [sflag:$0xD], $0x80, s17, s6, $0xb8;
	[tilespmem:$0x1FB90] =	vst v63  }
0x2d: {  	_ =	swait.ge [sflag:s19], $0x1900  }
0x2e: {  	[sflag:s19] =	ssyncset.done $0x0  }
0x2f: {  	[sflag:s19] =	ssyncadd.s32 $0xFFFFE700  }
0x30: {  	_ =	swait.ge [sflag:s20], $0x38  }
0x31: {  	[sflag:s20] =	ssyncset.done $0x0  }
0x32: {  	[sflag:s20] =	ssyncadd.s32 $0xFFFFFFC8  }
0x33: {  	[spmem:s2] =	stream.indirect.scatter.add.f32 [tilespmem:s23], [sflag:$0xE], $0x80, s13, s6, $0xb8;
	[tilespmem:$0x1FB90] =	vst v63  }
0x34: {  	_ =	swait.ge [sflag:s11], $0x1900  }
0x35: {  	[sflag:s11] =	ssyncset.done $0x0  }
0x36: {  	[sflag:s11] =	ssyncadd.s32 $0xFFFFE700  }
0x37: {  	_ =	swait.ge [sflag:s16], $0x1900  }
0x38: {  	[sflag:s16] =	ssyncset.done $0x0  }
0x39: {  	[sflag:s16] =	ssyncadd.s32 $0xFFFFE700  }
0x3a: {  	_ =	swait.ge [sflag:s21], $0x1900  }
0x3b: {  	[sflag:s21] =	ssyncset.done $0x0  }
0x3c: {  	[sflag:s21] =	ssyncadd.s32 $0xFFFFE700  }
0x3d: {  	_ =	swait.ge [sflag:s1], $0x1900  }
0x3e: {  	[sflag:s1] =	ssyncset.done $0x0  }
0x3f: {  	[sflag:s1] =	ssyncadd.s32 $0xFFFFE700  }
0x40: {  	_ =	swait.ge [sflag:s0], $0x1900  }
0x41: {  	[sflag:s0] =	ssyncset.done $0x0  }
0x42: {  	[sflag:s0] =	ssyncadd.s32 $0xFFFFE700  }
0x43: {  	_ =	swait.ge [sflag:s5], $0x1900  }
0x44: {  	[sflag:s5] =	ssyncset.done $0x0  }
0x45: {  	[sflag:s5] =	ssyncadd.s32 $0xFFFFE700  }
0x46: {  	s24 =	stileid.u32;
	[bflag:$0x0] =	sbarrier.arrive $0xFFFF  }
0x47: {  	s8 =	simm.s32 $0x15;
	s7 =	sshll.u32 s24, $0x6;
	s31 =	rddreg [dreg:$0x9]  }
0x48: {  	s7 =	sor.u32 $0x1C15, s7;
	s30 =	rddreg [dreg:$0x17];
	s12 =	sshrl.u32 s31, $0x3  }
0x49: {  	[hbm:s30], [sflag:s7] =	dma.local [spmem:s12], $0x2710  }
0x4a: {  	_ =	swait.ge [sflag:s8], $0x2710  }
0x4b: {  	s26 =	rddreg [dreg:$0x1a]  }
0x4c: {  	s25 =	rddreg [dreg:$0x18];
	s26 =	sadd.s32 $0x1, s26  }
0x4d: {  	p0 =	sne.s32 s26, s25  }
.Ltmp1:
0x4e: {  	_ = 	snop;
	(pc) =	sbr.rel @!p0 .LBB2_7-.Ltmp1, $4  }
0x4f: {  	s15 =	simm.s32 $0x16558;
	s14 =	simm.s32 $0x164E8  }
0x50: {  	s10 =	simm.s32 $0x16520;
	s24 =	simm.s32 $0x1B090;
	s22 =	simm.s32 $0x19790  }
0x51: {  	s17 =	simm.s32 $0x1E290;
	s30 =	simm.s32 $0x16440;
	[sflag:s8] =	ssyncset.done $0x0  }
0x52: {  	s12 =	simm.s32 $0x13880;
	[sflag:s8] =	ssyncadd.s32 $0xFFFFD8F0;
	s25 =	simm.s32 $0x1C990  }
.LBB2_1:
0x53: {  	[dreg:$0x1a] =	wrdreg s26  }
0x54: {  	s7 =	rddreg [dreg:$0x3]  }
0x55: {  	[tilespmem:s12], [sflag:$0x13] =	stream.linear.gather [hbm4b:s7+s3], $0x2BC0, $0x38;
	[tilespmem:$0x1FB90] =	vst v63  }
0x56: {  	s26 =	rddreg [dreg:$0x4]  }
0x57: {  	[tilespmem:s30], [sflag:$0x1] =	stream.linear.gather [hbm4b:s26+s3], $0x38, $0x38;
	[tilespmem:$0x1FB90] =	vst v63  }
0x58: {  	s8 =	rddreg [dreg:$0x19]  }
0x59: {  	[tilespmem:s13], [sflag:$0x2] =	stream.linear.gather [hbm4b:s8+s3], $0x38, $0x38;
	[tilespmem:$0x1FB90] =	vst v63  }
0x5a: {  	s26 =	rddreg [dreg:$0x5];
	s8 =	simm.s32 $0x164B0  }
0x5b: {  	[tilespmem:s8], [sflag:$0x3] =	stream.linear.gather [hbm4b:s26+s3], $0x38, $0x38;
	[tilespmem:$0x1FB90] =	vst v63  }
0x5c: {  	s13 =	rddreg [dreg:$0x6]  }
0x5d: {  	[tilespmem:s14], [sflag:$0x4] =	stream.linear.gather [hbm4b:s13+s3], $0x38, $0x38;
	[tilespmem:$0x1FB90] =	vst v63  }
0x5e: {  	s14 =	rddreg [dreg:$0x7]  }
0x5f: {  	[tilespmem:s10], [sflag:$0x5] =	stream.linear.gather [hbm4b:s14+s3], $0x38, $0x38;
	[tilespmem:$0x1FB90] =	vst v63  }
0x60: {  	s7 =	simm.s32 $0x0;
	s30 =	simm.s32 $0x200;
	s26 =	rddreg [dreg:$0x8]  }
0x61: {  	[tilespmem:s15], [sflag:$0x6] =	stream.linear.gather [hbm4b:s26+s3], $0x38, $0x38;
	[tilespmem:$0x1FB90] =	vst v63  }
.LBB2_2:
0x62: {  	p0 =	sne.s32 s30, $0x6200;
	[tilespmem:s7+$0x16600] =	vst v0  }
0x63: {  	[tilespmem:s7+$0x16590] =	vst v0  }
0x64: {  	[tilespmem:s7+$0x165A0] =	vst v0  }
.Ltmp2:
0x65: {  	[tilespmem:s7+$0x165B0] =	vst v0;
	(pc) =	sbr.rel @p0 .LBB2_2-.Ltmp2, $4  }
0x66: {  	[tilespmem:s7+$0x165C0] =	vst v0  }
0x67: {  	[tilespmem:s7+$0x165D0] =	vst v0  }
0x68: {  	[tilespmem:s7+$0x165E0] =	vst v0  }
0x69: {  	[tilespmem:s7+$0x165F0] =	vst v0;
	s7 =	sshra.s32 s30, $0x2;
	s30 =	sadd.s32 $0x200, s30  }
0x6a: {  	[tilespmem:s7+$0x16600] =	vst v0  }
0x6b: {  	[tilespmem:s7+$0x16590] =	vst v0  }
0x6c: {  	[tilespmem:s7+$0x165A0] =	vst v0  }
0x6d: {  	[tilespmem:s7+$0x165B0] =	vst v0  }
0x6e: {  	[tilespmem:s7+$0x165C0] =	vst v0  }
0x6f: {  	[tilespmem:s7+$0x165D0] =	vst v0  }
0x70: {  	[tilespmem:s7+$0x165E0] =	vst v0  }
0x71: {  	[tilespmem:s7+$0x165F0] =	vst v0;
	s8 =	simm.s32 $0x16590  }
0x72: {  	[spmem:s31] =	stream.linear.scatter [tilespmem:s8], [sflag:$0x14], $0x1900, $0x38;
	[tilespmem:$0x1FB90] =	vst v63  }
0x73: {  	s14 =	rddreg [dreg:$0xa]  }
0x74: {  	[spmem:s14] =	stream.linear.scatter [tilespmem:s8], [sflag:$0x14], $0x1900, $0x38;
	[tilespmem:$0x1FB90] =	vst v63  }
0x75: {  	s15 =	rddreg [dreg:$0xb]  }
0x76: {  	[spmem:s15] =	stream.linear.scatter [tilespmem:s8], [sflag:$0x14], $0x1900, $0x38;
	[tilespmem:$0x1FB90] =	vst v63  }
0x77: {  	s26 =	rddreg [dreg:$0xc]  }
0x78: {  	[spmem:s26] =	stream.linear.scatter [tilespmem:s8], [sflag:$0x14], $0x1900, $0x38;
	[tilespmem:$0x1FB90] =	vst v63  }
0x79: {  	s10 =	rddreg [dreg:$0xd]  }
0x7a: {  	[spmem:s10] =	stream.linear.scatter [tilespmem:s8], [sflag:$0x14], $0x1900, $0x38;
	[tilespmem:$0x1FB90] =	vst v63  }
0x7b: {  	s13 =	rddreg [dreg:$0xe]  }
0x7c: {  	[spmem:s13] =	stream.linear.scatter [tilespmem:s8], [sflag:$0x14], $0x1900, $0x38;
	[tilespmem:$0x1FB90] =	vst v63  }
0x7d: {  	s14 =	rddreg [dreg:$0xf]  }
0x7e: {  	[spmem:s14] =	stream.linear.scatter [tilespmem:s8], [sflag:$0x14], $0x1900, $0x38;
	[tilespmem:$0x1FB90] =	vst v63  }
0x7f: {  	s15 =	rddreg [dreg:$0x10]  }
0x80: {  	[spmem:s15] =	stream.linear.scatter [tilespmem:s8], [sflag:$0x14], $0x1900, $0x38;
	[tilespmem:$0x1FB90] =	vst v63  }
0x81: {  	s26 =	rddreg [dreg:$0x11]  }
0x82: {  	[spmem:s26] =	stream.linear.scatter [tilespmem:s8], [sflag:$0x14], $0x1900, $0x38;
	[tilespmem:$0x1FB90] =	vst v63  }
0x83: {  	s10 =	rddreg [dreg:$0x12]  }
0x84: {  	[spmem:s10] =	stream.linear.scatter [tilespmem:s8], [sflag:$0x14], $0x1900, $0x38;
	[tilespmem:$0x1FB90] =	vst v63  }
0x85: {  	s13 =	rddreg [dreg:$0x14]  }
0x86: {  	[spmem:s13] =	stream.linear.scatter [tilespmem:s8], [sflag:$0x14], $0x1900, $0x38;
	[tilespmem:$0x1FB90] =	vst v63  }
0x87: {  	s14 =	rddreg [dreg:$0x15]  }
0x88: {  	[spmem:s14] =	stream.linear.scatter [tilespmem:s8], [sflag:$0x14], $0x1900, $0x38;
	[tilespmem:$0x1FB90] =	vst v63  }
0x89: {  	s15 =	rddreg [dreg:$0x16];
	s26 =	simm.s32 $0x13  }
0x8a: {  	[spmem:s15] =	stream.linear.scatter [tilespmem:s8], [sflag:$0x14], $0xC80, $0x38;
	[tilespmem:$0x1FB90] =	vst v63  }
0x8b: {  	_ =	swait.ge [sflag:s26], $0x2BC0  }
0x8c: {  	[sflag:s26] =	ssyncset.done $0x0  }
0x8d: {  	s10 =	simm.s32 $0x138B8;
	[sflag:s26] =	ssyncadd.s32 $0xFFFFD440  }
0x8e: {  	[tilespmem:s23], [sflag:$0x8] =	stream.indirect.gather [hbm4b:s4+s6], $0x80, s10, s6, $0xb8;
	[tilespmem:$0x1FB90] =	vst v63  }
0x8f: {  	s13 =	simm.s32 $0x138F0  }
0x90: {  	[tilespmem:s22], [sflag:$0x9] =	stream.indirect.gather [hbm4b:s4+s6], $0x80, s13, s6, $0xb8;
	[tilespmem:$0x1FB90] =	vst v63  }
0x91: {  	s14 =	simm.s32 $0x13928  }
0x92: {  	[tilespmem:s24], [sflag:$0xA] =	stream.indirect.gather [hbm4b:s4+s6], $0x80, s14, s6, $0xb8;
	[tilespmem:$0x1FB90] =	vst v63  }
0x93: {  	s15 =	simm.s32 $0x13960  }
0x94: {  	[tilespmem:s25], [sflag:$0xB] =	stream.indirect.gather [hbm4b:s4+s6], $0x80, s15, s6, $0xb8;
	[tilespmem:$0x1FB90] =	vst v63  }
0x95: {  	s26 =	simm.s32 $0x14;
	s23 =	simm.s32 $0x13998  }
0x96: {  	[tilespmem:s17], [sflag:$0xC] =	stream.indirect.gather [hbm4b:s4+s6], $0x80, s23, s6, $0xb8;
	[tilespmem:$0x1FB90] =	vst v63  }
0x97: {  	_ =	swait.ge [sflag:s26], $0x1900  }
0x98: {  	[sflag:s26] =	ssyncset.done $0x0  }
0x99: {  	[sflag:s26] =	ssyncadd.s32 $0xFFFFE700  }
0x9a: {  	_ =	swait.ge [sflag:s26], $0x1900  }
0x9b: {  	[sflag:s26] =	ssyncset.done $0x0  }
0x9c: {  	[sflag:s26] =	ssyncadd.s32 $0xFFFFE700  }
0x9d: {  	_ =	swait.ge [sflag:s26], $0x1900  }
0x9e: {  	[sflag:s26] =	ssyncset.done $0x0  }
0x9f: {  	[sflag:s26] =	ssyncadd.s32 $0xFFFFE700  }
0xa0: {  	_ =	swait.ge [sflag:s26], $0x1900  }
0xa1: {  	[sflag:s26] =	ssyncset.done $0x0  }
0xa2: {  	[sflag:s26] =	ssyncadd.s32 $0xFFFFE700  }
0xa3: {  	_ =	swait.ge [sflag:s26], $0x1900  }
0xa4: {  	[sflag:s26] =	ssyncset.done $0x0  }
0xa5: {  	[sflag:s26] =	ssyncadd.s32 $0xFFFFE700  }
0xa6: {  	_ =	swait.ge [sflag:s26], $0x1900  }
0xa7: {  	[sflag:s26] =	ssyncset.done $0x0  }
0xa8: {  	[sflag:s26] =	ssyncadd.s32 $0xFFFFE700  }
0xa9: {  	_ =	swait.ge [sflag:s26], $0x1900  }
0xaa: {  	[sflag:s26] =	ssyncset.done $0x0  }
0xab: {  	[sflag:s26] =	ssyncadd.s32 $0xFFFFE700  }
0xac: {  	_ =	swait.ge [sflag:s26], $0x1900  }
0xad: {  	[sflag:s26] =	ssyncset.done $0x0  }
0xae: {  	[sflag:s26] =	ssyncadd.s32 $0xFFFFE700  }
0xaf: {  	_ =	swait.ge [sflag:s26], $0x1900  }
0xb0: {  	[sflag:s26] =	ssyncset.done $0x0  }
0xb1: {  	[sflag:s26] =	ssyncadd.s32 $0xFFFFE700  }
0xb2: {  	_ =	swait.ge [sflag:s26], $0x1900  }
0xb3: {  	[sflag:s26] =	ssyncset.done $0x0  }
0xb4: {  	[sflag:s26] =	ssyncadd.s32 $0xFFFFE700  }
0xb5: {  	_ =	swait.ge [sflag:s26], $0x1900  }
0xb6: {  	[sflag:s26] =	ssyncset.done $0x0  }
0xb7: {  	[sflag:s26] =	ssyncadd.s32 $0xFFFFE700  }
0xb8: {  	_ =	swait.ge [sflag:s26], $0x1900  }
0xb9: {  	[sflag:s26] =	ssyncset.done $0x0  }
0xba: {  	[sflag:s26] =	ssyncadd.s32 $0xFFFFE700  }
0xbb: {  	_ =	swait.ge [sflag:s26], $0xC80  }
0xbc: {  	s7 =	simm.s32 $0x0;
	s30 =	simm.s32 $0x13AE8;
	[sflag:s26] =	ssyncset.done $0x0  }
0xbd: {  	s31 =	simm.s32 $0x16558;
	s10 =	simm.s32 $0x16520;
	[sflag:s26] =	ssyncadd.s32 $0xFFFFF380  }
0xbe: {  	[tilespmem:s8], [sflag:$0x7] =	stream.indirect.gather [hbm4b:s4+s6], $0x80, s12, s6, $0xb8;
	[tilespmem:$0x1FB90] =	vst v63  }
0xbf: {  	s14 =	simm.s32 $0x164B0;
	s15 =	simm.s32 $0x164E8;
	[bflag:$0x0] =	sbarrier.arrive $0xFFFF  }
.LBB2_4:
0xc0: {  	s8 =	simm.s32 $0x7  }
0xc1: {  	_ =	swait.ge [sflag:s8], $0x1900  }
0xc2: {  	[sflag:s8] =	ssyncset.done $0x0  }
0xc3: {  	[sflag:s8] =	ssyncadd.s32 $0xFFFFE700  }
0xc4: {  	_ =	swait.ge [sflag:s18], $0x38  }
0xc5: {  	[sflag:s18] =	ssyncset.done $0x0  }
0xc6: {  	s13 =	simm.s32 $0x16440;
	s23 =	simm.s32 $0x16590;
	[sflag:s18] =	ssyncadd.s32 $0xFFFFFFC8  }
0xc7: {  	[spmem:s2] =	stream.indirect.scatter.add.f32 [tilespmem:s23], [sflag:$0xD], $0x80, s13, s6, $0xb8;
	[tilespmem:$0x1FB90] =	vst v63  }
0xc8: {  	_ =	swait.ge [sflag:s19], $0x1900  }
0xc9: {  	[sflag:s19] =	ssyncset.done $0x0  }
0xca: {  	[sflag:s19] =	ssyncadd.s32 $0xFFFFE700  }
0xcb: {  	_ =	swait.ge [sflag:s20], $0x38  }
0xcc: {  	[sflag:s20] =	ssyncset.done $0x0  }
0xcd: {  	s12 =	simm.s32 $0x16478;
	[sflag:s20] =	ssyncadd.s32 $0xFFFFFFC8  }
0xce: {  	[spmem:s2] =	stream.indirect.scatter.add.f32 [tilespmem:s29], [sflag:$0xE], $0x80, s12, s6, $0xb8;
	[tilespmem:$0x1FB90] =	vst v63  }
0xcf: {  	s12 =	simm.s32 $0x9  }
0xd0: {  	_ =	swait.ge [sflag:s12], $0x1900  }
0xd1: {  	[sflag:s12] =	ssyncset.done $0x0  }
0xd2: {  	s26 =	simm.s32 $0x3;
	[sflag:s12] =	ssyncadd.s32 $0xFFFFE700  }
0xd3: {  	_ =	swait.ge [sflag:s26], $0x38  }
0xd4: {  	[sflag:s26] =	ssyncset.done $0x0  }
0xd5: {  	s12 =	simm.s32 $0xA;
	[sflag:s26] =	ssyncadd.s32 $0xFFFFFFC8  }
0xd6: {  	[spmem:s2] =	stream.indirect.scatter.add.f32 [tilespmem:s22], [sflag:$0xF], $0x80, s14, s6, $0xb8;
	[tilespmem:$0x1FB90] =	vst v63  }
0xd7: {  	_ =	swait.ge [sflag:s12], $0x1900  }
0xd8: {  	[sflag:s12] =	ssyncset.done $0x0  }
0xd9: {  	s22 =	simm.s32 $0x4;
	[sflag:s12] =	ssyncadd.s32 $0xFFFFE700  }
0xda: {  	_ =	swait.ge [sflag:s22], $0x38  }
0xdb: {  	[sflag:s22] =	ssyncset.done $0x0  }
0xdc: {  	s26 =	simm.s32 $0xB;
	[sflag:s22] =	ssyncadd.s32 $0xFFFFFFC8  }
0xdd: {  	[spmem:s2] =	stream.indirect.scatter.add.f32 [tilespmem:s24], [sflag:$0x10], $0x80, s15, s6, $0xb8;
	[tilespmem:$0x1FB90] =	vst v63  }
0xde: {  	_ =	swait.ge [sflag:s26], $0x1900  }
0xdf: {  	[sflag:s26] =	ssyncset.done $0x0  }
0xe0: {  	s12 =	simm.s32 $0x5;
	[sflag:s26] =	ssyncadd.s32 $0xFFFFE700  }
0xe1: {  	_ =	swait.ge [sflag:s12], $0x38  }
0xe2: {  	[sflag:s12] =	ssyncset.done $0x0  }
0xe3: {  	[sflag:s12] =	ssyncadd.s32 $0xFFFFFFC8  }
0xe4: {  	[spmem:s2] =	stream.indirect.scatter.add.f32 [tilespmem:s25], [sflag:$0x11], $0x80, s10, s6, $0xb8;
	[tilespmem:$0x1FB90] =	vst v63  }
0xe5: {  	_ =	swait.ge [sflag:s28], $0x1900  }
0xe6: {  	[sflag:s28] =	ssyncset.done $0x0  }
0xe7: {  	[sflag:s28] =	ssyncadd.s32 $0xFFFFE700  }
0xe8: {  	_ =	swait.ge [sflag:s9], $0x38  }
0xe9: {  	[sflag:s9] =	ssyncset.done $0x0  }
0xea: {  	[sflag:s9] =	ssyncadd.s32 $0xFFFFFFC8  }
0xeb: {  	[spmem:s2] =	stream.indirect.scatter.add.f32 [tilespmem:s17], [sflag:$0x12], $0x80, s31, s6, $0xb8;
	[tilespmem:$0x1FB90] =	vst v63  }
0xec: {  	_ =	swait.ge [sflag:s11], $0x1900  }
0xed: {  	s22 =	rddreg [dreg:$0x13]  }
0xee: {  	[sflag:s11] =	ssyncset.done $0x0;
	s31 =	sadd.s32 s7, s22  }
0xef: {  	p0 =	seq.s32 s7, $0x540;
	[sflag:s11] =	ssyncadd.s32 $0xFFFFE700;
	s12 =	sadd.s32 $0x2A, s31  }
0xf0: {  	[tilespmem:s13], [sflag:$0x1] =	stream.linear.gather [hbm4b:s12+s3], $0x38, $0x38;
	[tilespmem:$0x1FB90] =	vst v63  }
0xf1: {  	s8 =	simm.s32 $0x16558;
	s24 =	simm.s32 $0x19790;
	s12 =	sadd.s32 $0xFFFFFEE8, s30  }
0xf2: {  	[tilespmem:s23], [sflag:$0x7] =	stream.indirect.gather [hbm4b:s4+s6], $0x80, s12, s6, $0xb8;
	[tilespmem:$0x1FB90] =	vst v63  }
0xf3: {  	s26 =	simm.s32 $0x1E290;
	s25 =	simm.s32 $0x1B090;
	_ =	swait.ge [sflag:s16], $0x1900  }
.Ltmp3:
0xf4: {  	s17 =	simm.s32 $0x1C990;
	[sflag:s16] =	ssyncset.done $0x0;
	(pc) =	sbr.rel @p0 .LBB2_6-.Ltmp3, $4  }
0xf5: {  	s13 =	simm.s32 $0x16478;
	s23 =	sadd.s32 $0x31, s31;
	[sflag:s16] =	ssyncadd.s32 $0xFFFFE700  }
0xf6: {  	[tilespmem:s13], [sflag:$0x2] =	stream.linear.gather [hbm4b:s23+s3], $0x38, $0x38;
	[tilespmem:$0x1FB90] =	vst v63  }
0xf7: {  	s22 =	simm.s32 $0x16590;
	s12 =	sadd.s32 $0xFFFFFF20, s30;
	s23 =	simm.s32 $0x17E90  }
0xf8: {  	[tilespmem:s29], [sflag:$0x8] =	stream.indirect.gather [hbm4b:s4+s6], $0x80, s12, s6, $0xb8;
	[tilespmem:$0x1FB90] =	vst v63  }
0xf9: {  	_ =	swait.ge [sflag:s21], $0x1900  }
0xfa: {  	[sflag:s21] =	ssyncset.done $0x0  }
0xfb: {  	s12 =	sadd.s32 $0x38, s31;
	[sflag:s21] =	ssyncadd.s32 $0xFFFFE700  }
0xfc: {  	[tilespmem:s14], [sflag:$0x3] =	stream.linear.gather [hbm4b:s12+s3], $0x38, $0x38;
	[tilespmem:$0x1FB90] =	vst v63  }
0xfd: {  	s23 =	sadd.s32 $0xFFFFFF58, s30  }
0xfe: {  	[tilespmem:s24], [sflag:$0x9] =	stream.indirect.gather [hbm4b:s4+s6], $0x80, s23, s6, $0xb8;
	[tilespmem:$0x1FB90] =	vst v63  }
0xff: {  	_ =	swait.ge [sflag:s1], $0x1900  }
0x100: {  	[sflag:s1] =	ssyncset.done $0x0  }
0x101: {  	s13 =	sadd.s32 $0x3F, s31;
	[sflag:s1] =	ssyncadd.s32 $0xFFFFE700  }
0x102: {  	[tilespmem:s15], [sflag:$0x4] =	stream.linear.gather [hbm4b:s13+s3], $0x38, $0x38;
	[tilespmem:$0x1FB90] =	vst v63  }
0x103: {  	s22 =	sadd.s32 $0xFFFFFF90, s30  }
0x104: {  	[tilespmem:s25], [sflag:$0xA] =	stream.indirect.gather [hbm4b:s4+s6], $0x80, s22, s6, $0xb8;
	[tilespmem:$0x1FB90] =	vst v63  }
0x105: {  	_ =	swait.ge [sflag:s0], $0x1900  }
0x106: {  	[sflag:s0] =	ssyncset.done $0x0  }
0x107: {  	s23 =	sadd.s32 $0x46, s31;
	[sflag:s0] =	ssyncadd.s32 $0xFFFFE700  }
0x108: {  	[tilespmem:s10], [sflag:$0x5] =	stream.linear.gather [hbm4b:s23+s3], $0x38, $0x38;
	[tilespmem:$0x1FB90] =	vst v63  }
0x109: {  	s24 =	sadd.s32 $0xFFFFFFC8, s30  }
0x10a: {  	[tilespmem:s17], [sflag:$0xB] =	stream.indirect.gather [hbm4b:s4+s6], $0x80, s24, s6, $0xb8;
	[tilespmem:$0x1FB90] =	vst v63  }
0x10b: {  	_ =	swait.ge [sflag:s5], $0x1900  }
0x10c: {  	s7 =	sadd.s32 $0x2A, s7;
	[sflag:s5] =	ssyncset.done $0x0  }
.Ltmp4:
0x10d: {  	s25 =	sadd.s32 $0x4D, s31;
	[sflag:s5] =	ssyncadd.s32 $0xFFFFE700;
	(pc) =	sbr.rel .LBB2_4-.Ltmp4, $4  }
0x10e: {  	[tilespmem:s8], [sflag:$0x6] =	stream.linear.gather [hbm4b:s25+s3], $0x38, $0x38;
	[tilespmem:$0x1FB90] =	vst v63  }
0x10f: {  	s31 =	simm.s32 $0x16558;
	s22 =	simm.s32 $0x19790;
	s24 =	simm.s32 $0x1B090  }
0x110: {  	[tilespmem:s26], [sflag:$0xC] =	stream.indirect.gather [hbm4b:s4+s6], $0x80, s30, s6, $0xb8;
	[tilespmem:$0x1FB90] =	vst v63  }
0x111: {  	s17 =	simm.s32 $0x1E290;
	s25 =	simm.s32 $0x1C990;
	s30 =	sadd.s32 $0x150, s30  }
.LBB2_7:
0x112: {  	_ =	sfence.sel $0x180000  }
0x113: {  	[bflag:$0x0] =	sbarrier.arrive $0xFFFF  }
0x114: {  	_ =	strace $0x90000050  }
0x115: {  	s0 =	stileid.u32;
	[bflag:$0x2] =	sbarrier.arrive $0xFFFF  }
0x116: {  	p0 =	sne.s32 s0, $0x0;
	s0 =	rddreg [dreg:$0x2]  }
0x117: {  	s0 =	sadd.s32 @!p0 $0x100000, s0  }
0x118: {  	[sflag:s0] =	ssyncadd.tile.s32 @!p0 $0x1;
	_ =	shalt  }
.Lfunc_end2:
_tile_overlayer_lowered:
.L_overlay_start_2:
0x119: {  	(tag) =	ssettag $0x2  }
0x11a: {  	s0 =	rddreg [dreg:$0x0];
	s2 =	stileid.u32  }
0x11b: {  	s1 =	rddreg [dreg:$0x1];
	p0 =	sne.s32 s2, $0x0  }
0x11c: {  	s3 =	rddreg [dreg:$0x2];
	[bflag:$0x3] =	sbarrier.arrive $0xFFFF;
	s2 =	simm.s32 @!p0 $0x1C15  }
0x11d: {  	[timem:s3], [sflag:s2] =	dma.local @!p0 [hbm:s0], s1  }
0x11e: {  	s0 =	simm.s32 @!p0 $0x15  }
0x11f: {  	_ =	swait.ge @!p0 [sflag:s0], s1  }
0x120: {  	s1 =	ssub.s32 @!p0 $0x0, s1;
	[sflag:s0] =	ssyncset.done @!p0 $0x0  }
0x121: {  	[sflag:s0] =	ssyncadd.s32 @!p0 s1  }
0x122: {  	[bflag:$0x3] =	sbarrier.arrive $0xFFFF  }
0x123: {  	_ =	shalt  }

// kernel: kernel.23.cloned.1.call-start
scs
__scs_entry_jumppad:
0x0: {  	(pc) =	sbr.rel $0x88, $3  }
0x1: {  	(tag) =	ssettag $0x0;
	lr =	simm.s32 $0x1  }
0x2: {  	[smem:$0x3F9A] =	sst lr;
	_ =	strace $0xD0000000  }
0x3: {  	_ = 	snop  }
0x4: {  	_ = 	snop  }
0x5: {  	_ = 	snop  }
0x6: {  	_ = 	snop  }
0x7: {  	_ = 	snop  }
__scs_overlays_trampoline_lowered:
0x8: {  	[smem:$0x3FA9] =	sst s0  }
0x9: {  	[smem:$0x3FAA] =	sst s1  }
0xa: {  	[smem:$0x3FAB] =	sst s2  }
0xb: {  	[smem:$0x3FAC] =	sst s3  }
0xc: {  	[smem:$0x3FAD] =	sst s4  }
0xd: {  	[smem:$0x3FAE] =	sst s5  }
0xe: {  	[smem:$0x3FAF] =	sst s6  }
0xf: {  	[smem:$0x3FB0] =	sst s7  }
0x10: {  	[smem:$0x3FB1] =	sst s8  }
0x11: {  	[smem:$0x3FB2] =	sst s9;
	s0 =	simm.s32 @!p0 $0x0  }
0x12: {  	s1 =	sld [smem:$0x3F98];
	s0 =	simm.s32 @p0 $0x1  }
0x13: {  	[smem:$0x3FB3] =	sst s0;
	s0 =	simm.s32 @!p1 $0x0  }
0x14: {  	s2 =	sld [smem:$0x3F97];
	s0 =	simm.s32 @p1 $0x1  }
0x15: {  	[smem:$0x3FB4] =	sst s0;
	s0 =	simm.s32 @!p2 $0x0  }
0x16: {  	s3 =	sld [smem:$0x3FDB];
	s0 =	simm.s32 @p2 $0x1  }
0x17: {  	s4 =	simm.s32 $0x1BF5;
	[smem:$0x3FB6] =	sst s0  }
0x18: {  	s0 =	sld [smem:$0x3F99];
	_ =	swait.ge [sflag:s4], $0x0  }
0x19: {  	s7 =	sld [smem:$0x3F9A]  }
0x1a: {  	s8 =	sadd.s32 $0xFFFFE003, lr  }
0x1b: {  	s9 =	sadd.s32 $0xFFFFFEF7, lr;
	s5 =	simm.s32 $0xFFFFFFFF;
	p2 =	slt.u32 s8, $0xFFFFF086  }
0x1c: {  	p1 =	slt.u32 s9, $0xF7A;
	s5 =	simm.s32 @!p2 $0x0  }
0x1d: {  	s5 =	simm.s32 @p1 $0x1;
	p0 =	seq.s32 s7, s2  }
0x1e: {  	s7 =	smul.u32 @!p0 $0xF7A, s2;
	p2 =	seq.s32 @!p0 s5, $0x0  }
0x1f: {  	s9 =	smul.u32 $0xF7A, s1;
	s8 =	simm.s32 @!p0 $0x1BF5;
	p2 =	por !p2, p0  }
0x20: {  	[sflag:s8] =	ssyncset.s32 @!p0 $0xFFFFF086;
	s6 =	sadd.s32 @!p0 s3, s7;
	s7 =	simm.s32 @!p0 $0x108  }
0x21: {  	s3 =	sadd.s32 s3, s9;
	s6 =	sadd.s32 @!p0 $0x88, s6;
	s7 =	simm.s32 @p2 $0x1082  }
0x22: {  	[simem:s7], [sflag:s8] =	dma.local @!p0 [hbm:s6], $0xF7A  }
0x23: {  	s9 =	sor.u32 $0xD0000000, s2;
	s6 =	simm.s32 $0x108;
	_ =	swait.ge @!p0 [sflag:s8], $0x0  }
0x24: {  	s3 =	sadd.s32 $0x88, s3;
	s6 =	simm.s32 @!p1 $0x1082;
	[sflag:s4] =	ssyncset.s32 $0xFFFFF086  }
0x25: {  	[simem:s6], [sflag:s4] =	dma.local [hbm:s3], $0xF7A  }
0x26: {  	[smem:$0x3F9A] =	sst s1;
	(tag) =	ssettag s2;
	_ =	strace s9  }
0x27: {  	s1 =	sld [smem:$0x3FAA]  }
0x28: {  	s2 =	sld [smem:$0x3FAB]  }
0x29: {  	s4 =	sld [smem:$0x3FAD]  }
0x2a: {  	p0 =	seq.s32 s5, $0x0;
	s5 =	sld [smem:$0x3FAE]  }
0x2b: {  	s6 =	sld [smem:$0x3FAF]  }
0x2c: {  	s7 =	sld [smem:$0x3FB0]  }
0x2d: {  	s3 =	simm.s32 $0x108;
	s8 =	sld [smem:$0x3FB1]  }
0x2e: {  	s3 =	simm.s32 @!p0 $0x1082;
	s9 =	sld [smem:$0x3FB2]  }
0x2f: {  	lr =	sadd.s32 s0, s3;
	s0 =	sld [smem:$0x3FA9]  }
0x30: {  	s3 =	sld [smem:$0x3FAC]  }
0x31: {  	[smem:$0x3FB5] =	sst s10  }
0x32: {  	s10 =	sld [smem:$0x3FB3];
	_ =	sdelay $0x3  }
0x33: {  	p0 =	seq.s32 s10, $0x1;
	s10 =	sld [smem:$0x3FB5];
	_ =	sdelay $0x3  }
0x34: {  	[smem:$0x3FB5] =	sst s10  }
0x35: {  	s10 =	sld [smem:$0x3FB4];
	_ =	sdelay $0x3  }
0x36: {  	p1 =	seq.s32 s10, $0x1;
	s10 =	sld [smem:$0x3FB5];
	_ =	sdelay $0x3  }
0x37: {  	[smem:$0x3FB5] =	sst s10  }
0x38: {  	s10 =	sld [smem:$0x3FB6]  }
0x39: {  	_ = 	snop;
	(pc) =	sbr.ind lr, $3  }
0x3a: {  	_ = 	snop  }
0x3b: {  	_ = 	snop  }
0x3c: {  	p2 =	seq.s32 s10, $0x1;
	s10 =	sld [smem:$0x3FB5]  }
0x3d: {  	_ =	shalt  }
0x3e: {  	_ =	shalt  }
0x3f: {  	_ =	shalt  }
0x40: {  	_ =	shalt  }
0x41: {  	_ =	shalt  }
0x42: {  	_ =	shalt  }
0x43: {  	_ =	shalt  }
0x44: {  	_ =	shalt  }
0x45: {  	_ =	shalt  }
0x46: {  	_ =	shalt  }
0x47: {  	_ =	shalt  }
0x48: {  	_ =	shalt  }
0x49: {  	_ =	shalt  }
0x4a: {  	_ =	shalt  }
0x4b: {  	_ =	shalt  }
0x4c: {  	_ =	shalt  }
0x4d: {  	_ =	shalt  }
0x4e: {  	_ =	shalt  }
0x4f: {  	_ =	shalt  }
0x50: {  	_ =	shalt  }
0x51: {  	_ =	shalt  }
0x52: {  	_ =	shalt  }
0x53: {  	_ =	shalt  }
0x54: {  	_ =	shalt  }
0x55: {  	_ =	shalt  }
0x56: {  	_ =	shalt  }
0x57: {  	_ =	shalt  }
0x58: {  	_ =	shalt  }
0x59: {  	_ =	shalt  }
0x5a: {  	_ =	shalt  }
0x5b: {  	_ =	shalt  }
0x5c: {  	_ =	shalt  }
0x5d: {  	_ =	shalt  }
0x5e: {  	_ =	shalt  }
0x5f: {  	_ =	shalt  }
0x60: {  	_ =	shalt  }
0x61: {  	_ =	shalt  }
0x62: {  	_ =	shalt  }
0x63: {  	_ =	shalt  }
0x64: {  	_ =	shalt  }
0x65: {  	_ =	shalt  }
0x66: {  	_ =	shalt  }
0x67: {  	_ =	shalt  }
0x68: {  	_ =	shalt  }
0x69: {  	_ =	shalt  }
0x6a: {  	_ =	shalt  }
0x6b: {  	_ =	shalt  }
0x6c: {  	_ =	shalt  }
0x6d: {  	_ =	shalt  }
0x6e: {  	_ =	shalt  }
0x6f: {  	_ =	shalt  }
0x70: {  	_ =	shalt  }
0x71: {  	_ =	shalt  }
0x72: {  	_ =	shalt  }
0x73: {  	_ =	shalt  }
0x74: {  	_ =	shalt  }
0x75: {  	_ =	shalt  }
0x76: {  	_ =	shalt  }
0x77: {  	_ =	shalt  }
0x78: {  	_ =	shalt  }
0x79: {  	_ =	shalt  }
0x7a: {  	_ =	shalt  }
0x7b: {  	_ =	shalt  }
0x7c: {  	_ =	shalt  }
0x7d: {  	_ =	shalt  }
0x7e: {  	_ =	shalt  }
0x7f: {  	_ =	shalt  }
0x80: {  	_ =	shalt  }
0x81: {  	_ =	shalt  }
0x82: {  	_ =	shalt  }
0x83: {  	_ =	shalt  }
0x84: {  	_ =	shalt  }
0x85: {  	_ =	shalt  }
0x86: {  	_ =	shalt  }
0x87: {  	_ =	shalt  }
.Lfunc_end0:
.L_simem_size_0:
called_computation.4_lowered:
.L_overlay_start_0:
0x88: {  	s2 =	sld [smem:$0x3FD9]  }
0x89: {  	s3 =	sld [smem:$0x3FFE];
	_ =	sdelay $0x1  }
0x8a: {  	s1 =	srdreg.scid  }
0x8b: {  	s0 =	sand.u32 $0x1, s1  }
0x8c: {  	s17 =	sshll.u32 s0, $0xA;
	s2 =	sadd.s32 s3, s2  }
0x8d: {  	s2 =	sadd.s32 s2, s17  }
0x8e: {  	[smem:$0x3FC1] =	sst s2  }
0x8f: {  	_ = 	snop  }
0x90: {  	s2 =	sld [smem:$0x3FD0];
	(tm) =	ssettm $0x1  }
0x91: {  	s18 =	sld [smem:$0x3FFB];
	_ =	sdelay $0x3  }
0x92: {  	_ =	strace s18  }
0x93: {  	s3 =	sld [smem:$0x3FFC];
	_ =	sdelay $0x3  }
0x94: {  	_ =	strace s3  }
0x95: {  	s3 =	sld [smem:$0x3FFD];
	_ =	sdelay $0x3  }
0x96: {  	_ =	strace s3  }
0x97: {  	_ =	strace $0x8FFFFFFF  }
0x98: {  	s19 =	sld [smem:$0x3FDB];
	_ =	sdelay $0x1  }
0x99: {  	s4 =	simm.s32 $_scs_section_size  }
0x9a: {  	s5 =	simm.s32 $_size__tile_overlayer_lowered;
	s6 =	simm.s32 $_tile_overlayer_lowered  }
0x9b: {  	s22 =	simm.s32 $0x1BFF;
	s21 =	sshll.u32 s6, $0x1;
	s3 =	sadd.s32 s4, s19  }
0x9c: {  	s7 =	simm.s32 $0x0;
	s20 =	sshll.u32 s5, $0x1;
	s5 =	sadd.s32 s21, s3  }
0x9d: {  	[timem:s7], [sflag:s22] =	dma.local [hbm:s5], s20  }
0x9e: {  	_ =	swait.ge [sflag:s22], s20  }
0x9f: {  	s4 =	ssub.s32 $0x0, s20;
	[sflag:s22] =	ssyncset.done $0x0  }
0xa0: {  	[sflag:s22] =	ssyncadd.s32 s4;
	_ =	sdelay $0x1  }
0xa1: {  	s23 =	simm.s32 $0x1B8B  }
0xa2: {  	_ =	swait.ge [sflag:s23], $0x1  }
0xa3: {  	[sflag:s23] =	ssyncset.done $0x0  }
0xa4: {  	s25 =	simm.s32 $0x1B8E;
	s24 =	sld [smem:$0x3FFE];
	[sflag:s23] =	ssyncadd.s32 $0xFFFFFFFF  }
0xa5: {  	s26 =	simm.s32 $execute0_lowered;
	[smem:$0x3FD2] =	sst s25  }
0xa6: {  	s5 =	sshll.u32 s26, $0x1;
	_ =	strace $0x80000052;
	[dreg:$0x1] =	wrdreg $0xFFFFFFFF  }
0xa7: {  	s28 =	simm.s32 $_size_execute0_lowered;
	s3 =	sadd.s32 s3, s5;
	[dreg:$0x0] =	wrdreg $0x0  }
0xa8: {  	s5 =	sshll.u32 s28, $0x1;
	[dreg:$0x2] =	wrdreg s3  }
0xa9: {  	[dreg:$0x3] =	wrdreg s5  }
0xaa: {  	[dreg:$0x4] =	wrdreg $0xC0  }
0xab: {  	_ =	task [dreg:s7], $0x5FFFF  }
0xac: {  	[dreg:$0x1] =	wrdreg $0xFFFFFFFF  }
0xad: {  	[dreg:$0x0] =	wrdreg $0x60  }
0xae: {  	[dreg:$0x2] =	wrdreg s24  }
0xaf: {  	[dreg:$0x3] =	wrdreg s2  }
0xb0: {  	[dreg:$0x4] =	wrdreg $0x9  }
0xb1: {  	_ =	task.clear_ibuf [dreg:s7], $0x5FFFF;
	_ =	strace $0x90000052  }
0xb2: {  	s29 =	simm.s32 $0x9;
	_ =	strace $0x80000054  }
0xb3: {  	_ =	swait.ge [sflag:s29], $0x1  }
0xb4: {  	[sflag:s29] =	ssyncadd.s32 $0xFFFFFFFF  }
0xb5: {  	_ =	strace $0x90000054  }
0xb6: {  	_ =	sfence  }
0xb7: {  	s30 =	sld [smem:$0x0];
	_ =	sdelay $0x2  }
0xb8: {  	s31 =	sshll.u32 s1, $0xD;
	s1 =	sshrl.u32 s1, $0x2  }
0xb9: {  	s3 =	sand.u32 $0x4000, s31;
	s1 =	sadd.s32 s1, s30  }
0xba: {  	s0 =	sor.u32 s3, s0;
	s1 =	sshll.u32 s1, $0x11  }
0xbb: {  	s0 =	sor.u32 s1, s0  }
0xbc: {  	s0 =	sadd.s32 $0x8F2B, s0  }
0xbd: {  	[sflag:s0] =	ssyncadd.remote.s32 $0x1  }
0xbe: {  	_ =	sfence.sel $0xFFFF  }
0xbf: {  	[dreg:$0x0] =	wrdreg $0xFFFFFFFF;
	(pc) =	sbr.abs _section_cstart, $3  }
0xc0: {  	[dreg:$0x1] =	wrdreg $0xFFFFFFFF  }
0xc1: {  	_ =	task.clear_ibuf [dreg:s7], $0x2FFFF;
	_ =	strace $0x9FFFFFFF  }
0xc2: {  	(tm) =	ssettm $0x7FFFFFFF  }
0xc3: {  	_ =	shalt  }
tec
execute0_lowered:
.L_overlay_start_1:
0x0: {  	(tag) =	ssettag $0x1  }
0x1: {  	s0 =	srdreg.scid  }
0x2: {  	s1 =	rddreg [dreg:$0x0];
	s13 =	stileid.u32  }
0x3: {  	s12 =	rddreg [dreg:$0x1];
	s2 =	simm.s32 $0x0;
	s15 =	simm.s32 $0x64  }
0x4: {  	s16 =	simm.s32 $0x680;
	s18 =	simm.s32 $0x3880;
	s20 =	simm.s32 $0x6A80  }
0x5: {  	s28 =	simm.s32 $0x5;
	s29 =	simm.s32 $0x6;
	s30 =	simm.s32 $0x7  }
0x6: {  	s31 =	simm.s32 $0x8;
	s0 =	sand.u32 $0x1, s0;
	s9 =	smul.u32 $0x32000, s13  }
0x7: {  	s4 =	sshll.u32 s13, $0x4;
	[smem:$0x7FF] =	sst s2;
	s13 =	smul.u32 $0x6400, s13  }
0x8: {  	s3 =	sshll.u32 s0, $0x8;
	_ =	strace $0x80000053;
	s8 =	smul.u32 $0x320000, s0  }
0x9: {  	s7 =	ssub.s32 $0x2, s0;
	s0 =	smul.u32 $0x64000, s0;
	s3 =	sor.u32 s4, s3  }
0xa: {  	s22 =	sshrl.u32 s7, $0x1;
	s4 =	smul.u32 $0xD, s3;
	s5 =	sor.u32 $0xC, s3  }
0xb: {  	s3 =	sadd.s32 $0x4A00, s1;
	s7 =	ssub.s32 s7, s22;
	s11 =	sadd.s32 s9, s8  }
0xc: {  	s0 =	sadd.s32 s0, s12;
	s22 =	simm.s32 $0x9C80;
	s6 =	smul.u32 $0x3200, s5  }
0xd: {  	s23 =	smul.u32 $0x640, s5;
	s5 =	smax.u32 s7, $0x1;
	s9 =	sadd.s32 $0x9600, s11  }
0xe: {  	s26 =	sadd.s32 $0x6400, s11;
	s11 =	sadd.s32 $0x3200, s11;
	s13 =	sadd.s32 s13, s0  }
0xf: {  	s1 =	sadd.s32 s4, s1;
	s10 =	sshrl.u32 s9, $0x3;
	s14 =	sshrl.u32 s11, $0x3  }
0x10: {  	s1 =	sadd.s32 $0x3000, s1;
	s24 =	sshrl.u32 s6, $0x3;
	s6 =	sadd.s32 s12, s23  }
0x11: {  	s10 =	sadd.s32 s10, s12;
	s23 =	simm.s32 $0x1;
	[dreg:$0x3] =	wrdreg s1  }
0x12: {  	s25 =	sadd.s32 s12, s24;
	s1 =	sshrl.u32 s26, $0x3;
	s24 =	simm.s32 $0x2  }
0x13: {  	s26 =	simm.s32 $0x4;
	s7 =	sadd.s32 $0x640, s25;
	s8 =	sadd.s32 $0xC80, s25  }
0x14: {  	s9 =	sadd.s32 $0x12C0, s25;
	s11 =	sadd.s32 s1, s12;
	s12 =	sadd.s32 s14, s12  }
0x15: {  	s14 =	simm.s32 $0x9;
	s25 =	simm.s32 $0x3;
	s1 =	simm.s32 $0x0  }
.LBB2_1:
0x16: {  	s0 =	rddreg [dreg:$0x3]  }
0x17: {  	[tilespmem:s2], [sflag:$0x9] =	stream.linear.gather [hbm4b:s0+s2], $0x680, $0x38;
	[tilespmem:$0xCE80] =	vst v63  }
0x18: {  	_ =	swait.ge [sflag:s14], $0x680  }
0x19: {  	[sflag:s14] =	ssyncset.done $0x0  }
0x1a: {  	[sflag:s14] =	ssyncadd.s32 $0xFFFFF980  }
0x1b: {  	[tilespmem:s16], [sflag:$0x1] =	stream.indirect.gather [hbm4b:s3+s15], $0x80, s2, s15, $0xb8;
	[tilespmem:$0xCE80] =	vst v63  }
0x1c: {  	s19 =	simm.s32 $0x68  }
0x1d: {  	[tilespmem:s18], [sflag:$0x2] =	stream.indirect.gather [hbm4b:s3+s15], $0x80, s19, s15, $0xb8;
	[tilespmem:$0xCE80] =	vst v63  }
0x1e: {  	s21 =	simm.s32 $0xD0  }
0x1f: {  	[tilespmem:s20], [sflag:$0x3] =	stream.indirect.gather [hbm4b:s3+s15], $0x80, s21, s15, $0xb8;
	[tilespmem:$0xCE80] =	vst v63  }
0x20: {  	s4 =	simm.s32 $0x138  }
0x21: {  	[tilespmem:s22], [sflag:$0x4] =	stream.indirect.gather [hbm4b:s3+s15], $0x80, s4, s15, $0xb8;
	[tilespmem:$0xCE80] =	vst v63  }
0x22: {  	_ =	swait.ge [sflag:s23], $0x3200  }
0x23: {  	[sflag:s23] =	ssyncset.done $0x0  }
0x24: {  	s17 =	sadd.s32 $0x0, s13;
	[sflag:s23] =	ssyncadd.s32 $0xFFFFCE00  }
0x25: {  	[hbm4b:s17+s2] =	stream.linear.scatter [tilespmem:s16], [sflag:$0x5], $0x3200, $0x38;
	[tilespmem:$0xCE80] =	vst v63  }
0x26: {  	_ =	swait.ge [sflag:s24], $0x3200  }
0x27: {  	[sflag:s24] =	ssyncset.done $0x0  }
0x28: {  	s19 =	sadd.s32 $0x0, s12;
	[sflag:s24] =	ssyncadd.s32 $0xFFFFCE00  }
0x29: {  	[hbm4b:s19+s2] =	stream.linear.scatter [tilespmem:s18], [sflag:$0x6], $0x3200, $0x38;
	[tilespmem:$0xCE80] =	vst v63  }
0x2a: {  	_ =	swait.ge [sflag:s25], $0x3200  }
0x2b: {  	[sflag:s25] =	ssyncset.done $0x0  }
0x2c: {  	s21 =	sadd.s32 $0x0, s11;
	[sflag:s25] =	ssyncadd.s32 $0xFFFFCE00  }
0x2d: {  	[hbm4b:s21+s2] =	stream.linear.scatter [tilespmem:s20], [sflag:$0x7], $0x3200, $0x38;
	[tilespmem:$0xCE80] =	vst v63  }
0x2e: {  	_ =	swait.ge [sflag:s26], $0x3200  }
0x2f: {  	[sflag:s26] =	ssyncset.done $0x0  }
0x30: {  	s4 =	sadd.s32 $0x0, s10;
	[sflag:s26] =	ssyncadd.s32 $0xFFFFCE00  }
0x31: {  	[hbm4b:s4+s2] =	stream.linear.scatter [tilespmem:s22], [sflag:$0x8], $0x3200, $0x38;
	[tilespmem:$0xCE80] =	vst v63  }
0x32: {  	_ =	swait.ge [sflag:s28], $0x3200  }
0x33: {  	[sflag:s28] =	ssyncset.done $0x0  }
0x34: {  	s17 =	simm.s32 $0x1A0;
	[sflag:s28] =	ssyncadd.s32 $0xFFFFCE00  }
0x35: {  	[tilespmem:s16], [sflag:$0x1] =	stream.indirect.gather [hbm4b:s3+s15], $0x80, s17, s15, $0xb8;
	[tilespmem:$0xCE80] =	vst v63  }
0x36: {  	_ =	swait.ge [sflag:s29], $0x3200  }
0x37: {  	[sflag:s29] =	ssyncset.done $0x0  }
0x38: {  	s19 =	simm.s32 $0x208;
	[sflag:s29] =	ssyncadd.s32 $0xFFFFCE00  }
0x39: {  	[tilespmem:s18], [sflag:$0x2] =	stream.indirect.gather [hbm4b:s3+s15], $0x80, s19, s15, $0xb8;
	[tilespmem:$0xCE80] =	vst v63  }
0x3a: {  	_ =	swait.ge [sflag:s30], $0x3200  }
0x3b: {  	[sflag:s30] =	ssyncset.done $0x0  }
0x3c: {  	s21 =	simm.s32 $0x270;
	[sflag:s30] =	ssyncadd.s32 $0xFFFFCE00  }
0x3d: {  	[tilespmem:s20], [sflag:$0x3] =	stream.indirect.gather [hbm4b:s3+s15], $0x80, s21, s15, $0xb8;
	[tilespmem:$0xCE80] =	vst v63  }
0x3e: {  	_ =	swait.ge [sflag:s31], $0x3200  }
0x3f: {  	s0 =	simm.s32 $0x2D8;
	[sflag:s31] =	ssyncset.done $0x0  }
0x40: {  	s17 =	simm.s32 $0x1900;
	s19 =	simm.s32 $0x478;
	[sflag:s31] =	ssyncadd.s32 $0xFFFFCE00  }
.LBB2_2:
0x41: {  	[tilespmem:s22], [sflag:$0x4] =	stream.indirect.gather [hbm4b:s3+s15], $0x80, s0, s15, $0xb8;
	[tilespmem:$0xCE80] =	vst v63  }
0x42: {  	s21 =	smov.u32 s17;
	s0 =	smov.u32 s19  }
0x43: {  	p0 =	sne.s32 s17, $0x3200;
	s17 =	sadd.s32 $0x1900, s17;
	_ =	swait.ge [sflag:s23], $0x3200  }
0x44: {  	[sflag:s23] =	ssyncset.done $0x0  }
0x45: {  	s4 =	sadd.s32 s21, s13;
	[sflag:s23] =	ssyncadd.s32 $0xFFFFCE00  }
0x46: {  	[hbm4b:s4+s2] =	stream.linear.scatter [tilespmem:s16], [sflag:$0x5], $0x3200, $0x38;
	[tilespmem:$0xCE80] =	vst v63  }
0x47: {  	_ =	swait.ge [sflag:s24], $0x3200  }
0x48: {  	[sflag:s24] =	ssyncset.done $0x0  }
0x49: {  	s4 =	sadd.s32 s21, s12;
	[sflag:s24] =	ssyncadd.s32 $0xFFFFCE00  }
0x4a: {  	[hbm4b:s4+s2] =	stream.linear.scatter [tilespmem:s18], [sflag:$0x6], $0x3200, $0x38;
	[tilespmem:$0xCE80] =	vst v63  }
0x4b: {  	_ =	swait.ge [sflag:s25], $0x3200  }
0x4c: {  	[sflag:s25] =	ssyncset.done $0x0  }
0x4d: {  	s4 =	sadd.s32 s21, s11;
	[sflag:s25] =	ssyncadd.s32 $0xFFFFCE00  }
0x4e: {  	[hbm4b:s4+s2] =	stream.linear.scatter [tilespmem:s20], [sflag:$0x7], $0x3200, $0x38;
	[tilespmem:$0xCE80] =	vst v63  }
0x4f: {  	_ =	swait.ge [sflag:s26], $0x3200  }
0x50: {  	[sflag:s26] =	ssyncset.done $0x0  }
0x51: {  	s4 =	sadd.s32 s21, s10;
	[sflag:s26] =	ssyncadd.s32 $0xFFFFCE00  }
0x52: {  	[hbm4b:s4+s2] =	stream.linear.scatter [tilespmem:s22], [sflag:$0x8], $0x3200, $0x38;
	[tilespmem:$0xCE80] =	vst v63  }
0x53: {  	_ =	swait.ge [sflag:s28], $0x3200  }
0x54: {  	[sflag:s28] =	ssyncset.done $0x0  }
0x55: {  	s4 =	sadd.s32 $0xFFFFFEC8, s19;
	[sflag:s28] =	ssyncadd.s32 $0xFFFFCE00  }
0x56: {  	[tilespmem:s16], [sflag:$0x1] =	stream.indirect.gather [hbm4b:s3+s15], $0x80, s4, s15, $0xb8;
	[tilespmem:$0xCE80] =	vst v63  }
0x57: {  	_ =	swait.ge [sflag:s29], $0x3200  }
0x58: {  	[sflag:s29] =	ssyncset.done $0x0  }
0x59: {  	s4 =	sadd.s32 $0xFFFFFF30, s19;
	[sflag:s29] =	ssyncadd.s32 $0xFFFFCE00  }
0x5a: {  	[tilespmem:s18], [sflag:$0x2] =	stream.indirect.gather [hbm4b:s3+s15], $0x80, s4, s15, $0xb8;
	[tilespmem:$0xCE80] =	vst v63  }
0x5b: {  	_ =	swait.ge [sflag:s30], $0x3200  }
0x5c: {  	[sflag:s30] =	ssyncset.done $0x0  }
.Ltmp0:
0x5d: {  	s4 =	sadd.s32 $0xFFFFFF98, s19;
	[sflag:s30] =	ssyncadd.s32 $0xFFFFCE00;
	(pc) =	sbr.rel @p0 .LBB2_2-.Ltmp0, $4  }
0x5e: {  	[tilespmem:s20], [sflag:$0x3] =	stream.indirect.gather [hbm4b:s3+s15], $0x80, s4, s15, $0xb8;
	[tilespmem:$0xCE80] =	vst v63  }
0x5f: {  	_ =	swait.ge [sflag:s31], $0x3200  }
0x60: {  	[sflag:s31] =	ssyncset.done $0x0  }
0x61: {  	s19 =	sadd.s32 $0x1A0, s19;
	[sflag:s31] =	ssyncadd.s32 $0xFFFFCE00  }
0x62: {  	[tilespmem:s22], [sflag:$0x4] =	stream.indirect.gather [hbm4b:s3+s15], $0x80, s0, s15, $0xb8;
	[tilespmem:$0xCE80] =	vst v63  }
0x63: {  	_ =	swait.ge [sflag:s23], $0x3200  }
0x64: {  	[sflag:s23] =	ssyncset.done $0x0  }
0x65: {  	[sflag:s23] =	ssyncadd.s32 $0xFFFFCE00  }
0x66: {  	[hbm4b:s6+s2] =	stream.linear.scatter [tilespmem:s16], [sflag:$0x5], $0x3200, $0x38;
	[tilespmem:$0xCE80] =	vst v63  }
0x67: {  	_ =	swait.ge [sflag:s24], $0x3200  }
0x68: {  	[sflag:s24] =	ssyncset.done $0x0  }
0x69: {  	[sflag:s24] =	ssyncadd.s32 $0xFFFFCE00  }
0x6a: {  	[hbm4b:s7+s2] =	stream.linear.scatter [tilespmem:s18], [sflag:$0x6], $0x3200, $0x38;
	[tilespmem:$0xCE80] =	vst v63  }
0x6b: {  	_ =	swait.ge [sflag:s25], $0x3200  }
0x6c: {  	[sflag:s25] =	ssyncset.done $0x0  }
0x6d: {  	[sflag:s25] =	ssyncadd.s32 $0xFFFFCE00  }
0x6e: {  	[hbm4b:s8+s2] =	stream.linear.scatter [tilespmem:s20], [sflag:$0x7], $0x3200, $0x38;
	[tilespmem:$0xCE80] =	vst v63  }
0x6f: {  	_ =	swait.ge [sflag:s26], $0x3200  }
0x70: {  	[sflag:s26] =	ssyncset.done $0x0  }
0x71: {  	[sflag:s26] =	ssyncadd.s32 $0xFFFFCE00  }
0x72: {  	[hbm4b:s9+s2] =	stream.linear.scatter [tilespmem:s22], [sflag:$0x8], $0x3200, $0x38;
	[tilespmem:$0xCE80] =	vst v63  }
0x73: {  	_ =	swait.ge [sflag:s28], $0x3200  }
0x74: {  	[sflag:s28] =	ssyncset.done $0x0  }
0x75: {  	[sflag:s28] =	ssyncadd.s32 $0xFFFFCE00  }
0x76: {  	_ =	swait.ge [sflag:s29], $0x3200  }
0x77: {  	[sflag:s29] =	ssyncset.done $0x0  }
0x78: {  	s1 =	sadd.s32 $0x1, s1;
	[sflag:s29] =	ssyncadd.s32 $0xFFFFCE00  }
0x79: {  	p0 =	sne.s32 s1, s5;
	_ =	swait.ge [sflag:s30], $0x3200  }
.Ltmp1:
0x7a: {  	[sflag:s30] =	ssyncset.done $0x0;
	(pc) =	sbr.rel @p0 .LBB2_1-.Ltmp1, $4  }
0x7b: {  	[sflag:s30] =	ssyncadd.s32 $0xFFFFCE00  }
0x7c: {  	_ =	swait.ge [sflag:s31], $0x3200  }
0x7d: {  	[sflag:s31] =	ssyncset.done $0x0  }
0x7e: {  	[sflag:s31] =	ssyncadd.s32 $0xFFFFCE00  }
0x7f: {  	_ =	sfence.sel $0x180000  }
0x80: {  	[bflag:$0x0] =	sbarrier.arrive $0xFFFF  }
0x81: {  	_ =	strace $0x90000053  }
0x82: {  	s0 =	stileid.u32;
	[bflag:$0x2] =	sbarrier.arrive $0xFFFF  }
0x83: {  	p0 =	sne.s32 s0, $0x0;
	s0 =	rddreg [dreg:$0x2]  }
0x84: {  	s0 =	sadd.s32 @!p0 $0x100000, s0  }
0x85: {  	[sflag:s0] =	ssyncadd.tile.s32 @!p0 $0x1;
	_ =	shalt  }
.Lfunc_end2:
_tile_overlayer_lowered:
.L_overlay_start_2:
0x86: {  	(tag) =	ssettag $0x2  }
0x87: {  	s0 =	rddreg [dreg:$0x0];
	s2 =	stileid.u32  }
0x88: {  	s1 =	rddreg [dreg:$0x1];
	p0 =	sne.s32 s2, $0x0  }
0x89: {  	s3 =	rddreg [dreg:$0x2];
	[bflag:$0x3] =	sbarrier.arrive $0xFFFF;
	s2 =	simm.s32 @!p0 $0x1C09  }
0x8a: {  	[timem:s3], [sflag:s2] =	dma.local @!p0 [hbm:s0], s1  }
0x8b: {  	s0 =	simm.s32 @!p0 $0x9  }
0x8c: {  	_ =	swait.ge @!p0 [sflag:s0], s1  }
0x8d: {  	s1 =	ssub.s32 @!p0 $0x0, s1;
	[sflag:s0] =	ssyncset.done @!p0 $0x0  }
0x8e: {  	[sflag:s0] =	ssyncadd.s32 @!p0 s1  }
0x8f: {  	[bflag:$0x3] =	sbarrier.arrive $0xFFFF  }
0x90: {  	_ =	shalt  }

</sc_bundles>
